<compile_context>
chip_gen: v7x
topology: tpu7x:2x2x1
jax: 0.10.2.dev20260603
libtpu: 0.0.44.dev20260713+nightly
codegen_flags: <defaults>
</compile_context>

<pallas_src>
import jax
import jax.numpy as jnp
from jax import lax
from jax.experimental import pallas as pl
from jax.experimental.pallas import tpu as pltpu
from jax.experimental.pallas import tpu_sc as plsc

N = 10000
E = 160000
FT_IN = 512
NB = 256
NBH = NB // 2
NC, NS, LANES = 2, 16, 16
NW = NC * NS
CH = 64
NCH0 = 96
NCH1 = 64
NCHROWS = NS * (NCH0 + NCH1)
EP = NCHROWS * CH
EPPAD = 2640 * CH
ROWS = 10240
RPS = ROWS // NS
RB = 1000
GRID = N // RB
RB1 = 2000
GRID1 = N // RB1


def _pack_words(hh):
    lo = lax.bitcast_convert_type(hh[:, :NBH // 2].astype(jnp.bfloat16),
                                  jnp.uint16).astype(jnp.uint32)
    hi = lax.bitcast_convert_type(hh[:, NBH // 2:].astype(jnp.bfloat16),
                                  jnp.uint16).astype(jnp.uint32)
    return (lo | (hi << 16)).astype(jnp.int32)


def _dot3(x, w):
    f32 = jnp.float32
    xh = x.astype(jnp.bfloat16)
    xl = (x - xh.astype(f32)).astype(jnp.bfloat16)
    wh = w.astype(jnp.bfloat16)
    wl = (w - wh.astype(f32)).astype(jnp.bfloat16)

    def d(a, b):
        return lax.dot_general(a, b, (((1,), (1,)), ((), ())),
                               preferred_element_type=f32)

    return d(xh, wh) + d(xl, wh) + d(xh, wl)


def _mm_body(seq_ref, wfc_ref, bfc_ref, wgat_ref, asv_ref, adv_ref,
             h0_ref, h1_ref, h0w_ref, h1w_ref, as_ref, ad_ref, mx_ref):
    x = seq_ref[...]
    ret = _dot3(x, wfc_ref[...]) + bfc_ref[...]
    h = _dot3(ret, wgat_ref[...])
    a_s = jnp.sum(h * asv_ref[...], axis=1)
    a_d = jnp.sum(h * adv_ref[...], axis=1)
    h0_ref[...] = h[:, :NBH]
    h1_ref[...] = h[:, NBH:]
    h0w_ref[...] = _pack_words(h[:, :NBH])
    h1w_ref[...] = _pack_words(h[:, NBH:])
    as_ref[...] = a_s[:, None]
    ad_ref[...] = a_d[:, None]
    bm = jnp.stack([jnp.max(a_s), jnp.max(a_d)])[None, :]

    @pl.when(pl.program_id(0) == 0)
    def _():
        mx_ref[...] = bm

    @pl.when(pl.program_id(0) > 0)
    def _():
        mx_ref[...] = jnp.maximum(mx_ref[...], bm)


def _sc_edge_kernel(src_hbm, dst_hbm, asrc_hbm, adst_hbm, m_hbm, h0_hbm,
                    h1_hbm, part_hbm, wpart_hbm,
                    src_v, dst_v, m_v, w_v,
                    feat_acc, w_acc, gsem0, gsem1):
    cid = lax.axis_index("c")
    sid = lax.axis_index("s")
    nchunk = jnp.where(cid == 0, NCH0, NCH1)
    row0 = jnp.where(cid == 0, sid * NCH0, NS * NCH0 + sid * NCH1)

    pltpu.sync_copy(src_hbm.at[pl.ds(row0, NCH0 + 1)], src_v)
    pltpu.sync_copy(dst_hbm.at[pl.ds(row0, NCH0)], dst_v)
    pltpu.sync_copy(m_hbm, m_v)

    m16 = m_v[...]
    iota = lax.iota(jnp.int32, LANES)

    def _weights(atab):
        pltpu.sync_copy(asrc_hbm, atab)

        @pl.loop(0, nchunk)
        def _(j):
            @pl.loop(0, CH // LANES)
            def _(k):
                s16 = src_v[j, pl.ds(k * LANES, LANES)]
                w_v[pl.ds(j * CH + k * LANES, LANES)] = plsc.load_gather(
                    atab, [s16])

        pltpu.sync_copy(adst_hbm, atab)

        @pl.loop(0, nchunk)
        def _(j):
            @pl.loop(0, CH // LANES)
            def _(k):
                d16 = dst_v[j, pl.ds(k * LANES, LANES)]
                u = w_v[pl.ds(j * CH + k * LANES, LANES)] + plsc.load_gather(
                    atab, [d16])
                e = jnp.where(u >= 0.0, u, 0.2 * u)
                w_v[pl.ds(j * CH + k * LANES, LANES)] = jnp.exp(e - m16)

    pl.run_scoped(_weights, pltpu.VMEM((ROWS,), jnp.float32))

    def _passes(rb0, rb1, stage, wstage):
        _feature_passes(src_v, dst_v, w_v, h0_hbm, h1_hbm, part_hbm,
                        wpart_hbm, feat_acc, w_acc, gsem0, gsem1, cid, sid,
                        iota, nchunk, rb0, rb1, stage, wstage)

    pl.run_scoped(_passes,
                  pltpu.VMEM((CH, NBH // 2), jnp.int32),
                  pltpu.VMEM((CH, NBH // 2), jnp.int32),
                  pltpu.VMEM((CH, NBH), jnp.float32),
                  pltpu.VMEM((CH, LANES), jnp.float32))


def _feature_passes(src_v, dst_v, w_v, h0_hbm, h1_hbm, part_hbm, wpart_hbm,
                    feat_acc, w_acc, gsem0, gsem1, cid, sid, iota, nchunk,
                    rb0, rb1, stage, wstage):
    def _scale(rb, j, f):
        @plsc.parallel_loop(0, CH, unroll=4)
        def _(i):
            idx16 = iota * 0 + (j * CH + i)
            wb = plsc.load_gather(w_v, [idx16])
            for c in range(NBH // (2 * LANES)):
                vi = rb[i, pl.ds(c * LANES, LANES)]
                lo = plsc.bitcast(vi << 16, jnp.float32)
                hi = plsc.bitcast(vi & jnp.int32(-65536), jnp.float32)
                stage[i, pl.ds(c * LANES, LANES)] = lo * wb
                stage[i, pl.ds(NBH // 2 + c * LANES, LANES)] = hi * wb
            if f == 0:
                wstage[i, pl.ds(0, LANES)] = jnp.where(iota == 0, wb, 0.0)

    for f in range(2):
        h_hbm = h0_hbm if f == 0 else h1_hbm

        @pl.loop(0, CH)
        def _(i):
            for c in range(NBH // LANES):
                stage[i, pl.ds(c * LANES, LANES)] = jnp.zeros(
                    (LANES,), jnp.float32)
            if f == 0:
                wstage[i, pl.ds(0, LANES)] = jnp.zeros((LANES,), jnp.float32)

        @pl.loop(0, RPS // CH)
        def _(r):
            off = sid * RPS + r * CH
            pltpu.sync_copy(stage, feat_acc.at[pl.ds(off, CH)])
            if f == 0:
                pltpu.sync_copy(wstage, w_acc.at[pl.ds(off, CH)])

        plsc.subcore_barrier()

        pltpu.make_async_copy(h_hbm.at[src_v.at[0]], rb0, gsem0).start()

        @pl.loop(0, nchunk // 2)
        def _(t):
            c0 = 2 * t
            c1 = c0 + 1
            pltpu.make_async_copy(h_hbm.at[src_v.at[c1]], rb1, gsem1).start()
            pltpu.make_async_copy(h_hbm.at[src_v.at[c0]], rb0, gsem0).wait()
            _scale(rb0, c0, f)
            pltpu.sync_copy(stage, feat_acc.at[dst_v.at[c0]], add=True)
            if f == 0:
                pltpu.sync_copy(wstage, w_acc.at[dst_v.at[c0]], add=True)
            pltpu.make_async_copy(h_hbm.at[src_v.at[c0 + 2]], rb0,
                                  gsem0).start()
            pltpu.make_async_copy(h_hbm.at[src_v.at[c1]], rb1, gsem1).wait()
            _scale(rb1, c1, f)
            pltpu.sync_copy(stage, feat_acc.at[dst_v.at[c1]], add=True)
            if f == 0:
                pltpu.sync_copy(wstage, w_acc.at[dst_v.at[c1]], add=True)

        pltpu.make_async_copy(h_hbm.at[src_v.at[nchunk]], rb0, gsem0).wait()

        plsc.subcore_barrier()

        @pl.loop(0, RPS // CH)
        def _(r):
            off = sid * RPS + r * CH
            pltpu.sync_copy(feat_acc.at[pl.ds(off, CH)],
                            part_hbm.at[cid, f, pl.ds(off, CH)])
            if f == 0:
                pltpu.sync_copy(w_acc.at[pl.ds(off, CH)],
                                wpart_hbm.at[cid, pl.ds(off, CH)])

        plsc.subcore_barrier()


def _combine_body(part_ref, wpart_ref, h0_ref, h1_ref, as_ref, ad_ref, m_ref,
                  b_ref, p_ref, out_ref):
    P = part_ref[...]
    W = wpart_ref[:, pl.ds(pl.program_id(0) * (RB // 8), RB // 8), :]
    num0 = P[0, 0] + P[1, 0]
    num1 = P[0, 1] + P[1, 1]
    wsum = (W[0] + W[1]).reshape(RB // 8, 8, LANES)[:, :, 0].reshape(RB)
    M = m_ref[0, 0] + m_ref[0, 1]
    u = as_ref[...][:, 0] + ad_ref[...][:, 0]
    e = jnp.where(u >= 0.0, u, 0.2 * u)
    wself = jnp.exp(e - M)
    denom = wsum + wself
    o0 = (num0 + wself[:, None] * h0_ref[...]) / denom[:, None]
    o1 = (num1 + wself[:, None] * h1_ref[...]) / denom[:, None]
    o = jnp.concatenate([o0, o1], axis=1) + b_ref[...]
    a = p_ref[0, 0]
    out_ref[...] = jnp.where(o >= 0.0, o, a * o)


def kernel(seq, edge_index, W_fc, b_fc, W_gat, att_src, att_dst, bias_gat,
           prelu_a):
    f32 = jnp.float32

    h0, h1, h0w, h1w, as2, ad2, mx = pl.pallas_call(
        _mm_body,
        grid=(GRID1,),
        in_specs=[
            pl.BlockSpec((RB1, FT_IN), lambda i: (i, 0)),
            pl.BlockSpec((NB, FT_IN), lambda i: (0, 0)),
            pl.BlockSpec((1, NB), lambda i: (0, 0)),
            pl.BlockSpec((NB, NB), lambda i: (0, 0)),
            pl.BlockSpec((1, NB), lambda i: (0, 0)),
            pl.BlockSpec((1, NB), lambda i: (0, 0)),
        ],
        out_specs=[
            pl.BlockSpec((RB1, NBH), lambda i: (i, 0)),
            pl.BlockSpec((RB1, NBH), lambda i: (i, 0)),
            pl.BlockSpec((RB1, NBH // 2), lambda i: (i, 0)),
            pl.BlockSpec((RB1, NBH // 2), lambda i: (i, 0)),
            pl.BlockSpec((RB1, 1), lambda i: (i, 0)),
            pl.BlockSpec((RB1, 1), lambda i: (i, 0)),
            pl.BlockSpec((1, 2), lambda i: (0, 0)),
        ],
        out_shape=[
            jax.ShapeDtypeStruct((N, NBH), f32),
            jax.ShapeDtypeStruct((N, NBH), f32),
            jax.ShapeDtypeStruct((N, NBH // 2), jnp.int32),
            jax.ShapeDtypeStruct((N, NBH // 2), jnp.int32),
            jax.ShapeDtypeStruct((ROWS, 1), f32),
            jax.ShapeDtypeStruct((ROWS, 1), f32),
            jax.ShapeDtypeStruct((1, 2), f32),
        ],
    )(seq, W_fc, b_fc.reshape(1, NB), W_gat, att_src.reshape(1, NB),
      att_dst.reshape(1, NB))

    src = jnp.concatenate(
        [edge_index[0], jnp.zeros((EPPAD - E,), jnp.int32)]).reshape(
            EPPAD // CH, CH)
    dst = jnp.concatenate(
        [edge_index[1], jnp.full((EPPAD - E,), N, jnp.int32)]).reshape(
            EPPAD // CH, CH)
    asrc_p = as2.reshape(ROWS)
    adst_p = ad2.reshape(ROWS)
    m16 = jnp.full((LANES,), mx[0, 0] + mx[0, 1], f32)

    mesh = plsc.VectorSubcoreMesh(core_axis_name="c", subcore_axis_name="s")
    cp = pltpu.CompilerParams(needs_layout_passes=False,
                              use_tc_tiling_on_sc=False)
    sc_kernel = pl.kernel(
        _sc_edge_kernel,
        out_type=[
            jax.ShapeDtypeStruct((NC, 2, ROWS, NBH), f32),
            jax.ShapeDtypeStruct((NC, ROWS, LANES), f32),
        ],
        mesh=mesh,
        compiler_params=cp,
        scratch_types=[
            pltpu.VMEM((NCH0 + 1, CH), jnp.int32),
            pltpu.VMEM((NCH0, CH), jnp.int32),
            pltpu.VMEM((LANES,), f32),
            pltpu.VMEM((NCH0 * CH,), f32),
            pltpu.VMEM_SHARED((ROWS, NBH), f32),
            pltpu.VMEM_SHARED((ROWS, LANES), f32),
            pltpu.SemaphoreType.DMA,
            pltpu.SemaphoreType.DMA,
        ],
    )
    part, wpart = sc_kernel(src, dst, asrc_p, adst_p, m16, h0w, h1w)

    out = pl.pallas_call(
        _combine_body,
        grid=(GRID,),
        in_specs=[
            pl.BlockSpec((NC, 2, RB, NBH), lambda i: (0, 0, i, 0)),
            pl.BlockSpec((NC, ROWS // 8, 8 * LANES), lambda i: (0, 0, 0)),
            pl.BlockSpec((RB, NBH), lambda i: (i, 0)),
            pl.BlockSpec((RB, NBH), lambda i: (i, 0)),
            pl.BlockSpec((RB, 1), lambda i: (i, 0)),
            pl.BlockSpec((RB, 1), lambda i: (i, 0)),
            pl.BlockSpec((1, 2), lambda i: (0, 0)),
            pl.BlockSpec((1, NB), lambda i: (0, 0)),
            pl.BlockSpec((1, 1), lambda i: (0, 0)),
        ],
        out_specs=pl.BlockSpec((RB, NB), lambda i: (i, 0)),
        out_shape=jax.ShapeDtypeStruct((N, NB), f32),
    )(part, wpart.reshape(NC, ROWS // 8, 8 * LANES), h0, h1, as2, ad2, mx,
      bias_gat.reshape(1, NB),
      prelu_a.reshape(1, 1))
    return out

# --- scband reference (transcript-rebuilt; emitter-appended) ---
"""Pipeline reference for scband-linear-model-3212635537945 (READ-ONLY COPY).

The authoritative reference and input builder live on the scoring server;
editing this copy changes nothing except your own understanding.
"""

import jax, jax.numpy as jnp
import numpy as np

N = 10000
E = 160000
FT_IN = 512
NB = 256


def setup_inputs(seed: int = 0) -> dict:
    key = jax.random.key(seed)
    ks = jax.random.split(key, 8)
    seq = jax.random.normal(ks[0], (N, FT_IN), dtype=jnp.float32)
    edge_index = jax.random.randint(ks[1], (2, E), 0, N, dtype=jnp.int32)
    # Linear fc (xavier uniform init per module, zero bias)
    limit = float(np.sqrt(6.0 / (FT_IN + NB)))
    W_fc = jax.random.uniform(ks[2], (NB, FT_IN), minval=-limit, maxval=limit, dtype=jnp.float32)
    b_fc = jnp.zeros((NB,), dtype=jnp.float32)
    # GATConv params (1 head, out=NB): lin weight (no bias), att_src, att_dst, output bias
    lim2 = float(np.sqrt(6.0 / (NB + NB)))
    W_gat = jax.random.uniform(ks[3], (NB, NB), minval=-lim2, maxval=lim2, dtype=jnp.float32)
    att_src = jax.random.uniform(ks[4], (NB,), minval=-lim2, maxval=lim2, dtype=jnp.float32)
    att_dst = jax.random.uniform(ks[5], (NB,), minval=-lim2, maxval=lim2, dtype=jnp.float32)
    bias_gat = jnp.zeros((NB,), dtype=jnp.float32)
    prelu_a = jnp.array(0.25, dtype=jnp.float32)  # PReLU default init
    return {"seq": seq, "edge_index": edge_index, "W_fc": W_fc, "b_fc": b_fc,
            "W_gat": W_gat, "att_src": att_src, "att_dst": att_dst,
            "bias_gat": bias_gat, "prelu_a": prelu_a}


def _gat_conv(x, edge_index, W_gat, att_src, att_dst, bias_gat):
    n = x.shape[0]
    # PyG GATConv default: add self loops
    loop = jnp.arange(n, dtype=edge_index.dtype)
    src = jnp.concatenate([edge_index[0], loop])
    dst = jnp.concatenate([edge_index[1], loop])
    h = x @ W_gat.T                       # [N, NB]
    a_src = (h * att_src).sum(-1)          # [N]
    a_dst = (h * att_dst).sum(-1)          # [N]
    e = a_src[src] + a_dst[dst]            # [E+N]
    e = jax.nn.leaky_relu(e, negative_slope=0.2)
    # softmax over incoming edges per destination node
    e_max = jax.ops.segment_max(e, dst, num_segments=n)
    e_exp = jnp.exp(e - e_max[dst])
    denom = jax.ops.segment_sum(e_exp, dst, num_segments=n)
    alpha = e_exp / (denom[dst] + 1e-16)
    msg = h[src] * alpha[:, None]          # gather + weight
    out = jax.ops.segment_sum(msg, dst, num_segments=n)
    return out + bias_gat


def reference(seq, edge_index, W_fc, b_fc, W_gat, att_src, att_dst, bias_gat, prelu_a):
    ret = seq @ W_fc.T + b_fc
    ret = _gat_conv(ret, edge_index, W_gat, att_src, att_dst, bias_gat)
    # PReLU activation
    return jnp.where(ret >= 0, ret, prelu_a * ret)

if __name__ == "__main__":
    import jax
    _d = setup_inputs()
    print(jax.jit(kernel)(*tuple(_d.values())))

</pallas_src>

<mosaic_0001>
#map = affine_map<(d0, d1) -> (0, 0)>
#map1 = affine_map<(d0, d1) -> (0)>
#map2 = affine_map<(d0, d1) -> (0, 0, 0, 0)>
#map3 = affine_map<(d0, d1) -> (0, 0, 0)>
module attributes {stable_mosaic.version = 14 : i64} {
  func.func @_sc_edge_kernel(%arg0: i32, %arg1: i32, %arg2: memref<2640x64xi32, #tpu.memory_space<hbm>>, %arg3: memref<2640x64xi32, #tpu.memory_space<hbm>>, %arg4: memref<10240xf32, #tpu.memory_space<hbm>>, %arg5: memref<10240xf32, #tpu.memory_space<hbm>>, %arg6: memref<16xf32, #tpu.memory_space<hbm>>, %arg7: memref<10000x64xi32, #tpu.memory_space<hbm>>, %arg8: memref<10000x64xi32, #tpu.memory_space<hbm>>, %arg9: memref<2x2x10240x128xf32, #tpu.memory_space<hbm>>, %arg10: memref<2x10240x16xf32, #tpu.memory_space<hbm>>, %arg11: memref<97x64xi32, #tpu.memory_space<vmem>>, %arg12: memref<96x64xi32, #tpu.memory_space<vmem>>, %arg13: memref<16xf32, #tpu.memory_space<vmem>>, %arg14: memref<6144xf32, #tpu.memory_space<vmem>>, %arg15: memref<10240x128xf32, #tpu.memory_space<vmem_shared>>, %arg16: memref<10240x16xf32, #tpu.memory_space<vmem_shared>>, %arg17: memref<!tpu.dma_semaphore, #tpu.memory_space<semaphore_mem>>, %arg18: memref<!tpu.dma_semaphore, #tpu.memory_space<semaphore_mem>>) attributes {dimension_semantics = [#tpu.dimension_semantics<core_parallel>, #tpu.dimension_semantics<subcore_parallel>], iteration_bounds = array<i64: 2, 16>, scalar_prefetch = 0 : i64, scratch_operands = 8 : i64, tpu.core_type = #tpu.core_type<sc_vector_subcore>, window_params = [{transform_indices = #map}, {transform_indices = #map}, {transform_indices = #map1}, {transform_indices = #map1}, {transform_indices = #map1}, {transform_indices = #map}, {transform_indices = #map}, {transform_indices = #map2}, {transform_indices = #map3}]} {
    %eq3A = arith.constant 0 : i32
    %eq3A_0 = arith.cmpi eq, %arg0, %eq3A : i32
    %jit3A = arith.constant 96 : i32
    %jit3A_1 = arith.constant 64 : i32
    %select_n3A = arith.select %eq3A_0, %jit3A, %jit3A_1 : i32
    %eq3A_2 = arith.constant 0 : i32
    %eq3A_3 = arith.cmpi eq, %arg0, %eq3A_2 : i32
    %mul3A = arith.constant 96 : i32
    %mul3A_4 = arith.muli %arg1, %mul3A : i32
    %mul3A_5 = arith.constant 64 : i32
    %mul3A_6 = arith.muli %arg1, %mul3A_5 : i32
    %add3A = arith.constant 1536 : i32
    %add3A_7 = arith.addi %add3A, %mul3A_6 : i32
    %select_n3A_8 = arith.select %eq3A_3, %mul3A_4, %add3A_7 : i32
    "tpu.region"() ({
      %run_scoped3A = tpu.sem_alloc : memref<!tpu.dma_semaphore, #tpu.memory_space<semaphore_mem>>
      %dma_start3A = arith.constant 0 : i32
      %dma_start3A_10 = tpu.memref_slice %arg2[%select_n3A_8, %dma_start3A] : memref<2640x64xi32, #tpu.memory_space<hbm>> -> memref<97x64xi32, #tpu.memory_space<hbm>>
      %dma_start3A_11 = arith.constant 0 : i32
      %dma_start3A_12 = tpu.memref_slice %arg2[%select_n3A_8, %dma_start3A_11] : memref<2640x64xi32, #tpu.memory_space<hbm>> -> memref<97x64xi32, #tpu.memory_space<hbm>>
      tpu.enqueue_dma source(%dma_start3A_12 : memref<97x64xi32, #tpu.memory_space<hbm>>) target(%arg11 : memref<97x64xi32, #tpu.memory_space<vmem>>) target_semaphore(%run_scoped3A : memref<!tpu.dma_semaphore, #tpu.memory_space<semaphore_mem>>)
      %dma_wait3A = arith.constant 0 : i32
      %dma_wait3A_13 = tpu.memref_slice %arg2[%select_n3A_8, %dma_wait3A] : memref<2640x64xi32, #tpu.memory_space<hbm>> -> memref<97x64xi32, #tpu.memory_space<hbm>>
      %dma_wait3A_14 = arith.constant 0 : i32
      %dma_wait3A_15 = tpu.memref_slice %arg2[%select_n3A_8, %dma_wait3A_14] : memref<2640x64xi32, #tpu.memory_space<hbm>> -> memref<97x64xi32, #tpu.memory_space<hbm>>
      tpu.wait_dma2 semaphore(%run_scoped3A : memref<!tpu.dma_semaphore, #tpu.memory_space<semaphore_mem>>) src(%dma_wait3A_15 : memref<97x64xi32, #tpu.memory_space<hbm>>) dst(%arg11 : memref<97x64xi32, #tpu.memory_space<vmem>>)
      tpu.yield
    }) : () -> ()
    "tpu.region"() ({
      %run_scoped3A = tpu.sem_alloc : memref<!tpu.dma_semaphore, #tpu.memory_space<semaphore_mem>>
      %dma_start3A = arith.constant 0 : i32
      %dma_start3A_10 = tpu.memref_slice %arg3[%select_n3A_8, %dma_start3A] : memref<2640x64xi32, #tpu.memory_space<hbm>> -> memref<96x64xi32, #tpu.memory_space<hbm>>
      %dma_start3A_11 = arith.constant 0 : i32
      %dma_start3A_12 = tpu.memref_slice %arg3[%select_n3A_8, %dma_start3A_11] : memref<2640x64xi32, #tpu.memory_space<hbm>> -> memref<96x64xi32, #tpu.memory_space<hbm>>
      tpu.enqueue_dma source(%dma_start3A_12 : memref<96x64xi32, #tpu.memory_space<hbm>>) target(%arg12 : memref<96x64xi32, #tpu.memory_space<vmem>>) target_semaphore(%run_scoped3A : memref<!tpu.dma_semaphore, #tpu.memory_space<semaphore_mem>>)
      %dma_wait3A = arith.constant 0 : i32
      %dma_wait3A_13 = tpu.memref_slice %arg3[%select_n3A_8, %dma_wait3A] : memref<2640x64xi32, #tpu.memory_space<hbm>> -> memref<96x64xi32, #tpu.memory_space<hbm>>
      %dma_wait3A_14 = arith.constant 0 : i32
      %dma_wait3A_15 = tpu.memref_slice %arg3[%select_n3A_8, %dma_wait3A_14] : memref<2640x64xi32, #tpu.memory_space<hbm>> -> memref<96x64xi32, #tpu.memory_space<hbm>>
      tpu.wait_dma2 semaphore(%run_scoped3A : memref<!tpu.dma_semaphore, #tpu.memory_space<semaphore_mem>>) src(%dma_wait3A_15 : memref<96x64xi32, #tpu.memory_space<hbm>>) dst(%arg12 : memref<96x64xi32, #tpu.memory_space<vmem>>)
      tpu.yield
    }) : () -> ()
    "tpu.region"() ({
      %run_scoped3A = tpu.sem_alloc : memref<!tpu.dma_semaphore, #tpu.memory_space<semaphore_mem>>
      tpu.enqueue_dma source(%arg6 : memref<16xf32, #tpu.memory_space<hbm>>) target(%arg13 : memref<16xf32, #tpu.memory_space<vmem>>) target_semaphore(%run_scoped3A : memref<!tpu.dma_semaphore, #tpu.memory_space<semaphore_mem>>)
      tpu.wait_dma2 semaphore(%run_scoped3A : memref<!tpu.dma_semaphore, #tpu.memory_space<semaphore_mem>>) src(%arg6 : memref<16xf32, #tpu.memory_space<hbm>>) dst(%arg13 : memref<16xf32, #tpu.memory_space<vmem>>)
      tpu.yield
    }) : () -> ()
    %get3A = arith.constant 0 : index
    %get3A_9 = tpu.vector_load %arg13[%get3A] {strides = array<i32>} : memref<16xf32, #tpu.memory_space<vmem>>, vector<16xf32>,
    %iota3A = tpu.iota {dimensions = array<i32: 0>} : vector<16xi32>
    "tpu.region"() ({
      %run_scoped3A = memref.alloca() : memref<10240xf32, #tpu.memory_space<vmem>>
      "tpu.region"() ({
        %run_scoped3A_45 = tpu.sem_alloc : memref<!tpu.dma_semaphore, #tpu.memory_space<semaphore_mem>>
        tpu.enqueue_dma source(%arg4 : memref<10240xf32, #tpu.memory_space<hbm>>) target(%run_scoped3A : memref<10240xf32, #tpu.memory_space<vmem>>) target_semaphore(%run_scoped3A_45 : memref<!tpu.dma_semaphore, #tpu.memory_space<semaphore_mem>>)
        tpu.wait_dma2 semaphore(%run_scoped3A_45 : memref<!tpu.dma_semaphore, #tpu.memory_space<semaphore_mem>>) src(%arg4 : memref<10240xf32, #tpu.memory_space<hbm>>) dst(%run_scoped3A : memref<10240xf32, #tpu.memory_space<vmem>>)
        tpu.yield
      }) : () -> ()
      %sub3A = arith.constant 0 : i32
      %sub3A_10 = arith.subi %select_n3A, %sub3A : i32
      %sub3A_11 = arith.constant 1 : i32
      %sub3A_12 = arith.constant 1 : i32
      %sub3A_13 = arith.subi %sub3A_11, %sub3A_12 : i32
      %add3A_14 = arith.addi %sub3A_10, %sub3A_13 : i32
      %div3A = arith.constant 1 : i32
      %div3A_15 = arith.divsi %add3A_14, %div3A : i32
      %while3A = arith.constant 1 : i32
      %while3A_16 = arith.constant 0 : i32
      %while3A_17 = arith.constant 0 : i32
      %while3A_18 = arith.subi %div3A_15, %while3A_17 : i32
      %while3A_19 = arith.addi %while3A_17, %while3A_18 : i32
      %while3A_20 = arith.constant 1 : i32
      %while3A_21 = arith.divsi %while3A_18, %while3A_20 : i32
      %while3A_22 = arith.muli %while3A_21, %while3A_20 : i32
      %while3A_23 = arith.addi %while3A_17, %while3A_22 : i32
      %while3A_24 = arith.constant 1 : i32
      scf.for %while3A_45 = %while3A_17 to %while3A_23 step %while3A_24  : i32 {
        %mul3A_46 = arith.muli %while3A_45, %while3A : i32
        %add3A_47 = arith.addi %while3A_16, %mul3A_46 : i32
        %scan3A = arith.constant 0 : i32
        %scan3A_48 = arith.constant 4 : i32
        %scan3A_49 = arith.addi %scan3A, %scan3A_48 : i32
        %scan3A_50 = arith.constant 1 : i32
        scf.for %scan3A_52 = %scan3A to %scan3A_49 step %scan3A_50  : i32 {
          %mul3A_53 = arith.constant 1 : i32
          %mul3A_54 = arith.muli %scan3A_52, %mul3A_53 : i32
          %add3A_55 = arith.constant 0 : i32
          %add3A_56 = arith.addi %add3A_55, %mul3A_54 : i32
          %mul3A_57 = arith.constant 16 : i32
          %mul3A_58 = arith.muli %add3A_56, %mul3A_57 : i32
          %get3A_59 = arith.index_cast %add3A_47 : i32 to index
          %get3A_60 = arith.index_cast %mul3A_58 : i32 to index
          %get3A_61 = tpu.vector_load %arg11[%get3A_59, %get3A_60] {strides = array<i32>} : memref<97x64xi32, #tpu.memory_space<vmem>>, vector<16xi32>,
          %gather3A = tpu.vector_load_idx %run_scoped3A[%get3A_61] : memref<10240xf32, #tpu.memory_space<vmem>>[vector<16xi32>], vector<16xf32>,
          %mul3A_62 = arith.constant 64 : i32
          %mul3A_63 = arith.muli %add3A_47, %mul3A_62 : i32
          %mul3A_64 = arith.constant 16 : i32
          %mul3A_65 = arith.muli %add3A_56, %mul3A_64 : i32
          %add3A_66 = arith.addi %mul3A_63, %mul3A_65 : i32
          %swap3A = arith.index_cast %add3A_66 : i32 to index
          %swap3A_67 = tpu.vector_load %arg14[%swap3A] {strides = array<i32>} : memref<6144xf32, #tpu.memory_space<vmem>>, vector<16xf32>,
          tpu.vector_store %arg14[%swap3A], %gather3A {strides = array<i32>} : memref<6144xf32, #tpu.memory_space<vmem>>, vector<16xf32>,
        }
        %scan3A_51 = arith.constant 4 : i32
      }
      %while3A_25 = arith.constant 1 : i32
      scf.for %while3A_45 = %while3A_23 to %while3A_19 step %while3A_25  : i32 {
        %mul3A_46 = arith.muli %while3A_45, %while3A : i32
        %add3A_47 = arith.addi %while3A_16, %mul3A_46 : i32
        %scan3A = arith.constant 0 : i32
        %scan3A_48 = arith.constant 4 : i32
        %scan3A_49 = arith.addi %scan3A, %scan3A_48 : i32
        %scan3A_50 = arith.constant 1 : i32
        scf.for %scan3A_52 = %scan3A to %scan3A_49 step %scan3A_50  : i32 {
          %mul3A_53 = arith.constant 1 : i32
          %mul3A_54 = arith.muli %scan3A_52, %mul3A_53 : i32
          %add3A_55 = arith.constant 0 : i32
          %add3A_56 = arith.addi %add3A_55, %mul3A_54 : i32
          %mul3A_57 = arith.constant 16 : i32
          %mul3A_58 = arith.muli %add3A_56, %mul3A_57 : i32
          %get3A_59 = arith.index_cast %add3A_47 : i32 to index
          %get3A_60 = arith.index_cast %mul3A_58 : i32 to index
          %get3A_61 = tpu.vector_load %arg11[%get3A_59, %get3A_60] {strides = array<i32>} : memref<97x64xi32, #tpu.memory_space<vmem>>, vector<16xi32>,
          %gather3A = tpu.vector_load_idx %run_scoped3A[%get3A_61] : memref<10240xf32, #tpu.memory_space<vmem>>[vector<16xi32>], vector<16xf32>,
          %mul3A_62 = arith.constant 64 : i32
          %mul3A_63 = arith.muli %add3A_47, %mul3A_62 : i32
          %mul3A_64 = arith.constant 16 : i32
          %mul3A_65 = arith.muli %add3A_56, %mul3A_64 : i32
          %add3A_66 = arith.addi %mul3A_63, %mul3A_65 : i32
          %swap3A = arith.index_cast %add3A_66 : i32 to index
          %swap3A_67 = tpu.vector_load %arg14[%swap3A] {strides = array<i32>} : memref<6144xf32, #tpu.memory_space<vmem>>, vector<16xf32>,
          tpu.vector_store %arg14[%swap3A], %gather3A {strides = array<i32>} : memref<6144xf32, #tpu.memory_space<vmem>>, vector<16xf32>,
        }
        %scan3A_51 = arith.constant 4 : i32
      }
      "tpu.region"() ({
        %run_scoped3A_45 = tpu.sem_alloc : memref<!tpu.dma_semaphore, #tpu.memory_space<semaphore_mem>>
        tpu.enqueue_dma source(%arg5 : memref<10240xf32, #tpu.memory_space<hbm>>) target(%run_scoped3A : memref<10240xf32, #tpu.memory_space<vmem>>) target_semaphore(%run_scoped3A_45 : memref<!tpu.dma_semaphore, #tpu.memory_space<semaphore_mem>>)
        tpu.wait_dma2 semaphore(%run_scoped3A_45 : memref<!tpu.dma_semaphore, #tpu.memory_space<semaphore_mem>>) src(%arg5 : memref<10240xf32, #tpu.memory_space<hbm>>) dst(%run_scoped3A : memref<10240xf32, #tpu.memory_space<vmem>>)
        tpu.yield
      }) : () -> ()
      %sub3A_26 = arith.constant 0 : i32
      %sub3A_27 = arith.subi %select_n3A, %sub3A_26 : i32
      %sub3A_28 = arith.constant 1 : i32
      %sub3A_29 = arith.constant 1 : i32
      %sub3A_30 = arith.subi %sub3A_28, %sub3A_29 : i32
      %add3A_31 = arith.addi %sub3A_27, %sub3A_30 : i32
      %div3A_32 = arith.constant 1 : i32
      %div3A_33 = arith.divsi %add3A_31, %div3A_32 : i32
      %while3A_34 = arith.constant 1 : i32
      %while3A_35 = arith.constant 0 : i32
      %while3A_36 = arith.constant 0 : i32
      %while3A_37 = arith.subi %div3A_33, %while3A_36 : i32
      %while3A_38 = arith.addi %while3A_36, %while3A_37 : i32
      %while3A_39 = arith.constant 1 : i32
      %while3A_40 = arith.divsi %while3A_37, %while3A_39 : i32
      %while3A_41 = arith.muli %while3A_40, %while3A_39 : i32
      %while3A_42 = arith.addi %while3A_36, %while3A_41 : i32
      %while3A_43 = arith.constant 1 : i32
      scf.for %while3A_45 = %while3A_36 to %while3A_42 step %while3A_43  : i32 {
        %mul3A_46 = arith.muli %while3A_45, %while3A_34 : i32
        %add3A_47 = arith.addi %while3A_35, %mul3A_46 : i32
        %scan3A = arith.constant 0 : i32
        %scan3A_48 = arith.constant 4 : i32
        %scan3A_49 = arith.addi %scan3A, %scan3A_48 : i32
        %scan3A_50 = arith.constant 1 : i32
        scf.for %scan3A_52 = %scan3A to %scan3A_49 step %scan3A_50  : i32 {
          %mul3A_53 = arith.constant 1 : i32
          %mul3A_54 = arith.muli %scan3A_52, %mul3A_53 : i32
          %add3A_55 = arith.constant 0 : i32
          %add3A_56 = arith.addi %add3A_55, %mul3A_54 : i32
          %mul3A_57 = arith.constant 16 : i32
          %mul3A_58 = arith.muli %add3A_56, %mul3A_57 : i32
          %get3A_59 = arith.index_cast %add3A_47 : i32 to index
          %get3A_60 = arith.index_cast %mul3A_58 : i32 to index
          %get3A_61 = tpu.vector_load %arg12[%get3A_59, %get3A_60] {strides = array<i32>} : memref<96x64xi32, #tpu.memory_space<vmem>>, vector<16xi32>,
          %mul3A_62 = arith.constant 64 : i32
          %mul3A_63 = arith.muli %add3A_47, %mul3A_62 : i32
          %mul3A_64 = arith.constant 16 : i32
          %mul3A_65 = arith.muli %add3A_56, %mul3A_64 : i32
          %add3A_66 = arith.addi %mul3A_63, %mul3A_65 : i32
          %get3A_67 = arith.index_cast %add3A_66 : i32 to index
          %get3A_68 = tpu.vector_load %arg14[%get3A_67] {strides = array<i32>} : memref<6144xf32, #tpu.memory_space<vmem>>, vector<16xf32>,
          %gather3A = tpu.vector_load_idx %run_scoped3A[%get3A_61] : memref<10240xf32, #tpu.memory_space<vmem>>[vector<16xi32>], vector<16xf32>,
          %add3A_69 = arith.addf %get3A_68, %gather3A : vector<16xf32>
          %ge3A = arith.constant 0.000000e+00 : f32
          %ge3A_70 = vector.broadcast %ge3A : f32 to vector<16xf32>
          %ge3A_71 = arith.cmpf oge, %add3A_69, %ge3A_70 : vector<16xf32>
          %mul3A_72 = arith.constant 2.000000e-01 : f32
          %mul3A_73 = vector.broadcast %mul3A_72 : f32 to vector<16xf32>
          %mul3A_74 = arith.mulf %mul3A_73, %add3A_69 : vector<16xf32>
          %select_n3A_75 = arith.select %ge3A_71, %add3A_69, %mul3A_74 : vector<16xi1>, vector<16xf32>
          %sub3A_76 = arith.subf %select_n3A_75, %get3A_9 : vector<16xf32>
          %exp3A = math.exp %sub3A_76 : vector<16xf32>
          %mul3A_77 = arith.constant 64 : i32
          %mul3A_78 = arith.muli %add3A_47, %mul3A_77 : i32
          %mul3A_79 = arith.constant 16 : i32
          %mul3A_80 = arith.muli %add3A_56, %mul3A_79 : i32
          %add3A_81 = arith.addi %mul3A_78, %mul3A_80 : i32
          %swap3A = arith.index_cast %add3A_81 : i32 to index
          %swap3A_82 = tpu.vector_load %arg14[%swap3A] {strides = array<i32>} : memref<6144xf32, #tpu.memory_space<vmem>>, vector<16xf32>,
          tpu.vector_store %arg14[%swap3A], %exp3A {strides = array<i32>} : memref<6144xf32, #tpu.memory_space<vmem>>, vector<16xf32>,
        }
        %scan3A_51 = arith.constant 4 : i32
      }
      %while3A_44 = arith.constant 1 : i32
      scf.for %while3A_45 = %while3A_42 to %while3A_38 step %while3A_44  : i32 {
        %mul3A_46 = arith.muli %while3A_45, %while3A_34 : i32
        %add3A_47 = arith.addi %while3A_35, %mul3A_46 : i32
        %scan3A = arith.constant 0 : i32
        %scan3A_48 = arith.constant 4 : i32
        %scan3A_49 = arith.addi %scan3A, %scan3A_48 : i32
        %scan3A_50 = arith.constant 1 : i32
        scf.for %scan3A_52 = %scan3A to %scan3A_49 step %scan3A_50  : i32 {
          %mul3A_53 = arith.constant 1 : i32
          %mul3A_54 = arith.muli %scan3A_52, %mul3A_53 : i32
          %add3A_55 = arith.constant 0 : i32
          %add3A_56 = arith.addi %add3A_55, %mul3A_54 : i32
          %mul3A_57 = arith.constant 16 : i32
          %mul3A_58 = arith.muli %add3A_56, %mul3A_57 : i32
          %get3A_59 = arith.index_cast %add3A_47 : i32 to index
          %get3A_60 = arith.index_cast %mul3A_58 : i32 to index
          %get3A_61 = tpu.vector_load %arg12[%get3A_59, %get3A_60] {strides = array<i32>} : memref<96x64xi32, #tpu.memory_space<vmem>>, vector<16xi32>,
          %mul3A_62 = arith.constant 64 : i32
          %mul3A_63 = arith.muli %add3A_47, %mul3A_62 : i32
          %mul3A_64 = arith.constant 16 : i32
          %mul3A_65 = arith.muli %add3A_56, %mul3A_64 : i32
          %add3A_66 = arith.addi %mul3A_63, %mul3A_65 : i32
          %get3A_67 = arith.index_cast %add3A_66 : i32 to index
          %get3A_68 = tpu.vector_load %arg14[%get3A_67] {strides = array<i32>} : memref<6144xf32, #tpu.memory_space<vmem>>, vector<16xf32>,
          %gather3A = tpu.vector_load_idx %run_scoped3A[%get3A_61] : memref<10240xf32, #tpu.memory_space<vmem>>[vector<16xi32>], vector<16xf32>,
          %add3A_69 = arith.addf %get3A_68, %gather3A : vector<16xf32>
          %ge3A = arith.constant 0.000000e+00 : f32
          %ge3A_70 = vector.broadcast %ge3A : f32 to vector<16xf32>
          %ge3A_71 = arith.cmpf oge, %add3A_69, %ge3A_70 : vector<16xf32>
          %mul3A_72 = arith.constant 2.000000e-01 : f32
          %mul3A_73 = vector.broadcast %mul3A_72 : f32 to vector<16xf32>
          %mul3A_74 = arith.mulf %mul3A_73, %add3A_69 : vector<16xf32>
          %select_n3A_75 = arith.select %ge3A_71, %add3A_69, %mul3A_74 : vector<16xi1>, vector<16xf32>
          %sub3A_76 = arith.subf %select_n3A_75, %get3A_9 : vector<16xf32>
          %exp3A = math.exp %sub3A_76 : vector<16xf32>
          %mul3A_77 = arith.constant 64 : i32
          %mul3A_78 = arith.muli %add3A_47, %mul3A_77 : i32
          %mul3A_79 = arith.constant 16 : i32
          %mul3A_80 = arith.muli %add3A_56, %mul3A_79 : i32
          %add3A_81 = arith.addi %mul3A_78, %mul3A_80 : i32
          %swap3A = arith.index_cast %add3A_81 : i32 to index
          %swap3A_82 = tpu.vector_load %arg14[%swap3A] {strides = array<i32>} : memref<6144xf32, #tpu.memory_space<vmem>>, vector<16xf32>,
          tpu.vector_store %arg14[%swap3A], %exp3A {strides = array<i32>} : memref<6144xf32, #tpu.memory_space<vmem>>, vector<16xf32>,
        }
        %scan3A_51 = arith.constant 4 : i32
      }
      tpu.yield
    }) : () -> ()
    "tpu.region"() ({
      %run_scoped3A = memref.alloca() : memref<64x64xi32, #tpu.memory_space<vmem>>
      %run_scoped3A_10 = memref.alloca() : memref<64x64xi32, #tpu.memory_space<vmem>>
      %run_scoped3A_11 = memref.alloca() : memref<64x128xf32, #tpu.memory_space<vmem>>
      %run_scoped3A_12 = memref.alloca() : memref<64x16xf32, #tpu.memory_space<vmem>>
      %scan3A = arith.constant 0 : i32
      %scan3A_13 = arith.constant 64 : i32
      %scan3A_14 = arith.addi %scan3A, %scan3A_13 : i32
      %scan3A_15 = arith.constant 1 : i32
      scf.for %scan3A_150 = %scan3A to %scan3A_14 step %scan3A_15  : i32 {
        %mul3A_151 = arith.constant 1 : i32
        %mul3A_152 = arith.muli %scan3A_150, %mul3A_151 : i32
        %add3A_153 = arith.constant 0 : i32
        %add3A_154 = arith.addi %add3A_153, %mul3A_152 : i32
        %broadcast_in_dim3A = arith.constant 0.000000e+00 : f32
        %broadcast_in_dim3A_155 = vector.broadcast %broadcast_in_dim3A : f32 to vector<16xf32>
        %swap3A = arith.index_cast %add3A_154 : i32 to index
        %swap3A_156 = arith.constant 0 : index
        %swap3A_157 = tpu.vector_load %run_scoped3A_11[%swap3A, %swap3A_156] {strides = array<i32>} : memref<64x128xf32, #tpu.memory_space<vmem>>, vector<16xf32>,
        tpu.vector_store %run_scoped3A_11[%swap3A, %swap3A_156], %broadcast_in_dim3A_155 {strides = array<i32>} : memref<64x128xf32, #tpu.memory_space<vmem>>, vector<16xf32>,
        %broadcast_in_dim3A_158 = arith.constant 0.000000e+00 : f32
        %broadcast_in_dim3A_159 = vector.broadcast %broadcast_in_dim3A_158 : f32 to vector<16xf32>
        %swap3A_160 = arith.index_cast %add3A_154 : i32 to index
        %swap3A_161 = arith.constant 16 : index
        %swap3A_162 = tpu.vector_load %run_scoped3A_11[%swap3A_160, %swap3A_161] {strides = array<i32>} : memref<64x128xf32, #tpu.memory_space<vmem>>, vector<16xf32>,
        tpu.vector_store %run_scoped3A_11[%swap3A_160, %swap3A_161], %broadcast_in_dim3A_159 {strides = array<i32>} : memref<64x128xf32, #tpu.memory_space<vmem>>, vector<16xf32>,
        %broadcast_in_dim3A_163 = arith.constant 0.000000e+00 : f32
        %broadcast_in_dim3A_164 = vector.broadcast %broadcast_in_dim3A_163 : f32 to vector<16xf32>
        %swap3A_165 = arith.index_cast %add3A_154 : i32 to index
        %swap3A_166 = arith.constant 32 : index
        %swap3A_167 = tpu.vector_load %run_scoped3A_11[%swap3A_165, %swap3A_166] {strides = array<i32>} : memref<64x128xf32, #tpu.memory_space<vmem>>, vector<16xf32>,
        tpu.vector_store %run_scoped3A_11[%swap3A_165, %swap3A_166], %broadcast_in_dim3A_164 {strides = array<i32>} : memref<64x128xf32, #tpu.memory_space<vmem>>, vector<16xf32>,
        %broadcast_in_dim3A_168 = arith.constant 0.000000e+00 : f32
        %broadcast_in_dim3A_169 = vector.broadcast %broadcast_in_dim3A_168 : f32 to vector<16xf32>
        %swap3A_170 = arith.index_cast %add3A_154 : i32 to index
        %swap3A_171 = arith.constant 48 : index
        %swap3A_172 = tpu.vector_load %run_scoped3A_11[%swap3A_170, %swap3A_171] {strides = array<i32>} : memref<64x128xf32, #tpu.memory_space<vmem>>, vector<16xf32>,
        tpu.vector_store %run_scoped3A_11[%swap3A_170, %swap3A_171], %broadcast_in_dim3A_169 {strides = array<i32>} : memref<64x128xf32, #tpu.memory_space<vmem>>, vector<16xf32>,
        %broadcast_in_dim3A_173 = arith.constant 0.000000e+00 : f32
        %broadcast_in_dim3A_174 = vector.broadcast %broadcast_in_dim3A_173 : f32 to vector<16xf32>
        %swap3A_175 = arith.index_cast %add3A_154 : i32 to index
        %swap3A_176 = arith.constant 64 : index
        %swap3A_177 = tpu.vector_load %run_scoped3A_11[%swap3A_175, %swap3A_176] {strides = array<i32>} : memref<64x128xf32, #tpu.memory_space<vmem>>, vector<16xf32>,
        tpu.vector_store %run_scoped3A_11[%swap3A_175, %swap3A_176], %broadcast_in_dim3A_174 {strides = array<i32>} : memref<64x128xf32, #tpu.memory_space<vmem>>, vector<16xf32>,
        %broadcast_in_dim3A_178 = arith.constant 0.000000e+00 : f32
        %broadcast_in_dim3A_179 = vector.broadcast %broadcast_in_dim3A_178 : f32 to vector<16xf32>
        %swap3A_180 = arith.index_cast %add3A_154 : i32 to index
        %swap3A_181 = arith.constant 80 : index
        %swap3A_182 = tpu.vector_load %run_scoped3A_11[%swap3A_180, %swap3A_181] {strides = array<i32>} : memref<64x128xf32, #tpu.memory_space<vmem>>, vector<16xf32>,
        tpu.vector_store %run_scoped3A_11[%swap3A_180, %swap3A_181], %broadcast_in_dim3A_179 {strides = array<i32>} : memref<64x128xf32, #tpu.memory_space<vmem>>, vector<16xf32>,
        %broadcast_in_dim3A_183 = arith.constant 0.000000e+00 : f32
        %broadcast_in_dim3A_184 = vector.broadcast %broadcast_in_dim3A_183 : f32 to vector<16xf32>
        %swap3A_185 = arith.index_cast %add3A_154 : i32 to index
        %swap3A_186 = arith.constant 96 : index
        %swap3A_187 = tpu.vector_load %run_scoped3A_11[%swap3A_185, %swap3A_186] {strides = array<i32>} : memref<64x128xf32, #tpu.memory_space<vmem>>, vector<16xf32>,
        tpu.vector_store %run_scoped3A_11[%swap3A_185, %swap3A_186], %broadcast_in_dim3A_184 {strides = array<i32>} : memref<64x128xf32, #tpu.memory_space<vmem>>, vector<16xf32>,
        %broadcast_in_dim3A_188 = arith.constant 0.000000e+00 : f32
        %broadcast_in_dim3A_189 = vector.broadcast %broadcast_in_dim3A_188 : f32 to vector<16xf32>
        %swap3A_190 = arith.index_cast %add3A_154 : i32 to index
        %swap3A_191 = arith.constant 112 : index
        %swap3A_192 = tpu.vector_load %run_scoped3A_11[%swap3A_190, %swap3A_191] {strides = array<i32>} : memref<64x128xf32, #tpu.memory_space<vmem>>, vector<16xf32>,
        tpu.vector_store %run_scoped3A_11[%swap3A_190, %swap3A_191], %broadcast_in_dim3A_189 {strides = array<i32>} : memref<64x128xf32, #tpu.memory_space<vmem>>, vector<16xf32>,
        %broadcast_in_dim3A_193 = arith.constant 0.000000e+00 : f32
        %broadcast_in_dim3A_194 = vector.broadcast %broadcast_in_dim3A_193 : f32 to vector<16xf32>
        %swap3A_195 = arith.index_cast %add3A_154 : i32 to index
        %swap3A_196 = arith.constant 0 : index
        %swap3A_197 = tpu.vector_load %run_scoped3A_12[%swap3A_195, %swap3A_196] {strides = array<i32>} : memref<64x16xf32, #tpu.memory_space<vmem>>, vector<16xf32>,
        tpu.vector_store %run_scoped3A_12[%swap3A_195, %swap3A_196], %broadcast_in_dim3A_194 {strides = array<i32>} : memref<64x16xf32, #tpu.memory_space<vmem>>, vector<16xf32>,
      }
      %scan3A_16 = arith.constant 64 : i32
      %scan3A_17 = arith.constant 0 : i32
      %scan3A_18 = arith.constant 10 : i32
      %scan3A_19 = arith.addi %scan3A_17, %scan3A_18 : i32
      %scan3A_20 = arith.constant 1 : i32
      scf.for %scan3A_150 = %scan3A_17 to %scan3A_19 step %scan3A_20  : i32 {
        %mul3A_151 = arith.constant 1 : i32
        %mul3A_152 = arith.muli %scan3A_150, %mul3A_151 : i32
        %add3A_153 = arith.constant 0 : i32
        %add3A_154 = arith.addi %add3A_153, %mul3A_152 : i32
        %mul3A_155 = arith.constant 640 : i32
        %mul3A_156 = arith.muli %arg1, %mul3A_155 : i32
        %mul3A_157 = arith.constant 64 : i32
        %mul3A_158 = arith.muli %add3A_154, %mul3A_157 : i32
        %add3A_159 = arith.addi %mul3A_156, %mul3A_158 : i32
        "tpu.region"() ({
          %run_scoped3A_160 = tpu.sem_alloc : memref<!tpu.dma_semaphore, #tpu.memory_space<semaphore_mem>>
          %dma_start3A_161 = arith.constant 0 : i32
          %dma_start3A_162 = tpu.memref_slice %arg15[%add3A_159, %dma_start3A_161] : memref<10240x128xf32, #tpu.memory_space<vmem_shared>> -> memref<64x128xf32, #tpu.memory_space<vmem_shared>>
          %dma_start3A_163 = arith.constant 0 : i32
          %dma_start3A_164 = tpu.memref_slice %arg15[%add3A_159, %dma_start3A_163] : memref<10240x128xf32, #tpu.memory_space<vmem_shared>> -> memref<64x128xf32, #tpu.memory_space<vmem_shared>>
          tpu.enqueue_dma source(%run_scoped3A_11 : memref<64x128xf32, #tpu.memory_space<vmem>>) target(%dma_start3A_164 : memref<64x128xf32, #tpu.memory_space<vmem_shared>>) target_semaphore(%run_scoped3A_160 : memref<!tpu.dma_semaphore, #tpu.memory_space<semaphore_mem>>)
          %dma_wait3A_165 = arith.constant 0 : i32
          %dma_wait3A_166 = tpu.memref_slice %arg15[%add3A_159, %dma_wait3A_165] : memref<10240x128xf32, #tpu.memory_space<vmem_shared>> -> memref<64x128xf32, #tpu.memory_space<vmem_shared>>
          %dma_wait3A_167 = arith.constant 0 : i32
          %dma_wait3A_168 = tpu.memref_slice %arg15[%add3A_159, %dma_wait3A_167] : memref<10240x128xf32, #tpu.memory_space<vmem_shared>> -> memref<64x128xf32, #tpu.memory_space<vmem_shared>>
          tpu.wait_dma2 semaphore(%run_scoped3A_160 : memref<!tpu.dma_semaphore, #tpu.memory_space<semaphore_mem>>) src(%run_scoped3A_11 : memref<64x128xf32, #tpu.memory_space<vmem>>) dst(%dma_wait3A_168 : memref<64x128xf32, #tpu.memory_space<vmem_shared>>)
          tpu.yield
        }) : () -> ()
        "tpu.region"() ({
          %run_scoped3A_160 = tpu.sem_alloc : memref<!tpu.dma_semaphore, #tpu.memory_space<semaphore_mem>>
          %dma_start3A_161 = arith.constant 0 : i32
          %dma_start3A_162 = tpu.memref_slice %arg16[%add3A_159, %dma_start3A_161] : memref<10240x16xf32, #tpu.memory_space<vmem_shared>> -> memref<64x16xf32, #tpu.memory_space<vmem_shared>>
          %dma_start3A_163 = arith.constant 0 : i32
          %dma_start3A_164 = tpu.memref_slice %arg16[%add3A_159, %dma_start3A_163] : memref<10240x16xf32, #tpu.memory_space<vmem_shared>> -> memref<64x16xf32, #tpu.memory_space<vmem_shared>>
          tpu.enqueue_dma source(%run_scoped3A_12 : memref<64x16xf32, #tpu.memory_space<vmem>>) target(%dma_start3A_164 : memref<64x16xf32, #tpu.memory_space<vmem_shared>>) target_semaphore(%run_scoped3A_160 : memref<!tpu.dma_semaphore, #tpu.memory_space<semaphore_mem>>)
          %dma_wait3A_165 = arith.constant 0 : i32
          %dma_wait3A_166 = tpu.memref_slice %arg16[%add3A_159, %dma_wait3A_165] : memref<10240x16xf32, #tpu.memory_space<vmem_shared>> -> memref<64x16xf32, #tpu.memory_space<vmem_shared>>
          %dma_wait3A_167 = arith.constant 0 : i32
          %dma_wait3A_168 = tpu.memref_slice %arg16[%add3A_159, %dma_wait3A_167] : memref<10240x16xf32, #tpu.memory_space<vmem_shared>> -> memref<64x16xf32, #tpu.memory_space<vmem_shared>>
          tpu.wait_dma2 semaphore(%run_scoped3A_160 : memref<!tpu.dma_semaphore, #tpu.memory_space<semaphore_mem>>) src(%run_scoped3A_12 : memref<64x16xf32, #tpu.memory_space<vmem>>) dst(%dma_wait3A_168 : memref<64x16xf32, #tpu.memory_space<vmem_shared>>)
          tpu.yield
        }) : () -> ()
      }
      %scan3A_21 = arith.constant 10 : i32
      %barrier3A = arith.constant 0 : index
      tpu.barrier barrier_id(%barrier3A)
      %dma_start3A = arith.constant 0 : i32
      %dma_start3A_22 = arith.constant 0 : i32
      %dma_start3A_23 = tpu.memref_slice %arg11[%dma_start3A, %dma_start3A_22] : memref<97x64xi32, #tpu.memory_space<vmem>> -> memref<1x64xi32, #tpu.memory_space<vmem>>
      %dma_start3A_24 = tpu.memref_squeeze %dma_start3A_23 : memref<1x64xi32, #tpu.memory_space<vmem>> -> memref<64xi32, #tpu.memory_space<vmem>>
      %dma_start3A_25 = arith.constant 0 : i32
      %dma_start3A_26 = arith.constant 0 : i32
      %dma_start3A_27 = tpu.memref_slice %arg7[%dma_start3A_25, %dma_start3A_26] : memref<10000x64xi32, #tpu.memory_space<hbm>> -> memref<10000x64xi32, #tpu.memory_space<hbm>>
      tpu.enqueue_indirect_dma source(%dma_start3A_27 : memref<10000x64xi32, #tpu.memory_space<hbm>>) target(%run_scoped3A : memref<64x64xi32, #tpu.memory_space<vmem>>) offsets(%dma_start3A_24 : memref<64xi32, #tpu.memory_space<vmem>>) semaphore(%arg17 : memref<!tpu.dma_semaphore, #tpu.memory_space<semaphore_mem>>)
      %jit3A_28 = arith.constant 2 : i32
      %div3A = arith.divsi %select_n3A, %jit3A_28 : i32
      %sign3A = arith.constant 0 : i32
      %sign3A_29 = arith.cmpi sgt, %select_n3A, %sign3A : i32
      %sign3A_30 = arith.extui %sign3A_29 : i1 to i32
      %sign3A_31 = arith.constant 0 : i32
      %sign3A_32 = arith.cmpi slt, %select_n3A, %sign3A_31 : i32
      %sign3A_33 = arith.extui %sign3A_32 : i1 to i32
      %sign3A_34 = arith.subi %sign3A_30, %sign3A_33 : i32
      %sign3A_35 = arith.constant 0 : i32
      %sign3A_36 = arith.cmpi sgt, %jit3A_28, %sign3A_35 : i32
      %sign3A_37 = arith.extui %sign3A_36 : i1 to i32
      %sign3A_38 = arith.constant 0 : i32
      %sign3A_39 = arith.cmpi slt, %jit3A_28, %sign3A_38 : i32
      %sign3A_40 = arith.extui %sign3A_39 : i1 to i32
      %sign3A_41 = arith.subi %sign3A_37, %sign3A_40 : i32
      %ne3A = arith.cmpi ne, %sign3A_34, %sign3A_41 : i32
      %rem3A = arith.remsi %select_n3A, %jit3A_28 : i32
      %ne3A_42 = arith.constant 0 : i32
      %ne3A_43 = arith.cmpi ne, %rem3A, %ne3A_42 : i32
      %and3A = arith.andi %ne3A, %ne3A_43 : i1
      %sub3A = arith.constant 1 : i32
      %sub3A_44 = arith.subi %div3A, %sub3A : i32
      %select_n3A_45 = arith.select %and3A, %sub3A_44, %div3A : i32
      %sub3A_46 = arith.constant 0 : i32
      %sub3A_47 = arith.subi %select_n3A_45, %sub3A_46 : i32
      %sub3A_48 = arith.constant 1 : i32
      %sub3A_49 = arith.constant 1 : i32
      %sub3A_50 = arith.subi %sub3A_48, %sub3A_49 : i32
      %add3A_51 = arith.addi %sub3A_47, %sub3A_50 : i32
      %div3A_52 = arith.constant 1 : i32
      %div3A_53 = arith.divsi %add3A_51, %div3A_52 : i32
      %while3A = arith.constant 1 : i32
      %while3A_54 = arith.constant 0 : i32
      %while3A_55 = arith.constant 0 : i32
      %while3A_56 = arith.subi %div3A_53, %while3A_55 : i32
      %while3A_57 = arith.addi %while3A_55, %while3A_56 : i32
      %while3A_58 = arith.constant 1 : i32
      %while3A_59 = arith.divsi %while3A_56, %while3A_58 : i32
      %while3A_60 = arith.muli %while3A_59, %while3A_58 : i32
      %while3A_61 = arith.addi %while3A_55, %while3A_60 : i32
      %while3A_62 = arith.constant 1 : i32
      scf.for %while3A_150 = %while3A_55 to %while3A_61 step %while3A_62  : i32 {
        %mul3A_151 = arith.muli %while3A_150, %while3A : i32
        %add3A_152 = arith.addi %while3A_54, %mul3A_151 : i32
        %mul3A_153 = arith.constant 2 : i32
        %mul3A_154 = arith.muli %mul3A_153, %add3A_152 : i32
        %add3A_155 = arith.constant 1 : i32
        %add3A_156 = arith.addi %mul3A_154, %add3A_155 : i32
        %dma_start3A_157 = arith.constant 0 : i32
        %dma_start3A_158 = tpu.memref_slice %arg11[%add3A_156, %dma_start3A_157] : memref<97x64xi32, #tpu.memory_space<vmem>> -> memref<1x64xi32, #tpu.memory_space<vmem>>
        %dma_start3A_159 = tpu.memref_squeeze %dma_start3A_158 : memref<1x64xi32, #tpu.memory_space<vmem>> -> memref<64xi32, #tpu.memory_space<vmem>>
        %dma_start3A_160 = arith.constant 0 : i32
        %dma_start3A_161 = arith.constant 0 : i32
        %dma_start3A_162 = tpu.memref_slice %arg7[%dma_start3A_160, %dma_start3A_161] : memref<10000x64xi32, #tpu.memory_space<hbm>> -> memref<10000x64xi32, #tpu.memory_space<hbm>>
        tpu.enqueue_indirect_dma source(%dma_start3A_162 : memref<10000x64xi32, #tpu.memory_space<hbm>>) target(%run_scoped3A_10 : memref<64x64xi32, #tpu.memory_space<vmem>>) offsets(%dma_start3A_159 : memref<64xi32, #tpu.memory_space<vmem>>) semaphore(%arg18 : memref<!tpu.dma_semaphore, #tpu.memory_space<semaphore_mem>>)
        %dma_wait3A_163 = arith.constant 0 : i32
        %dma_wait3A_164 = tpu.memref_slice %arg11[%mul3A_154, %dma_wait3A_163] : memref<97x64xi32, #tpu.memory_space<vmem>> -> memref<1x64xi32, #tpu.memory_space<vmem>>
        %dma_wait3A_165 = tpu.memref_squeeze %dma_wait3A_164 : memref<1x64xi32, #tpu.memory_space<vmem>> -> memref<64xi32, #tpu.memory_space<vmem>>
        %dma_wait3A_166 = arith.constant 0 : i32
        %dma_wait3A_167 = arith.constant 0 : i32
        %dma_wait3A_168 = tpu.memref_slice %arg7[%dma_wait3A_166, %dma_wait3A_167] : memref<10000x64xi32, #tpu.memory_space<hbm>> -> memref<10000x64xi32, #tpu.memory_space<hbm>>
        tpu.wait_indirect_dma semaphore(%arg17 : memref<!tpu.dma_semaphore, #tpu.memory_space<semaphore_mem>>) src(%dma_wait3A_168 : memref<10000x64xi32, #tpu.memory_space<hbm>>) dst(%run_scoped3A : memref<64x64xi32, #tpu.memory_space<vmem>>)
        %parallel_loop3A = arith.constant 0 : i32
        %parallel_loop3A_169 = arith.constant 64 : i32
        %parallel_loop3A_170 = arith.constant 1 : i32
        scf.for %parallel_loop3A_188 = %parallel_loop3A to %parallel_loop3A_169 step %parallel_loop3A_170  : i32 {
          %parallel_loop3A_189 = arith.constant 0 : i32
          %parallel_loop3A_190 = vector.broadcast %parallel_loop3A_189 : i32 to vector<16xi32>
          %parallel_loop3A_191 = arith.muli %iota3A, %parallel_loop3A_190 : vector<16xi32>
          %parallel_loop3A_192 = arith.constant 64 : i32
          %parallel_loop3A_193 = arith.muli %mul3A_154, %parallel_loop3A_192 : i32
          %parallel_loop3A_194 = arith.addi %parallel_loop3A_193, %parallel_loop3A_188 : i32
          %parallel_loop3A_195 = vector.broadcast %parallel_loop3A_194 : i32 to vector<16xi32>
          %parallel_loop3A_196 = arith.addi %parallel_loop3A_191, %parallel_loop3A_195 : vector<16xi32>
          %parallel_loop3A_197 = tpu.vector_load_idx %arg14[%parallel_loop3A_196] : memref<6144xf32, #tpu.memory_space<vmem>>[vector<16xi32>], vector<16xf32>,
          %parallel_loop3A_198 = arith.index_cast %parallel_loop3A_188 : i32 to index
          %parallel_loop3A_199 = arith.constant 0 : index
          %parallel_loop3A_200 = tpu.vector_load %run_scoped3A[%parallel_loop3A_198, %parallel_loop3A_199] {strides = array<i32>} : memref<64x64xi32, #tpu.memory_space<vmem>>, vector<16xi32>,
          %parallel_loop3A_201 = arith.constant 16 : i32
          %parallel_loop3A_202 = vector.broadcast %parallel_loop3A_201 : i32 to vector<16xi32>
          %parallel_loop3A_203 = arith.shli %parallel_loop3A_200, %parallel_loop3A_202 : vector<16xi32>
          %parallel_loop3A_204 = vector.bitcast %parallel_loop3A_203 : vector<16xi32> to vector<16xf32>
          %parallel_loop3A_205 = arith.constant -65536 : i32
          %parallel_loop3A_206 = vector.broadcast %parallel_loop3A_205 : i32 to vector<16xi32>
          %parallel_loop3A_207 = arith.andi %parallel_loop3A_200, %parallel_loop3A_206 : vector<16xi32>
          %parallel_loop3A_208 = vector.bitcast %parallel_loop3A_207 : vector<16xi32> to vector<16xf32>
          %parallel_loop3A_209 = arith.mulf %parallel_loop3A_204, %parallel_loop3A_197 : vector<16xf32>
          %parallel_loop3A_210 = arith.index_cast %parallel_loop3A_188 : i32 to index
          %parallel_loop3A_211 = arith.constant 0 : index
          %parallel_loop3A_212 = tpu.vector_load %run_scoped3A_11[%parallel_loop3A_210, %parallel_loop3A_211] {strides = array<i32>} : memref<64x128xf32, #tpu.memory_space<vmem>>, vector<16xf32>,
          tpu.vector_store %run_scoped3A_11[%parallel_loop3A_210, %parallel_loop3A_211], %parallel_loop3A_209 {strides = array<i32>} : memref<64x128xf32, #tpu.memory_space<vmem>>, vector<16xf32>,
          %parallel_loop3A_213 = arith.mulf %parallel_loop3A_208, %parallel_loop3A_197 : vector<16xf32>
          %parallel_loop3A_214 = arith.index_cast %parallel_loop3A_188 : i32 to index
          %parallel_loop3A_215 = arith.constant 64 : index
          %parallel_loop3A_216 = tpu.vector_load %run_scoped3A_11[%parallel_loop3A_214, %parallel_loop3A_215] {strides = array<i32>} : memref<64x128xf32, #tpu.memory_space<vmem>>, vector<16xf32>,
          tpu.vector_store %run_scoped3A_11[%parallel_loop3A_214, %parallel_loop3A_215], %parallel_loop3A_213 {strides = array<i32>} : memref<64x128xf32, #tpu.memory_space<vmem>>, vector<16xf32>,
          %parallel_loop3A_217 = arith.index_cast %parallel_loop3A_188 : i32 to index
          %parallel_loop3A_218 = arith.constant 16 : index
          %parallel_loop3A_219 = tpu.vector_load %run_scoped3A[%parallel_loop3A_217, %parallel_loop3A_218] {strides = array<i32>} : memref<64x64xi32, #tpu.memory_space<vmem>>, vector<16xi32>,
          %parallel_loop3A_220 = arith.constant 16 : i32
          %parallel_loop3A_221 = vector.broadcast %parallel_loop3A_220 : i32 to vector<16xi32>
          %parallel_loop3A_222 = arith.shli %parallel_loop3A_219, %parallel_loop3A_221 : vector<16xi32>
          %parallel_loop3A_223 = vector.bitcast %parallel_loop3A_222 : vector<16xi32> to vector<16xf32>
          %parallel_loop3A_224 = arith.constant -65536 : i32
          %parallel_loop3A_225 = vector.broadcast %parallel_loop3A_224 : i32 to vector<16xi32>
          %parallel_loop3A_226 = arith.andi %parallel_loop3A_219, %parallel_loop3A_225 : vector<16xi32>
          %parallel_loop3A_227 = vector.bitcast %parallel_loop3A_226 : vector<16xi32> to vector<16xf32>
          %parallel_loop3A_228 = arith.mulf %parallel_loop3A_223, %parallel_loop3A_197 : vector<16xf32>
          %parallel_loop3A_229 = arith.index_cast %parallel_loop3A_188 : i32 to index
          %parallel_loop3A_230 = arith.constant 16 : index
          %parallel_loop3A_231 = tpu.vector_load %run_scoped3A_11[%parallel_loop3A_229, %parallel_loop3A_230] {strides = array<i32>} : memref<64x128xf32, #tpu.memory_space<vmem>>, vector<16xf32>,
          tpu.vector_store %run_scoped3A_11[%parallel_loop3A_229, %parallel_loop3A_230], %parallel_loop3A_228 {strides = array<i32>} : memref<64x128xf32, #tpu.memory_space<vmem>>, vector<16xf32>,
          %parallel_loop3A_232 = arith.mulf %parallel_loop3A_227, %parallel_loop3A_197 : vector<16xf32>
          %parallel_loop3A_233 = arith.index_cast %parallel_loop3A_188 : i32 to index
          %parallel_loop3A_234 = arith.constant 80 : index
          %parallel_loop3A_235 = tpu.vector_load %run_scoped3A_11[%parallel_loop3A_233, %parallel_loop3A_234] {strides = array<i32>} : memref<64x128xf32, #tpu.memory_space<vmem>>, vector<16xf32>,
          tpu.vector_store %run_scoped3A_11[%parallel_loop3A_233, %parallel_loop3A_234], %parallel_loop3A_232 {strides = array<i32>} : memref<64x128xf32, #tpu.memory_space<vmem>>, vector<16xf32>,
          %parallel_loop3A_236 = arith.index_cast %parallel_loop3A_188 : i32 to index
          %parallel_loop3A_237 = arith.constant 32 : index
          %parallel_loop3A_238 = tpu.vector_load %run_scoped3A[%parallel_loop3A_236, %parallel_loop3A_237] {strides = array<i32>} : memref<64x64xi32, #tpu.memory_space<vmem>>, vector<16xi32>,
          %parallel_loop3A_239 = arith.constant 16 : i32
          %parallel_loop3A_240 = vector.broadcast %parallel_loop3A_239 : i32 to vector<16xi32>
          %parallel_loop3A_241 = arith.shli %parallel_loop3A_238, %parallel_loop3A_240 : vector<16xi32>
          %parallel_loop3A_242 = vector.bitcast %parallel_loop3A_241 : vector<16xi32> to vector<16xf32>
          %parallel_loop3A_243 = arith.constant -65536 : i32
          %parallel_loop3A_244 = vector.broadcast %parallel_loop3A_243 : i32 to vector<16xi32>
          %parallel_loop3A_245 = arith.andi %parallel_loop3A_238, %parallel_loop3A_244 : vector<16xi32>
          %parallel_loop3A_246 = vector.bitcast %parallel_loop3A_245 : vector<16xi32> to vector<16xf32>
          %parallel_loop3A_247 = arith.mulf %parallel_loop3A_242, %parallel_loop3A_197 : vector<16xf32>
          %parallel_loop3A_248 = arith.index_cast %parallel_loop3A_188 : i32 to index
          %parallel_loop3A_249 = arith.constant 32 : index
          %parallel_loop3A_250 = tpu.vector_load %run_scoped3A_11[%parallel_loop3A_248, %parallel_loop3A_249] {strides = array<i32>} : memref<64x128xf32, #tpu.memory_space<vmem>>, vector<16xf32>,
          tpu.vector_store %run_scoped3A_11[%parallel_loop3A_248, %parallel_loop3A_249], %parallel_loop3A_247 {strides = array<i32>} : memref<64x128xf32, #tpu.memory_space<vmem>>, vector<16xf32>,
          %parallel_loop3A_251 = arith.mulf %parallel_loop3A_246, %parallel_loop3A_197 : vector<16xf32>
          %parallel_loop3A_252 = arith.index_cast %parallel_loop3A_188 : i32 to index
          %parallel_loop3A_253 = arith.constant 96 : index
          %parallel_loop3A_254 = tpu.vector_load %run_scoped3A_11[%parallel_loop3A_252, %parallel_loop3A_253] {strides = array<i32>} : memref<64x128xf32, #tpu.memory_space<vmem>>, vector<16xf32>,
          tpu.vector_store %run_scoped3A_11[%parallel_loop3A_252, %parallel_loop3A_253], %parallel_loop3A_251 {strides = array<i32>} : memref<64x128xf32, #tpu.memory_space<vmem>>, vector<16xf32>,
          %parallel_loop3A_255 = arith.index_cast %parallel_loop3A_188 : i32 to index
          %parallel_loop3A_256 = arith.constant 48 : index
          %parallel_loop3A_257 = tpu.vector_load %run_scoped3A[%parallel_loop3A_255, %parallel_loop3A_256] {strides = array<i32>} : memref<64x64xi32, #tpu.memory_space<vmem>>, vector<16xi32>,
          %parallel_loop3A_258 = arith.constant 16 : i32
          %parallel_loop3A_259 = vector.broadcast %parallel_loop3A_258 : i32 to vector<16xi32>
          %parallel_loop3A_260 = arith.shli %parallel_loop3A_257, %parallel_loop3A_259 : vector<16xi32>
          %parallel_loop3A_261 = vector.bitcast %parallel_loop3A_260 : vector<16xi32> to vector<16xf32>
          %parallel_loop3A_262 = arith.constant -65536 : i32
          %parallel_loop3A_263 = vector.broadcast %parallel_loop3A_262 : i32 to vector<16xi32>
          %parallel_loop3A_264 = arith.andi %parallel_loop3A_257, %parallel_loop3A_263 : vector<16xi32>
          %parallel_loop3A_265 = vector.bitcast %parallel_loop3A_264 : vector<16xi32> to vector<16xf32>
          %parallel_loop3A_266 = arith.mulf %parallel_loop3A_261, %parallel_loop3A_197 : vector<16xf32>
          %parallel_loop3A_267 = arith.index_cast %parallel_loop3A_188 : i32 to index
          %parallel_loop3A_268 = arith.constant 48 : index
          %parallel_loop3A_269 = tpu.vector_load %run_scoped3A_11[%parallel_loop3A_267, %parallel_loop3A_268] {strides = array<i32>} : memref<64x128xf32, #tpu.memory_space<vmem>>, vector<16xf32>,
          tpu.vector_store %run_scoped3A_11[%parallel_loop3A_267, %parallel_loop3A_268], %parallel_loop3A_266 {strides = array<i32>} : memref<64x128xf32, #tpu.memory_space<vmem>>, vector<16xf32>,
          %parallel_loop3A_270 = arith.mulf %parallel_loop3A_265, %parallel_loop3A_197 : vector<16xf32>
          %parallel_loop3A_271 = arith.index_cast %parallel_loop3A_188 : i32 to index
          %parallel_loop3A_272 = arith.constant 112 : index
          %parallel_loop3A_273 = tpu.vector_load %run_scoped3A_11[%parallel_loop3A_271, %parallel_loop3A_272] {strides = array<i32>} : memref<64x128xf32, #tpu.memory_space<vmem>>, vector<16xf32>,
          tpu.vector_store %run_scoped3A_11[%parallel_loop3A_271, %parallel_loop3A_272], %parallel_loop3A_270 {strides = array<i32>} : memref<64x128xf32, #tpu.memory_space<vmem>>, vector<16xf32>,
          %parallel_loop3A_274 = arith.constant 0 : i32
          %parallel_loop3A_275 = vector.broadcast %parallel_loop3A_274 : i32 to vector<16xi32>
          %parallel_loop3A_276 = arith.cmpi eq, %iota3A, %parallel_loop3A_275 : vector<16xi32>
          %parallel_loop3A_277 = arith.constant 0.000000e+00 : f32
          %parallel_loop3A_278 = vector.broadcast %parallel_loop3A_277 : f32 to vector<16xf32>
          %parallel_loop3A_279 = arith.select %parallel_loop3A_276, %parallel_loop3A_197, %parallel_loop3A_278 : vector<16xi1>, vector<16xf32>
          %parallel_loop3A_280 = arith.index_cast %parallel_loop3A_188 : i32 to index
          %parallel_loop3A_281 = arith.constant 0 : index
          %parallel_loop3A_282 = tpu.vector_load %run_scoped3A_12[%parallel_loop3A_280, %parallel_loop3A_281] {strides = array<i32>} : memref<64x16xf32, #tpu.memory_space<vmem>>, vector<16xf32>,
          tpu.vector_store %run_scoped3A_12[%parallel_loop3A_280, %parallel_loop3A_281], %parallel_loop3A_279 {strides = array<i32>} : memref<64x16xf32, #tpu.memory_space<vmem>>, vector<16xf32>,
        } {sc.loop_unroll_factor = 4 : i64, sc.parallel_access}
        "tpu.region"() ({
          %run_scoped3A_188 = tpu.sem_alloc : memref<!tpu.dma_semaphore, #tpu.memory_space<semaphore_mem>>
          %dma_start3A_189 = arith.constant 0 : i32
          %dma_start3A_190 = tpu.memref_slice %arg12[%mul3A_154, %dma_start3A_189] : memref<96x64xi32, #tpu.memory_space<vmem>> -> memref<1x64xi32, #tpu.memory_space<vmem>>
          %dma_start3A_191 = tpu.memref_squeeze %dma_start3A_190 : memref<1x64xi32, #tpu.memory_space<vmem>> -> memref<64xi32, #tpu.memory_space<vmem>>
          %dma_start3A_192 = arith.constant 0 : i32
          %dma_start3A_193 = arith.constant 0 : i32
          %dma_start3A_194 = tpu.memref_slice %arg15[%dma_start3A_192, %dma_start3A_193] : memref<10240x128xf32, #tpu.memory_space<vmem_shared>> -> memref<10240x128xf32, #tpu.memory_space<vmem_shared>>
          tpu.enqueue_indirect_dma source(%run_scoped3A_11 : memref<64x128xf32, #tpu.memory_space<vmem>>) target(%dma_start3A_194 : memref<10240x128xf32, #tpu.memory_space<vmem_shared>>) offsets(%dma_start3A_191 : memref<64xi32, #tpu.memory_space<vmem>>) semaphore(%run_scoped3A_188 : memref<!tpu.dma_semaphore, #tpu.memory_space<semaphore_mem>>) {add = true}
          %dma_wait3A_195 = arith.constant 0 : i32
          %dma_wait3A_196 = tpu.memref_slice %arg12[%mul3A_154, %dma_wait3A_195] : memref<96x64xi32, #tpu.memory_space<vmem>> -> memref<1x64xi32, #tpu.memory_space<vmem>>
          %dma_wait3A_197 = tpu.memref_squeeze %dma_wait3A_196 : memref<1x64xi32, #tpu.memory_space<vmem>> -> memref<64xi32, #tpu.memory_space<vmem>>
          %dma_wait3A_198 = arith.constant 0 : i32
          %dma_wait3A_199 = arith.constant 0 : i32
          %dma_wait3A_200 = tpu.memref_slice %arg15[%dma_wait3A_198, %dma_wait3A_199] : memref<10240x128xf32, #tpu.memory_space<vmem_shared>> -> memref<10240x128xf32, #tpu.memory_space<vmem_shared>>
          tpu.wait_indirect_dma semaphore(%run_scoped3A_188 : memref<!tpu.dma_semaphore, #tpu.memory_space<semaphore_mem>>) src(%run_scoped3A_11 : memref<64x128xf32, #tpu.memory_space<vmem>>) dst(%dma_wait3A_200 : memref<10240x128xf32, #tpu.memory_space<vmem_shared>>)
          tpu.yield
        }) : () -> ()
        "tpu.region"() ({
          %run_scoped3A_188 = tpu.sem_alloc : memref<!tpu.dma_semaphore, #tpu.memory_space<semaphore_mem>>
          %dma_start3A_189 = arith.constant 0 : i32
          %dma_start3A_190 = tpu.memref_slice %arg12[%mul3A_154, %dma_start3A_189] : memref<96x64xi32, #tpu.memory_space<vmem>> -> memref<1x64xi32, #tpu.memory_space<vmem>>
          %dma_start3A_191 = tpu.memref_squeeze %dma_start3A_190 : memref<1x64xi32, #tpu.memory_space<vmem>> -> memref<64xi32, #tpu.memory_space<vmem>>
          %dma_start3A_192 = arith.constant 0 : i32
          %dma_start3A_193 = arith.constant 0 : i32
          %dma_start3A_194 = tpu.memref_slice %arg16[%dma_start3A_192, %dma_start3A_193] : memref<10240x16xf32, #tpu.memory_space<vmem_shared>> -> memref<10240x16xf32, #tpu.memory_space<vmem_shared>>
          tpu.enqueue_indirect_dma source(%run_scoped3A_12 : memref<64x16xf32, #tpu.memory_space<vmem>>) target(%dma_start3A_194 : memref<10240x16xf32, #tpu.memory_space<vmem_shared>>) offsets(%dma_start3A_191 : memref<64xi32, #tpu.memory_space<vmem>>) semaphore(%run_scoped3A_188 : memref<!tpu.dma_semaphore, #tpu.memory_space<semaphore_mem>>) {add = true}
          %dma_wait3A_195 = arith.constant 0 : i32
          %dma_wait3A_196 = tpu.memref_slice %arg12[%mul3A_154, %dma_wait3A_195] : memref<96x64xi32, #tpu.memory_space<vmem>> -> memref<1x64xi32, #tpu.memory_space<vmem>>
          %dma_wait3A_197 = tpu.memref_squeeze %dma_wait3A_196 : memref<1x64xi32, #tpu.memory_space<vmem>> -> memref<64xi32, #tpu.memory_space<vmem>>
          %dma_wait3A_198 = arith.constant 0 : i32
          %dma_wait3A_199 = arith.constant 0 : i32
          %dma_wait3A_200 = tpu.memref_slice %arg16[%dma_wait3A_198, %dma_wait3A_199] : memref<10240x16xf32, #tpu.memory_space<vmem_shared>> -> memref<10240x16xf32, #tpu.memory_space<vmem_shared>>
          tpu.wait_indirect_dma semaphore(%run_scoped3A_188 : memref<!tpu.dma_semaphore, #tpu.memory_space<semaphore_mem>>) src(%run_scoped3A_12 : memref<64x16xf32, #tpu.memory_space<vmem>>) dst(%dma_wait3A_200 : memref<10240x16xf32, #tpu.memory_space<vmem_shared>>)
          tpu.yield
        }) : () -> ()
        %add3A_171 = arith.constant 2 : i32
        %add3A_172 = arith.addi %mul3A_154, %add3A_171 : i32
        %dma_start3A_173 = arith.constant 0 : i32
        %dma_start3A_174 = tpu.memref_slice %arg11[%add3A_172, %dma_start3A_173] : memref<97x64xi32, #tpu.memory_space<vmem>> -> memref<1x64xi32, #tpu.memory_space<vmem>>
        %dma_start3A_175 = tpu.memref_squeeze %dma_start3A_174 : memref<1x64xi32, #tpu.memory_space<vmem>> -> memref<64xi32, #tpu.memory_space<vmem>>
        %dma_start3A_176 = arith.constant 0 : i32
        %dma_start3A_177 = arith.constant 0 : i32
        %dma_start3A_178 = tpu.memref_slice %arg7[%dma_start3A_176, %dma_start3A_177] : memref<10000x64xi32, #tpu.memory_space<hbm>> -> memref<10000x64xi32, #tpu.memory_space<hbm>>
        tpu.enqueue_indirect_dma source(%dma_start3A_178 : memref<10000x64xi32, #tpu.memory_space<hbm>>) target(%run_scoped3A : memref<64x64xi32, #tpu.memory_space<vmem>>) offsets(%dma_start3A_175 : memref<64xi32, #tpu.memory_space<vmem>>) semaphore(%arg17 : memref<!tpu.dma_semaphore, #tpu.memory_space<semaphore_mem>>)
        %dma_wait3A_179 = arith.constant 0 : i32
        %dma_wait3A_180 = tpu.memref_slice %arg11[%add3A_156, %dma_wait3A_179] : memref<97x64xi32, #tpu.memory_space<vmem>> -> memref<1x64xi32, #tpu.memory_space<vmem>>
        %dma_wait3A_181 = tpu.memref_squeeze %dma_wait3A_180 : memref<1x64xi32, #tpu.memory_space<vmem>> -> memref<64xi32, #tpu.memory_space<vmem>>
        %dma_wait3A_182 = arith.constant 0 : i32
        %dma_wait3A_183 = arith.constant 0 : i32
        %dma_wait3A_184 = tpu.memref_slice %arg7[%dma_wait3A_182, %dma_wait3A_183] : memref<10000x64xi32, #tpu.memory_space<hbm>> -> memref<10000x64xi32, #tpu.memory_space<hbm>>
        tpu.wait_indirect_dma semaphore(%arg18 : memref<!tpu.dma_semaphore, #tpu.memory_space<semaphore_mem>>) src(%dma_wait3A_184 : memref<10000x64xi32, #tpu.memory_space<hbm>>) dst(%run_scoped3A_10 : memref<64x64xi32, #tpu.memory_space<vmem>>)
        %parallel_loop3A_185 = arith.constant 0 : i32
        %parallel_loop3A_186 = arith.constant 64 : i32
        %parallel_loop3A_187 = arith.constant 1 : i32
        scf.for %parallel_loop3A_188 = %parallel_loop3A_185 to %parallel_loop3A_186 step %parallel_loop3A_187  : i32 {
          %parallel_loop3A_189 = arith.constant 0 : i32
          %parallel_loop3A_190 = vector.broadcast %parallel_loop3A_189 : i32 to vector<16xi32>
          %parallel_loop3A_191 = arith.muli %iota3A, %parallel_loop3A_190 : vector<16xi32>
          %parallel_loop3A_192 = arith.constant 64 : i32
          %parallel_loop3A_193 = arith.muli %add3A_156, %parallel_loop3A_192 : i32
          %parallel_loop3A_194 = arith.addi %parallel_loop3A_193, %parallel_loop3A_188 : i32
          %parallel_loop3A_195 = vector.broadcast %parallel_loop3A_194 : i32 to vector<16xi32>
          %parallel_loop3A_196 = arith.addi %parallel_loop3A_191, %parallel_loop3A_195 : vector<16xi32>
          %parallel_loop3A_197 = tpu.vector_load_idx %arg14[%parallel_loop3A_196] : memref<6144xf32, #tpu.memory_space<vmem>>[vector<16xi32>], vector<16xf32>,
          %parallel_loop3A_198 = arith.index_cast %parallel_loop3A_188 : i32 to index
          %parallel_loop3A_199 = arith.constant 0 : index
          %parallel_loop3A_200 = tpu.vector_load %run_scoped3A_10[%parallel_loop3A_198, %parallel_loop3A_199] {strides = array<i32>} : memref<64x64xi32, #tpu.memory_space<vmem>>, vector<16xi32>,
          %parallel_loop3A_201 = arith.constant 16 : i32
          %parallel_loop3A_202 = vector.broadcast %parallel_loop3A_201 : i32 to vector<16xi32>
          %parallel_loop3A_203 = arith.shli %parallel_loop3A_200, %parallel_loop3A_202 : vector<16xi32>
          %parallel_loop3A_204 = vector.bitcast %parallel_loop3A_203 : vector<16xi32> to vector<16xf32>
          %parallel_loop3A_205 = arith.constant -65536 : i32
          %parallel_loop3A_206 = vector.broadcast %parallel_loop3A_205 : i32 to vector<16xi32>
          %parallel_loop3A_207 = arith.andi %parallel_loop3A_200, %parallel_loop3A_206 : vector<16xi32>
          %parallel_loop3A_208 = vector.bitcast %parallel_loop3A_207 : vector<16xi32> to vector<16xf32>
          %parallel_loop3A_209 = arith.mulf %parallel_loop3A_204, %parallel_loop3A_197 : vector<16xf32>
          %parallel_loop3A_210 = arith.index_cast %parallel_loop3A_188 : i32 to index
          %parallel_loop3A_211 = arith.constant 0 : index
          %parallel_loop3A_212 = tpu.vector_load %run_scoped3A_11[%parallel_loop3A_210, %parallel_loop3A_211] {strides = array<i32>} : memref<64x128xf32, #tpu.memory_space<vmem>>, vector<16xf32>,
          tpu.vector_store %run_scoped3A_11[%parallel_loop3A_210, %parallel_loop3A_211], %parallel_loop3A_209 {strides = array<i32>} : memref<64x128xf32, #tpu.memory_space<vmem>>, vector<16xf32>,
          %parallel_loop3A_213 = arith.mulf %parallel_loop3A_208, %parallel_loop3A_197 : vector<16xf32>
          %parallel_loop3A_214 = arith.index_cast %parallel_loop3A_188 : i32 to index
          %parallel_loop3A_215 = arith.constant 64 : index
          %parallel_loop3A_216 = tpu.vector_load %run_scoped3A_11[%parallel_loop3A_214, %parallel_loop3A_215] {strides = array<i32>} : memref<64x128xf32, #tpu.memory_space<vmem>>, vector<16xf32>,
          tpu.vector_store %run_scoped3A_11[%parallel_loop3A_214, %parallel_loop3A_215], %parallel_loop3A_213 {strides = array<i32>} : memref<64x128xf32, #tpu.memory_space<vmem>>, vector<16xf32>,
          %parallel_loop3A_217 = arith.index_cast %parallel_loop3A_188 : i32 to index
          %parallel_loop3A_218 = arith.constant 16 : index
          %parallel_loop3A_219 = tpu.vector_load %run_scoped3A_10[%parallel_loop3A_217, %parallel_loop3A_218] {strides = array<i32>} : memref<64x64xi32, #tpu.memory_space<vmem>>, vector<16xi32>,
          %parallel_loop3A_220 = arith.constant 16 : i32
          %parallel_loop3A_221 = vector.broadcast %parallel_loop3A_220 : i32 to vector<16xi32>
          %parallel_loop3A_222 = arith.shli %parallel_loop3A_219, %parallel_loop3A_221 : vector<16xi32>
          %parallel_loop3A_223 = vector.bitcast %parallel_loop3A_222 : vector<16xi32> to vector<16xf32>
          %parallel_loop3A_224 = arith.constant -65536 : i32
          %parallel_loop3A_225 = vector.broadcast %parallel_loop3A_224 : i32 to vector<16xi32>
          %parallel_loop3A_226 = arith.andi %parallel_loop3A_219, %parallel_loop3A_225 : vector<16xi32>
          %parallel_loop3A_227 = vector.bitcast %parallel_loop3A_226 : vector<16xi32> to vector<16xf32>
          %parallel_loop3A_228 = arith.mulf %parallel_loop3A_223, %parallel_loop3A_197 : vector<16xf32>
          %parallel_loop3A_229 = arith.index_cast %parallel_loop3A_188 : i32 to index
          %parallel_loop3A_230 = arith.constant 16 : index
          %parallel_loop3A_231 = tpu.vector_load %run_scoped3A_11[%parallel_loop3A_229, %parallel_loop3A_230] {strides = array<i32>} : memref<64x128xf32, #tpu.memory_space<vmem>>, vector<16xf32>,
          tpu.vector_store %run_scoped3A_11[%parallel_loop3A_229, %parallel_loop3A_230], %parallel_loop3A_228 {strides = array<i32>} : memref<64x128xf32, #tpu.memory_space<vmem>>, vector<16xf32>,
          %parallel_loop3A_232 = arith.mulf %parallel_loop3A_227, %parallel_loop3A_197 : vector<16xf32>
          %parallel_loop3A_233 = arith.index_cast %parallel_loop3A_188 : i32 to index
          %parallel_loop3A_234 = arith.constant 80 : index
          %parallel_loop3A_235 = tpu.vector_load %run_scoped3A_11[%parallel_loop3A_233, %parallel_loop3A_234] {strides = array<i32>} : memref<64x128xf32, #tpu.memory_space<vmem>>, vector<16xf32>,
          tpu.vector_store %run_scoped3A_11[%parallel_loop3A_233, %parallel_loop3A_234], %parallel_loop3A_232 {strides = array<i32>} : memref<64x128xf32, #tpu.memory_space<vmem>>, vector<16xf32>,
          %parallel_loop3A_236 = arith.index_cast %parallel_loop3A_188 : i32 to index
          %parallel_loop3A_237 = arith.constant 32 : index
          %parallel_loop3A_238 = tpu.vector_load %run_scoped3A_10[%parallel_loop3A_236, %parallel_loop3A_237] {strides = array<i32>} : memref<64x64xi32, #tpu.memory_space<vmem>>, vector<16xi32>,
          %parallel_loop3A_239 = arith.constant 16 : i32
          %parallel_loop3A_240 = vector.broadcast %parallel_loop3A_239 : i32 to vector<16xi32>
          %parallel_loop3A_241 = arith.shli %parallel_loop3A_238, %parallel_loop3A_240 : vector<16xi32>
          %parallel_loop3A_242 = vector.bitcast %parallel_loop3A_241 : vector<16xi32> to vector<16xf32>
          %parallel_loop3A_243 = arith.constant -65536 : i32
          %parallel_loop3A_244 = vector.broadcast %parallel_loop3A_243 : i32 to vector<16xi32>
          %parallel_loop3A_245 = arith.andi %parallel_loop3A_238, %parallel_loop3A_244 : vector<16xi32>
          %parallel_loop3A_246 = vector.bitcast %parallel_loop3A_245 : vector<16xi32> to vector<16xf32>
          %parallel_loop3A_247 = arith.mulf %parallel_loop3A_242, %parallel_loop3A_197 : vector<16xf32>
          %parallel_loop3A_248 = arith.index_cast %parallel_loop3A_188 : i32 to index
          %parallel_loop3A_249 = arith.constant 32 : index
          %parallel_loop3A_250 = tpu.vector_load %run_scoped3A_11[%parallel_loop3A_248, %parallel_loop3A_249] {strides = array<i32>} : memref<64x128xf32, #tpu.memory_space<vmem>>, vector<16xf32>,
          tpu.vector_store %run_scoped3A_11[%parallel_loop3A_248, %parallel_loop3A_249], %parallel_loop3A_247 {strides = array<i32>} : memref<64x128xf32, #tpu.memory_space<vmem>>, vector<16xf32>,
          %parallel_loop3A_251 = arith.mulf %parallel_loop3A_246, %parallel_loop3A_197 : vector<16xf32>
          %parallel_loop3A_252 = arith.index_cast %parallel_loop3A_188 : i32 to index
          %parallel_loop3A_253 = arith.constant 96 : index
          %parallel_loop3A_254 = tpu.vector_load %run_scoped3A_11[%parallel_loop3A_252, %parallel_loop3A_253] {strides = array<i32>} : memref<64x128xf32, #tpu.memory_space<vmem>>, vector<16xf32>,
          tpu.vector_store %run_scoped3A_11[%parallel_loop3A_252, %parallel_loop3A_253], %parallel_loop3A_251 {strides = array<i32>} : memref<64x128xf32, #tpu.memory_space<vmem>>, vector<16xf32>,
          %parallel_loop3A_255 = arith.index_cast %parallel_loop3A_188 : i32 to index
          %parallel_loop3A_256 = arith.constant 48 : index
          %parallel_loop3A_257 = tpu.vector_load %run_scoped3A_10[%parallel_loop3A_255, %parallel_loop3A_256] {strides = array<i32>} : memref<64x64xi32, #tpu.memory_space<vmem>>, vector<16xi32>,
          %parallel_loop3A_258 = arith.constant 16 : i32
          %parallel_loop3A_259 = vector.broadcast %parallel_loop3A_258 : i32 to vector<16xi32>
          %parallel_loop3A_260 = arith.shli %parallel_loop3A_257, %parallel_loop3A_259 : vector<16xi32>
          %parallel_loop3A_261 = vector.bitcast %parallel_loop3A_260 : vector<16xi32> to vector<16xf32>
          %parallel_loop3A_262 = arith.constant -65536 : i32
          %parallel_loop3A_263 = vector.broadcast %parallel_loop3A_262 : i32 to vector<16xi32>
          %parallel_loop3A_264 = arith.andi %parallel_loop3A_257, %parallel_loop3A_263 : vector<16xi32>
          %parallel_loop3A_265 = vector.bitcast %parallel_loop3A_264 : vector<16xi32> to vector<16xf32>
          %parallel_loop3A_266 = arith.mulf %parallel_loop3A_261, %parallel_loop3A_197 : vector<16xf32>
          %parallel_loop3A_267 = arith.index_cast %parallel_loop3A_188 : i32 to index
          %parallel_loop3A_268 = arith.constant 48 : index
          %parallel_loop3A_269 = tpu.vector_load %run_scoped3A_11[%parallel_loop3A_267, %parallel_loop3A_268] {strides = array<i32>} : memref<64x128xf32, #tpu.memory_space<vmem>>, vector<16xf32>,
          tpu.vector_store %run_scoped3A_11[%parallel_loop3A_267, %parallel_loop3A_268], %parallel_loop3A_266 {strides = array<i32>} : memref<64x128xf32, #tpu.memory_space<vmem>>, vector<16xf32>,
          %parallel_loop3A_270 = arith.mulf %parallel_loop3A_265, %parallel_loop3A_197 : vector<16xf32>
          %parallel_loop3A_271 = arith.index_cast %parallel_loop3A_188 : i32 to index
          %parallel_loop3A_272 = arith.constant 112 : index
          %parallel_loop3A_273 = tpu.vector_load %run_scoped3A_11[%parallel_loop3A_271, %parallel_loop3A_272] {strides = array<i32>} : memref<64x128xf32, #tpu.memory_space<vmem>>, vector<16xf32>,
          tpu.vector_store %run_scoped3A_11[%parallel_loop3A_271, %parallel_loop3A_272], %parallel_loop3A_270 {strides = array<i32>} : memref<64x128xf32, #tpu.memory_space<vmem>>, vector<16xf32>,
          %parallel_loop3A_274 = arith.constant 0 : i32
          %parallel_loop3A_275 = vector.broadcast %parallel_loop3A_274 : i32 to vector<16xi32>
          %parallel_loop3A_276 = arith.cmpi eq, %iota3A, %parallel_loop3A_275 : vector<16xi32>
          %parallel_loop3A_277 = arith.constant 0.000000e+00 : f32
          %parallel_loop3A_278 = vector.broadcast %parallel_loop3A_277 : f32 to vector<16xf32>
          %parallel_loop3A_279 = arith.select %parallel_loop3A_276, %parallel_loop3A_197, %parallel_loop3A_278 : vector<16xi1>, vector<16xf32>
          %parallel_loop3A_280 = arith.index_cast %parallel_loop3A_188 : i32 to index
          %parallel_loop3A_281 = arith.constant 0 : index
          %parallel_loop3A_282 = tpu.vector_load %run_scoped3A_12[%parallel_loop3A_280, %parallel_loop3A_281] {strides = array<i32>} : memref<64x16xf32, #tpu.memory_space<vmem>>, vector<16xf32>,
          tpu.vector_store %run_scoped3A_12[%parallel_loop3A_280, %parallel_loop3A_281], %parallel_loop3A_279 {strides = array<i32>} : memref<64x16xf32, #tpu.memory_space<vmem>>, vector<16xf32>,
        } {sc.loop_unroll_factor = 4 : i64, sc.parallel_access}
        "tpu.region"() ({
          %run_scoped3A_188 = tpu.sem_alloc : memref<!tpu.dma_semaphore, #tpu.memory_space<semaphore_mem>>
          %dma_start3A_189 = arith.constant 0 : i32
          %dma_start3A_190 = tpu.memref_slice %arg12[%add3A_156, %dma_start3A_189] : memref<96x64xi32, #tpu.memory_space<vmem>> -> memref<1x64xi32, #tpu.memory_space<vmem>>
          %dma_start3A_191 = tpu.memref_squeeze %dma_start3A_190 : memref<1x64xi32, #tpu.memory_space<vmem>> -> memref<64xi32, #tpu.memory_space<vmem>>
          %dma_start3A_192 = arith.constant 0 : i32
          %dma_start3A_193 = arith.constant 0 : i32
          %dma_start3A_194 = tpu.memref_slice %arg15[%dma_start3A_192, %dma_start3A_193] : memref<10240x128xf32, #tpu.memory_space<vmem_shared>> -> memref<10240x128xf32, #tpu.memory_space<vmem_shared>>
          tpu.enqueue_indirect_dma source(%run_scoped3A_11 : memref<64x128xf32, #tpu.memory_space<vmem>>) target(%dma_start3A_194 : memref<10240x128xf32, #tpu.memory_space<vmem_shared>>) offsets(%dma_start3A_191 : memref<64xi32, #tpu.memory_space<vmem>>) semaphore(%run_scoped3A_188 : memref<!tpu.dma_semaphore, #tpu.memory_space<semaphore_mem>>) {add = true}
          %dma_wait3A_195 = arith.constant 0 : i32
          %dma_wait3A_196 = tpu.memref_slice %arg12[%add3A_156, %dma_wait3A_195] : memref<96x64xi32, #tpu.memory_space<vmem>> -> memref<1x64xi32, #tpu.memory_space<vmem>>
          %dma_wait3A_197 = tpu.memref_squeeze %dma_wait3A_196 : memref<1x64xi32, #tpu.memory_space<vmem>> -> memref<64xi32, #tpu.memory_space<vmem>>
          %dma_wait3A_198 = arith.constant 0 : i32
          %dma_wait3A_199 = arith.constant 0 : i32
          %dma_wait3A_200 = tpu.memref_slice %arg15[%dma_wait3A_198, %dma_wait3A_199] : memref<10240x128xf32, #tpu.memory_space<vmem_shared>> -> memref<10240x128xf32, #tpu.memory_space<vmem_shared>>
          tpu.wait_indirect_dma semaphore(%run_scoped3A_188 : memref<!tpu.dma_semaphore, #tpu.memory_space<semaphore_mem>>) src(%run_scoped3A_11 : memref<64x128xf32, #tpu.memory_space<vmem>>) dst(%dma_wait3A_200 : memref<10240x128xf32, #tpu.memory_space<vmem_shared>>)
          tpu.yield
        }) : () -> ()
        "tpu.region"() ({
          %run_scoped3A_188 = tpu.sem_alloc : memref<!tpu.dma_semaphore, #tpu.memory_space<semaphore_mem>>
          %dma_start3A_189 = arith.constant 0 : i32
          %dma_start3A_190 = tpu.memref_slice %arg12[%add3A_156, %dma_start3A_189] : memref<96x64xi32, #tpu.memory_space<vmem>> -> memref<1x64xi32, #tpu.memory_space<vmem>>
          %dma_start3A_191 = tpu.memref_squeeze %dma_start3A_190 : memref<1x64xi32, #tpu.memory_space<vmem>> -> memref<64xi32, #tpu.memory_space<vmem>>
          %dma_start3A_192 = arith.constant 0 : i32
          %dma_start3A_193 = arith.constant 0 : i32
          %dma_start3A_194 = tpu.memref_slice %arg16[%dma_start3A_192, %dma_start3A_193] : memref<10240x16xf32, #tpu.memory_space<vmem_shared>> -> memref<10240x16xf32, #tpu.memory_space<vmem_shared>>
          tpu.enqueue_indirect_dma source(%run_scoped3A_12 : memref<64x16xf32, #tpu.memory_space<vmem>>) target(%dma_start3A_194 : memref<10240x16xf32, #tpu.memory_space<vmem_shared>>) offsets(%dma_start3A_191 : memref<64xi32, #tpu.memory_space<vmem>>) semaphore(%run_scoped3A_188 : memref<!tpu.dma_semaphore, #tpu.memory_space<semaphore_mem>>) {add = true}
          %dma_wait3A_195 = arith.constant 0 : i32
          %dma_wait3A_196 = tpu.memref_slice %arg12[%add3A_156, %dma_wait3A_195] : memref<96x64xi32, #tpu.memory_space<vmem>> -> memref<1x64xi32, #tpu.memory_space<vmem>>
          %dma_wait3A_197 = tpu.memref_squeeze %dma_wait3A_196 : memref<1x64xi32, #tpu.memory_space<vmem>> -> memref<64xi32, #tpu.memory_space<vmem>>
          %dma_wait3A_198 = arith.constant 0 : i32
          %dma_wait3A_199 = arith.constant 0 : i32
          %dma_wait3A_200 = tpu.memref_slice %arg16[%dma_wait3A_198, %dma_wait3A_199] : memref<10240x16xf32, #tpu.memory_space<vmem_shared>> -> memref<10240x16xf32, #tpu.memory_space<vmem_shared>>
          tpu.wait_indirect_dma semaphore(%run_scoped3A_188 : memref<!tpu.dma_semaphore, #tpu.memory_space<semaphore_mem>>) src(%run_scoped3A_12 : memref<64x16xf32, #tpu.memory_space<vmem>>) dst(%dma_wait3A_200 : memref<10240x16xf32, #tpu.memory_space<vmem_shared>>)
          tpu.yield
        }) : () -> ()
      }
      %while3A_63 = arith.constant 1 : i32
      scf.for %while3A_150 = %while3A_61 to %while3A_57 step %while3A_63  : i32 {
        %mul3A_151 = arith.muli %while3A_150, %while3A : i32
        %add3A_152 = arith.addi %while3A_54, %mul3A_151 : i32
        %mul3A_153 = arith.constant 2 : i32
        %mul3A_154 = arith.muli %mul3A_153, %add3A_152 : i32
        %add3A_155 = arith.constant 1 : i32
        %add3A_156 = arith.addi %mul3A_154, %add3A_155 : i32
        %dma_start3A_157 = arith.constant 0 : i32
        %dma_start3A_158 = tpu.memref_slice %arg11[%add3A_156, %dma_start3A_157] : memref<97x64xi32, #tpu.memory_space<vmem>> -> memref<1x64xi32, #tpu.memory_space<vmem>>
        %dma_start3A_159 = tpu.memref_squeeze %dma_start3A_158 : memref<1x64xi32, #tpu.memory_space<vmem>> -> memref<64xi32, #tpu.memory_space<vmem>>
        %dma_start3A_160 = arith.constant 0 : i32
        %dma_start3A_161 = arith.constant 0 : i32
        %dma_start3A_162 = tpu.memref_slice %arg7[%dma_start3A_160, %dma_start3A_161] : memref<10000x64xi32, #tpu.memory_space<hbm>> -> memref<10000x64xi32, #tpu.memory_space<hbm>>
        tpu.enqueue_indirect_dma source(%dma_start3A_162 : memref<10000x64xi32, #tpu.memory_space<hbm>>) target(%run_scoped3A_10 : memref<64x64xi32, #tpu.memory_space<vmem>>) offsets(%dma_start3A_159 : memref<64xi32, #tpu.memory_space<vmem>>) semaphore(%arg18 : memref<!tpu.dma_semaphore, #tpu.memory_space<semaphore_mem>>)
        %dma_wait3A_163 = arith.constant 0 : i32
        %dma_wait3A_164 = tpu.memref_slice %arg11[%mul3A_154, %dma_wait3A_163] : memref<97x64xi32, #tpu.memory_space<vmem>> -> memref<1x64xi32, #tpu.memory_space<vmem>>
        %dma_wait3A_165 = tpu.memref_squeeze %dma_wait3A_164 : memref<1x64xi32, #tpu.memory_space<vmem>> -> memref<64xi32, #tpu.memory_space<vmem>>
        %dma_wait3A_166 = arith.constant 0 : i32
        %dma_wait3A_167 = arith.constant 0 : i32
        %dma_wait3A_168 = tpu.memref_slice %arg7[%dma_wait3A_166, %dma_wait3A_167] : memref<10000x64xi32, #tpu.memory_space<hbm>> -> memref<10000x64xi32, #tpu.memory_space<hbm>>
        tpu.wait_indirect_dma semaphore(%arg17 : memref<!tpu.dma_semaphore, #tpu.memory_space<semaphore_mem>>) src(%dma_wait3A_168 : memref<10000x64xi32, #tpu.memory_space<hbm>>) dst(%run_scoped3A : memref<64x64xi32, #tpu.memory_space<vmem>>)
        %parallel_loop3A = arith.constant 0 : i32
        %parallel_loop3A_169 = arith.constant 64 : i32
        %parallel_loop3A_170 = arith.constant 1 : i32
        scf.for %parallel_loop3A_188 = %parallel_loop3A to %parallel_loop3A_169 step %parallel_loop3A_170  : i32 {
          %parallel_loop3A_189 = arith.constant 0 : i32
          %parallel_loop3A_190 = vector.broadcast %parallel_loop3A_189 : i32 to vector<16xi32>
          %parallel_loop3A_191 = arith.muli %iota3A, %parallel_loop3A_190 : vector<16xi32>
          %parallel_loop3A_192 = arith.constant 64 : i32
          %parallel_loop3A_193 = arith.muli %mul3A_154, %parallel_loop3A_192 : i32
          %parallel_loop3A_194 = arith.addi %parallel_loop3A_193, %parallel_loop3A_188 : i32
          %parallel_loop3A_195 = vector.broadcast %parallel_loop3A_194 : i32 to vector<16xi32>
          %parallel_loop3A_196 = arith.addi %parallel_loop3A_191, %parallel_loop3A_195 : vector<16xi32>
          %parallel_loop3A_197 = tpu.vector_load_idx %arg14[%parallel_loop3A_196] : memref<6144xf32, #tpu.memory_space<vmem>>[vector<16xi32>], vector<16xf32>,
          %parallel_loop3A_198 = arith.index_cast %parallel_loop3A_188 : i32 to index
          %parallel_loop3A_199 = arith.constant 0 : index
          %parallel_loop3A_200 = tpu.vector_load %run_scoped3A[%parallel_loop3A_198, %parallel_loop3A_199] {strides = array<i32>} : memref<64x64xi32, #tpu.memory_space<vmem>>, vector<16xi32>,
          %parallel_loop3A_201 = arith.constant 16 : i32
          %parallel_loop3A_202 = vector.broadcast %parallel_loop3A_201 : i32 to vector<16xi32>
          %parallel_loop3A_203 = arith.shli %parallel_loop3A_200, %parallel_loop3A_202 : vector<16xi32>
          %parallel_loop3A_204 = vector.bitcast %parallel_loop3A_203 : vector<16xi32> to vector<16xf32>
          %parallel_loop3A_205 = arith.constant -65536 : i32
          %parallel_loop3A_206 = vector.broadcast %parallel_loop3A_205 : i32 to vector<16xi32>
          %parallel_loop3A_207 = arith.andi %parallel_loop3A_200, %parallel_loop3A_206 : vector<16xi32>
          %parallel_loop3A_208 = vector.bitcast %parallel_loop3A_207 : vector<16xi32> to vector<16xf32>
          %parallel_loop3A_209 = arith.mulf %parallel_loop3A_204, %parallel_loop3A_197 : vector<16xf32>
          %parallel_loop3A_210 = arith.index_cast %parallel_loop3A_188 : i32 to index
          %parallel_loop3A_211 = arith.constant 0 : index
          %parallel_loop3A_212 = tpu.vector_load %run_scoped3A_11[%parallel_loop3A_210, %parallel_loop3A_211] {strides = array<i32>} : memref<64x128xf32, #tpu.memory_space<vmem>>, vector<16xf32>,
          tpu.vector_store %run_scoped3A_11[%parallel_loop3A_210, %parallel_loop3A_211], %parallel_loop3A_209 {strides = array<i32>} : memref<64x128xf32, #tpu.memory_space<vmem>>, vector<16xf32>,
          %parallel_loop3A_213 = arith.mulf %parallel_loop3A_208, %parallel_loop3A_197 : vector<16xf32>
          %parallel_loop3A_214 = arith.index_cast %parallel_loop3A_188 : i32 to index
          %parallel_loop3A_215 = arith.constant 64 : index
          %parallel_loop3A_216 = tpu.vector_load %run_scoped3A_11[%parallel_loop3A_214, %parallel_loop3A_215] {strides = array<i32>} : memref<64x128xf32, #tpu.memory_space<vmem>>, vector<16xf32>,
          tpu.vector_store %run_scoped3A_11[%parallel_loop3A_214, %parallel_loop3A_215], %parallel_loop3A_213 {strides = array<i32>} : memref<64x128xf32, #tpu.memory_space<vmem>>, vector<16xf32>,
          %parallel_loop3A_217 = arith.index_cast %parallel_loop3A_188 : i32 to index
          %parallel_loop3A_218 = arith.constant 16 : index
          %parallel_loop3A_219 = tpu.vector_load %run_scoped3A[%parallel_loop3A_217, %parallel_loop3A_218] {strides = array<i32>} : memref<64x64xi32, #tpu.memory_space<vmem>>, vector<16xi32>,
          %parallel_loop3A_220 = arith.constant 16 : i32
          %parallel_loop3A_221 = vector.broadcast %parallel_loop3A_220 : i32 to vector<16xi32>
          %parallel_loop3A_222 = arith.shli %parallel_loop3A_219, %parallel_loop3A_221 : vector<16xi32>
          %parallel_loop3A_223 = vector.bitcast %parallel_loop3A_222 : vector<16xi32> to vector<16xf32>
          %parallel_loop3A_224 = arith.constant -65536 : i32
          %parallel_loop3A_225 = vector.broadcast %parallel_loop3A_224 : i32 to vector<16xi32>
          %parallel_loop3A_226 = arith.andi %parallel_loop3A_219, %parallel_loop3A_225 : vector<16xi32>
          %parallel_loop3A_227 = vector.bitcast %parallel_loop3A_226 : vector<16xi32> to vector<16xf32>
          %parallel_loop3A_228 = arith.mulf %parallel_loop3A_223, %parallel_loop3A_197 : vector<16xf32>
          %parallel_loop3A_229 = arith.index_cast %parallel_loop3A_188 : i32 to index
          %parallel_loop3A_230 = arith.constant 16 : index
          %parallel_loop3A_231 = tpu.vector_load %run_scoped3A_11[%parallel_loop3A_229, %parallel_loop3A_230] {strides = array<i32>} : memref<64x128xf32, #tpu.memory_space<vmem>>, vector<16xf32>,
          tpu.vector_store %run_scoped3A_11[%parallel_loop3A_229, %parallel_loop3A_230], %parallel_loop3A_228 {strides = array<i32>} : memref<64x128xf32, #tpu.memory_space<vmem>>, vector<16xf32>,
          %parallel_loop3A_232 = arith.mulf %parallel_loop3A_227, %parallel_loop3A_197 : vector<16xf32>
          %parallel_loop3A_233 = arith.index_cast %parallel_loop3A_188 : i32 to index
          %parallel_loop3A_234 = arith.constant 80 : index
          %parallel_loop3A_235 = tpu.vector_load %run_scoped3A_11[%parallel_loop3A_233, %parallel_loop3A_234] {strides = array<i32>} : memref<64x128xf32, #tpu.memory_space<vmem>>, vector<16xf32>,
          tpu.vector_store %run_scoped3A_11[%parallel_loop3A_233, %parallel_loop3A_234], %parallel_loop3A_232 {strides = array<i32>} : memref<64x128xf32, #tpu.memory_space<vmem>>, vector<16xf32>,
          %parallel_loop3A_236 = arith.index_cast %parallel_loop3A_188 : i32 to index
          %parallel_loop3A_237 = arith.constant 32 : index
          %parallel_loop3A_238 = tpu.vector_load %run_scoped3A[%parallel_loop3A_236, %parallel_loop3A_237] {strides = array<i32>} : memref<64x64xi32, #tpu.memory_space<vmem>>, vector<16xi32>,
          %parallel_loop3A_239 = arith.constant 16 : i32
          %parallel_loop3A_240 = vector.broadcast %parallel_loop3A_239 : i32 to vector<16xi32>
          %parallel_loop3A_241 = arith.shli %parallel_loop3A_238, %parallel_loop3A_240 : vector<16xi32>
          %parallel_loop3A_242 = vector.bitcast %parallel_loop3A_241 : vector<16xi32> to vector<16xf32>
          %parallel_loop3A_243 = arith.constant -65536 : i32
          %parallel_loop3A_244 = vector.broadcast %parallel_loop3A_243 : i32 to vector<16xi32>
          %parallel_loop3A_245 = arith.andi %parallel_loop3A_238, %parallel_loop3A_244 : vector<16xi32>
          %parallel_loop3A_246 = vector.bitcast %parallel_loop3A_245 : vector<16xi32> to vector<16xf32>
          %parallel_loop3A_247 = arith.mulf %parallel_loop3A_242, %parallel_loop3A_197 : vector<16xf32>
          %parallel_loop3A_248 = arith.index_cast %parallel_loop3A_188 : i32 to index
          %parallel_loop3A_249 = arith.constant 32 : index
          %parallel_loop3A_250 = tpu.vector_load %run_scoped3A_11[%parallel_loop3A_248, %parallel_loop3A_249] {strides = array<i32>} : memref<64x128xf32, #tpu.memory_space<vmem>>, vector<16xf32>,
          tpu.vector_store %run_scoped3A_11[%parallel_loop3A_248, %parallel_loop3A_249], %parallel_loop3A_247 {strides = array<i32>} : memref<64x128xf32, #tpu.memory_space<vmem>>, vector<16xf32>,
          %parallel_loop3A_251 = arith.mulf %parallel_loop3A_246, %parallel_loop3A_197 : vector<16xf32>
          %parallel_loop3A_252 = arith.index_cast %parallel_loop3A_188 : i32 to index
          %parallel_loop3A_253 = arith.constant 96 : index
          %parallel_loop3A_254 = tpu.vector_load %run_scoped3A_11[%parallel_loop3A_252, %parallel_loop3A_253] {strides = array<i32>} : memref<64x128xf32, #tpu.memory_space<vmem>>, vector<16xf32>,
          tpu.vector_store %run_scoped3A_11[%parallel_loop3A_252, %parallel_loop3A_253], %parallel_loop3A_251 {strides = array<i32>} : memref<64x128xf32, #tpu.memory_space<vmem>>, vector<16xf32>,
          %parallel_loop3A_255 = arith.index_cast %parallel_loop3A_188 : i32 to index
          %parallel_loop3A_256 = arith.constant 48 : index
          %parallel_loop3A_257 = tpu.vector_load %run_scoped3A[%parallel_loop3A_255, %parallel_loop3A_256] {strides = array<i32>} : memref<64x64xi32, #tpu.memory_space<vmem>>, vector<16xi32>,
          %parallel_loop3A_258 = arith.constant 16 : i32
          %parallel_loop3A_259 = vector.broadcast %parallel_loop3A_258 : i32 to vector<16xi32>
          %parallel_loop3A_260 = arith.shli %parallel_loop3A_257, %parallel_loop3A_259 : vector<16xi32>
          %parallel_loop3A_261 = vector.bitcast %parallel_loop3A_260 : vector<16xi32> to vector<16xf32>
          %parallel_loop3A_262 = arith.constant -65536 : i32
          %parallel_loop3A_263 = vector.broadcast %parallel_loop3A_262 : i32 to vector<16xi32>
          %parallel_loop3A_264 = arith.andi %parallel_loop3A_257, %parallel_loop3A_263 : vector<16xi32>
          %parallel_loop3A_265 = vector.bitcast %parallel_loop3A_264 : vector<16xi32> to vector<16xf32>
          %parallel_loop3A_266 = arith.mulf %parallel_loop3A_261, %parallel_loop3A_197 : vector<16xf32>
          %parallel_loop3A_267 = arith.index_cast %parallel_loop3A_188 : i32 to index
          %parallel_loop3A_268 = arith.constant 48 : index
          %parallel_loop3A_269 = tpu.vector_load %run_scoped3A_11[%parallel_loop3A_267, %parallel_loop3A_268] {strides = array<i32>} : memref<64x128xf32, #tpu.memory_space<vmem>>, vector<16xf32>,
          tpu.vector_store %run_scoped3A_11[%parallel_loop3A_267, %parallel_loop3A_268], %parallel_loop3A_266 {strides = array<i32>} : memref<64x128xf32, #tpu.memory_space<vmem>>, vector<16xf32>,
          %parallel_loop3A_270 = arith.mulf %parallel_loop3A_265, %parallel_loop3A_197 : vector<16xf32>
          %parallel_loop3A_271 = arith.index_cast %parallel_loop3A_188 : i32 to index
          %parallel_loop3A_272 = arith.constant 112 : index
          %parallel_loop3A_273 = tpu.vector_load %run_scoped3A_11[%parallel_loop3A_271, %parallel_loop3A_272] {strides = array<i32>} : memref<64x128xf32, #tpu.memory_space<vmem>>, vector<16xf32>,
          tpu.vector_store %run_scoped3A_11[%parallel_loop3A_271, %parallel_loop3A_272], %parallel_loop3A_270 {strides = array<i32>} : memref<64x128xf32, #tpu.memory_space<vmem>>, vector<16xf32>,
          %parallel_loop3A_274 = arith.constant 0 : i32
          %parallel_loop3A_275 = vector.broadcast %parallel_loop3A_274 : i32 to vector<16xi32>
          %parallel_loop3A_276 = arith.cmpi eq, %iota3A, %parallel_loop3A_275 : vector<16xi32>
          %parallel_loop3A_277 = arith.constant 0.000000e+00 : f32
          %parallel_loop3A_278 = vector.broadcast %parallel_loop3A_277 : f32 to vector<16xf32>
          %parallel_loop3A_279 = arith.select %parallel_loop3A_276, %parallel_loop3A_197, %parallel_loop3A_278 : vector<16xi1>, vector<16xf32>
          %parallel_loop3A_280 = arith.index_cast %parallel_loop3A_188 : i32 to index
          %parallel_loop3A_281 = arith.constant 0 : index
          %parallel_loop3A_282 = tpu.vector_load %run_scoped3A_12[%parallel_loop3A_280, %parallel_loop3A_281] {strides = array<i32>} : memref<64x16xf32, #tpu.memory_space<vmem>>, vector<16xf32>,
          tpu.vector_store %run_scoped3A_12[%parallel_loop3A_280, %parallel_loop3A_281], %parallel_loop3A_279 {strides = array<i32>} : memref<64x16xf32, #tpu.memory_space<vmem>>, vector<16xf32>,
        } {sc.loop_unroll_factor = 4 : i64, sc.parallel_access}
        "tpu.region"() ({
          %run_scoped3A_188 = tpu.sem_alloc : memref<!tpu.dma_semaphore, #tpu.memory_space<semaphore_mem>>
          %dma_start3A_189 = arith.constant 0 : i32
          %dma_start3A_190 = tpu.memref_slice %arg12[%mul3A_154, %dma_start3A_189] : memref<96x64xi32, #tpu.memory_space<vmem>> -> memref<1x64xi32, #tpu.memory_space<vmem>>
          %dma_start3A_191 = tpu.memref_squeeze %dma_start3A_190 : memref<1x64xi32, #tpu.memory_space<vmem>> -> memref<64xi32, #tpu.memory_space<vmem>>
          %dma_start3A_192 = arith.constant 0 : i32
          %dma_start3A_193 = arith.constant 0 : i32
          %dma_start3A_194 = tpu.memref_slice %arg15[%dma_start3A_192, %dma_start3A_193] : memref<10240x128xf32, #tpu.memory_space<vmem_shared>> -> memref<10240x128xf32, #tpu.memory_space<vmem_shared>>
          tpu.enqueue_indirect_dma source(%run_scoped3A_11 : memref<64x128xf32, #tpu.memory_space<vmem>>) target(%dma_start3A_194 : memref<10240x128xf32, #tpu.memory_space<vmem_shared>>) offsets(%dma_start3A_191 : memref<64xi32, #tpu.memory_space<vmem>>) semaphore(%run_scoped3A_188 : memref<!tpu.dma_semaphore, #tpu.memory_space<semaphore_mem>>) {add = true}
          %dma_wait3A_195 = arith.constant 0 : i32
          %dma_wait3A_196 = tpu.memref_slice %arg12[%mul3A_154, %dma_wait3A_195] : memref<96x64xi32, #tpu.memory_space<vmem>> -> memref<1x64xi32, #tpu.memory_space<vmem>>
          %dma_wait3A_197 = tpu.memref_squeeze %dma_wait3A_196 : memref<1x64xi32, #tpu.memory_space<vmem>> -> memref<64xi32, #tpu.memory_space<vmem>>
          %dma_wait3A_198 = arith.constant 0 : i32
          %dma_wait3A_199 = arith.constant 0 : i32
          %dma_wait3A_200 = tpu.memref_slice %arg15[%dma_wait3A_198, %dma_wait3A_199] : memref<10240x128xf32, #tpu.memory_space<vmem_shared>> -> memref<10240x128xf32, #tpu.memory_space<vmem_shared>>
          tpu.wait_indirect_dma semaphore(%run_scoped3A_188 : memref<!tpu.dma_semaphore, #tpu.memory_space<semaphore_mem>>) src(%run_scoped3A_11 : memref<64x128xf32, #tpu.memory_space<vmem>>) dst(%dma_wait3A_200 : memref<10240x128xf32, #tpu.memory_space<vmem_shared>>)
          tpu.yield
        }) : () -> ()
        "tpu.region"() ({
          %run_scoped3A_188 = tpu.sem_alloc : memref<!tpu.dma_semaphore, #tpu.memory_space<semaphore_mem>>
          %dma_start3A_189 = arith.constant 0 : i32
          %dma_start3A_190 = tpu.memref_slice %arg12[%mul3A_154, %dma_start3A_189] : memref<96x64xi32, #tpu.memory_space<vmem>> -> memref<1x64xi32, #tpu.memory_space<vmem>>
          %dma_start3A_191 = tpu.memref_squeeze %dma_start3A_190 : memref<1x64xi32, #tpu.memory_space<vmem>> -> memref<64xi32, #tpu.memory_space<vmem>>
          %dma_start3A_192 = arith.constant 0 : i32
          %dma_start3A_193 = arith.constant 0 : i32
          %dma_start3A_194 = tpu.memref_slice %arg16[%dma_start3A_192, %dma_start3A_193] : memref<10240x16xf32, #tpu.memory_space<vmem_shared>> -> memref<10240x16xf32, #tpu.memory_space<vmem_shared>>
          tpu.enqueue_indirect_dma source(%run_scoped3A_12 : memref<64x16xf32, #tpu.memory_space<vmem>>) target(%dma_start3A_194 : memref<10240x16xf32, #tpu.memory_space<vmem_shared>>) offsets(%dma_start3A_191 : memref<64xi32, #tpu.memory_space<vmem>>) semaphore(%run_scoped3A_188 : memref<!tpu.dma_semaphore, #tpu.memory_space<semaphore_mem>>) {add = true}
          %dma_wait3A_195 = arith.constant 0 : i32
          %dma_wait3A_196 = tpu.memref_slice %arg12[%mul3A_154, %dma_wait3A_195] : memref<96x64xi32, #tpu.memory_space<vmem>> -> memref<1x64xi32, #tpu.memory_space<vmem>>
          %dma_wait3A_197 = tpu.memref_squeeze %dma_wait3A_196 : memref<1x64xi32, #tpu.memory_space<vmem>> -> memref<64xi32, #tpu.memory_space<vmem>>
          %dma_wait3A_198 = arith.constant 0 : i32
          %dma_wait3A_199 = arith.constant 0 : i32
          %dma_wait3A_200 = tpu.memref_slice %arg16[%dma_wait3A_198, %dma_wait3A_199] : memref<10240x16xf32, #tpu.memory_space<vmem_shared>> -> memref<10240x16xf32, #tpu.memory_space<vmem_shared>>
          tpu.wait_indirect_dma semaphore(%run_scoped3A_188 : memref<!tpu.dma_semaphore, #tpu.memory_space<semaphore_mem>>) src(%run_scoped3A_12 : memref<64x16xf32, #tpu.memory_space<vmem>>) dst(%dma_wait3A_200 : memref<10240x16xf32, #tpu.memory_space<vmem_shared>>)
          tpu.yield
        }) : () -> ()
        %add3A_171 = arith.constant 2 : i32
        %add3A_172 = arith.addi %mul3A_154, %add3A_171 : i32
        %dma_start3A_173 = arith.constant 0 : i32
        %dma_start3A_174 = tpu.memref_slice %arg11[%add3A_172, %dma_start3A_173] : memref<97x64xi32, #tpu.memory_space<vmem>> -> memref<1x64xi32, #tpu.memory_space<vmem>>
        %dma_start3A_175 = tpu.memref_squeeze %dma_start3A_174 : memref<1x64xi32, #tpu.memory_space<vmem>> -> memref<64xi32, #tpu.memory_space<vmem>>
        %dma_start3A_176 = arith.constant 0 : i32
        %dma_start3A_177 = arith.constant 0 : i32
        %dma_start3A_178 = tpu.memref_slice %arg7[%dma_start3A_176, %dma_start3A_177] : memref<10000x64xi32, #tpu.memory_space<hbm>> -> memref<10000x64xi32, #tpu.memory_space<hbm>>
        tpu.enqueue_indirect_dma source(%dma_start3A_178 : memref<10000x64xi32, #tpu.memory_space<hbm>>) target(%run_scoped3A : memref<64x64xi32, #tpu.memory_space<vmem>>) offsets(%dma_start3A_175 : memref<64xi32, #tpu.memory_space<vmem>>) semaphore(%arg17 : memref<!tpu.dma_semaphore, #tpu.memory_space<semaphore_mem>>)
        %dma_wait3A_179 = arith.constant 0 : i32
        %dma_wait3A_180 = tpu.memref_slice %arg11[%add3A_156, %dma_wait3A_179] : memref<97x64xi32, #tpu.memory_space<vmem>> -> memref<1x64xi32, #tpu.memory_space<vmem>>
        %dma_wait3A_181 = tpu.memref_squeeze %dma_wait3A_180 : memref<1x64xi32, #tpu.memory_space<vmem>> -> memref<64xi32, #tpu.memory_space<vmem>>
        %dma_wait3A_182 = arith.constant 0 : i32
        %dma_wait3A_183 = arith.constant 0 : i32
        %dma_wait3A_184 = tpu.memref_slice %arg7[%dma_wait3A_182, %dma_wait3A_183] : memref<10000x64xi32, #tpu.memory_space<hbm>> -> memref<10000x64xi32, #tpu.memory_space<hbm>>
        tpu.wait_indirect_dma semaphore(%arg18 : memref<!tpu.dma_semaphore, #tpu.memory_space<semaphore_mem>>) src(%dma_wait3A_184 : memref<10000x64xi32, #tpu.memory_space<hbm>>) dst(%run_scoped3A_10 : memref<64x64xi32, #tpu.memory_space<vmem>>)
        %parallel_loop3A_185 = arith.constant 0 : i32
        %parallel_loop3A_186 = arith.constant 64 : i32
        %parallel_loop3A_187 = arith.constant 1 : i32
        scf.for %parallel_loop3A_188 = %parallel_loop3A_185 to %parallel_loop3A_186 step %parallel_loop3A_187  : i32 {
          %parallel_loop3A_189 = arith.constant 0 : i32
          %parallel_loop3A_190 = vector.broadcast %parallel_loop3A_189 : i32 to vector<16xi32>
          %parallel_loop3A_191 = arith.muli %iota3A, %parallel_loop3A_190 : vector<16xi32>
          %parallel_loop3A_192 = arith.constant 64 : i32
          %parallel_loop3A_193 = arith.muli %add3A_156, %parallel_loop3A_192 : i32
          %parallel_loop3A_194 = arith.addi %parallel_loop3A_193, %parallel_loop3A_188 : i32
          %parallel_loop3A_195 = vector.broadcast %parallel_loop3A_194 : i32 to vector<16xi32>
          %parallel_loop3A_196 = arith.addi %parallel_loop3A_191, %parallel_loop3A_195 : vector<16xi32>
          %parallel_loop3A_197 = tpu.vector_load_idx %arg14[%parallel_loop3A_196] : memref<6144xf32, #tpu.memory_space<vmem>>[vector<16xi32>], vector<16xf32>,
          %parallel_loop3A_198 = arith.index_cast %parallel_loop3A_188 : i32 to index
          %parallel_loop3A_199 = arith.constant 0 : index
          %parallel_loop3A_200 = tpu.vector_load %run_scoped3A_10[%parallel_loop3A_198, %parallel_loop3A_199] {strides = array<i32>} : memref<64x64xi32, #tpu.memory_space<vmem>>, vector<16xi32>,
          %parallel_loop3A_201 = arith.constant 16 : i32
          %parallel_loop3A_202 = vector.broadcast %parallel_loop3A_201 : i32 to vector<16xi32>
          %parallel_loop3A_203 = arith.shli %parallel_loop3A_200, %parallel_loop3A_202 : vector<16xi32>
          %parallel_loop3A_204 = vector.bitcast %parallel_loop3A_203 : vector<16xi32> to vector<16xf32>
          %parallel_loop3A_205 = arith.constant -65536 : i32
          %parallel_loop3A_206 = vector.broadcast %parallel_loop3A_205 : i32 to vector<16xi32>
          %parallel_loop3A_207 = arith.andi %parallel_loop3A_200, %parallel_loop3A_206 : vector<16xi32>
          %parallel_loop3A_208 = vector.bitcast %parallel_loop3A_207 : vector<16xi32> to vector<16xf32>
          %parallel_loop3A_209 = arith.mulf %parallel_loop3A_204, %parallel_loop3A_197 : vector<16xf32>
          %parallel_loop3A_210 = arith.index_cast %parallel_loop3A_188 : i32 to index
          %parallel_loop3A_211 = arith.constant 0 : index
          %parallel_loop3A_212 = tpu.vector_load %run_scoped3A_11[%parallel_loop3A_210, %parallel_loop3A_211] {strides = array<i32>} : memref<64x128xf32, #tpu.memory_space<vmem>>, vector<16xf32>,
          tpu.vector_store %run_scoped3A_11[%parallel_loop3A_210, %parallel_loop3A_211], %parallel_loop3A_209 {strides = array<i32>} : memref<64x128xf32, #tpu.memory_space<vmem>>, vector<16xf32>,
          %parallel_loop3A_213 = arith.mulf %parallel_loop3A_208, %parallel_loop3A_197 : vector<16xf32>
          %parallel_loop3A_214 = arith.index_cast %parallel_loop3A_188 : i32 to index
          %parallel_loop3A_215 = arith.constant 64 : index
          %parallel_loop3A_216 = tpu.vector_load %run_scoped3A_11[%parallel_loop3A_214, %parallel_loop3A_215] {strides = array<i32>} : memref<64x128xf32, #tpu.memory_space<vmem>>, vector<16xf32>,
          tpu.vector_store %run_scoped3A_11[%parallel_loop3A_214, %parallel_loop3A_215], %parallel_loop3A_213 {strides = array<i32>} : memref<64x128xf32, #tpu.memory_space<vmem>>, vector<16xf32>,
          %parallel_loop3A_217 = arith.index_cast %parallel_loop3A_188 : i32 to index
          %parallel_loop3A_218 = arith.constant 16 : index
          %parallel_loop3A_219 = tpu.vector_load %run_scoped3A_10[%parallel_loop3A_217, %parallel_loop3A_218] {strides = array<i32>} : memref<64x64xi32, #tpu.memory_space<vmem>>, vector<16xi32>,
          %parallel_loop3A_220 = arith.constant 16 : i32
          %parallel_loop3A_221 = vector.broadcast %parallel_loop3A_220 : i32 to vector<16xi32>
          %parallel_loop3A_222 = arith.shli %parallel_loop3A_219, %parallel_loop3A_221 : vector<16xi32>
          %parallel_loop3A_223 = vector.bitcast %parallel_loop3A_222 : vector<16xi32> to vector<16xf32>
          %parallel_loop3A_224 = arith.constant -65536 : i32
          %parallel_loop3A_225 = vector.broadcast %parallel_loop3A_224 : i32 to vector<16xi32>
          %parallel_loop3A_226 = arith.andi %parallel_loop3A_219, %parallel_loop3A_225 : vector<16xi32>
          %parallel_loop3A_227 = vector.bitcast %parallel_loop3A_226 : vector<16xi32> to vector<16xf32>
          %parallel_loop3A_228 = arith.mulf %parallel_loop3A_223, %parallel_loop3A_197 : vector<16xf32>
          %parallel_loop3A_229 = arith.index_cast %parallel_loop3A_188 : i32 to index
          %parallel_loop3A_230 = arith.constant 16 : index
          %parallel_loop3A_231 = tpu.vector_load %run_scoped3A_11[%parallel_loop3A_229, %parallel_loop3A_230] {strides = array<i32>} : memref<64x128xf32, #tpu.memory_space<vmem>>, vector<16xf32>,
          tpu.vector_store %run_scoped3A_11[%parallel_loop3A_229, %parallel_loop3A_230], %parallel_loop3A_228 {strides = array<i32>} : memref<64x128xf32, #tpu.memory_space<vmem>>, vector<16xf32>,
          %parallel_loop3A_232 = arith.mulf %parallel_loop3A_227, %parallel_loop3A_197 : vector<16xf32>
          %parallel_loop3A_233 = arith.index_cast %parallel_loop3A_188 : i32 to index
          %parallel_loop3A_234 = arith.constant 80 : index
          %parallel_loop3A_235 = tpu.vector_load %run_scoped3A_11[%parallel_loop3A_233, %parallel_loop3A_234] {strides = array<i32>} : memref<64x128xf32, #tpu.memory_space<vmem>>, vector<16xf32>,
          tpu.vector_store %run_scoped3A_11[%parallel_loop3A_233, %parallel_loop3A_234], %parallel_loop3A_232 {strides = array<i32>} : memref<64x128xf32, #tpu.memory_space<vmem>>, vector<16xf32>,
          %parallel_loop3A_236 = arith.index_cast %parallel_loop3A_188 : i32 to index
          %parallel_loop3A_237 = arith.constant 32 : index
          %parallel_loop3A_238 = tpu.vector_load %run_scoped3A_10[%parallel_loop3A_236, %parallel_loop3A_237] {strides = array<i32>} : memref<64x64xi32, #tpu.memory_space<vmem>>, vector<16xi32>,
          %parallel_loop3A_239 = arith.constant 16 : i32
          %parallel_loop3A_240 = vector.broadcast %parallel_loop3A_239 : i32 to vector<16xi32>
          %parallel_loop3A_241 = arith.shli %parallel_loop3A_238, %parallel_loop3A_240 : vector<16xi32>
          %parallel_loop3A_242 = vector.bitcast %parallel_loop3A_241 : vector<16xi32> to vector<16xf32>
          %parallel_loop3A_243 = arith.constant -65536 : i32
          %parallel_loop3A_244 = vector.broadcast %parallel_loop3A_243 : i32 to vector<16xi32>
          %parallel_loop3A_245 = arith.andi %parallel_loop3A_238, %parallel_loop3A_244 : vector<16xi32>
          %parallel_loop3A_246 = vector.bitcast %parallel_loop3A_245 : vector<16xi32> to vector<16xf32>
          %parallel_loop3A_247 = arith.mulf %parallel_loop3A_242, %parallel_loop3A_197 : vector<16xf32>
          %parallel_loop3A_248 = arith.index_cast %parallel_loop3A_188 : i32 to index
          %parallel_loop3A_249 = arith.constant 32 : index
          %parallel_loop3A_250 = tpu.vector_load %run_scoped3A_11[%parallel_loop3A_248, %parallel_loop3A_249] {strides = array<i32>} : memref<64x128xf32, #tpu.memory_space<vmem>>, vector<16xf32>,
          tpu.vector_store %run_scoped3A_11[%parallel_loop3A_248, %parallel_loop3A_249], %parallel_loop3A_247 {strides = array<i32>} : memref<64x128xf32, #tpu.memory_space<vmem>>, vector<16xf32>,
          %parallel_loop3A_251 = arith.mulf %parallel_loop3A_246, %parallel_loop3A_197 : vector<16xf32>
          %parallel_loop3A_252 = arith.index_cast %parallel_loop3A_188 : i32 to index
          %parallel_loop3A_253 = arith.constant 96 : index
          %parallel_loop3A_254 = tpu.vector_load %run_scoped3A_11[%parallel_loop3A_252, %parallel_loop3A_253] {strides = array<i32>} : memref<64x128xf32, #tpu.memory_space<vmem>>, vector<16xf32>,
          tpu.vector_store %run_scoped3A_11[%parallel_loop3A_252, %parallel_loop3A_253], %parallel_loop3A_251 {strides = array<i32>} : memref<64x128xf32, #tpu.memory_space<vmem>>, vector<16xf32>,
          %parallel_loop3A_255 = arith.index_cast %parallel_loop3A_188 : i32 to index
          %parallel_loop3A_256 = arith.constant 48 : index
          %parallel_loop3A_257 = tpu.vector_load %run_scoped3A_10[%parallel_loop3A_255, %parallel_loop3A_256] {strides = array<i32>} : memref<64x64xi32, #tpu.memory_space<vmem>>, vector<16xi32>,
          %parallel_loop3A_258 = arith.constant 16 : i32
          %parallel_loop3A_259 = vector.broadcast %parallel_loop3A_258 : i32 to vector<16xi32>
          %parallel_loop3A_260 = arith.shli %parallel_loop3A_257, %parallel_loop3A_259 : vector<16xi32>
          %parallel_loop3A_261 = vector.bitcast %parallel_loop3A_260 : vector<16xi32> to vector<16xf32>
          %parallel_loop3A_262 = arith.constant -65536 : i32
          %parallel_loop3A_263 = vector.broadcast %parallel_loop3A_262 : i32 to vector<16xi32>
          %parallel_loop3A_264 = arith.andi %parallel_loop3A_257, %parallel_loop3A_263 : vector<16xi32>
          %parallel_loop3A_265 = vector.bitcast %parallel_loop3A_264 : vector<16xi32> to vector<16xf32>
          %parallel_loop3A_266 = arith.mulf %parallel_loop3A_261, %parallel_loop3A_197 : vector<16xf32>
          %parallel_loop3A_267 = arith.index_cast %parallel_loop3A_188 : i32 to index
          %parallel_loop3A_268 = arith.constant 48 : index
          %parallel_loop3A_269 = tpu.vector_load %run_scoped3A_11[%parallel_loop3A_267, %parallel_loop3A_268] {strides = array<i32>} : memref<64x128xf32, #tpu.memory_space<vmem>>, vector<16xf32>,
          tpu.vector_store %run_scoped3A_11[%parallel_loop3A_267, %parallel_loop3A_268], %parallel_loop3A_266 {strides = array<i32>} : memref<64x128xf32, #tpu.memory_space<vmem>>, vector<16xf32>,
          %parallel_loop3A_270 = arith.mulf %parallel_loop3A_265, %parallel_loop3A_197 : vector<16xf32>
          %parallel_loop3A_271 = arith.index_cast %parallel_loop3A_188 : i32 to index
          %parallel_loop3A_272 = arith.constant 112 : index
          %parallel_loop3A_273 = tpu.vector_load %run_scoped3A_11[%parallel_loop3A_271, %parallel_loop3A_272] {strides = array<i32>} : memref<64x128xf32, #tpu.memory_space<vmem>>, vector<16xf32>,
          tpu.vector_store %run_scoped3A_11[%parallel_loop3A_271, %parallel_loop3A_272], %parallel_loop3A_270 {strides = array<i32>} : memref<64x128xf32, #tpu.memory_space<vmem>>, vector<16xf32>,
          %parallel_loop3A_274 = arith.constant 0 : i32
          %parallel_loop3A_275 = vector.broadcast %parallel_loop3A_274 : i32 to vector<16xi32>
          %parallel_loop3A_276 = arith.cmpi eq, %iota3A, %parallel_loop3A_275 : vector<16xi32>
          %parallel_loop3A_277 = arith.constant 0.000000e+00 : f32
          %parallel_loop3A_278 = vector.broadcast %parallel_loop3A_277 : f32 to vector<16xf32>
          %parallel_loop3A_279 = arith.select %parallel_loop3A_276, %parallel_loop3A_197, %parallel_loop3A_278 : vector<16xi1>, vector<16xf32>
          %parallel_loop3A_280 = arith.index_cast %parallel_loop3A_188 : i32 to index
          %parallel_loop3A_281 = arith.constant 0 : index
          %parallel_loop3A_282 = tpu.vector_load %run_scoped3A_12[%parallel_loop3A_280, %parallel_loop3A_281] {strides = array<i32>} : memref<64x16xf32, #tpu.memory_space<vmem>>, vector<16xf32>,
          tpu.vector_store %run_scoped3A_12[%parallel_loop3A_280, %parallel_loop3A_281], %parallel_loop3A_279 {strides = array<i32>} : memref<64x16xf32, #tpu.memory_space<vmem>>, vector<16xf32>,
        } {sc.loop_unroll_factor = 4 : i64, sc.parallel_access}
        "tpu.region"() ({
          %run_scoped3A_188 = tpu.sem_alloc : memref<!tpu.dma_semaphore, #tpu.memory_space<semaphore_mem>>
          %dma_start3A_189 = arith.constant 0 : i32
          %dma_start3A_190 = tpu.memref_slice %arg12[%add3A_156, %dma_start3A_189] : memref<96x64xi32, #tpu.memory_space<vmem>> -> memref<1x64xi32, #tpu.memory_space<vmem>>
          %dma_start3A_191 = tpu.memref_squeeze %dma_start3A_190 : memref<1x64xi32, #tpu.memory_space<vmem>> -> memref<64xi32, #tpu.memory_space<vmem>>
          %dma_start3A_192 = arith.constant 0 : i32
          %dma_start3A_193 = arith.constant 0 : i32
          %dma_start3A_194 = tpu.memref_slice %arg15[%dma_start3A_192, %dma_start3A_193] : memref<10240x128xf32, #tpu.memory_space<vmem_shared>> -> memref<10240x128xf32, #tpu.memory_space<vmem_shared>>
          tpu.enqueue_indirect_dma source(%run_scoped3A_11 : memref<64x128xf32, #tpu.memory_space<vmem>>) target(%dma_start3A_194 : memref<10240x128xf32, #tpu.memory_space<vmem_shared>>) offsets(%dma_start3A_191 : memref<64xi32, #tpu.memory_space<vmem>>) semaphore(%run_scoped3A_188 : memref<!tpu.dma_semaphore, #tpu.memory_space<semaphore_mem>>) {add = true}
          %dma_wait3A_195 = arith.constant 0 : i32
          %dma_wait3A_196 = tpu.memref_slice %arg12[%add3A_156, %dma_wait3A_195] : memref<96x64xi32, #tpu.memory_space<vmem>> -> memref<1x64xi32, #tpu.memory_space<vmem>>
          %dma_wait3A_197 = tpu.memref_squeeze %dma_wait3A_196 : memref<1x64xi32, #tpu.memory_space<vmem>> -> memref<64xi32, #tpu.memory_space<vmem>>
          %dma_wait3A_198 = arith.constant 0 : i32
          %dma_wait3A_199 = arith.constant 0 : i32
          %dma_wait3A_200 = tpu.memref_slice %arg15[%dma_wait3A_198, %dma_wait3A_199] : memref<10240x128xf32, #tpu.memory_space<vmem_shared>> -> memref<10240x128xf32, #tpu.memory_space<vmem_shared>>
          tpu.wait_indirect_dma semaphore(%run_scoped3A_188 : memref<!tpu.dma_semaphore, #tpu.memory_space<semaphore_mem>>) src(%run_scoped3A_11 : memref<64x128xf32, #tpu.memory_space<vmem>>) dst(%dma_wait3A_200 : memref<10240x128xf32, #tpu.memory_space<vmem_shared>>)
          tpu.yield
        }) : () -> ()
        "tpu.region"() ({
          %run_scoped3A_188 = tpu.sem_alloc : memref<!tpu.dma_semaphore, #tpu.memory_space<semaphore_mem>>
          %dma_start3A_189 = arith.constant 0 : i32
          %dma_start3A_190 = tpu.memref_slice %arg12[%add3A_156, %dma_start3A_189] : memref<96x64xi32, #tpu.memory_space<vmem>> -> memref<1x64xi32, #tpu.memory_space<vmem>>
          %dma_start3A_191 = tpu.memref_squeeze %dma_start3A_190 : memref<1x64xi32, #tpu.memory_space<vmem>> -> memref<64xi32, #tpu.memory_space<vmem>>
          %dma_start3A_192 = arith.constant 0 : i32
          %dma_start3A_193 = arith.constant 0 : i32
          %dma_start3A_194 = tpu.memref_slice %arg16[%dma_start3A_192, %dma_start3A_193] : memref<10240x16xf32, #tpu.memory_space<vmem_shared>> -> memref<10240x16xf32, #tpu.memory_space<vmem_shared>>
          tpu.enqueue_indirect_dma source(%run_scoped3A_12 : memref<64x16xf32, #tpu.memory_space<vmem>>) target(%dma_start3A_194 : memref<10240x16xf32, #tpu.memory_space<vmem_shared>>) offsets(%dma_start3A_191 : memref<64xi32, #tpu.memory_space<vmem>>) semaphore(%run_scoped3A_188 : memref<!tpu.dma_semaphore, #tpu.memory_space<semaphore_mem>>) {add = true}
          %dma_wait3A_195 = arith.constant 0 : i32
          %dma_wait3A_196 = tpu.memref_slice %arg12[%add3A_156, %dma_wait3A_195] : memref<96x64xi32, #tpu.memory_space<vmem>> -> memref<1x64xi32, #tpu.memory_space<vmem>>
          %dma_wait3A_197 = tpu.memref_squeeze %dma_wait3A_196 : memref<1x64xi32, #tpu.memory_space<vmem>> -> memref<64xi32, #tpu.memory_space<vmem>>
          %dma_wait3A_198 = arith.constant 0 : i32
          %dma_wait3A_199 = arith.constant 0 : i32
          %dma_wait3A_200 = tpu.memref_slice %arg16[%dma_wait3A_198, %dma_wait3A_199] : memref<10240x16xf32, #tpu.memory_space<vmem_shared>> -> memref<10240x16xf32, #tpu.memory_space<vmem_shared>>
          tpu.wait_indirect_dma semaphore(%run_scoped3A_188 : memref<!tpu.dma_semaphore, #tpu.memory_space<semaphore_mem>>) src(%run_scoped3A_12 : memref<64x16xf32, #tpu.memory_space<vmem>>) dst(%dma_wait3A_200 : memref<10240x16xf32, #tpu.memory_space<vmem_shared>>)
          tpu.yield
        }) : () -> ()
      }
      %dma_wait3A = arith.constant 0 : i32
      %dma_wait3A_64 = tpu.memref_slice %arg11[%select_n3A, %dma_wait3A] : memref<97x64xi32, #tpu.memory_space<vmem>> -> memref<1x64xi32, #tpu.memory_space<vmem>>
      %dma_wait3A_65 = tpu.memref_squeeze %dma_wait3A_64 : memref<1x64xi32, #tpu.memory_space<vmem>> -> memref<64xi32, #tpu.memory_space<vmem>>
      %dma_wait3A_66 = arith.constant 0 : i32
      %dma_wait3A_67 = arith.constant 0 : i32
      %dma_wait3A_68 = tpu.memref_slice %arg7[%dma_wait3A_66, %dma_wait3A_67] : memref<10000x64xi32, #tpu.memory_space<hbm>> -> memref<10000x64xi32, #tpu.memory_space<hbm>>
      tpu.wait_indirect_dma semaphore(%arg17 : memref<!tpu.dma_semaphore, #tpu.memory_space<semaphore_mem>>) src(%dma_wait3A_68 : memref<10000x64xi32, #tpu.memory_space<hbm>>) dst(%run_scoped3A : memref<64x64xi32, #tpu.memory_space<vmem>>)
      %barrier3A_69 = arith.constant 0 : index
      tpu.barrier barrier_id(%barrier3A_69)
      %scan3A_70 = arith.constant 0 : i32
      %scan3A_71 = arith.constant 10 : i32
      %scan3A_72 = arith.addi %scan3A_70, %scan3A_71 : i32
      %scan3A_73 = arith.constant 1 : i32
      scf.for %scan3A_150 = %scan3A_70 to %scan3A_72 step %scan3A_73  : i32 {
        %mul3A_151 = arith.constant 1 : i32
        %mul3A_152 = arith.muli %scan3A_150, %mul3A_151 : i32
        %add3A_153 = arith.constant 0 : i32
        %add3A_154 = arith.addi %add3A_153, %mul3A_152 : i32
        %mul3A_155 = arith.constant 640 : i32
        %mul3A_156 = arith.muli %arg1, %mul3A_155 : i32
        %mul3A_157 = arith.constant 64 : i32
        %mul3A_158 = arith.muli %add3A_154, %mul3A_157 : i32
        %add3A_159 = arith.addi %mul3A_156, %mul3A_158 : i32
        %run_scoped3A_160 = arith.constant 0 : i32
        "tpu.region"() ({
          %run_scoped3A_161 = tpu.sem_alloc : memref<!tpu.dma_semaphore, #tpu.memory_space<semaphore_mem>>
          %dma_start3A_162 = arith.constant 0 : i32
          %dma_start3A_163 = tpu.memref_slice %arg9[%arg0, %run_scoped3A_160, %add3A_159, %dma_start3A_162] : memref<2x2x10240x128xf32, #tpu.memory_space<hbm>> -> memref<1x1x64x128xf32, #tpu.memory_space<hbm>>
          %dma_start3A_164 = tpu.memref_squeeze %dma_start3A_163 : memref<1x1x64x128xf32, #tpu.memory_space<hbm>> -> memref<64x128xf32, #tpu.memory_space<hbm>>
          %dma_start3A_165 = arith.constant 0 : i32
          %dma_start3A_166 = tpu.memref_slice %arg15[%add3A_159, %dma_start3A_165] : memref<10240x128xf32, #tpu.memory_space<vmem_shared>> -> memref<64x128xf32, #tpu.memory_space<vmem_shared>>
          tpu.enqueue_dma source(%dma_start3A_166 : memref<64x128xf32, #tpu.memory_space<vmem_shared>>) target(%dma_start3A_164 : memref<64x128xf32, #tpu.memory_space<hbm>>) target_semaphore(%run_scoped3A_161 : memref<!tpu.dma_semaphore, #tpu.memory_space<semaphore_mem>>)
          %dma_wait3A_167 = arith.constant 0 : i32
          %dma_wait3A_168 = tpu.memref_slice %arg9[%arg0, %run_scoped3A_160, %add3A_159, %dma_wait3A_167] : memref<2x2x10240x128xf32, #tpu.memory_space<hbm>> -> memref<1x1x64x128xf32, #tpu.memory_space<hbm>>
          %dma_wait3A_169 = tpu.memref_squeeze %dma_wait3A_168 : memref<1x1x64x128xf32, #tpu.memory_space<hbm>> -> memref<64x128xf32, #tpu.memory_space<hbm>>
          %dma_wait3A_170 = arith.constant 0 : i32
          %dma_wait3A_171 = tpu.memref_slice %arg15[%add3A_159, %dma_wait3A_170] : memref<10240x128xf32, #tpu.memory_space<vmem_shared>> -> memref<64x128xf32, #tpu.memory_space<vmem_shared>>
          tpu.wait_dma2 semaphore(%run_scoped3A_161 : memref<!tpu.dma_semaphore, #tpu.memory_space<semaphore_mem>>) src(%dma_wait3A_171 : memref<64x128xf32, #tpu.memory_space<vmem_shared>>) dst(%dma_wait3A_169 : memref<64x128xf32, #tpu.memory_space<hbm>>)
          tpu.yield
        }) : () -> ()
        "tpu.region"() ({
          %run_scoped3A_161 = tpu.sem_alloc : memref<!tpu.dma_semaphore, #tpu.memory_space<semaphore_mem>>
          %dma_start3A_162 = arith.constant 0 : i32
          %dma_start3A_163 = tpu.memref_slice %arg10[%arg0, %add3A_159, %dma_start3A_162] : memref<2x10240x16xf32, #tpu.memory_space<hbm>> -> memref<1x64x16xf32, #tpu.memory_space<hbm>>
          %dma_start3A_164 = tpu.memref_squeeze %dma_start3A_163 : memref<1x64x16xf32, #tpu.memory_space<hbm>> -> memref<64x16xf32, #tpu.memory_space<hbm>>
          %dma_start3A_165 = arith.constant 0 : i32
          %dma_start3A_166 = tpu.memref_slice %arg16[%add3A_159, %dma_start3A_165] : memref<10240x16xf32, #tpu.memory_space<vmem_shared>> -> memref<64x16xf32, #tpu.memory_space<vmem_shared>>
          tpu.enqueue_dma source(%dma_start3A_166 : memref<64x16xf32, #tpu.memory_space<vmem_shared>>) target(%dma_start3A_164 : memref<64x16xf32, #tpu.memory_space<hbm>>) target_semaphore(%run_scoped3A_161 : memref<!tpu.dma_semaphore, #tpu.memory_space<semaphore_mem>>)
          %dma_wait3A_167 = arith.constant 0 : i32
          %dma_wait3A_168 = tpu.memref_slice %arg10[%arg0, %add3A_159, %dma_wait3A_167] : memref<2x10240x16xf32, #tpu.memory_space<hbm>> -> memref<1x64x16xf32, #tpu.memory_space<hbm>>
          %dma_wait3A_169 = tpu.memref_squeeze %dma_wait3A_168 : memref<1x64x16xf32, #tpu.memory_space<hbm>> -> memref<64x16xf32, #tpu.memory_space<hbm>>
          %dma_wait3A_170 = arith.constant 0 : i32
          %dma_wait3A_171 = tpu.memref_slice %arg16[%add3A_159, %dma_wait3A_170] : memref<10240x16xf32, #tpu.memory_space<vmem_shared>> -> memref<64x16xf32, #tpu.memory_space<vmem_shared>>
          tpu.wait_dma2 semaphore(%run_scoped3A_161 : memref<!tpu.dma_semaphore, #tpu.memory_space<semaphore_mem>>) src(%dma_wait3A_171 : memref<64x16xf32, #tpu.memory_space<vmem_shared>>) dst(%dma_wait3A_169 : memref<64x16xf32, #tpu.memory_space<hbm>>)
          tpu.yield
        }) : () -> ()
      }
      %scan3A_74 = arith.constant 10 : i32
      %barrier3A_75 = arith.constant 0 : index
      tpu.barrier barrier_id(%barrier3A_75)
      %scan3A_76 = arith.constant 0 : i32
      %scan3A_77 = arith.constant 64 : i32
      %scan3A_78 = arith.addi %scan3A_76, %scan3A_77 : i32
      %scan3A_79 = arith.constant 1 : i32
      scf.for %scan3A_150 = %scan3A_76 to %scan3A_78 step %scan3A_79  : i32 {
        %mul3A_151 = arith.constant 1 : i32
        %mul3A_152 = arith.muli %scan3A_150, %mul3A_151 : i32
        %add3A_153 = arith.constant 0 : i32
        %add3A_154 = arith.addi %add3A_153, %mul3A_152 : i32
        %broadcast_in_dim3A = arith.constant 0.000000e+00 : f32
        %broadcast_in_dim3A_155 = vector.broadcast %broadcast_in_dim3A : f32 to vector<16xf32>
        %swap3A = arith.index_cast %add3A_154 : i32 to index
        %swap3A_156 = arith.constant 0 : index
        %swap3A_157 = tpu.vector_load %run_scoped3A_11[%swap3A, %swap3A_156] {strides = array<i32>} : memref<64x128xf32, #tpu.memory_space<vmem>>, vector<16xf32>,
        tpu.vector_store %run_scoped3A_11[%swap3A, %swap3A_156], %broadcast_in_dim3A_155 {strides = array<i32>} : memref<64x128xf32, #tpu.memory_space<vmem>>, vector<16xf32>,
        %broadcast_in_dim3A_158 = arith.constant 0.000000e+00 : f32
        %broadcast_in_dim3A_159 = vector.broadcast %broadcast_in_dim3A_158 : f32 to vector<16xf32>
        %swap3A_160 = arith.index_cast %add3A_154 : i32 to index
        %swap3A_161 = arith.constant 16 : index
        %swap3A_162 = tpu.vector_load %run_scoped3A_11[%swap3A_160, %swap3A_161] {strides = array<i32>} : memref<64x128xf32, #tpu.memory_space<vmem>>, vector<16xf32>,
        tpu.vector_store %run_scoped3A_11[%swap3A_160, %swap3A_161], %broadcast_in_dim3A_159 {strides = array<i32>} : memref<64x128xf32, #tpu.memory_space<vmem>>, vector<16xf32>,
        %broadcast_in_dim3A_163 = arith.constant 0.000000e+00 : f32
        %broadcast_in_dim3A_164 = vector.broadcast %broadcast_in_dim3A_163 : f32 to vector<16xf32>
        %swap3A_165 = arith.index_cast %add3A_154 : i32 to index
        %swap3A_166 = arith.constant 32 : index
        %swap3A_167 = tpu.vector_load %run_scoped3A_11[%swap3A_165, %swap3A_166] {strides = array<i32>} : memref<64x128xf32, #tpu.memory_space<vmem>>, vector<16xf32>,
        tpu.vector_store %run_scoped3A_11[%swap3A_165, %swap3A_166], %broadcast_in_dim3A_164 {strides = array<i32>} : memref<64x128xf32, #tpu.memory_space<vmem>>, vector<16xf32>,
        %broadcast_in_dim3A_168 = arith.constant 0.000000e+00 : f32
        %broadcast_in_dim3A_169 = vector.broadcast %broadcast_in_dim3A_168 : f32 to vector<16xf32>
        %swap3A_170 = arith.index_cast %add3A_154 : i32 to index
        %swap3A_171 = arith.constant 48 : index
        %swap3A_172 = tpu.vector_load %run_scoped3A_11[%swap3A_170, %swap3A_171] {strides = array<i32>} : memref<64x128xf32, #tpu.memory_space<vmem>>, vector<16xf32>,
        tpu.vector_store %run_scoped3A_11[%swap3A_170, %swap3A_171], %broadcast_in_dim3A_169 {strides = array<i32>} : memref<64x128xf32, #tpu.memory_space<vmem>>, vector<16xf32>,
        %broadcast_in_dim3A_173 = arith.constant 0.000000e+00 : f32
        %broadcast_in_dim3A_174 = vector.broadcast %broadcast_in_dim3A_173 : f32 to vector<16xf32>
        %swap3A_175 = arith.index_cast %add3A_154 : i32 to index
        %swap3A_176 = arith.constant 64 : index
        %swap3A_177 = tpu.vector_load %run_scoped3A_11[%swap3A_175, %swap3A_176] {strides = array<i32>} : memref<64x128xf32, #tpu.memory_space<vmem>>, vector<16xf32>,
        tpu.vector_store %run_scoped3A_11[%swap3A_175, %swap3A_176], %broadcast_in_dim3A_174 {strides = array<i32>} : memref<64x128xf32, #tpu.memory_space<vmem>>, vector<16xf32>,
        %broadcast_in_dim3A_178 = arith.constant 0.000000e+00 : f32
        %broadcast_in_dim3A_179 = vector.broadcast %broadcast_in_dim3A_178 : f32 to vector<16xf32>
        %swap3A_180 = arith.index_cast %add3A_154 : i32 to index
        %swap3A_181 = arith.constant 80 : index
        %swap3A_182 = tpu.vector_load %run_scoped3A_11[%swap3A_180, %swap3A_181] {strides = array<i32>} : memref<64x128xf32, #tpu.memory_space<vmem>>, vector<16xf32>,
        tpu.vector_store %run_scoped3A_11[%swap3A_180, %swap3A_181], %broadcast_in_dim3A_179 {strides = array<i32>} : memref<64x128xf32, #tpu.memory_space<vmem>>, vector<16xf32>,
        %broadcast_in_dim3A_183 = arith.constant 0.000000e+00 : f32
        %broadcast_in_dim3A_184 = vector.broadcast %broadcast_in_dim3A_183 : f32 to vector<16xf32>
        %swap3A_185 = arith.index_cast %add3A_154 : i32 to index
        %swap3A_186 = arith.constant 96 : index
        %swap3A_187 = tpu.vector_load %run_scoped3A_11[%swap3A_185, %swap3A_186] {strides = array<i32>} : memref<64x128xf32, #tpu.memory_space<vmem>>, vector<16xf32>,
        tpu.vector_store %run_scoped3A_11[%swap3A_185, %swap3A_186], %broadcast_in_dim3A_184 {strides = array<i32>} : memref<64x128xf32, #tpu.memory_space<vmem>>, vector<16xf32>,
        %broadcast_in_dim3A_188 = arith.constant 0.000000e+00 : f32
        %broadcast_in_dim3A_189 = vector.broadcast %broadcast_in_dim3A_188 : f32 to vector<16xf32>
        %swap3A_190 = arith.index_cast %add3A_154 : i32 to index
        %swap3A_191 = arith.constant 112 : index
        %swap3A_192 = tpu.vector_load %run_scoped3A_11[%swap3A_190, %swap3A_191] {strides = array<i32>} : memref<64x128xf32, #tpu.memory_space<vmem>>, vector<16xf32>,
        tpu.vector_store %run_scoped3A_11[%swap3A_190, %swap3A_191], %broadcast_in_dim3A_189 {strides = array<i32>} : memref<64x128xf32, #tpu.memory_space<vmem>>, vector<16xf32>,
      }
      %scan3A_80 = arith.constant 64 : i32
      %scan3A_81 = arith.constant 0 : i32
      %scan3A_82 = arith.constant 10 : i32
      %scan3A_83 = arith.addi %scan3A_81, %scan3A_82 : i32
      %scan3A_84 = arith.constant 1 : i32
      scf.for %scan3A_150 = %scan3A_81 to %scan3A_83 step %scan3A_84  : i32 {
        %mul3A_151 = arith.constant 1 : i32
        %mul3A_152 = arith.muli %scan3A_150, %mul3A_151 : i32
        %add3A_153 = arith.constant 0 : i32
        %add3A_154 = arith.addi %add3A_153, %mul3A_152 : i32
        %mul3A_155 = arith.constant 640 : i32
        %mul3A_156 = arith.muli %arg1, %mul3A_155 : i32
        %mul3A_157 = arith.constant 64 : i32
        %mul3A_158 = arith.muli %add3A_154, %mul3A_157 : i32
        %add3A_159 = arith.addi %mul3A_156, %mul3A_158 : i32
        "tpu.region"() ({
          %run_scoped3A_160 = tpu.sem_alloc : memref<!tpu.dma_semaphore, #tpu.memory_space<semaphore_mem>>
          %dma_start3A_161 = arith.constant 0 : i32
          %dma_start3A_162 = tpu.memref_slice %arg15[%add3A_159, %dma_start3A_161] : memref<10240x128xf32, #tpu.memory_space<vmem_shared>> -> memref<64x128xf32, #tpu.memory_space<vmem_shared>>
          %dma_start3A_163 = arith.constant 0 : i32
          %dma_start3A_164 = tpu.memref_slice %arg15[%add3A_159, %dma_start3A_163] : memref<10240x128xf32, #tpu.memory_space<vmem_shared>> -> memref<64x128xf32, #tpu.memory_space<vmem_shared>>
          tpu.enqueue_dma source(%run_scoped3A_11 : memref<64x128xf32, #tpu.memory_space<vmem>>) target(%dma_start3A_164 : memref<64x128xf32, #tpu.memory_space<vmem_shared>>) target_semaphore(%run_scoped3A_160 : memref<!tpu.dma_semaphore, #tpu.memory_space<semaphore_mem>>)
          %dma_wait3A_165 = arith.constant 0 : i32
          %dma_wait3A_166 = tpu.memref_slice %arg15[%add3A_159, %dma_wait3A_165] : memref<10240x128xf32, #tpu.memory_space<vmem_shared>> -> memref<64x128xf32, #tpu.memory_space<vmem_shared>>
          %dma_wait3A_167 = arith.constant 0 : i32
          %dma_wait3A_168 = tpu.memref_slice %arg15[%add3A_159, %dma_wait3A_167] : memref<10240x128xf32, #tpu.memory_space<vmem_shared>> -> memref<64x128xf32, #tpu.memory_space<vmem_shared>>
          tpu.wait_dma2 semaphore(%run_scoped3A_160 : memref<!tpu.dma_semaphore, #tpu.memory_space<semaphore_mem>>) src(%run_scoped3A_11 : memref<64x128xf32, #tpu.memory_space<vmem>>) dst(%dma_wait3A_168 : memref<64x128xf32, #tpu.memory_space<vmem_shared>>)
          tpu.yield
        }) : () -> ()
      }
      %scan3A_85 = arith.constant 10 : i32
      %barrier3A_86 = arith.constant 0 : index
      tpu.barrier barrier_id(%barrier3A_86)
      %dma_start3A_87 = arith.constant 0 : i32
      %dma_start3A_88 = arith.constant 0 : i32
      %dma_start3A_89 = tpu.memref_slice %arg11[%dma_start3A_87, %dma_start3A_88] : memref<97x64xi32, #tpu.memory_space<vmem>> -> memref<1x64xi32, #tpu.memory_space<vmem>>
      %dma_start3A_90 = tpu.memref_squeeze %dma_start3A_89 : memref<1x64xi32, #tpu.memory_space<vmem>> -> memref<64xi32, #tpu.memory_space<vmem>>
      %dma_start3A_91 = arith.constant 0 : i32
      %dma_start3A_92 = arith.constant 0 : i32
      %dma_start3A_93 = tpu.memref_slice %arg8[%dma_start3A_91, %dma_start3A_92] : memref<10000x64xi32, #tpu.memory_space<hbm>> -> memref<10000x64xi32, #tpu.memory_space<hbm>>
      tpu.enqueue_indirect_dma source(%dma_start3A_93 : memref<10000x64xi32, #tpu.memory_space<hbm>>) target(%run_scoped3A : memref<64x64xi32, #tpu.memory_space<vmem>>) offsets(%dma_start3A_90 : memref<64xi32, #tpu.memory_space<vmem>>) semaphore(%arg17 : memref<!tpu.dma_semaphore, #tpu.memory_space<semaphore_mem>>)
      %jit3A_94 = arith.constant 2 : i32
      %div3A_95 = arith.divsi %select_n3A, %jit3A_94 : i32
      %sign3A_96 = arith.constant 0 : i32
      %sign3A_97 = arith.cmpi sgt, %select_n3A, %sign3A_96 : i32
      %sign3A_98 = arith.extui %sign3A_97 : i1 to i32
      %sign3A_99 = arith.constant 0 : i32
      %sign3A_100 = arith.cmpi slt, %select_n3A, %sign3A_99 : i32
      %sign3A_101 = arith.extui %sign3A_100 : i1 to i32
      %sign3A_102 = arith.subi %sign3A_98, %sign3A_101 : i32
      %sign3A_103 = arith.constant 0 : i32
      %sign3A_104 = arith.cmpi sgt, %jit3A_94, %sign3A_103 : i32
      %sign3A_105 = arith.extui %sign3A_104 : i1 to i32
      %sign3A_106 = arith.constant 0 : i32
      %sign3A_107 = arith.cmpi slt, %jit3A_94, %sign3A_106 : i32
      %sign3A_108 = arith.extui %sign3A_107 : i1 to i32
      %sign3A_109 = arith.subi %sign3A_105, %sign3A_108 : i32
      %ne3A_110 = arith.cmpi ne, %sign3A_102, %sign3A_109 : i32
      %rem3A_111 = arith.remsi %select_n3A, %jit3A_94 : i32
      %ne3A_112 = arith.constant 0 : i32
      %ne3A_113 = arith.cmpi ne, %rem3A_111, %ne3A_112 : i32
      %and3A_114 = arith.andi %ne3A_110, %ne3A_113 : i1
      %sub3A_115 = arith.constant 1 : i32
      %sub3A_116 = arith.subi %div3A_95, %sub3A_115 : i32
      %select_n3A_117 = arith.select %and3A_114, %sub3A_116, %div3A_95 : i32
      %sub3A_118 = arith.constant 0 : i32
      %sub3A_119 = arith.subi %select_n3A_117, %sub3A_118 : i32
      %sub3A_120 = arith.constant 1 : i32
      %sub3A_121 = arith.constant 1 : i32
      %sub3A_122 = arith.subi %sub3A_120, %sub3A_121 : i32
      %add3A_123 = arith.addi %sub3A_119, %sub3A_122 : i32
      %div3A_124 = arith.constant 1 : i32
      %div3A_125 = arith.divsi %add3A_123, %div3A_124 : i32
      %while3A_126 = arith.constant 1 : i32
      %while3A_127 = arith.constant 0 : i32
      %while3A_128 = arith.constant 0 : i32
      %while3A_129 = arith.subi %div3A_125, %while3A_128 : i32
      %while3A_130 = arith.addi %while3A_128, %while3A_129 : i32
      %while3A_131 = arith.constant 1 : i32
      %while3A_132 = arith.divsi %while3A_129, %while3A_131 : i32
      %while3A_133 = arith.muli %while3A_132, %while3A_131 : i32
      %while3A_134 = arith.addi %while3A_128, %while3A_133 : i32
      %while3A_135 = arith.constant 1 : i32
      scf.for %while3A_150 = %while3A_128 to %while3A_134 step %while3A_135  : i32 {
        %mul3A_151 = arith.muli %while3A_150, %while3A_126 : i32
        %add3A_152 = arith.addi %while3A_127, %mul3A_151 : i32
        %mul3A_153 = arith.constant 2 : i32
        %mul3A_154 = arith.muli %mul3A_153, %add3A_152 : i32
        %add3A_155 = arith.constant 1 : i32
        %add3A_156 = arith.addi %mul3A_154, %add3A_155 : i32
        %dma_start3A_157 = arith.constant 0 : i32
        %dma_start3A_158 = tpu.memref_slice %arg11[%add3A_156, %dma_start3A_157] : memref<97x64xi32, #tpu.memory_space<vmem>> -> memref<1x64xi32, #tpu.memory_space<vmem>>
        %dma_start3A_159 = tpu.memref_squeeze %dma_start3A_158 : memref<1x64xi32, #tpu.memory_space<vmem>> -> memref<64xi32, #tpu.memory_space<vmem>>
        %dma_start3A_160 = arith.constant 0 : i32
        %dma_start3A_161 = arith.constant 0 : i32
        %dma_start3A_162 = tpu.memref_slice %arg8[%dma_start3A_160, %dma_start3A_161] : memref<10000x64xi32, #tpu.memory_space<hbm>> -> memref<10000x64xi32, #tpu.memory_space<hbm>>
        tpu.enqueue_indirect_dma source(%dma_start3A_162 : memref<10000x64xi32, #tpu.memory_space<hbm>>) target(%run_scoped3A_10 : memref<64x64xi32, #tpu.memory_space<vmem>>) offsets(%dma_start3A_159 : memref<64xi32, #tpu.memory_space<vmem>>) semaphore(%arg18 : memref<!tpu.dma_semaphore, #tpu.memory_space<semaphore_mem>>)
        %dma_wait3A_163 = arith.constant 0 : i32
        %dma_wait3A_164 = tpu.memref_slice %arg11[%mul3A_154, %dma_wait3A_163] : memref<97x64xi32, #tpu.memory_space<vmem>> -> memref<1x64xi32, #tpu.memory_space<vmem>>
        %dma_wait3A_165 = tpu.memref_squeeze %dma_wait3A_164 : memref<1x64xi32, #tpu.memory_space<vmem>> -> memref<64xi32, #tpu.memory_space<vmem>>
        %dma_wait3A_166 = arith.constant 0 : i32
        %dma_wait3A_167 = arith.constant 0 : i32
        %dma_wait3A_168 = tpu.memref_slice %arg8[%dma_wait3A_166, %dma_wait3A_167] : memref<10000x64xi32, #tpu.memory_space<hbm>> -> memref<10000x64xi32, #tpu.memory_space<hbm>>
        tpu.wait_indirect_dma semaphore(%arg17 : memref<!tpu.dma_semaphore, #tpu.memory_space<semaphore_mem>>) src(%dma_wait3A_168 : memref<10000x64xi32, #tpu.memory_space<hbm>>) dst(%run_scoped3A : memref<64x64xi32, #tpu.memory_space<vmem>>)
        %parallel_loop3A = arith.constant 0 : i32
        %parallel_loop3A_169 = arith.constant 64 : i32
        %parallel_loop3A_170 = arith.constant 1 : i32
        scf.for %parallel_loop3A_188 = %parallel_loop3A to %parallel_loop3A_169 step %parallel_loop3A_170  : i32 {
          %parallel_loop3A_189 = arith.constant 0 : i32
          %parallel_loop3A_190 = vector.broadcast %parallel_loop3A_189 : i32 to vector<16xi32>
          %parallel_loop3A_191 = arith.muli %iota3A, %parallel_loop3A_190 : vector<16xi32>
          %parallel_loop3A_192 = arith.constant 64 : i32
          %parallel_loop3A_193 = arith.muli %mul3A_154, %parallel_loop3A_192 : i32
          %parallel_loop3A_194 = arith.addi %parallel_loop3A_193, %parallel_loop3A_188 : i32
          %parallel_loop3A_195 = vector.broadcast %parallel_loop3A_194 : i32 to vector<16xi32>
          %parallel_loop3A_196 = arith.addi %parallel_loop3A_191, %parallel_loop3A_195 : vector<16xi32>
          %parallel_loop3A_197 = tpu.vector_load_idx %arg14[%parallel_loop3A_196] : memref<6144xf32, #tpu.memory_space<vmem>>[vector<16xi32>], vector<16xf32>,
          %parallel_loop3A_198 = arith.index_cast %parallel_loop3A_188 : i32 to index
          %parallel_loop3A_199 = arith.constant 0 : index
          %parallel_loop3A_200 = tpu.vector_load %run_scoped3A[%parallel_loop3A_198, %parallel_loop3A_199] {strides = array<i32>} : memref<64x64xi32, #tpu.memory_space<vmem>>, vector<16xi32>,
          %parallel_loop3A_201 = arith.constant 16 : i32
          %parallel_loop3A_202 = vector.broadcast %parallel_loop3A_201 : i32 to vector<16xi32>
          %parallel_loop3A_203 = arith.shli %parallel_loop3A_200, %parallel_loop3A_202 : vector<16xi32>
          %parallel_loop3A_204 = vector.bitcast %parallel_loop3A_203 : vector<16xi32> to vector<16xf32>
          %parallel_loop3A_205 = arith.constant -65536 : i32
          %parallel_loop3A_206 = vector.broadcast %parallel_loop3A_205 : i32 to vector<16xi32>
          %parallel_loop3A_207 = arith.andi %parallel_loop3A_200, %parallel_loop3A_206 : vector<16xi32>
          %parallel_loop3A_208 = vector.bitcast %parallel_loop3A_207 : vector<16xi32> to vector<16xf32>
          %parallel_loop3A_209 = arith.mulf %parallel_loop3A_204, %parallel_loop3A_197 : vector<16xf32>
          %parallel_loop3A_210 = arith.index_cast %parallel_loop3A_188 : i32 to index
          %parallel_loop3A_211 = arith.constant 0 : index
          %parallel_loop3A_212 = tpu.vector_load %run_scoped3A_11[%parallel_loop3A_210, %parallel_loop3A_211] {strides = array<i32>} : memref<64x128xf32, #tpu.memory_space<vmem>>, vector<16xf32>,
          tpu.vector_store %run_scoped3A_11[%parallel_loop3A_210, %parallel_loop3A_211], %parallel_loop3A_209 {strides = array<i32>} : memref<64x128xf32, #tpu.memory_space<vmem>>, vector<16xf32>,
          %parallel_loop3A_213 = arith.mulf %parallel_loop3A_208, %parallel_loop3A_197 : vector<16xf32>
          %parallel_loop3A_214 = arith.index_cast %parallel_loop3A_188 : i32 to index
          %parallel_loop3A_215 = arith.constant 64 : index
          %parallel_loop3A_216 = tpu.vector_load %run_scoped3A_11[%parallel_loop3A_214, %parallel_loop3A_215] {strides = array<i32>} : memref<64x128xf32, #tpu.memory_space<vmem>>, vector<16xf32>,
          tpu.vector_store %run_scoped3A_11[%parallel_loop3A_214, %parallel_loop3A_215], %parallel_loop3A_213 {strides = array<i32>} : memref<64x128xf32, #tpu.memory_space<vmem>>, vector<16xf32>,
          %parallel_loop3A_217 = arith.index_cast %parallel_loop3A_188 : i32 to index
          %parallel_loop3A_218 = arith.constant 16 : index
          %parallel_loop3A_219 = tpu.vector_load %run_scoped3A[%parallel_loop3A_217, %parallel_loop3A_218] {strides = array<i32>} : memref<64x64xi32, #tpu.memory_space<vmem>>, vector<16xi32>,
          %parallel_loop3A_220 = arith.constant 16 : i32
          %parallel_loop3A_221 = vector.broadcast %parallel_loop3A_220 : i32 to vector<16xi32>
          %parallel_loop3A_222 = arith.shli %parallel_loop3A_219, %parallel_loop3A_221 : vector<16xi32>
          %parallel_loop3A_223 = vector.bitcast %parallel_loop3A_222 : vector<16xi32> to vector<16xf32>
          %parallel_loop3A_224 = arith.constant -65536 : i32
          %parallel_loop3A_225 = vector.broadcast %parallel_loop3A_224 : i32 to vector<16xi32>
          %parallel_loop3A_226 = arith.andi %parallel_loop3A_219, %parallel_loop3A_225 : vector<16xi32>
          %parallel_loop3A_227 = vector.bitcast %parallel_loop3A_226 : vector<16xi32> to vector<16xf32>
          %parallel_loop3A_228 = arith.mulf %parallel_loop3A_223, %parallel_loop3A_197 : vector<16xf32>
          %parallel_loop3A_229 = arith.index_cast %parallel_loop3A_188 : i32 to index
          %parallel_loop3A_230 = arith.constant 16 : index
          %parallel_loop3A_231 = tpu.vector_load %run_scoped3A_11[%parallel_loop3A_229, %parallel_loop3A_230] {strides = array<i32>} : memref<64x128xf32, #tpu.memory_space<vmem>>, vector<16xf32>,
          tpu.vector_store %run_scoped3A_11[%parallel_loop3A_229, %parallel_loop3A_230], %parallel_loop3A_228 {strides = array<i32>} : memref<64x128xf32, #tpu.memory_space<vmem>>, vector<16xf32>,
          %parallel_loop3A_232 = arith.mulf %parallel_loop3A_227, %parallel_loop3A_197 : vector<16xf32>
          %parallel_loop3A_233 = arith.index_cast %parallel_loop3A_188 : i32 to index
          %parallel_loop3A_234 = arith.constant 80 : index
          %parallel_loop3A_235 = tpu.vector_load %run_scoped3A_11[%parallel_loop3A_233, %parallel_loop3A_234] {strides = array<i32>} : memref<64x128xf32, #tpu.memory_space<vmem>>, vector<16xf32>,
          tpu.vector_store %run_scoped3A_11[%parallel_loop3A_233, %parallel_loop3A_234], %parallel_loop3A_232 {strides = array<i32>} : memref<64x128xf32, #tpu.memory_space<vmem>>, vector<16xf32>,
          %parallel_loop3A_236 = arith.index_cast %parallel_loop3A_188 : i32 to index
          %parallel_loop3A_237 = arith.constant 32 : index
          %parallel_loop3A_238 = tpu.vector_load %run_scoped3A[%parallel_loop3A_236, %parallel_loop3A_237] {strides = array<i32>} : memref<64x64xi32, #tpu.memory_space<vmem>>, vector<16xi32>,
          %parallel_loop3A_239 = arith.constant 16 : i32
          %parallel_loop3A_240 = vector.broadcast %parallel_loop3A_239 : i32 to vector<16xi32>
          %parallel_loop3A_241 = arith.shli %parallel_loop3A_238, %parallel_loop3A_240 : vector<16xi32>
          %parallel_loop3A_242 = vector.bitcast %parallel_loop3A_241 : vector<16xi32> to vector<16xf32>
          %parallel_loop3A_243 = arith.constant -65536 : i32
          %parallel_loop3A_244 = vector.broadcast %parallel_loop3A_243 : i32 to vector<16xi32>
          %parallel_loop3A_245 = arith.andi %parallel_loop3A_238, %parallel_loop3A_244 : vector<16xi32>
          %parallel_loop3A_246 = vector.bitcast %parallel_loop3A_245 : vector<16xi32> to vector<16xf32>
          %parallel_loop3A_247 = arith.mulf %parallel_loop3A_242, %parallel_loop3A_197 : vector<16xf32>
          %parallel_loop3A_248 = arith.index_cast %parallel_loop3A_188 : i32 to index
          %parallel_loop3A_249 = arith.constant 32 : index
          %parallel_loop3A_250 = tpu.vector_load %run_scoped3A_11[%parallel_loop3A_248, %parallel_loop3A_249] {strides = array<i32>} : memref<64x128xf32, #tpu.memory_space<vmem>>, vector<16xf32>,
          tpu.vector_store %run_scoped3A_11[%parallel_loop3A_248, %parallel_loop3A_249], %parallel_loop3A_247 {strides = array<i32>} : memref<64x128xf32, #tpu.memory_space<vmem>>, vector<16xf32>,
          %parallel_loop3A_251 = arith.mulf %parallel_loop3A_246, %parallel_loop3A_197 : vector<16xf32>
          %parallel_loop3A_252 = arith.index_cast %parallel_loop3A_188 : i32 to index
          %parallel_loop3A_253 = arith.constant 96 : index
          %parallel_loop3A_254 = tpu.vector_load %run_scoped3A_11[%parallel_loop3A_252, %parallel_loop3A_253] {strides = array<i32>} : memref<64x128xf32, #tpu.memory_space<vmem>>, vector<16xf32>,
          tpu.vector_store %run_scoped3A_11[%parallel_loop3A_252, %parallel_loop3A_253], %parallel_loop3A_251 {strides = array<i32>} : memref<64x128xf32, #tpu.memory_space<vmem>>, vector<16xf32>,
          %parallel_loop3A_255 = arith.index_cast %parallel_loop3A_188 : i32 to index
          %parallel_loop3A_256 = arith.constant 48 : index
          %parallel_loop3A_257 = tpu.vector_load %run_scoped3A[%parallel_loop3A_255, %parallel_loop3A_256] {strides = array<i32>} : memref<64x64xi32, #tpu.memory_space<vmem>>, vector<16xi32>,
          %parallel_loop3A_258 = arith.constant 16 : i32
          %parallel_loop3A_259 = vector.broadcast %parallel_loop3A_258 : i32 to vector<16xi32>
          %parallel_loop3A_260 = arith.shli %parallel_loop3A_257, %parallel_loop3A_259 : vector<16xi32>
          %parallel_loop3A_261 = vector.bitcast %parallel_loop3A_260 : vector<16xi32> to vector<16xf32>
          %parallel_loop3A_262 = arith.constant -65536 : i32
          %parallel_loop3A_263 = vector.broadcast %parallel_loop3A_262 : i32 to vector<16xi32>
          %parallel_loop3A_264 = arith.andi %parallel_loop3A_257, %parallel_loop3A_263 : vector<16xi32>
          %parallel_loop3A_265 = vector.bitcast %parallel_loop3A_264 : vector<16xi32> to vector<16xf32>
          %parallel_loop3A_266 = arith.mulf %parallel_loop3A_261, %parallel_loop3A_197 : vector<16xf32>
          %parallel_loop3A_267 = arith.index_cast %parallel_loop3A_188 : i32 to index
          %parallel_loop3A_268 = arith.constant 48 : index
          %parallel_loop3A_269 = tpu.vector_load %run_scoped3A_11[%parallel_loop3A_267, %parallel_loop3A_268] {strides = array<i32>} : memref<64x128xf32, #tpu.memory_space<vmem>>, vector<16xf32>,
          tpu.vector_store %run_scoped3A_11[%parallel_loop3A_267, %parallel_loop3A_268], %parallel_loop3A_266 {strides = array<i32>} : memref<64x128xf32, #tpu.memory_space<vmem>>, vector<16xf32>,
          %parallel_loop3A_270 = arith.mulf %parallel_loop3A_265, %parallel_loop3A_197 : vector<16xf32>
          %parallel_loop3A_271 = arith.index_cast %parallel_loop3A_188 : i32 to index
          %parallel_loop3A_272 = arith.constant 112 : index
          %parallel_loop3A_273 = tpu.vector_load %run_scoped3A_11[%parallel_loop3A_271, %parallel_loop3A_272] {strides = array<i32>} : memref<64x128xf32, #tpu.memory_space<vmem>>, vector<16xf32>,
          tpu.vector_store %run_scoped3A_11[%parallel_loop3A_271, %parallel_loop3A_272], %parallel_loop3A_270 {strides = array<i32>} : memref<64x128xf32, #tpu.memory_space<vmem>>, vector<16xf32>,
        } {sc.loop_unroll_factor = 4 : i64, sc.parallel_access}
        "tpu.region"() ({
          %run_scoped3A_188 = tpu.sem_alloc : memref<!tpu.dma_semaphore, #tpu.memory_space<semaphore_mem>>
          %dma_start3A_189 = arith.constant 0 : i32
          %dma_start3A_190 = tpu.memref_slice %arg12[%mul3A_154, %dma_start3A_189] : memref<96x64xi32, #tpu.memory_space<vmem>> -> memref<1x64xi32, #tpu.memory_space<vmem>>
          %dma_start3A_191 = tpu.memref_squeeze %dma_start3A_190 : memref<1x64xi32, #tpu.memory_space<vmem>> -> memref<64xi32, #tpu.memory_space<vmem>>
          %dma_start3A_192 = arith.constant 0 : i32
          %dma_start3A_193 = arith.constant 0 : i32
          %dma_start3A_194 = tpu.memref_slice %arg15[%dma_start3A_192, %dma_start3A_193] : memref<10240x128xf32, #tpu.memory_space<vmem_shared>> -> memref<10240x128xf32, #tpu.memory_space<vmem_shared>>
          tpu.enqueue_indirect_dma source(%run_scoped3A_11 : memref<64x128xf32, #tpu.memory_space<vmem>>) target(%dma_start3A_194 : memref<10240x128xf32, #tpu.memory_space<vmem_shared>>) offsets(%dma_start3A_191 : memref<64xi32, #tpu.memory_space<vmem>>) semaphore(%run_scoped3A_188 : memref<!tpu.dma_semaphore, #tpu.memory_space<semaphore_mem>>) {add = true}
          %dma_wait3A_195 = arith.constant 0 : i32
          %dma_wait3A_196 = tpu.memref_slice %arg12[%mul3A_154, %dma_wait3A_195] : memref<96x64xi32, #tpu.memory_space<vmem>> -> memref<1x64xi32, #tpu.memory_space<vmem>>
          %dma_wait3A_197 = tpu.memref_squeeze %dma_wait3A_196 : memref<1x64xi32, #tpu.memory_space<vmem>> -> memref<64xi32, #tpu.memory_space<vmem>>
          %dma_wait3A_198 = arith.constant 0 : i32
          %dma_wait3A_199 = arith.constant 0 : i32
          %dma_wait3A_200 = tpu.memref_slice %arg15[%dma_wait3A_198, %dma_wait3A_199] : memref<10240x128xf32, #tpu.memory_space<vmem_shared>> -> memref<10240x128xf32, #tpu.memory_space<vmem_shared>>
          tpu.wait_indirect_dma semaphore(%run_scoped3A_188 : memref<!tpu.dma_semaphore, #tpu.memory_space<semaphore_mem>>) src(%run_scoped3A_11 : memref<64x128xf32, #tpu.memory_space<vmem>>) dst(%dma_wait3A_200 : memref<10240x128xf32, #tpu.memory_space<vmem_shared>>)
          tpu.yield
        }) : () -> ()
        %add3A_171 = arith.constant 2 : i32
        %add3A_172 = arith.addi %mul3A_154, %add3A_171 : i32
        %dma_start3A_173 = arith.constant 0 : i32
        %dma_start3A_174 = tpu.memref_slice %arg11[%add3A_172, %dma_start3A_173] : memref<97x64xi32, #tpu.memory_space<vmem>> -> memref<1x64xi32, #tpu.memory_space<vmem>>
        %dma_start3A_175 = tpu.memref_squeeze %dma_start3A_174 : memref<1x64xi32, #tpu.memory_space<vmem>> -> memref<64xi32, #tpu.memory_space<vmem>>
        %dma_start3A_176 = arith.constant 0 : i32
        %dma_start3A_177 = arith.constant 0 : i32
        %dma_start3A_178 = tpu.memref_slice %arg8[%dma_start3A_176, %dma_start3A_177] : memref<10000x64xi32, #tpu.memory_space<hbm>> -> memref<10000x64xi32, #tpu.memory_space<hbm>>
        tpu.enqueue_indirect_dma source(%dma_start3A_178 : memref<10000x64xi32, #tpu.memory_space<hbm>>) target(%run_scoped3A : memref<64x64xi32, #tpu.memory_space<vmem>>) offsets(%dma_start3A_175 : memref<64xi32, #tpu.memory_space<vmem>>) semaphore(%arg17 : memref<!tpu.dma_semaphore, #tpu.memory_space<semaphore_mem>>)
        %dma_wait3A_179 = arith.constant 0 : i32
        %dma_wait3A_180 = tpu.memref_slice %arg11[%add3A_156, %dma_wait3A_179] : memref<97x64xi32, #tpu.memory_space<vmem>> -> memref<1x64xi32, #tpu.memory_space<vmem>>
        %dma_wait3A_181 = tpu.memref_squeeze %dma_wait3A_180 : memref<1x64xi32, #tpu.memory_space<vmem>> -> memref<64xi32, #tpu.memory_space<vmem>>
        %dma_wait3A_182 = arith.constant 0 : i32
        %dma_wait3A_183 = arith.constant 0 : i32
        %dma_wait3A_184 = tpu.memref_slice %arg8[%dma_wait3A_182, %dma_wait3A_183] : memref<10000x64xi32, #tpu.memory_space<hbm>> -> memref<10000x64xi32, #tpu.memory_space<hbm>>
        tpu.wait_indirect_dma semaphore(%arg18 : memref<!tpu.dma_semaphore, #tpu.memory_space<semaphore_mem>>) src(%dma_wait3A_184 : memref<10000x64xi32, #tpu.memory_space<hbm>>) dst(%run_scoped3A_10 : memref<64x64xi32, #tpu.memory_space<vmem>>)
        %parallel_loop3A_185 = arith.constant 0 : i32
        %parallel_loop3A_186 = arith.constant 64 : i32
        %parallel_loop3A_187 = arith.constant 1 : i32
        scf.for %parallel_loop3A_188 = %parallel_loop3A_185 to %parallel_loop3A_186 step %parallel_loop3A_187  : i32 {
          %parallel_loop3A_189 = arith.constant 0 : i32
          %parallel_loop3A_190 = vector.broadcast %parallel_loop3A_189 : i32 to vector<16xi32>
          %parallel_loop3A_191 = arith.muli %iota3A, %parallel_loop3A_190 : vector<16xi32>
          %parallel_loop3A_192 = arith.constant 64 : i32
          %parallel_loop3A_193 = arith.muli %add3A_156, %parallel_loop3A_192 : i32
          %parallel_loop3A_194 = arith.addi %parallel_loop3A_193, %parallel_loop3A_188 : i32
          %parallel_loop3A_195 = vector.broadcast %parallel_loop3A_194 : i32 to vector<16xi32>
          %parallel_loop3A_196 = arith.addi %parallel_loop3A_191, %parallel_loop3A_195 : vector<16xi32>
          %parallel_loop3A_197 = tpu.vector_load_idx %arg14[%parallel_loop3A_196] : memref<6144xf32, #tpu.memory_space<vmem>>[vector<16xi32>], vector<16xf32>,
          %parallel_loop3A_198 = arith.index_cast %parallel_loop3A_188 : i32 to index
          %parallel_loop3A_199 = arith.constant 0 : index
          %parallel_loop3A_200 = tpu.vector_load %run_scoped3A_10[%parallel_loop3A_198, %parallel_loop3A_199] {strides = array<i32>} : memref<64x64xi32, #tpu.memory_space<vmem>>, vector<16xi32>,
          %parallel_loop3A_201 = arith.constant 16 : i32
          %parallel_loop3A_202 = vector.broadcast %parallel_loop3A_201 : i32 to vector<16xi32>
          %parallel_loop3A_203 = arith.shli %parallel_loop3A_200, %parallel_loop3A_202 : vector<16xi32>
          %parallel_loop3A_204 = vector.bitcast %parallel_loop3A_203 : vector<16xi32> to vector<16xf32>
          %parallel_loop3A_205 = arith.constant -65536 : i32
          %parallel_loop3A_206 = vector.broadcast %parallel_loop3A_205 : i32 to vector<16xi32>
          %parallel_loop3A_207 = arith.andi %parallel_loop3A_200, %parallel_loop3A_206 : vector<16xi32>
          %parallel_loop3A_208 = vector.bitcast %parallel_loop3A_207 : vector<16xi32> to vector<16xf32>
          %parallel_loop3A_209 = arith.mulf %parallel_loop3A_204, %parallel_loop3A_197 : vector<16xf32>
          %parallel_loop3A_210 = arith.index_cast %parallel_loop3A_188 : i32 to index
          %parallel_loop3A_211 = arith.constant 0 : index
          %parallel_loop3A_212 = tpu.vector_load %run_scoped3A_11[%parallel_loop3A_210, %parallel_loop3A_211] {strides = array<i32>} : memref<64x128xf32, #tpu.memory_space<vmem>>, vector<16xf32>,
          tpu.vector_store %run_scoped3A_11[%parallel_loop3A_210, %parallel_loop3A_211], %parallel_loop3A_209 {strides = array<i32>} : memref<64x128xf32, #tpu.memory_space<vmem>>, vector<16xf32>,
          %parallel_loop3A_213 = arith.mulf %parallel_loop3A_208, %parallel_loop3A_197 : vector<16xf32>
          %parallel_loop3A_214 = arith.index_cast %parallel_loop3A_188 : i32 to index
          %parallel_loop3A_215 = arith.constant 64 : index
          %parallel_loop3A_216 = tpu.vector_load %run_scoped3A_11[%parallel_loop3A_214, %parallel_loop3A_215] {strides = array<i32>} : memref<64x128xf32, #tpu.memory_space<vmem>>, vector<16xf32>,
          tpu.vector_store %run_scoped3A_11[%parallel_loop3A_214, %parallel_loop3A_215], %parallel_loop3A_213 {strides = array<i32>} : memref<64x128xf32, #tpu.memory_space<vmem>>, vector<16xf32>,
          %parallel_loop3A_217 = arith.index_cast %parallel_loop3A_188 : i32 to index
          %parallel_loop3A_218 = arith.constant 16 : index
          %parallel_loop3A_219 = tpu.vector_load %run_scoped3A_10[%parallel_loop3A_217, %parallel_loop3A_218] {strides = array<i32>} : memref<64x64xi32, #tpu.memory_space<vmem>>, vector<16xi32>,
          %parallel_loop3A_220 = arith.constant 16 : i32
          %parallel_loop3A_221 = vector.broadcast %parallel_loop3A_220 : i32 to vector<16xi32>
          %parallel_loop3A_222 = arith.shli %parallel_loop3A_219, %parallel_loop3A_221 : vector<16xi32>
          %parallel_loop3A_223 = vector.bitcast %parallel_loop3A_222 : vector<16xi32> to vector<16xf32>
          %parallel_loop3A_224 = arith.constant -65536 : i32
          %parallel_loop3A_225 = vector.broadcast %parallel_loop3A_224 : i32 to vector<16xi32>
          %parallel_loop3A_226 = arith.andi %parallel_loop3A_219, %parallel_loop3A_225 : vector<16xi32>
          %parallel_loop3A_227 = vector.bitcast %parallel_loop3A_226 : vector<16xi32> to vector<16xf32>
          %parallel_loop3A_228 = arith.mulf %parallel_loop3A_223, %parallel_loop3A_197 : vector<16xf32>
          %parallel_loop3A_229 = arith.index_cast %parallel_loop3A_188 : i32 to index
          %parallel_loop3A_230 = arith.constant 16 : index
          %parallel_loop3A_231 = tpu.vector_load %run_scoped3A_11[%parallel_loop3A_229, %parallel_loop3A_230] {strides = array<i32>} : memref<64x128xf32, #tpu.memory_space<vmem>>, vector<16xf32>,
          tpu.vector_store %run_scoped3A_11[%parallel_loop3A_229, %parallel_loop3A_230], %parallel_loop3A_228 {strides = array<i32>} : memref<64x128xf32, #tpu.memory_space<vmem>>, vector<16xf32>,
          %parallel_loop3A_232 = arith.mulf %parallel_loop3A_227, %parallel_loop3A_197 : vector<16xf32>
          %parallel_loop3A_233 = arith.index_cast %parallel_loop3A_188 : i32 to index
          %parallel_loop3A_234 = arith.constant 80 : index
          %parallel_loop3A_235 = tpu.vector_load %run_scoped3A_11[%parallel_loop3A_233, %parallel_loop3A_234] {strides = array<i32>} : memref<64x128xf32, #tpu.memory_space<vmem>>, vector<16xf32>,
          tpu.vector_store %run_scoped3A_11[%parallel_loop3A_233, %parallel_loop3A_234], %parallel_loop3A_232 {strides = array<i32>} : memref<64x128xf32, #tpu.memory_space<vmem>>, vector<16xf32>,
          %parallel_loop3A_236 = arith.index_cast %parallel_loop3A_188 : i32 to index
          %parallel_loop3A_237 = arith.constant 32 : index
          %parallel_loop3A_238 = tpu.vector_load %run_scoped3A_10[%parallel_loop3A_236, %parallel_loop3A_237] {strides = array<i32>} : memref<64x64xi32, #tpu.memory_space<vmem>>, vector<16xi32>,
          %parallel_loop3A_239 = arith.constant 16 : i32
          %parallel_loop3A_240 = vector.broadcast %parallel_loop3A_239 : i32 to vector<16xi32>
          %parallel_loop3A_241 = arith.shli %parallel_loop3A_238, %parallel_loop3A_240 : vector<16xi32>
          %parallel_loop3A_242 = vector.bitcast %parallel_loop3A_241 : vector<16xi32> to vector<16xf32>
          %parallel_loop3A_243 = arith.constant -65536 : i32
          %parallel_loop3A_244 = vector.broadcast %parallel_loop3A_243 : i32 to vector<16xi32>
          %parallel_loop3A_245 = arith.andi %parallel_loop3A_238, %parallel_loop3A_244 : vector<16xi32>
          %parallel_loop3A_246 = vector.bitcast %parallel_loop3A_245 : vector<16xi32> to vector<16xf32>
          %parallel_loop3A_247 = arith.mulf %parallel_loop3A_242, %parallel_loop3A_197 : vector<16xf32>
          %parallel_loop3A_248 = arith.index_cast %parallel_loop3A_188 : i32 to index
          %parallel_loop3A_249 = arith.constant 32 : index
          %parallel_loop3A_250 = tpu.vector_load %run_scoped3A_11[%parallel_loop3A_248, %parallel_loop3A_249] {strides = array<i32>} : memref<64x128xf32, #tpu.memory_space<vmem>>, vector<16xf32>,
          tpu.vector_store %run_scoped3A_11[%parallel_loop3A_248, %parallel_loop3A_249], %parallel_loop3A_247 {strides = array<i32>} : memref<64x128xf32, #tpu.memory_space<vmem>>, vector<16xf32>,
          %parallel_loop3A_251 = arith.mulf %parallel_loop3A_246, %parallel_loop3A_197 : vector<16xf32>
          %parallel_loop3A_252 = arith.index_cast %parallel_loop3A_188 : i32 to index
          %parallel_loop3A_253 = arith.constant 96 : index
          %parallel_loop3A_254 = tpu.vector_load %run_scoped3A_11[%parallel_loop3A_252, %parallel_loop3A_253] {strides = array<i32>} : memref<64x128xf32, #tpu.memory_space<vmem>>, vector<16xf32>,
          tpu.vector_store %run_scoped3A_11[%parallel_loop3A_252, %parallel_loop3A_253], %parallel_loop3A_251 {strides = array<i32>} : memref<64x128xf32, #tpu.memory_space<vmem>>, vector<16xf32>,
          %parallel_loop3A_255 = arith.index_cast %parallel_loop3A_188 : i32 to index
          %parallel_loop3A_256 = arith.constant 48 : index
          %parallel_loop3A_257 = tpu.vector_load %run_scoped3A_10[%parallel_loop3A_255, %parallel_loop3A_256] {strides = array<i32>} : memref<64x64xi32, #tpu.memory_space<vmem>>, vector<16xi32>,
          %parallel_loop3A_258 = arith.constant 16 : i32
          %parallel_loop3A_259 = vector.broadcast %parallel_loop3A_258 : i32 to vector<16xi32>
          %parallel_loop3A_260 = arith.shli %parallel_loop3A_257, %parallel_loop3A_259 : vector<16xi32>
          %parallel_loop3A_261 = vector.bitcast %parallel_loop3A_260 : vector<16xi32> to vector<16xf32>
          %parallel_loop3A_262 = arith.constant -65536 : i32
          %parallel_loop3A_263 = vector.broadcast %parallel_loop3A_262 : i32 to vector<16xi32>
          %parallel_loop3A_264 = arith.andi %parallel_loop3A_257, %parallel_loop3A_263 : vector<16xi32>
          %parallel_loop3A_265 = vector.bitcast %parallel_loop3A_264 : vector<16xi32> to vector<16xf32>
          %parallel_loop3A_266 = arith.mulf %parallel_loop3A_261, %parallel_loop3A_197 : vector<16xf32>
          %parallel_loop3A_267 = arith.index_cast %parallel_loop3A_188 : i32 to index
          %parallel_loop3A_268 = arith.constant 48 : index
          %parallel_loop3A_269 = tpu.vector_load %run_scoped3A_11[%parallel_loop3A_267, %parallel_loop3A_268] {strides = array<i32>} : memref<64x128xf32, #tpu.memory_space<vmem>>, vector<16xf32>,
          tpu.vector_store %run_scoped3A_11[%parallel_loop3A_267, %parallel_loop3A_268], %parallel_loop3A_266 {strides = array<i32>} : memref<64x128xf32, #tpu.memory_space<vmem>>, vector<16xf32>,
          %parallel_loop3A_270 = arith.mulf %parallel_loop3A_265, %parallel_loop3A_197 : vector<16xf32>
          %parallel_loop3A_271 = arith.index_cast %parallel_loop3A_188 : i32 to index
          %parallel_loop3A_272 = arith.constant 112 : index
          %parallel_loop3A_273 = tpu.vector_load %run_scoped3A_11[%parallel_loop3A_271, %parallel_loop3A_272] {strides = array<i32>} : memref<64x128xf32, #tpu.memory_space<vmem>>, vector<16xf32>,
          tpu.vector_store %run_scoped3A_11[%parallel_loop3A_271, %parallel_loop3A_272], %parallel_loop3A_270 {strides = array<i32>} : memref<64x128xf32, #tpu.memory_space<vmem>>, vector<16xf32>,
        } {sc.loop_unroll_factor = 4 : i64, sc.parallel_access}
        "tpu.region"() ({
          %run_scoped3A_188 = tpu.sem_alloc : memref<!tpu.dma_semaphore, #tpu.memory_space<semaphore_mem>>
          %dma_start3A_189 = arith.constant 0 : i32
          %dma_start3A_190 = tpu.memref_slice %arg12[%add3A_156, %dma_start3A_189] : memref<96x64xi32, #tpu.memory_space<vmem>> -> memref<1x64xi32, #tpu.memory_space<vmem>>
          %dma_start3A_191 = tpu.memref_squeeze %dma_start3A_190 : memref<1x64xi32, #tpu.memory_space<vmem>> -> memref<64xi32, #tpu.memory_space<vmem>>
          %dma_start3A_192 = arith.constant 0 : i32
          %dma_start3A_193 = arith.constant 0 : i32
          %dma_start3A_194 = tpu.memref_slice %arg15[%dma_start3A_192, %dma_start3A_193] : memref<10240x128xf32, #tpu.memory_space<vmem_shared>> -> memref<10240x128xf32, #tpu.memory_space<vmem_shared>>
          tpu.enqueue_indirect_dma source(%run_scoped3A_11 : memref<64x128xf32, #tpu.memory_space<vmem>>) target(%dma_start3A_194 : memref<10240x128xf32, #tpu.memory_space<vmem_shared>>) offsets(%dma_start3A_191 : memref<64xi32, #tpu.memory_space<vmem>>) semaphore(%run_scoped3A_188 : memref<!tpu.dma_semaphore, #tpu.memory_space<semaphore_mem>>) {add = true}
          %dma_wait3A_195 = arith.constant 0 : i32
          %dma_wait3A_196 = tpu.memref_slice %arg12[%add3A_156, %dma_wait3A_195] : memref<96x64xi32, #tpu.memory_space<vmem>> -> memref<1x64xi32, #tpu.memory_space<vmem>>
          %dma_wait3A_197 = tpu.memref_squeeze %dma_wait3A_196 : memref<1x64xi32, #tpu.memory_space<vmem>> -> memref<64xi32, #tpu.memory_space<vmem>>
          %dma_wait3A_198 = arith.constant 0 : i32
          %dma_wait3A_199 = arith.constant 0 : i32
          %dma_wait3A_200 = tpu.memref_slice %arg15[%dma_wait3A_198, %dma_wait3A_199] : memref<10240x128xf32, #tpu.memory_space<vmem_shared>> -> memref<10240x128xf32, #tpu.memory_space<vmem_shared>>
          tpu.wait_indirect_dma semaphore(%run_scoped3A_188 : memref<!tpu.dma_semaphore, #tpu.memory_space<semaphore_mem>>) src(%run_scoped3A_11 : memref<64x128xf32, #tpu.memory_space<vmem>>) dst(%dma_wait3A_200 : memref<10240x128xf32, #tpu.memory_space<vmem_shared>>)
          tpu.yield
        }) : () -> ()
      }
      %while3A_136 = arith.constant 1 : i32
      scf.for %while3A_150 = %while3A_134 to %while3A_130 step %while3A_136  : i32 {
        %mul3A_151 = arith.muli %while3A_150, %while3A_126 : i32
        %add3A_152 = arith.addi %while3A_127, %mul3A_151 : i32
        %mul3A_153 = arith.constant 2 : i32
        %mul3A_154 = arith.muli %mul3A_153, %add3A_152 : i32
        %add3A_155 = arith.constant 1 : i32
        %add3A_156 = arith.addi %mul3A_154, %add3A_155 : i32
        %dma_start3A_157 = arith.constant 0 : i32
        %dma_start3A_158 = tpu.memref_slice %arg11[%add3A_156, %dma_start3A_157] : memref<97x64xi32, #tpu.memory_space<vmem>> -> memref<1x64xi32, #tpu.memory_space<vmem>>
        %dma_start3A_159 = tpu.memref_squeeze %dma_start3A_158 : memref<1x64xi32, #tpu.memory_space<vmem>> -> memref<64xi32, #tpu.memory_space<vmem>>
        %dma_start3A_160 = arith.constant 0 : i32
        %dma_start3A_161 = arith.constant 0 : i32
        %dma_start3A_162 = tpu.memref_slice %arg8[%dma_start3A_160, %dma_start3A_161] : memref<10000x64xi32, #tpu.memory_space<hbm>> -> memref<10000x64xi32, #tpu.memory_space<hbm>>
        tpu.enqueue_indirect_dma source(%dma_start3A_162 : memref<10000x64xi32, #tpu.memory_space<hbm>>) target(%run_scoped3A_10 : memref<64x64xi32, #tpu.memory_space<vmem>>) offsets(%dma_start3A_159 : memref<64xi32, #tpu.memory_space<vmem>>) semaphore(%arg18 : memref<!tpu.dma_semaphore, #tpu.memory_space<semaphore_mem>>)
        %dma_wait3A_163 = arith.constant 0 : i32
        %dma_wait3A_164 = tpu.memref_slice %arg11[%mul3A_154, %dma_wait3A_163] : memref<97x64xi32, #tpu.memory_space<vmem>> -> memref<1x64xi32, #tpu.memory_space<vmem>>
        %dma_wait3A_165 = tpu.memref_squeeze %dma_wait3A_164 : memref<1x64xi32, #tpu.memory_space<vmem>> -> memref<64xi32, #tpu.memory_space<vmem>>
        %dma_wait3A_166 = arith.constant 0 : i32
        %dma_wait3A_167 = arith.constant 0 : i32
        %dma_wait3A_168 = tpu.memref_slice %arg8[%dma_wait3A_166, %dma_wait3A_167] : memref<10000x64xi32, #tpu.memory_space<hbm>> -> memref<10000x64xi32, #tpu.memory_space<hbm>>
        tpu.wait_indirect_dma semaphore(%arg17 : memref<!tpu.dma_semaphore, #tpu.memory_space<semaphore_mem>>) src(%dma_wait3A_168 : memref<10000x64xi32, #tpu.memory_space<hbm>>) dst(%run_scoped3A : memref<64x64xi32, #tpu.memory_space<vmem>>)
        %parallel_loop3A = arith.constant 0 : i32
        %parallel_loop3A_169 = arith.constant 64 : i32
        %parallel_loop3A_170 = arith.constant 1 : i32
        scf.for %parallel_loop3A_188 = %parallel_loop3A to %parallel_loop3A_169 step %parallel_loop3A_170  : i32 {
          %parallel_loop3A_189 = arith.constant 0 : i32
          %parallel_loop3A_190 = vector.broadcast %parallel_loop3A_189 : i32 to vector<16xi32>
          %parallel_loop3A_191 = arith.muli %iota3A, %parallel_loop3A_190 : vector<16xi32>
          %parallel_loop3A_192 = arith.constant 64 : i32
          %parallel_loop3A_193 = arith.muli %mul3A_154, %parallel_loop3A_192 : i32
          %parallel_loop3A_194 = arith.addi %parallel_loop3A_193, %parallel_loop3A_188 : i32
          %parallel_loop3A_195 = vector.broadcast %parallel_loop3A_194 : i32 to vector<16xi32>
          %parallel_loop3A_196 = arith.addi %parallel_loop3A_191, %parallel_loop3A_195 : vector<16xi32>
          %parallel_loop3A_197 = tpu.vector_load_idx %arg14[%parallel_loop3A_196] : memref<6144xf32, #tpu.memory_space<vmem>>[vector<16xi32>], vector<16xf32>,
          %parallel_loop3A_198 = arith.index_cast %parallel_loop3A_188 : i32 to index
          %parallel_loop3A_199 = arith.constant 0 : index
          %parallel_loop3A_200 = tpu.vector_load %run_scoped3A[%parallel_loop3A_198, %parallel_loop3A_199] {strides = array<i32>} : memref<64x64xi32, #tpu.memory_space<vmem>>, vector<16xi32>,
          %parallel_loop3A_201 = arith.constant 16 : i32
          %parallel_loop3A_202 = vector.broadcast %parallel_loop3A_201 : i32 to vector<16xi32>
          %parallel_loop3A_203 = arith.shli %parallel_loop3A_200, %parallel_loop3A_202 : vector<16xi32>
          %parallel_loop3A_204 = vector.bitcast %parallel_loop3A_203 : vector<16xi32> to vector<16xf32>
          %parallel_loop3A_205 = arith.constant -65536 : i32
          %parallel_loop3A_206 = vector.broadcast %parallel_loop3A_205 : i32 to vector<16xi32>
          %parallel_loop3A_207 = arith.andi %parallel_loop3A_200, %parallel_loop3A_206 : vector<16xi32>
          %parallel_loop3A_208 = vector.bitcast %parallel_loop3A_207 : vector<16xi32> to vector<16xf32>
          %parallel_loop3A_209 = arith.mulf %parallel_loop3A_204, %parallel_loop3A_197 : vector<16xf32>
          %parallel_loop3A_210 = arith.index_cast %parallel_loop3A_188 : i32 to index
          %parallel_loop3A_211 = arith.constant 0 : index
          %parallel_loop3A_212 = tpu.vector_load %run_scoped3A_11[%parallel_loop3A_210, %parallel_loop3A_211] {strides = array<i32>} : memref<64x128xf32, #tpu.memory_space<vmem>>, vector<16xf32>,
          tpu.vector_store %run_scoped3A_11[%parallel_loop3A_210, %parallel_loop3A_211], %parallel_loop3A_209 {strides = array<i32>} : memref<64x128xf32, #tpu.memory_space<vmem>>, vector<16xf32>,
          %parallel_loop3A_213 = arith.mulf %parallel_loop3A_208, %parallel_loop3A_197 : vector<16xf32>
          %parallel_loop3A_214 = arith.index_cast %parallel_loop3A_188 : i32 to index
          %parallel_loop3A_215 = arith.constant 64 : index
          %parallel_loop3A_216 = tpu.vector_load %run_scoped3A_11[%parallel_loop3A_214, %parallel_loop3A_215] {strides = array<i32>} : memref<64x128xf32, #tpu.memory_space<vmem>>, vector<16xf32>,
          tpu.vector_store %run_scoped3A_11[%parallel_loop3A_214, %parallel_loop3A_215], %parallel_loop3A_213 {strides = array<i32>} : memref<64x128xf32, #tpu.memory_space<vmem>>, vector<16xf32>,
          %parallel_loop3A_217 = arith.index_cast %parallel_loop3A_188 : i32 to index
          %parallel_loop3A_218 = arith.constant 16 : index
          %parallel_loop3A_219 = tpu.vector_load %run_scoped3A[%parallel_loop3A_217, %parallel_loop3A_218] {strides = array<i32>} : memref<64x64xi32, #tpu.memory_space<vmem>>, vector<16xi32>,
          %parallel_loop3A_220 = arith.constant 16 : i32
          %parallel_loop3A_221 = vector.broadcast %parallel_loop3A_220 : i32 to vector<16xi32>
          %parallel_loop3A_222 = arith.shli %parallel_loop3A_219, %parallel_loop3A_221 : vector<16xi32>
          %parallel_loop3A_223 = vector.bitcast %parallel_loop3A_222 : vector<16xi32> to vector<16xf32>
          %parallel_loop3A_224 = arith.constant -65536 : i32
          %parallel_loop3A_225 = vector.broadcast %parallel_loop3A_224 : i32 to vector<16xi32>
          %parallel_loop3A_226 = arith.andi %parallel_loop3A_219, %parallel_loop3A_225 : vector<16xi32>
          %parallel_loop3A_227 = vector.bitcast %parallel_loop3A_226 : vector<16xi32> to vector<16xf32>
          %parallel_loop3A_228 = arith.mulf %parallel_loop3A_223, %parallel_loop3A_197 : vector<16xf32>
          %parallel_loop3A_229 = arith.index_cast %parallel_loop3A_188 : i32 to index
          %parallel_loop3A_230 = arith.constant 16 : index
          %parallel_loop3A_231 = tpu.vector_load %run_scoped3A_11[%parallel_loop3A_229, %parallel_loop3A_230] {strides = array<i32>} : memref<64x128xf32, #tpu.memory_space<vmem>>, vector<16xf32>,
          tpu.vector_store %run_scoped3A_11[%parallel_loop3A_229, %parallel_loop3A_230], %parallel_loop3A_228 {strides = array<i32>} : memref<64x128xf32, #tpu.memory_space<vmem>>, vector<16xf32>,
          %parallel_loop3A_232 = arith.mulf %parallel_loop3A_227, %parallel_loop3A_197 : vector<16xf32>
          %parallel_loop3A_233 = arith.index_cast %parallel_loop3A_188 : i32 to index
          %parallel_loop3A_234 = arith.constant 80 : index
          %parallel_loop3A_235 = tpu.vector_load %run_scoped3A_11[%parallel_loop3A_233, %parallel_loop3A_234] {strides = array<i32>} : memref<64x128xf32, #tpu.memory_space<vmem>>, vector<16xf32>,
          tpu.vector_store %run_scoped3A_11[%parallel_loop3A_233, %parallel_loop3A_234], %parallel_loop3A_232 {strides = array<i32>} : memref<64x128xf32, #tpu.memory_space<vmem>>, vector<16xf32>,
          %parallel_loop3A_236 = arith.index_cast %parallel_loop3A_188 : i32 to index
          %parallel_loop3A_237 = arith.constant 32 : index
          %parallel_loop3A_238 = tpu.vector_load %run_scoped3A[%parallel_loop3A_236, %parallel_loop3A_237] {strides = array<i32>} : memref<64x64xi32, #tpu.memory_space<vmem>>, vector<16xi32>,
          %parallel_loop3A_239 = arith.constant 16 : i32
          %parallel_loop3A_240 = vector.broadcast %parallel_loop3A_239 : i32 to vector<16xi32>
          %parallel_loop3A_241 = arith.shli %parallel_loop3A_238, %parallel_loop3A_240 : vector<16xi32>
          %parallel_loop3A_242 = vector.bitcast %parallel_loop3A_241 : vector<16xi32> to vector<16xf32>
          %parallel_loop3A_243 = arith.constant -65536 : i32
          %parallel_loop3A_244 = vector.broadcast %parallel_loop3A_243 : i32 to vector<16xi32>
          %parallel_loop3A_245 = arith.andi %parallel_loop3A_238, %parallel_loop3A_244 : vector<16xi32>
          %parallel_loop3A_246 = vector.bitcast %parallel_loop3A_245 : vector<16xi32> to vector<16xf32>
          %parallel_loop3A_247 = arith.mulf %parallel_loop3A_242, %parallel_loop3A_197 : vector<16xf32>
          %parallel_loop3A_248 = arith.index_cast %parallel_loop3A_188 : i32 to index
          %parallel_loop3A_249 = arith.constant 32 : index
          %parallel_loop3A_250 = tpu.vector_load %run_scoped3A_11[%parallel_loop3A_248, %parallel_loop3A_249] {strides = array<i32>} : memref<64x128xf32, #tpu.memory_space<vmem>>, vector<16xf32>,
          tpu.vector_store %run_scoped3A_11[%parallel_loop3A_248, %parallel_loop3A_249], %parallel_loop3A_247 {strides = array<i32>} : memref<64x128xf32, #tpu.memory_space<vmem>>, vector<16xf32>,
          %parallel_loop3A_251 = arith.mulf %parallel_loop3A_246, %parallel_loop3A_197 : vector<16xf32>
          %parallel_loop3A_252 = arith.index_cast %parallel_loop3A_188 : i32 to index
          %parallel_loop3A_253 = arith.constant 96 : index
          %parallel_loop3A_254 = tpu.vector_load %run_scoped3A_11[%parallel_loop3A_252, %parallel_loop3A_253] {strides = array<i32>} : memref<64x128xf32, #tpu.memory_space<vmem>>, vector<16xf32>,
          tpu.vector_store %run_scoped3A_11[%parallel_loop3A_252, %parallel_loop3A_253], %parallel_loop3A_251 {strides = array<i32>} : memref<64x128xf32, #tpu.memory_space<vmem>>, vector<16xf32>,
          %parallel_loop3A_255 = arith.index_cast %parallel_loop3A_188 : i32 to index
          %parallel_loop3A_256 = arith.constant 48 : index
          %parallel_loop3A_257 = tpu.vector_load %run_scoped3A[%parallel_loop3A_255, %parallel_loop3A_256] {strides = array<i32>} : memref<64x64xi32, #tpu.memory_space<vmem>>, vector<16xi32>,
          %parallel_loop3A_258 = arith.constant 16 : i32
          %parallel_loop3A_259 = vector.broadcast %parallel_loop3A_258 : i32 to vector<16xi32>
          %parallel_loop3A_260 = arith.shli %parallel_loop3A_257, %parallel_loop3A_259 : vector<16xi32>
          %parallel_loop3A_261 = vector.bitcast %parallel_loop3A_260 : vector<16xi32> to vector<16xf32>
          %parallel_loop3A_262 = arith.constant -65536 : i32
          %parallel_loop3A_263 = vector.broadcast %parallel_loop3A_262 : i32 to vector<16xi32>
          %parallel_loop3A_264 = arith.andi %parallel_loop3A_257, %parallel_loop3A_263 : vector<16xi32>
          %parallel_loop3A_265 = vector.bitcast %parallel_loop3A_264 : vector<16xi32> to vector<16xf32>
          %parallel_loop3A_266 = arith.mulf %parallel_loop3A_261, %parallel_loop3A_197 : vector<16xf32>
          %parallel_loop3A_267 = arith.index_cast %parallel_loop3A_188 : i32 to index
          %parallel_loop3A_268 = arith.constant 48 : index
          %parallel_loop3A_269 = tpu.vector_load %run_scoped3A_11[%parallel_loop3A_267, %parallel_loop3A_268] {strides = array<i32>} : memref<64x128xf32, #tpu.memory_space<vmem>>, vector<16xf32>,
          tpu.vector_store %run_scoped3A_11[%parallel_loop3A_267, %parallel_loop3A_268], %parallel_loop3A_266 {strides = array<i32>} : memref<64x128xf32, #tpu.memory_space<vmem>>, vector<16xf32>,
          %parallel_loop3A_270 = arith.mulf %parallel_loop3A_265, %parallel_loop3A_197 : vector<16xf32>
          %parallel_loop3A_271 = arith.index_cast %parallel_loop3A_188 : i32 to index
          %parallel_loop3A_272 = arith.constant 112 : index
          %parallel_loop3A_273 = tpu.vector_load %run_scoped3A_11[%parallel_loop3A_271, %parallel_loop3A_272] {strides = array<i32>} : memref<64x128xf32, #tpu.memory_space<vmem>>, vector<16xf32>,
          tpu.vector_store %run_scoped3A_11[%parallel_loop3A_271, %parallel_loop3A_272], %parallel_loop3A_270 {strides = array<i32>} : memref<64x128xf32, #tpu.memory_space<vmem>>, vector<16xf32>,
        } {sc.loop_unroll_factor = 4 : i64, sc.parallel_access}
        "tpu.region"() ({
          %run_scoped3A_188 = tpu.sem_alloc : memref<!tpu.dma_semaphore, #tpu.memory_space<semaphore_mem>>
          %dma_start3A_189 = arith.constant 0 : i32
          %dma_start3A_190 = tpu.memref_slice %arg12[%mul3A_154, %dma_start3A_189] : memref<96x64xi32, #tpu.memory_space<vmem>> -> memref<1x64xi32, #tpu.memory_space<vmem>>
          %dma_start3A_191 = tpu.memref_squeeze %dma_start3A_190 : memref<1x64xi32, #tpu.memory_space<vmem>> -> memref<64xi32, #tpu.memory_space<vmem>>
          %dma_start3A_192 = arith.constant 0 : i32
          %dma_start3A_193 = arith.constant 0 : i32
          %dma_start3A_194 = tpu.memref_slice %arg15[%dma_start3A_192, %dma_start3A_193] : memref<10240x128xf32, #tpu.memory_space<vmem_shared>> -> memref<10240x128xf32, #tpu.memory_space<vmem_shared>>
          tpu.enqueue_indirect_dma source(%run_scoped3A_11 : memref<64x128xf32, #tpu.memory_space<vmem>>) target(%dma_start3A_194 : memref<10240x128xf32, #tpu.memory_space<vmem_shared>>) offsets(%dma_start3A_191 : memref<64xi32, #tpu.memory_space<vmem>>) semaphore(%run_scoped3A_188 : memref<!tpu.dma_semaphore, #tpu.memory_space<semaphore_mem>>) {add = true}
          %dma_wait3A_195 = arith.constant 0 : i32
          %dma_wait3A_196 = tpu.memref_slice %arg12[%mul3A_154, %dma_wait3A_195] : memref<96x64xi32, #tpu.memory_space<vmem>> -> memref<1x64xi32, #tpu.memory_space<vmem>>
          %dma_wait3A_197 = tpu.memref_squeeze %dma_wait3A_196 : memref<1x64xi32, #tpu.memory_space<vmem>> -> memref<64xi32, #tpu.memory_space<vmem>>
          %dma_wait3A_198 = arith.constant 0 : i32
          %dma_wait3A_199 = arith.constant 0 : i32
          %dma_wait3A_200 = tpu.memref_slice %arg15[%dma_wait3A_198, %dma_wait3A_199] : memref<10240x128xf32, #tpu.memory_space<vmem_shared>> -> memref<10240x128xf32, #tpu.memory_space<vmem_shared>>
          tpu.wait_indirect_dma semaphore(%run_scoped3A_188 : memref<!tpu.dma_semaphore, #tpu.memory_space<semaphore_mem>>) src(%run_scoped3A_11 : memref<64x128xf32, #tpu.memory_space<vmem>>) dst(%dma_wait3A_200 : memref<10240x128xf32, #tpu.memory_space<vmem_shared>>)
          tpu.yield
        }) : () -> ()
        %add3A_171 = arith.constant 2 : i32
        %add3A_172 = arith.addi %mul3A_154, %add3A_171 : i32
        %dma_start3A_173 = arith.constant 0 : i32
        %dma_start3A_174 = tpu.memref_slice %arg11[%add3A_172, %dma_start3A_173] : memref<97x64xi32, #tpu.memory_space<vmem>> -> memref<1x64xi32, #tpu.memory_space<vmem>>
        %dma_start3A_175 = tpu.memref_squeeze %dma_start3A_174 : memref<1x64xi32, #tpu.memory_space<vmem>> -> memref<64xi32, #tpu.memory_space<vmem>>
        %dma_start3A_176 = arith.constant 0 : i32
        %dma_start3A_177 = arith.constant 0 : i32
        %dma_start3A_178 = tpu.memref_slice %arg8[%dma_start3A_176, %dma_start3A_177] : memref<10000x64xi32, #tpu.memory_space<hbm>> -> memref<10000x64xi32, #tpu.memory_space<hbm>>
        tpu.enqueue_indirect_dma source(%dma_start3A_178 : memref<10000x64xi32, #tpu.memory_space<hbm>>) target(%run_scoped3A : memref<64x64xi32, #tpu.memory_space<vmem>>) offsets(%dma_start3A_175 : memref<64xi32, #tpu.memory_space<vmem>>) semaphore(%arg17 : memref<!tpu.dma_semaphore, #tpu.memory_space<semaphore_mem>>)
        %dma_wait3A_179 = arith.constant 0 : i32
        %dma_wait3A_180 = tpu.memref_slice %arg11[%add3A_156, %dma_wait3A_179] : memref<97x64xi32, #tpu.memory_space<vmem>> -> memref<1x64xi32, #tpu.memory_space<vmem>>
        %dma_wait3A_181 = tpu.memref_squeeze %dma_wait3A_180 : memref<1x64xi32, #tpu.memory_space<vmem>> -> memref<64xi32, #tpu.memory_space<vmem>>
        %dma_wait3A_182 = arith.constant 0 : i32
        %dma_wait3A_183 = arith.constant 0 : i32
        %dma_wait3A_184 = tpu.memref_slice %arg8[%dma_wait3A_182, %dma_wait3A_183] : memref<10000x64xi32, #tpu.memory_space<hbm>> -> memref<10000x64xi32, #tpu.memory_space<hbm>>
        tpu.wait_indirect_dma semaphore(%arg18 : memref<!tpu.dma_semaphore, #tpu.memory_space<semaphore_mem>>) src(%dma_wait3A_184 : memref<10000x64xi32, #tpu.memory_space<hbm>>) dst(%run_scoped3A_10 : memref<64x64xi32, #tpu.memory_space<vmem>>)
        %parallel_loop3A_185 = arith.constant 0 : i32
        %parallel_loop3A_186 = arith.constant 64 : i32
        %parallel_loop3A_187 = arith.constant 1 : i32
        scf.for %parallel_loop3A_188 = %parallel_loop3A_185 to %parallel_loop3A_186 step %parallel_loop3A_187  : i32 {
          %parallel_loop3A_189 = arith.constant 0 : i32
          %parallel_loop3A_190 = vector.broadcast %parallel_loop3A_189 : i32 to vector<16xi32>
          %parallel_loop3A_191 = arith.muli %iota3A, %parallel_loop3A_190 : vector<16xi32>
          %parallel_loop3A_192 = arith.constant 64 : i32
          %parallel_loop3A_193 = arith.muli %add3A_156, %parallel_loop3A_192 : i32
          %parallel_loop3A_194 = arith.addi %parallel_loop3A_193, %parallel_loop3A_188 : i32
          %parallel_loop3A_195 = vector.broadcast %parallel_loop3A_194 : i32 to vector<16xi32>
          %parallel_loop3A_196 = arith.addi %parallel_loop3A_191, %parallel_loop3A_195 : vector<16xi32>
          %parallel_loop3A_197 = tpu.vector_load_idx %arg14[%parallel_loop3A_196] : memref<6144xf32, #tpu.memory_space<vmem>>[vector<16xi32>], vector<16xf32>,
          %parallel_loop3A_198 = arith.index_cast %parallel_loop3A_188 : i32 to index
          %parallel_loop3A_199 = arith.constant 0 : index
          %parallel_loop3A_200 = tpu.vector_load %run_scoped3A_10[%parallel_loop3A_198, %parallel_loop3A_199] {strides = array<i32>} : memref<64x64xi32, #tpu.memory_space<vmem>>, vector<16xi32>,
          %parallel_loop3A_201 = arith.constant 16 : i32
          %parallel_loop3A_202 = vector.broadcast %parallel_loop3A_201 : i32 to vector<16xi32>
          %parallel_loop3A_203 = arith.shli %parallel_loop3A_200, %parallel_loop3A_202 : vector<16xi32>
          %parallel_loop3A_204 = vector.bitcast %parallel_loop3A_203 : vector<16xi32> to vector<16xf32>
          %parallel_loop3A_205 = arith.constant -65536 : i32
          %parallel_loop3A_206 = vector.broadcast %parallel_loop3A_205 : i32 to vector<16xi32>
          %parallel_loop3A_207 = arith.andi %parallel_loop3A_200, %parallel_loop3A_206 : vector<16xi32>
          %parallel_loop3A_208 = vector.bitcast %parallel_loop3A_207 : vector<16xi32> to vector<16xf32>
          %parallel_loop3A_209 = arith.mulf %parallel_loop3A_204, %parallel_loop3A_197 : vector<16xf32>
          %parallel_loop3A_210 = arith.index_cast %parallel_loop3A_188 : i32 to index
          %parallel_loop3A_211 = arith.constant 0 : index
          %parallel_loop3A_212 = tpu.vector_load %run_scoped3A_11[%parallel_loop3A_210, %parallel_loop3A_211] {strides = array<i32>} : memref<64x128xf32, #tpu.memory_space<vmem>>, vector<16xf32>,
          tpu.vector_store %run_scoped3A_11[%parallel_loop3A_210, %parallel_loop3A_211], %parallel_loop3A_209 {strides = array<i32>} : memref<64x128xf32, #tpu.memory_space<vmem>>, vector<16xf32>,
          %parallel_loop3A_213 = arith.mulf %parallel_loop3A_208, %parallel_loop3A_197 : vector<16xf32>
          %parallel_loop3A_214 = arith.index_cast %parallel_loop3A_188 : i32 to index
          %parallel_loop3A_215 = arith.constant 64 : index
          %parallel_loop3A_216 = tpu.vector_load %run_scoped3A_11[%parallel_loop3A_214, %parallel_loop3A_215] {strides = array<i32>} : memref<64x128xf32, #tpu.memory_space<vmem>>, vector<16xf32>,
          tpu.vector_store %run_scoped3A_11[%parallel_loop3A_214, %parallel_loop3A_215], %parallel_loop3A_213 {strides = array<i32>} : memref<64x128xf32, #tpu.memory_space<vmem>>, vector<16xf32>,
          %parallel_loop3A_217 = arith.index_cast %parallel_loop3A_188 : i32 to index
          %parallel_loop3A_218 = arith.constant 16 : index
          %parallel_loop3A_219 = tpu.vector_load %run_scoped3A_10[%parallel_loop3A_217, %parallel_loop3A_218] {strides = array<i32>} : memref<64x64xi32, #tpu.memory_space<vmem>>, vector<16xi32>,
          %parallel_loop3A_220 = arith.constant 16 : i32
          %parallel_loop3A_221 = vector.broadcast %parallel_loop3A_220 : i32 to vector<16xi32>
          %parallel_loop3A_222 = arith.shli %parallel_loop3A_219, %parallel_loop3A_221 : vector<16xi32>
          %parallel_loop3A_223 = vector.bitcast %parallel_loop3A_222 : vector<16xi32> to vector<16xf32>
          %parallel_loop3A_224 = arith.constant -65536 : i32
          %parallel_loop3A_225 = vector.broadcast %parallel_loop3A_224 : i32 to vector<16xi32>
          %parallel_loop3A_226 = arith.andi %parallel_loop3A_219, %parallel_loop3A_225 : vector<16xi32>
          %parallel_loop3A_227 = vector.bitcast %parallel_loop3A_226 : vector<16xi32> to vector<16xf32>
          %parallel_loop3A_228 = arith.mulf %parallel_loop3A_223, %parallel_loop3A_197 : vector<16xf32>
          %parallel_loop3A_229 = arith.index_cast %parallel_loop3A_188 : i32 to index
          %parallel_loop3A_230 = arith.constant 16 : index
          %parallel_loop3A_231 = tpu.vector_load %run_scoped3A_11[%parallel_loop3A_229, %parallel_loop3A_230] {strides = array<i32>} : memref<64x128xf32, #tpu.memory_space<vmem>>, vector<16xf32>,
          tpu.vector_store %run_scoped3A_11[%parallel_loop3A_229, %parallel_loop3A_230], %parallel_loop3A_228 {strides = array<i32>} : memref<64x128xf32, #tpu.memory_space<vmem>>, vector<16xf32>,
          %parallel_loop3A_232 = arith.mulf %parallel_loop3A_227, %parallel_loop3A_197 : vector<16xf32>
          %parallel_loop3A_233 = arith.index_cast %parallel_loop3A_188 : i32 to index
          %parallel_loop3A_234 = arith.constant 80 : index
          %parallel_loop3A_235 = tpu.vector_load %run_scoped3A_11[%parallel_loop3A_233, %parallel_loop3A_234] {strides = array<i32>} : memref<64x128xf32, #tpu.memory_space<vmem>>, vector<16xf32>,
          tpu.vector_store %run_scoped3A_11[%parallel_loop3A_233, %parallel_loop3A_234], %parallel_loop3A_232 {strides = array<i32>} : memref<64x128xf32, #tpu.memory_space<vmem>>, vector<16xf32>,
          %parallel_loop3A_236 = arith.index_cast %parallel_loop3A_188 : i32 to index
          %parallel_loop3A_237 = arith.constant 32 : index
          %parallel_loop3A_238 = tpu.vector_load %run_scoped3A_10[%parallel_loop3A_236, %parallel_loop3A_237] {strides = array<i32>} : memref<64x64xi32, #tpu.memory_space<vmem>>, vector<16xi32>,
          %parallel_loop3A_239 = arith.constant 16 : i32
          %parallel_loop3A_240 = vector.broadcast %parallel_loop3A_239 : i32 to vector<16xi32>
          %parallel_loop3A_241 = arith.shli %parallel_loop3A_238, %parallel_loop3A_240 : vector<16xi32>
          %parallel_loop3A_242 = vector.bitcast %parallel_loop3A_241 : vector<16xi32> to vector<16xf32>
          %parallel_loop3A_243 = arith.constant -65536 : i32
          %parallel_loop3A_244 = vector.broadcast %parallel_loop3A_243 : i32 to vector<16xi32>
          %parallel_loop3A_245 = arith.andi %parallel_loop3A_238, %parallel_loop3A_244 : vector<16xi32>
          %parallel_loop3A_246 = vector.bitcast %parallel_loop3A_245 : vector<16xi32> to vector<16xf32>
          %parallel_loop3A_247 = arith.mulf %parallel_loop3A_242, %parallel_loop3A_197 : vector<16xf32>
          %parallel_loop3A_248 = arith.index_cast %parallel_loop3A_188 : i32 to index
          %parallel_loop3A_249 = arith.constant 32 : index
          %parallel_loop3A_250 = tpu.vector_load %run_scoped3A_11[%parallel_loop3A_248, %parallel_loop3A_249] {strides = array<i32>} : memref<64x128xf32, #tpu.memory_space<vmem>>, vector<16xf32>,
          tpu.vector_store %run_scoped3A_11[%parallel_loop3A_248, %parallel_loop3A_249], %parallel_loop3A_247 {strides = array<i32>} : memref<64x128xf32, #tpu.memory_space<vmem>>, vector<16xf32>,
          %parallel_loop3A_251 = arith.mulf %parallel_loop3A_246, %parallel_loop3A_197 : vector<16xf32>
          %parallel_loop3A_252 = arith.index_cast %parallel_loop3A_188 : i32 to index
          %parallel_loop3A_253 = arith.constant 96 : index
          %parallel_loop3A_254 = tpu.vector_load %run_scoped3A_11[%parallel_loop3A_252, %parallel_loop3A_253] {strides = array<i32>} : memref<64x128xf32, #tpu.memory_space<vmem>>, vector<16xf32>,
          tpu.vector_store %run_scoped3A_11[%parallel_loop3A_252, %parallel_loop3A_253], %parallel_loop3A_251 {strides = array<i32>} : memref<64x128xf32, #tpu.memory_space<vmem>>, vector<16xf32>,
          %parallel_loop3A_255 = arith.index_cast %parallel_loop3A_188 : i32 to index
          %parallel_loop3A_256 = arith.constant 48 : index
          %parallel_loop3A_257 = tpu.vector_load %run_scoped3A_10[%parallel_loop3A_255, %parallel_loop3A_256] {strides = array<i32>} : memref<64x64xi32, #tpu.memory_space<vmem>>, vector<16xi32>,
          %parallel_loop3A_258 = arith.constant 16 : i32
          %parallel_loop3A_259 = vector.broadcast %parallel_loop3A_258 : i32 to vector<16xi32>
          %parallel_loop3A_260 = arith.shli %parallel_loop3A_257, %parallel_loop3A_259 : vector<16xi32>
          %parallel_loop3A_261 = vector.bitcast %parallel_loop3A_260 : vector<16xi32> to vector<16xf32>
          %parallel_loop3A_262 = arith.constant -65536 : i32
          %parallel_loop3A_263 = vector.broadcast %parallel_loop3A_262 : i32 to vector<16xi32>
          %parallel_loop3A_264 = arith.andi %parallel_loop3A_257, %parallel_loop3A_263 : vector<16xi32>
          %parallel_loop3A_265 = vector.bitcast %parallel_loop3A_264 : vector<16xi32> to vector<16xf32>
          %parallel_loop3A_266 = arith.mulf %parallel_loop3A_261, %parallel_loop3A_197 : vector<16xf32>
          %parallel_loop3A_267 = arith.index_cast %parallel_loop3A_188 : i32 to index
          %parallel_loop3A_268 = arith.constant 48 : index
          %parallel_loop3A_269 = tpu.vector_load %run_scoped3A_11[%parallel_loop3A_267, %parallel_loop3A_268] {strides = array<i32>} : memref<64x128xf32, #tpu.memory_space<vmem>>, vector<16xf32>,
          tpu.vector_store %run_scoped3A_11[%parallel_loop3A_267, %parallel_loop3A_268], %parallel_loop3A_266 {strides = array<i32>} : memref<64x128xf32, #tpu.memory_space<vmem>>, vector<16xf32>,
          %parallel_loop3A_270 = arith.mulf %parallel_loop3A_265, %parallel_loop3A_197 : vector<16xf32>
          %parallel_loop3A_271 = arith.index_cast %parallel_loop3A_188 : i32 to index
          %parallel_loop3A_272 = arith.constant 112 : index
          %parallel_loop3A_273 = tpu.vector_load %run_scoped3A_11[%parallel_loop3A_271, %parallel_loop3A_272] {strides = array<i32>} : memref<64x128xf32, #tpu.memory_space<vmem>>, vector<16xf32>,
          tpu.vector_store %run_scoped3A_11[%parallel_loop3A_271, %parallel_loop3A_272], %parallel_loop3A_270 {strides = array<i32>} : memref<64x128xf32, #tpu.memory_space<vmem>>, vector<16xf32>,
        } {sc.loop_unroll_factor = 4 : i64, sc.parallel_access}
        "tpu.region"() ({
          %run_scoped3A_188 = tpu.sem_alloc : memref<!tpu.dma_semaphore, #tpu.memory_space<semaphore_mem>>
          %dma_start3A_189 = arith.constant 0 : i32
          %dma_start3A_190 = tpu.memref_slice %arg12[%add3A_156, %dma_start3A_189] : memref<96x64xi32, #tpu.memory_space<vmem>> -> memref<1x64xi32, #tpu.memory_space<vmem>>
          %dma_start3A_191 = tpu.memref_squeeze %dma_start3A_190 : memref<1x64xi32, #tpu.memory_space<vmem>> -> memref<64xi32, #tpu.memory_space<vmem>>
          %dma_start3A_192 = arith.constant 0 : i32
          %dma_start3A_193 = arith.constant 0 : i32
          %dma_start3A_194 = tpu.memref_slice %arg15[%dma_start3A_192, %dma_start3A_193] : memref<10240x128xf32, #tpu.memory_space<vmem_shared>> -> memref<10240x128xf32, #tpu.memory_space<vmem_shared>>
          tpu.enqueue_indirect_dma source(%run_scoped3A_11 : memref<64x128xf32, #tpu.memory_space<vmem>>) target(%dma_start3A_194 : memref<10240x128xf32, #tpu.memory_space<vmem_shared>>) offsets(%dma_start3A_191 : memref<64xi32, #tpu.memory_space<vmem>>) semaphore(%run_scoped3A_188 : memref<!tpu.dma_semaphore, #tpu.memory_space<semaphore_mem>>) {add = true}
          %dma_wait3A_195 = arith.constant 0 : i32
          %dma_wait3A_196 = tpu.memref_slice %arg12[%add3A_156, %dma_wait3A_195] : memref<96x64xi32, #tpu.memory_space<vmem>> -> memref<1x64xi32, #tpu.memory_space<vmem>>
          %dma_wait3A_197 = tpu.memref_squeeze %dma_wait3A_196 : memref<1x64xi32, #tpu.memory_space<vmem>> -> memref<64xi32, #tpu.memory_space<vmem>>
          %dma_wait3A_198 = arith.constant 0 : i32
          %dma_wait3A_199 = arith.constant 0 : i32
          %dma_wait3A_200 = tpu.memref_slice %arg15[%dma_wait3A_198, %dma_wait3A_199] : memref<10240x128xf32, #tpu.memory_space<vmem_shared>> -> memref<10240x128xf32, #tpu.memory_space<vmem_shared>>
          tpu.wait_indirect_dma semaphore(%run_scoped3A_188 : memref<!tpu.dma_semaphore, #tpu.memory_space<semaphore_mem>>) src(%run_scoped3A_11 : memref<64x128xf32, #tpu.memory_space<vmem>>) dst(%dma_wait3A_200 : memref<10240x128xf32, #tpu.memory_space<vmem_shared>>)
          tpu.yield
        }) : () -> ()
      }
      %dma_wait3A_137 = arith.constant 0 : i32
      %dma_wait3A_138 = tpu.memref_slice %arg11[%select_n3A, %dma_wait3A_137] : memref<97x64xi32, #tpu.memory_space<vmem>> -> memref<1x64xi32, #tpu.memory_space<vmem>>
      %dma_wait3A_139 = tpu.memref_squeeze %dma_wait3A_138 : memref<1x64xi32, #tpu.memory_space<vmem>> -> memref<64xi32, #tpu.memory_space<vmem>>
      %dma_wait3A_140 = arith.constant 0 : i32
      %dma_wait3A_141 = arith.constant 0 : i32
      %dma_wait3A_142 = tpu.memref_slice %arg8[%dma_wait3A_140, %dma_wait3A_141] : memref<10000x64xi32, #tpu.memory_space<hbm>> -> memref<10000x64xi32, #tpu.memory_space<hbm>>
      tpu.wait_indirect_dma semaphore(%arg17 : memref<!tpu.dma_semaphore, #tpu.memory_space<semaphore_mem>>) src(%dma_wait3A_142 : memref<10000x64xi32, #tpu.memory_space<hbm>>) dst(%run_scoped3A : memref<64x64xi32, #tpu.memory_space<vmem>>)
      %barrier3A_143 = arith.constant 0 : index
      tpu.barrier barrier_id(%barrier3A_143)
      %scan3A_144 = arith.constant 0 : i32
      %scan3A_145 = arith.constant 10 : i32
      %scan3A_146 = arith.addi %scan3A_144, %scan3A_145 : i32
      %scan3A_147 = arith.constant 1 : i32
      scf.for %scan3A_150 = %scan3A_144 to %scan3A_146 step %scan3A_147  : i32 {
        %mul3A_151 = arith.constant 1 : i32
        %mul3A_152 = arith.muli %scan3A_150, %mul3A_151 : i32
        %add3A_153 = arith.constant 0 : i32
        %add3A_154 = arith.addi %add3A_153, %mul3A_152 : i32
        %mul3A_155 = arith.constant 640 : i32
        %mul3A_156 = arith.muli %arg1, %mul3A_155 : i32
        %mul3A_157 = arith.constant 64 : i32
        %mul3A_158 = arith.muli %add3A_154, %mul3A_157 : i32
        %add3A_159 = arith.addi %mul3A_156, %mul3A_158 : i32
        %run_scoped3A_160 = arith.constant 1 : i32
        "tpu.region"() ({
          %run_scoped3A_161 = tpu.sem_alloc : memref<!tpu.dma_semaphore, #tpu.memory_space<semaphore_mem>>
          %dma_start3A_162 = arith.constant 0 : i32
          %dma_start3A_163 = tpu.memref_slice %arg9[%arg0, %run_scoped3A_160, %add3A_159, %dma_start3A_162] : memref<2x2x10240x128xf32, #tpu.memory_space<hbm>> -> memref<1x1x64x128xf32, #tpu.memory_space<hbm>>
          %dma_start3A_164 = tpu.memref_squeeze %dma_start3A_163 : memref<1x1x64x128xf32, #tpu.memory_space<hbm>> -> memref<64x128xf32, #tpu.memory_space<hbm>>
          %dma_start3A_165 = arith.constant 0 : i32
          %dma_start3A_166 = tpu.memref_slice %arg15[%add3A_159, %dma_start3A_165] : memref<10240x128xf32, #tpu.memory_space<vmem_shared>> -> memref<64x128xf32, #tpu.memory_space<vmem_shared>>
          tpu.enqueue_dma source(%dma_start3A_166 : memref<64x128xf32, #tpu.memory_space<vmem_shared>>) target(%dma_start3A_164 : memref<64x128xf32, #tpu.memory_space<hbm>>) target_semaphore(%run_scoped3A_161 : memref<!tpu.dma_semaphore, #tpu.memory_space<semaphore_mem>>)
          %dma_wait3A_167 = arith.constant 0 : i32
          %dma_wait3A_168 = tpu.memref_slice %arg9[%arg0, %run_scoped3A_160, %add3A_159, %dma_wait3A_167] : memref<2x2x10240x128xf32, #tpu.memory_space<hbm>> -> memref<1x1x64x128xf32, #tpu.memory_space<hbm>>
          %dma_wait3A_169 = tpu.memref_squeeze %dma_wait3A_168 : memref<1x1x64x128xf32, #tpu.memory_space<hbm>> -> memref<64x128xf32, #tpu.memory_space<hbm>>
          %dma_wait3A_170 = arith.constant 0 : i32
          %dma_wait3A_171 = tpu.memref_slice %arg15[%add3A_159, %dma_wait3A_170] : memref<10240x128xf32, #tpu.memory_space<vmem_shared>> -> memref<64x128xf32, #tpu.memory_space<vmem_shared>>
          tpu.wait_dma2 semaphore(%run_scoped3A_161 : memref<!tpu.dma_semaphore, #tpu.memory_space<semaphore_mem>>) src(%dma_wait3A_171 : memref<64x128xf32, #tpu.memory_space<vmem_shared>>) dst(%dma_wait3A_169 : memref<64x128xf32, #tpu.memory_space<hbm>>)
          tpu.yield
        }) : () -> ()
      }
      %scan3A_148 = arith.constant 10 : i32
      %barrier3A_149 = arith.constant 0 : index
      tpu.barrier barrier_id(%barrier3A_149)
      tpu.yield
    }) : () -> ()
    return
  }
}

module attributes {stable_mosaic.version = 14 : i64} {
  func.func @_mm_body(%arg0: i32, %arg1: memref<2000x512xf32, #tpu.memory_space<vmem>>, %arg2: memref<256x512xf32, #tpu.memory_space<vmem>>, %arg3: memref<1x256xf32, #tpu.memory_space<vmem>>, %arg4: memref<256x256xf32, #tpu.memory_space<vmem>>, %arg5: memref<1x256xf32, #tpu.memory_space<vmem>>, %arg6: memref<1x256xf32, #tpu.memory_space<vmem>>, %arg7: memref<2000x128xf32, #tpu.memory_space<vmem>>, %arg8: memref<2000x128xf32, #tpu.memory_space<vmem>>, %arg9: memref<2000x64xi32, #tpu.memory_space<vmem>>, %arg10: memref<2000x64xi32, #tpu.memory_space<vmem>>, %arg11: memref<2000x1xf32, #tpu.memory_space<vmem>>, %arg12: memref<2000x1xf32, #tpu.memory_space<vmem>>, %arg13: memref<1x2xf32, #tpu.memory_space<vmem>>) attributes {dimension_semantics = [#tpu.dimension_semantics<arbitrary>], iteration_bounds = array<i64: 5>, scalar_prefetch = 0 : i64, scratch_operands = 0 : i64, tpu.core_type = #tpu.core_type<tc>, window_params = [{transform_indices = @transform_0, window_bounds = array<i64: 2000, 512>}, {pipeline_mode = #tpu.pipeline_mode<synchronous>, transform_indices = @transform_1, window_bounds = array<i64: 256, 512>}, {pipeline_mode = #tpu.pipeline_mode<synchronous>, transform_indices = @transform_2, window_bounds = array<i64: 1, 256>}, {pipeline_mode = #tpu.pipeline_mode<synchronous>, transform_indices = @transform_3, window_bounds = array<i64: 256, 256>}, {pipeline_mode = #tpu.pipeline_mode<synchronous>, transform_indices = @transform_4, window_bounds = array<i64: 1, 256>}, {pipeline_mode = #tpu.pipeline_mode<synchronous>, transform_indices = @transform_5, window_bounds = array<i64: 1, 256>}, {transform_indices = @transform_6, window_bounds = array<i64: 2000, 128>}, {transform_indices = @transform_7, window_bounds = array<i64: 2000, 128>}, {transform_indices = @transform_8, window_bounds = array<i64: 2000, 64>}, {transform_indices = @transform_9, window_bounds = array<i64: 2000, 64>}, {transform_indices = @transform_10, window_bounds = array<i64: 2000, 1>}, {transform_indices = @transform_11, window_bounds = array<i64: 2000, 1>}, {pipeline_mode = #tpu.pipeline_mode<synchronous>, transform_indices = @transform_12, window_bounds = array<i64: 1, 2>}]} {
    %get3A = arith.constant 0 : index
    %get3A_0 = arith.constant 0 : index
    %get3A_1 = vector.load %arg1[%get3A, %get3A_0] : memref<2000x512xf32, #tpu.memory_space<vmem>>, vector<2000x512xf32>
    %get3A_2 = arith.constant 0 : index
    %get3A_3 = arith.constant 0 : index
    %get3A_4 = vector.load %arg2[%get3A_2, %get3A_3] : memref<256x512xf32, #tpu.memory_space<vmem>>, vector<256x512xf32>
    %convert_element_type3A = arith.truncf %get3A_1 : vector<2000x512xf32> to vector<2000x512xbf16>
    %convert_element_type3A_5 = arith.extf %convert_element_type3A : vector<2000x512xbf16> to vector<2000x512xf32>
    %sub3A = arith.subf %get3A_1, %convert_element_type3A_5 : vector<2000x512xf32>
    %convert_element_type3A_6 = arith.truncf %sub3A : vector<2000x512xf32> to vector<2000x512xbf16>
    %convert_element_type3A_7 = arith.truncf %get3A_4 : vector<256x512xf32> to vector<256x512xbf16>
    %convert_element_type3A_8 = arith.extf %convert_element_type3A_7 : vector<256x512xbf16> to vector<256x512xf32>
    %sub3A_9 = arith.subf %get3A_4, %convert_element_type3A_8 : vector<256x512xf32>
    %convert_element_type3A_10 = arith.truncf %sub3A_9 : vector<256x512xf32> to vector<256x512xbf16>
    %dot_general3A = arith.constant dense<0.000000e+00> : vector<2000x256xf32>
    %dot_general3A_11 = tpu.matmul %convert_element_type3A, %convert_element_type3A_7, %dot_general3A {dimension_numbers = #tpu.dot_dimension_numbers<[1], [1], [0], [0], [0, 0, 1, 0], [], []>, transpose_lhs_hint = false} : vector<2000x512xbf16>, vector<256x512xbf16>, vector<2000x256xf32> -> vector<2000x256xf32>
    %dot_general3A_12 = arith.constant dense<0.000000e+00> : vector<2000x256xf32>
    %dot_general3A_13 = tpu.matmul %convert_element_type3A_6, %convert_element_type3A_7, %dot_general3A_12 {dimension_numbers = #tpu.dot_dimension_numbers<[1], [1], [0], [0], [0, 0, 1, 0], [], []>, transpose_lhs_hint = false} : vector<2000x512xbf16>, vector<256x512xbf16>, vector<2000x256xf32> -> vector<2000x256xf32>
    %add3A = arith.addf %dot_general3A_11, %dot_general3A_13 : vector<2000x256xf32>
    %dot_general3A_14 = arith.constant dense<0.000000e+00> : vector<2000x256xf32>
    %dot_general3A_15 = tpu.matmul %convert_element_type3A, %convert_element_type3A_10, %dot_general3A_14 {dimension_numbers = #tpu.dot_dimension_numbers<[1], [1], [0], [0], [0, 0, 1, 0], [], []>, transpose_lhs_hint = false} : vector<2000x512xbf16>, vector<256x512xbf16>, vector<2000x256xf32> -> vector<2000x256xf32>
    %add3A_16 = arith.addf %add3A, %dot_general3A_15 : vector<2000x256xf32>
    %get3A_17 = arith.constant 0 : index
    %get3A_18 = arith.constant 0 : index
    %get3A_19 = vector.load %arg3[%get3A_17, %get3A_18] : memref<1x256xf32, #tpu.memory_space<vmem>>, vector<1x256xf32>
    %add3A_20 = vector.broadcast %get3A_19 : vector<1x256xf32> to vector<2000x256xf32>
    %add3A_21 = arith.addf %add3A_16, %add3A_20 : vector<2000x256xf32>
    %get3A_22 = arith.constant 0 : index
    %get3A_23 = arith.constant 0 : index
    %get3A_24 = vector.load %arg4[%get3A_22, %get3A_23] : memref<256x256xf32, #tpu.memory_space<vmem>>, vector<256x256xf32>
    %convert_element_type3A_25 = arith.truncf %add3A_21 : vector<2000x256xf32> to vector<2000x256xbf16>
    %convert_element_type3A_26 = arith.extf %convert_element_type3A_25 : vector<2000x256xbf16> to vector<2000x256xf32>
    %sub3A_27 = arith.subf %add3A_21, %convert_element_type3A_26 : vector<2000x256xf32>
    %convert_element_type3A_28 = arith.truncf %sub3A_27 : vector<2000x256xf32> to vector<2000x256xbf16>
    %convert_element_type3A_29 = arith.truncf %get3A_24 : vector<256x256xf32> to vector<256x256xbf16>
    %convert_element_type3A_30 = arith.extf %convert_element_type3A_29 : vector<256x256xbf16> to vector<256x256xf32>
    %sub3A_31 = arith.subf %get3A_24, %convert_element_type3A_30 : vector<256x256xf32>
    %convert_element_type3A_32 = arith.truncf %sub3A_31 : vector<256x256xf32> to vector<256x256xbf16>
    %dot_general3A_33 = arith.constant dense<0.000000e+00> : vector<2000x256xf32>
    %dot_general3A_34 = tpu.matmul %convert_element_type3A_25, %convert_element_type3A_29, %dot_general3A_33 {dimension_numbers = #tpu.dot_dimension_numbers<[1], [1], [0], [0], [0, 0, 1, 0], [], []>, transpose_lhs_hint = false} : vector<2000x256xbf16>, vector<256x256xbf16>, vector<2000x256xf32> -> vector<2000x256xf32>
    %dot_general3A_35 = arith.constant dense<0.000000e+00> : vector<2000x256xf32>
    %dot_general3A_36 = tpu.matmul %convert_element_type3A_28, %convert_element_type3A_29, %dot_general3A_35 {dimension_numbers = #tpu.dot_dimension_numbers<[1], [1], [0], [0], [0, 0, 1, 0], [], []>, transpose_lhs_hint = false} : vector<2000x256xbf16>, vector<256x256xbf16>, vector<2000x256xf32> -> vector<2000x256xf32>
    %add3A_37 = arith.addf %dot_general3A_34, %dot_general3A_36 : vector<2000x256xf32>
    %dot_general3A_38 = arith.constant dense<0.000000e+00> : vector<2000x256xf32>
    %dot_general3A_39 = tpu.matmul %convert_element_type3A_25, %convert_element_type3A_32, %dot_general3A_38 {dimension_numbers = #tpu.dot_dimension_numbers<[1], [1], [0], [0], [0, 0, 1, 0], [], []>, transpose_lhs_hint = false} : vector<2000x256xbf16>, vector<256x256xbf16>, vector<2000x256xf32> -> vector<2000x256xf32>
    %add3A_40 = arith.addf %add3A_37, %dot_general3A_39 : vector<2000x256xf32>
    %get3A_41 = arith.constant 0 : index
    %get3A_42 = arith.constant 0 : index
    %get3A_43 = vector.load %arg5[%get3A_41, %get3A_42] : memref<1x256xf32, #tpu.memory_space<vmem>>, vector<1x256xf32>
    %mul3A = vector.broadcast %get3A_43 : vector<1x256xf32> to vector<2000x256xf32>
    %mul3A_44 = arith.mulf %add3A_40, %mul3A : vector<2000x256xf32>
    %reduce_sum3A = arith.constant dense<0.000000e+00> : vector<2000xf32>
    %reduce_sum3A_45 = vector.multi_reduction <add>, %mul3A_44, %reduce_sum3A [1] : vector<2000x256xf32> to vector<2000xf32>
    %get3A_46 = arith.constant 0 : index
    %get3A_47 = arith.constant 0 : index
    %get3A_48 = vector.load %arg6[%get3A_46, %get3A_47] : memref<1x256xf32, #tpu.memory_space<vmem>>, vector<1x256xf32>
    %mul3A_49 = vector.broadcast %get3A_48 : vector<1x256xf32> to vector<2000x256xf32>
    %mul3A_50 = arith.mulf %add3A_40, %mul3A_49 : vector<2000x256xf32>
    %reduce_sum3A_51 = arith.constant dense<0.000000e+00> : vector<2000xf32>
    %reduce_sum3A_52 = vector.multi_reduction <add>, %mul3A_50, %reduce_sum3A_51 [1] : vector<2000x256xf32> to vector<2000xf32>
    %slice3A = vector.extract_strided_slice %add3A_40 {offsets = [0, 0], sizes = [2000, 128], strides = [1, 1]} : vector<2000x256xf32> to vector<2000x128xf32>
    %swap3A = arith.constant 0 : index
    %swap3A_53 = arith.constant 0 : index
    %swap3A_54 = vector.load %arg7[%swap3A, %swap3A_53] : memref<2000x128xf32, #tpu.memory_space<vmem>>, vector<2000x128xf32>
    tpu.vector_store %arg7[%swap3A, %swap3A_53], %slice3A {strides = array<i32>} : memref<2000x128xf32, #tpu.memory_space<vmem>>, vector<2000x128xf32>,
    %slice3A_55 = vector.extract_strided_slice %add3A_40 {offsets = [0, 128], sizes = [2000, 128], strides = [1, 1]} : vector<2000x256xf32> to vector<2000x128xf32>
    %swap3A_56 = arith.constant 0 : index
    %swap3A_57 = arith.constant 0 : index
    %swap3A_58 = vector.load %arg8[%swap3A_56, %swap3A_57] : memref<2000x128xf32, #tpu.memory_space<vmem>>, vector<2000x128xf32>
    tpu.vector_store %arg8[%swap3A_56, %swap3A_57], %slice3A_55 {strides = array<i32>} : memref<2000x128xf32, #tpu.memory_space<vmem>>, vector<2000x128xf32>,
    %slice3A_59 = vector.extract_strided_slice %add3A_40 {offsets = [0, 0], sizes = [2000, 128], strides = [1, 1]} : vector<2000x256xf32> to vector<2000x128xf32>
    %slice3A_60 = vector.extract_strided_slice %slice3A_59 {offsets = [0, 0], sizes = [2000, 64], strides = [1, 1]} : vector<2000x128xf32> to vector<2000x64xf32>
    %convert_element_type3A_61 = arith.truncf %slice3A_60 : vector<2000x64xf32> to vector<2000x64xbf16>
    %bitcast_convert_type3A = tpu.bitcast %convert_element_type3A_61 : vector<2000x64xbf16> -> vector<2000x64xi16>
    %convert_element_type3A_62 = arith.extui %bitcast_convert_type3A : vector<2000x64xi16> to vector<2000x64xi32>
    %slice3A_63 = vector.extract_strided_slice %slice3A_59 {offsets = [0, 64], sizes = [2000, 64], strides = [1, 1]} : vector<2000x128xf32> to vector<2000x64xf32>
    %convert_element_type3A_64 = arith.truncf %slice3A_63 : vector<2000x64xf32> to vector<2000x64xbf16>
    %bitcast_convert_type3A_65 = tpu.bitcast %convert_element_type3A_64 : vector<2000x64xbf16> -> vector<2000x64xi16>
    %convert_element_type3A_66 = arith.extui %bitcast_convert_type3A_65 : vector<2000x64xi16> to vector<2000x64xi32>
    %shift_left3A = arith.constant 16 : i32
    %shift_left3A_67 = vector.broadcast %shift_left3A : i32 to vector<2000x64xi32>
    %shift_left3A_68 = arith.shli %convert_element_type3A_66, %shift_left3A_67 : vector<2000x64xi32>
    %or3A = arith.ori %convert_element_type3A_62, %shift_left3A_68 : vector<2000x64xi32>
    %swap3A_69 = arith.constant 0 : index
    %swap3A_70 = arith.constant 0 : index
    %swap3A_71 = vector.load %arg9[%swap3A_69, %swap3A_70] : memref<2000x64xi32, #tpu.memory_space<vmem>>, vector<2000x64xi32>
    tpu.vector_store %arg9[%swap3A_69, %swap3A_70], %or3A {strides = array<i32>} : memref<2000x64xi32, #tpu.memory_space<vmem>>, vector<2000x64xi32>,
    %slice3A_72 = vector.extract_strided_slice %add3A_40 {offsets = [0, 128], sizes = [2000, 128], strides = [1, 1]} : vector<2000x256xf32> to vector<2000x128xf32>
    %slice3A_73 = vector.extract_strided_slice %slice3A_72 {offsets = [0, 0], sizes = [2000, 64], strides = [1, 1]} : vector<2000x128xf32> to vector<2000x64xf32>
    %convert_element_type3A_74 = arith.truncf %slice3A_73 : vector<2000x64xf32> to vector<2000x64xbf16>
    %bitcast_convert_type3A_75 = tpu.bitcast %convert_element_type3A_74 : vector<2000x64xbf16> -> vector<2000x64xi16>
    %convert_element_type3A_76 = arith.extui %bitcast_convert_type3A_75 : vector<2000x64xi16> to vector<2000x64xi32>
    %slice3A_77 = vector.extract_strided_slice %slice3A_72 {offsets = [0, 64], sizes = [2000, 64], strides = [1, 1]} : vector<2000x128xf32> to vector<2000x64xf32>
    %convert_element_type3A_78 = arith.truncf %slice3A_77 : vector<2000x64xf32> to vector<2000x64xbf16>
    %bitcast_convert_type3A_79 = tpu.bitcast %convert_element_type3A_78 : vector<2000x64xbf16> -> vector<2000x64xi16>
    %convert_element_type3A_80 = arith.extui %bitcast_convert_type3A_79 : vector<2000x64xi16> to vector<2000x64xi32>
    %shift_left3A_81 = arith.constant 16 : i32
    %shift_left3A_82 = vector.broadcast %shift_left3A_81 : i32 to vector<2000x64xi32>
    %shift_left3A_83 = arith.shli %convert_element_type3A_80, %shift_left3A_82 : vector<2000x64xi32>
    %or3A_84 = arith.ori %convert_element_type3A_76, %shift_left3A_83 : vector<2000x64xi32>
    %swap3A_85 = arith.constant 0 : index
    %swap3A_86 = arith.constant 0 : index
    %swap3A_87 = vector.load %arg10[%swap3A_85, %swap3A_86] : memref<2000x64xi32, #tpu.memory_space<vmem>>, vector<2000x64xi32>
    tpu.vector_store %arg10[%swap3A_85, %swap3A_86], %or3A_84 {strides = array<i32>} : memref<2000x64xi32, #tpu.memory_space<vmem>>, vector<2000x64xi32>,
    %broadcast_in_dim3A = vector.shape_cast %reduce_sum3A_45 : vector<2000xf32> to vector<2000x1xf32>
    %swap3A_88 = arith.constant 0 : index
    %swap3A_89 = arith.constant 0 : index
    %swap3A_90 = vector.load %arg11[%swap3A_88, %swap3A_89] : memref<2000x1xf32, #tpu.memory_space<vmem>>, vector<2000x1xf32>
    tpu.vector_store %arg11[%swap3A_88, %swap3A_89], %broadcast_in_dim3A {strides = array<i32>} : memref<2000x1xf32, #tpu.memory_space<vmem>>, vector<2000x1xf32>,
    %broadcast_in_dim3A_91 = vector.shape_cast %reduce_sum3A_52 : vector<2000xf32> to vector<2000x1xf32>
    %swap3A_92 = arith.constant 0 : index
    %swap3A_93 = arith.constant 0 : index
    %swap3A_94 = vector.load %arg12[%swap3A_92, %swap3A_93] : memref<2000x1xf32, #tpu.memory_space<vmem>>, vector<2000x1xf32>
    tpu.vector_store %arg12[%swap3A_92, %swap3A_93], %broadcast_in_dim3A_91 {strides = array<i32>} : memref<2000x1xf32, #tpu.memory_space<vmem>>, vector<2000x1xf32>,
    %reduce_max3A = vector.shape_cast %reduce_sum3A_45 : vector<2000xf32> to vector<1x2000xf32>
    %reduce_max3A_95 = arith.constant dense<0xFF800000> : vector<1xf32>
    %reduce_max3A_96 = vector.multi_reduction <maximumf>, %reduce_max3A, %reduce_max3A_95 [1] : vector<1x2000xf32> to vector<1xf32>
    %reduce_max3A_97 = vector.shape_cast %reduce_max3A_96 : vector<1xf32> to vector<1x1xf32>
    %reduce_max3A_98 = vector.extract %reduce_max3A_97[0, 0] : f32 from vector<1x1xf32>
    %reduce_max3A_99 = vector.shape_cast %reduce_sum3A_52 : vector<2000xf32> to vector<1x2000xf32>
    %reduce_max3A_100 = arith.constant dense<0xFF800000> : vector<1xf32>
    %reduce_max3A_101 = vector.multi_reduction <maximumf>, %reduce_max3A_99, %reduce_max3A_100 [1] : vector<1x2000xf32> to vector<1xf32>
    %reduce_max3A_102 = vector.shape_cast %reduce_max3A_101 : vector<1xf32> to vector<1x1xf32>
    %reduce_max3A_103 = vector.extract %reduce_max3A_102[0, 0] : f32 from vector<1x1xf32>
    %stack3A = vector.broadcast %reduce_max3A_98 : f32 to vector<1xf32>
    %stack3A_104 = vector.broadcast %reduce_max3A_103 : f32 to vector<1xf32>
    %stack3A_105 = tpu.concatenate %stack3A, %stack3A_104 in 0 : vector<1xf32>, vector<1xf32> -> vector<2xf32>
    %broadcast_in_dim3A_106 = vector.shape_cast %stack3A_105 : vector<2xf32> to vector<1x2xf32>
    %eq3A = arith.constant 0 : i32
    %eq3A_107 = arith.cmpi eq, %arg0, %eq3A : i32
    %convert_element_type3A_108 = arith.extui %eq3A_107 : i1 to i32
    %cond3A = arith.constant 0 : i32
    %cond3A_109 = arith.cmpi ne, %convert_element_type3A_108, %cond3A : i32
    scf.if %cond3A_109 {
      %swap3A_114 = arith.constant 0 : index
      %swap3A_115 = arith.constant 0 : index
      %swap3A_116 = vector.load %arg13[%swap3A_114, %swap3A_115] : memref<1x2xf32, #tpu.memory_space<vmem>>, vector<1x2xf32>
      tpu.vector_store %arg13[%swap3A_114, %swap3A_115], %broadcast_in_dim3A_106 {strides = array<i32>} : memref<1x2xf32, #tpu.memory_space<vmem>>, vector<1x2xf32>,
    } else {
    }
    %gt3A = arith.constant 0 : i32
    %gt3A_110 = arith.cmpi sgt, %arg0, %gt3A : i32
    %convert_element_type3A_111 = arith.extui %gt3A_110 : i1 to i32
    %cond3A_112 = arith.constant 0 : i32
    %cond3A_113 = arith.cmpi ne, %convert_element_type3A_111, %cond3A_112 : i32
    scf.if %cond3A_113 {
      %get3A_114 = arith.constant 0 : index
      %get3A_115 = arith.constant 0 : index
      %get3A_116 = vector.load %arg13[%get3A_114, %get3A_115] : memref<1x2xf32, #tpu.memory_space<vmem>>, vector<1x2xf32>
      %max3A = arith.maximumf %get3A_116, %broadcast_in_dim3A_106 : vector<1x2xf32>
      %swap3A_117 = arith.constant 0 : index
      %swap3A_118 = arith.constant 0 : index
      %swap3A_119 = vector.load %arg13[%swap3A_117, %swap3A_118] : memref<1x2xf32, #tpu.memory_space<vmem>>, vector<1x2xf32>
      tpu.vector_store %arg13[%swap3A_117, %swap3A_118], %max3A {strides = array<i32>} : memref<1x2xf32, #tpu.memory_space<vmem>>, vector<1x2xf32>,
    } else {
    }
    return
  }
  func.func @transform_0(%arg0: i32) -> (i32, i32) {
    %c0_i32 = arith.constant 0 : i32
    %c0_i32_0 = arith.constant 0 : i32
    return %arg0, %c0_i32 : i32, i32
  }
  func.func @transform_1(%arg0: i32) -> (i32, i32) {
    %c0_i32 = arith.constant 0 : i32
    %c0_i32_0 = arith.constant 0 : i32
    %c0_i32_1 = arith.constant 0 : i32
    return %c0_i32, %c0_i32_0 : i32, i32
  }
  func.func @transform_2(%arg0: i32) -> (i32, i32) {
    %c0_i32 = arith.constant 0 : i32
    %c0_i32_0 = arith.constant 0 : i32
    %c0_i32_1 = arith.constant 0 : i32
    return %c0_i32, %c0_i32_0 : i32, i32
  }
  func.func @transform_3(%arg0: i32) -> (i32, i32) {
    %c0_i32 = arith.constant 0 : i32
    %c0_i32_0 = arith.constant 0 : i32
    %c0_i32_1 = arith.constant 0 : i32
    return %c0_i32, %c0_i32_0 : i32, i32
  }
  func.func @transform_4(%arg0: i32) -> (i32, i32) {
    %c0_i32 = arith.constant 0 : i32
    %c0_i32_0 = arith.constant 0 : i32
    %c0_i32_1 = arith.constant 0 : i32
    return %c0_i32, %c0_i32_0 : i32, i32
  }
  func.func @transform_5(%arg0: i32) -> (i32, i32) {
    %c0_i32 = arith.constant 0 : i32
    %c0_i32_0 = arith.constant 0 : i32
    %c0_i32_1 = arith.constant 0 : i32
    return %c0_i32, %c0_i32_0 : i32, i32
  }
  func.func @transform_6(%arg0: i32) -> (i32, i32) {
    %c0_i32 = arith.constant 0 : i32
    %c0_i32_0 = arith.constant 0 : i32
    return %arg0, %c0_i32 : i32, i32
  }
  func.func @transform_7(%arg0: i32) -> (i32, i32) {
    %c0_i32 = arith.constant 0 : i32
    %c0_i32_0 = arith.constant 0 : i32
    return %arg0, %c0_i32 : i32, i32
  }
  func.func @transform_8(%arg0: i32) -> (i32, i32) {
    %c0_i32 = arith.constant 0 : i32
    %c0_i32_0 = arith.constant 0 : i32
    return %arg0, %c0_i32 : i32, i32
  }
  func.func @transform_9(%arg0: i32) -> (i32, i32) {
    %c0_i32 = arith.constant 0 : i32
    %c0_i32_0 = arith.constant 0 : i32
    return %arg0, %c0_i32 : i32, i32
  }
  func.func @transform_10(%arg0: i32) -> (i32, i32) {
    %c0_i32 = arith.constant 0 : i32
    %c0_i32_0 = arith.constant 0 : i32
    return %arg0, %c0_i32 : i32, i32
  }
  func.func @transform_11(%arg0: i32) -> (i32, i32) {
    %c0_i32 = arith.constant 0 : i32
    %c0_i32_0 = arith.constant 0 : i32
    return %arg0, %c0_i32 : i32, i32
  }
  func.func @transform_12(%arg0: i32) -> (i32, i32) {
    %c0_i32 = arith.constant 0 : i32
    %c0_i32_0 = arith.constant 0 : i32
    %c0_i32_1 = arith.constant 0 : i32
    return %c0_i32, %c0_i32_0 : i32, i32
  }
}

module attributes {stable_mosaic.version = 14 : i64} {
  func.func @_combine_body(%arg0: i32, %arg1: memref<2x2x1000x128xf32, #tpu.memory_space<vmem>>, %arg2: memref<2x1280x128xf32, #tpu.memory_space<vmem>>, %arg3: memref<1000x128xf32, #tpu.memory_space<vmem>>, %arg4: memref<1000x128xf32, #tpu.memory_space<vmem>>, %arg5: memref<1000x1xf32, #tpu.memory_space<vmem>>, %arg6: memref<1000x1xf32, #tpu.memory_space<vmem>>, %arg7: memref<1x2xf32, #tpu.memory_space<vmem>>, %arg8: memref<1x256xf32, #tpu.memory_space<vmem>>, %arg9: memref<1x1xf32, #tpu.memory_space<vmem>>, %arg10: memref<1000x256xf32, #tpu.memory_space<vmem>>) attributes {dimension_semantics = [#tpu.dimension_semantics<arbitrary>], iteration_bounds = array<i64: 10>, scalar_prefetch = 0 : i64, scratch_operands = 0 : i64, tpu.core_type = #tpu.core_type<tc>, window_params = [{transform_indices = @transform_0, window_bounds = array<i64: 2, 2, 1000, 128>}, {pipeline_mode = #tpu.pipeline_mode<synchronous>, transform_indices = @transform_1, window_bounds = array<i64: 2, 1280, 128>}, {transform_indices = @transform_2, window_bounds = array<i64: 1000, 128>}, {transform_indices = @transform_3, window_bounds = array<i64: 1000, 128>}, {transform_indices = @transform_4, window_bounds = array<i64: 1000, 1>}, {transform_indices = @transform_5, window_bounds = array<i64: 1000, 1>}, {pipeline_mode = #tpu.pipeline_mode<synchronous>, transform_indices = @transform_6, window_bounds = array<i64: 1, 2>}, {pipeline_mode = #tpu.pipeline_mode<synchronous>, transform_indices = @transform_7, window_bounds = array<i64: 1, 256>}, {pipeline_mode = #tpu.pipeline_mode<synchronous>, transform_indices = @transform_8, window_bounds = array<i64: 1, 1>}, {transform_indices = @transform_9, window_bounds = array<i64: 1000, 256>}]} {
    %get3A = arith.constant 0 : index
    %get3A_0 = arith.constant 0 : index
    %get3A_1 = arith.constant 0 : index
    %get3A_2 = arith.constant 0 : index
    %get3A_3 = vector.load %arg1[%get3A, %get3A_0, %get3A_1, %get3A_2] : memref<2x2x1000x128xf32, #tpu.memory_space<vmem>>, vector<2x2x1000x128xf32>
    %mul3A = arith.constant 125 : i32
    %mul3A_4 = arith.muli %arg0, %mul3A : i32
    %get3A_5 = arith.constant 0 : index
    %get3A_6 = arith.index_cast %mul3A_4 : i32 to index
    %get3A_7 = arith.constant 0 : index
    %get3A_8 = vector.load %arg2[%get3A_5, %get3A_6, %get3A_7] : memref<2x1280x128xf32, #tpu.memory_space<vmem>>, vector<2x125x128xf32>
    %slice3A = vector.extract_strided_slice %get3A_3 {offsets = [0, 0, 0, 0], sizes = [1, 1, 1000, 128], strides = [1, 1, 1, 1]} : vector<2x2x1000x128xf32> to vector<1x1x1000x128xf32>
    %squeeze3A = vector.shape_cast %slice3A : vector<1x1x1000x128xf32> to vector<1000x128xf32>
    %slice3A_9 = vector.extract_strided_slice %get3A_3 {offsets = [1, 0, 0, 0], sizes = [1, 1, 1000, 128], strides = [1, 1, 1, 1]} : vector<2x2x1000x128xf32> to vector<1x1x1000x128xf32>
    %squeeze3A_10 = vector.shape_cast %slice3A_9 : vector<1x1x1000x128xf32> to vector<1000x128xf32>
    %add3A = arith.addf %squeeze3A, %squeeze3A_10 : vector<1000x128xf32>
    %slice3A_11 = vector.extract_strided_slice %get3A_3 {offsets = [0, 1, 0, 0], sizes = [1, 1, 1000, 128], strides = [1, 1, 1, 1]} : vector<2x2x1000x128xf32> to vector<1x1x1000x128xf32>
    %squeeze3A_12 = vector.shape_cast %slice3A_11 : vector<1x1x1000x128xf32> to vector<1000x128xf32>
    %slice3A_13 = vector.extract_strided_slice %get3A_3 {offsets = [1, 1, 0, 0], sizes = [1, 1, 1000, 128], strides = [1, 1, 1, 1]} : vector<2x2x1000x128xf32> to vector<1x1x1000x128xf32>
    %squeeze3A_14 = vector.shape_cast %slice3A_13 : vector<1x1x1000x128xf32> to vector<1000x128xf32>
    %add3A_15 = arith.addf %squeeze3A_12, %squeeze3A_14 : vector<1000x128xf32>
    %slice3A_16 = vector.extract_strided_slice %get3A_8 {offsets = [0, 0, 0], sizes = [1, 125, 128], strides = [1, 1, 1]} : vector<2x125x128xf32> to vector<1x125x128xf32>
    %squeeze3A_17 = vector.shape_cast %slice3A_16 : vector<1x125x128xf32> to vector<125x128xf32>
    %slice3A_18 = vector.extract_strided_slice %get3A_8 {offsets = [1, 0, 0], sizes = [1, 125, 128], strides = [1, 1, 1]} : vector<2x125x128xf32> to vector<1x125x128xf32>
    %squeeze3A_19 = vector.shape_cast %slice3A_18 : vector<1x125x128xf32> to vector<125x128xf32>
    %add3A_20 = arith.addf %squeeze3A_17, %squeeze3A_19 : vector<125x128xf32>
    %reshape3A = vector.shape_cast %add3A_20 : vector<125x128xf32> to vector<125x8x16xf32>
    %slice3A_21 = vector.extract_strided_slice %reshape3A {offsets = [0, 0, 0], sizes = [125, 8, 1], strides = [1, 1, 1]} : vector<125x8x16xf32> to vector<125x8x1xf32>
    %squeeze3A_22 = vector.shape_cast %slice3A_21 : vector<125x8x1xf32> to vector<125x8xf32>
    %reshape3A_23 = vector.shape_cast %squeeze3A_22 : vector<125x8xf32> to vector<1000xf32>
    %get3A_24 = arith.constant 0 : index
    %get3A_25 = arith.constant 0 : index
    %get3A_26 = vector.load %arg7[%get3A_24, %get3A_25] : memref<1x2xf32, #tpu.memory_space<vmem>>, vector<1x1xf32>
    %get3A_27 = vector.extract %get3A_26[0, 0] : f32 from vector<1x1xf32>
    %get3A_28 = arith.constant 0 : index
    %get3A_29 = arith.constant 1 : index
    %get3A_30 = vector.load %arg7[%get3A_28, %get3A_29] : memref<1x2xf32, #tpu.memory_space<vmem>>, vector<1x1xf32>
    %get3A_31 = vector.extract %get3A_30[0, 0] : f32 from vector<1x1xf32>
    %add3A_32 = arith.addf %get3A_27, %get3A_31 : f32
    %get3A_33 = arith.constant 0 : index
    %get3A_34 = arith.constant 0 : index
    %get3A_35 = vector.load %arg5[%get3A_33, %get3A_34] : memref<1000x1xf32, #tpu.memory_space<vmem>>, vector<1000x1xf32>
    %squeeze3A_36 = vector.shape_cast %get3A_35 : vector<1000x1xf32> to vector<1000xf32>
    %get3A_37 = arith.constant 0 : index
    %get3A_38 = arith.constant 0 : index
    %get3A_39 = vector.load %arg6[%get3A_37, %get3A_38] : memref<1000x1xf32, #tpu.memory_space<vmem>>, vector<1000x1xf32>
    %squeeze3A_40 = vector.shape_cast %get3A_39 : vector<1000x1xf32> to vector<1000xf32>
    %add3A_41 = arith.addf %squeeze3A_36, %squeeze3A_40 : vector<1000xf32>
    %ge3A = arith.constant 0.000000e+00 : f32
    %ge3A_42 = vector.broadcast %ge3A : f32 to vector<1000xf32>
    %ge3A_43 = arith.cmpf oge, %add3A_41, %ge3A_42 : vector<1000xf32>
    %mul3A_44 = arith.constant 2.000000e-01 : f32
    %mul3A_45 = vector.broadcast %mul3A_44 : f32 to vector<1000xf32>
    %mul3A_46 = arith.mulf %mul3A_45, %add3A_41 : vector<1000xf32>
    %select_n3A = arith.select %ge3A_43, %add3A_41, %mul3A_46 : vector<1000xi1>, vector<1000xf32>
    %sub3A = vector.broadcast %add3A_32 : f32 to vector<1000xf32>
    %sub3A_47 = arith.subf %select_n3A, %sub3A : vector<1000xf32>
    %exp3A = math.exp %sub3A_47 : vector<1000xf32>
    %add3A_48 = arith.addf %reshape3A_23, %exp3A : vector<1000xf32>
    %broadcast_in_dim3A = vector.shape_cast %exp3A : vector<1000xf32> to vector<1000x1xf32>
    %get3A_49 = arith.constant 0 : index
    %get3A_50 = arith.constant 0 : index
    %get3A_51 = vector.load %arg3[%get3A_49, %get3A_50] : memref<1000x128xf32, #tpu.memory_space<vmem>>, vector<1000x128xf32>
    %mul3A_52 = vector.broadcast %broadcast_in_dim3A : vector<1000x1xf32> to vector<1000x128xf32>
    %mul3A_53 = arith.mulf %mul3A_52, %get3A_51 : vector<1000x128xf32>
    %add3A_54 = arith.addf %add3A, %mul3A_53 : vector<1000x128xf32>
    %broadcast_in_dim3A_55 = vector.shape_cast %add3A_48 : vector<1000xf32> to vector<1000x1xf32>
    %div3A = vector.broadcast %broadcast_in_dim3A_55 : vector<1000x1xf32> to vector<1000x128xf32>
    %div3A_56 = arith.divf %add3A_54, %div3A : vector<1000x128xf32>
    %broadcast_in_dim3A_57 = vector.shape_cast %exp3A : vector<1000xf32> to vector<1000x1xf32>
    %get3A_58 = arith.constant 0 : index
    %get3A_59 = arith.constant 0 : index
    %get3A_60 = vector.load %arg4[%get3A_58, %get3A_59] : memref<1000x128xf32, #tpu.memory_space<vmem>>, vector<1000x128xf32>
    %mul3A_61 = vector.broadcast %broadcast_in_dim3A_57 : vector<1000x1xf32> to vector<1000x128xf32>
    %mul3A_62 = arith.mulf %mul3A_61, %get3A_60 : vector<1000x128xf32>
    %add3A_63 = arith.addf %add3A_15, %mul3A_62 : vector<1000x128xf32>
    %broadcast_in_dim3A_64 = vector.shape_cast %add3A_48 : vector<1000xf32> to vector<1000x1xf32>
    %div3A_65 = vector.broadcast %broadcast_in_dim3A_64 : vector<1000x1xf32> to vector<1000x128xf32>
    %div3A_66 = arith.divf %add3A_63, %div3A_65 : vector<1000x128xf32>
    %concatenate3A = tpu.concatenate %div3A_56, %div3A_66 in 1 : vector<1000x128xf32>, vector<1000x128xf32> -> vector<1000x256xf32>
    %get3A_67 = arith.constant 0 : index
    %get3A_68 = arith.constant 0 : index
    %get3A_69 = vector.load %arg8[%get3A_67, %get3A_68] : memref<1x256xf32, #tpu.memory_space<vmem>>, vector<1x256xf32>
    %add3A_70 = vector.broadcast %get3A_69 : vector<1x256xf32> to vector<1000x256xf32>
    %add3A_71 = arith.addf %concatenate3A, %add3A_70 : vector<1000x256xf32>
    %get3A_72 = arith.constant 0 : index
    %get3A_73 = arith.constant 0 : index
    %get3A_74 = vector.load %arg9[%get3A_72, %get3A_73] : memref<1x1xf32, #tpu.memory_space<vmem>>, vector<1x1xf32>
    %get3A_75 = vector.extract %get3A_74[0, 0] : f32 from vector<1x1xf32>
    %ge3A_76 = arith.constant 0.000000e+00 : f32
    %ge3A_77 = vector.broadcast %ge3A_76 : f32 to vector<1000x256xf32>
    %ge3A_78 = arith.cmpf oge, %add3A_71, %ge3A_77 : vector<1000x256xf32>
    %mul3A_79 = vector.broadcast %get3A_75 : f32 to vector<1000x256xf32>
    %mul3A_80 = arith.mulf %mul3A_79, %add3A_71 : vector<1000x256xf32>
    %select_n3A_81 = arith.select %ge3A_78, %add3A_71, %mul3A_80 : vector<1000x256xi1>, vector<1000x256xf32>
    %swap3A = arith.constant 0 : index
    %swap3A_82 = arith.constant 0 : index
    %swap3A_83 = vector.load %arg10[%swap3A, %swap3A_82] : memref<1000x256xf32, #tpu.memory_space<vmem>>, vector<1000x256xf32>
    tpu.vector_store %arg10[%swap3A, %swap3A_82], %select_n3A_81 {strides = array<i32>} : memref<1000x256xf32, #tpu.memory_space<vmem>>, vector<1000x256xf32>,
    return
  }
  func.func @transform_0(%arg0: i32) -> (i32, i32, i32, i32) {
    %c0_i32 = arith.constant 0 : i32
    %c0_i32_0 = arith.constant 0 : i32
    %c0_i32_1 = arith.constant 0 : i32
    %c0_i32_2 = arith.constant 0 : i32
    return %c0_i32, %c0_i32_0, %arg0, %c0_i32_1 : i32, i32, i32, i32
  }
  func.func @transform_1(%arg0: i32) -> (i32, i32, i32) {
    %c0_i32 = arith.constant 0 : i32
    %c0_i32_0 = arith.constant 0 : i32
    %c0_i32_1 = arith.constant 0 : i32
    %c0_i32_2 = arith.constant 0 : i32
    return %c0_i32, %c0_i32_0, %c0_i32_1 : i32, i32, i32
  }
  func.func @transform_2(%arg0: i32) -> (i32, i32) {
    %c0_i32 = arith.constant 0 : i32
    %c0_i32_0 = arith.constant 0 : i32
    return %arg0, %c0_i32 : i32, i32
  }
  func.func @transform_3(%arg0: i32) -> (i32, i32) {
    %c0_i32 = arith.constant 0 : i32
    %c0_i32_0 = arith.constant 0 : i32
    return %arg0, %c0_i32 : i32, i32
  }
  func.func @transform_4(%arg0: i32) -> (i32, i32) {
    %c0_i32 = arith.constant 0 : i32
    %c0_i32_0 = arith.constant 0 : i32
    return %arg0, %c0_i32 : i32, i32
  }
  func.func @transform_5(%arg0: i32) -> (i32, i32) {
    %c0_i32 = arith.constant 0 : i32
    %c0_i32_0 = arith.constant 0 : i32
    return %arg0, %c0_i32 : i32, i32
  }
  func.func @transform_6(%arg0: i32) -> (i32, i32) {
    %c0_i32 = arith.constant 0 : i32
    %c0_i32_0 = arith.constant 0 : i32
    %c0_i32_1 = arith.constant 0 : i32
    return %c0_i32, %c0_i32_0 : i32, i32
  }
  func.func @transform_7(%arg0: i32) -> (i32, i32) {
    %c0_i32 = arith.constant 0 : i32
    %c0_i32_0 = arith.constant 0 : i32
    %c0_i32_1 = arith.constant 0 : i32
    return %c0_i32, %c0_i32_0 : i32, i32
  }
  func.func @transform_8(%arg0: i32) -> (i32, i32) {
    %c0_i32 = arith.constant 0 : i32
    %c0_i32_0 = arith.constant 0 : i32
    %c0_i32_1 = arith.constant 0 : i32
    return %c0_i32, %c0_i32_0 : i32, i32
  }
  func.func @transform_9(%arg0: i32) -> (i32, i32) {
    %c0_i32 = arith.constant 0 : i32
    %c0_i32_0 = arith.constant 0 : i32
    return %arg0, %c0_i32 : i32, i32
  }
}

</mosaic_0001>

<sc_bundles>
// kernel: kernel.5.cloned.1.call-start
scs
__scs_entry_jumppad:
0x0: {  	(pc) =	sbr.rel $0x88, $3  }
0x1: {  	(tag) =	ssettag $0x0;
	lr =	simm.s32 $0x1  }
0x2: {  	[smem:$0x3F98] =	sst lr;
	_ =	strace $0xD0000000  }
0x3: {  	_ = 	snop  }
0x4: {  	_ = 	snop  }
0x5: {  	_ = 	snop  }
0x6: {  	_ = 	snop  }
0x7: {  	_ = 	snop  }
__scs_overlays_trampoline_lowered:
0x8: {  	[smem:$0x3FA7] =	sst s0  }
0x9: {  	[smem:$0x3FA8] =	sst s1  }
0xa: {  	[smem:$0x3FA9] =	sst s2  }
0xb: {  	[smem:$0x3FAA] =	sst s3  }
0xc: {  	[smem:$0x3FAB] =	sst s4  }
0xd: {  	[smem:$0x3FAC] =	sst s5  }
0xe: {  	[smem:$0x3FAD] =	sst s6  }
0xf: {  	[smem:$0x3FAE] =	sst s7  }
0x10: {  	[smem:$0x3FAF] =	sst s8  }
0x11: {  	[smem:$0x3FB0] =	sst s9;
	s0 =	simm.s32 @!p0 $0x0  }
0x12: {  	s1 =	sld [smem:$0x3F96];
	s0 =	simm.s32 @p0 $0x1  }
0x13: {  	[smem:$0x3FB1] =	sst s0;
	s0 =	simm.s32 @!p1 $0x0  }
0x14: {  	s2 =	sld [smem:$0x3F95];
	s0 =	simm.s32 @p1 $0x1  }
0x15: {  	[smem:$0x3FB2] =	sst s0;
	s0 =	simm.s32 @!p2 $0x0  }
0x16: {  	s3 =	sld [smem:$0x3FDB];
	s0 =	simm.s32 @p2 $0x1  }
0x17: {  	s4 =	simm.s32 $0x1BF5;
	[smem:$0x3FB4] =	sst s0  }
0x18: {  	s0 =	sld [smem:$0x3F97];
	_ =	swait.ge [sflag:s4], $0x0  }
0x19: {  	s7 =	sld [smem:$0x3F98]  }
0x1a: {  	s8 =	sadd.s32 $0xFFFFE003, lr  }
0x1b: {  	s9 =	sadd.s32 $0xFFFFFEF7, lr;
	s5 =	simm.s32 $0xFFFFFFFF;
	p2 =	slt.u32 s8, $0xFFFFF086  }
0x1c: {  	p1 =	slt.u32 s9, $0xF7A;
	s5 =	simm.s32 @!p2 $0x0  }
0x1d: {  	s5 =	simm.s32 @p1 $0x1;
	p0 =	seq.s32 s7, s2  }
0x1e: {  	s7 =	smul.u32 @!p0 $0xF7A, s2;
	p2 =	seq.s32 @!p0 s5, $0x0  }
0x1f: {  	s9 =	smul.u32 $0xF7A, s1;
	s8 =	simm.s32 @!p0 $0x1BF5;
	p2 =	por !p2, p0  }
0x20: {  	[sflag:s8] =	ssyncset.s32 @!p0 $0xFFFFF086;
	s6 =	sadd.s32 @!p0 s3, s7;
	s7 =	simm.s32 @!p0 $0x108  }
0x21: {  	s3 =	sadd.s32 s3, s9;
	s6 =	sadd.s32 @!p0 $0x88, s6;
	s7 =	simm.s32 @p2 $0x1082  }
0x22: {  	[simem:s7], [sflag:s8] =	dma.local @!p0 [hbm:s6], $0xF7A  }
0x23: {  	s9 =	sor.u32 $0xD0000000, s2;
	s6 =	simm.s32 $0x108;
	_ =	swait.ge @!p0 [sflag:s8], $0x0  }
0x24: {  	s3 =	sadd.s32 $0x88, s3;
	s6 =	simm.s32 @!p1 $0x1082;
	[sflag:s4] =	ssyncset.s32 $0xFFFFF086  }
0x25: {  	[simem:s6], [sflag:s4] =	dma.local [hbm:s3], $0xF7A  }
0x26: {  	[smem:$0x3F98] =	sst s1;
	(tag) =	ssettag s2;
	_ =	strace s9  }
0x27: {  	s1 =	sld [smem:$0x3FA8]  }
0x28: {  	s2 =	sld [smem:$0x3FA9]  }
0x29: {  	s4 =	sld [smem:$0x3FAB]  }
0x2a: {  	p0 =	seq.s32 s5, $0x0;
	s5 =	sld [smem:$0x3FAC]  }
0x2b: {  	s6 =	sld [smem:$0x3FAD]  }
0x2c: {  	s7 =	sld [smem:$0x3FAE]  }
0x2d: {  	s3 =	simm.s32 $0x108;
	s8 =	sld [smem:$0x3FAF]  }
0x2e: {  	s3 =	simm.s32 @!p0 $0x1082;
	s9 =	sld [smem:$0x3FB0]  }
0x2f: {  	lr =	sadd.s32 s0, s3;
	s0 =	sld [smem:$0x3FA7]  }
0x30: {  	s3 =	sld [smem:$0x3FAA]  }
0x31: {  	[smem:$0x3FB3] =	sst s10  }
0x32: {  	s10 =	sld [smem:$0x3FB1];
	_ =	sdelay $0x3  }
0x33: {  	p0 =	seq.s32 s10, $0x1;
	s10 =	sld [smem:$0x3FB3];
	_ =	sdelay $0x3  }
0x34: {  	[smem:$0x3FB3] =	sst s10  }
0x35: {  	s10 =	sld [smem:$0x3FB2];
	_ =	sdelay $0x3  }
0x36: {  	p1 =	seq.s32 s10, $0x1;
	s10 =	sld [smem:$0x3FB3];
	_ =	sdelay $0x3  }
0x37: {  	[smem:$0x3FB3] =	sst s10  }
0x38: {  	s10 =	sld [smem:$0x3FB4]  }
0x39: {  	_ = 	snop;
	(pc) =	sbr.ind lr, $3  }
0x3a: {  	_ = 	snop  }
0x3b: {  	_ = 	snop  }
0x3c: {  	p2 =	seq.s32 s10, $0x1;
	s10 =	sld [smem:$0x3FB3]  }
0x3d: {  	_ =	shalt  }
0x3e: {  	_ =	shalt  }
0x3f: {  	_ =	shalt  }
0x40: {  	_ =	shalt  }
0x41: {  	_ =	shalt  }
0x42: {  	_ =	shalt  }
0x43: {  	_ =	shalt  }
0x44: {  	_ =	shalt  }
0x45: {  	_ =	shalt  }
0x46: {  	_ =	shalt  }
0x47: {  	_ =	shalt  }
0x48: {  	_ =	shalt  }
0x49: {  	_ =	shalt  }
0x4a: {  	_ =	shalt  }
0x4b: {  	_ =	shalt  }
0x4c: {  	_ =	shalt  }
0x4d: {  	_ =	shalt  }
0x4e: {  	_ =	shalt  }
0x4f: {  	_ =	shalt  }
0x50: {  	_ =	shalt  }
0x51: {  	_ =	shalt  }
0x52: {  	_ =	shalt  }
0x53: {  	_ =	shalt  }
0x54: {  	_ =	shalt  }
0x55: {  	_ =	shalt  }
0x56: {  	_ =	shalt  }
0x57: {  	_ =	shalt  }
0x58: {  	_ =	shalt  }
0x59: {  	_ =	shalt  }
0x5a: {  	_ =	shalt  }
0x5b: {  	_ =	shalt  }
0x5c: {  	_ =	shalt  }
0x5d: {  	_ =	shalt  }
0x5e: {  	_ =	shalt  }
0x5f: {  	_ =	shalt  }
0x60: {  	_ =	shalt  }
0x61: {  	_ =	shalt  }
0x62: {  	_ =	shalt  }
0x63: {  	_ =	shalt  }
0x64: {  	_ =	shalt  }
0x65: {  	_ =	shalt  }
0x66: {  	_ =	shalt  }
0x67: {  	_ =	shalt  }
0x68: {  	_ =	shalt  }
0x69: {  	_ =	shalt  }
0x6a: {  	_ =	shalt  }
0x6b: {  	_ =	shalt  }
0x6c: {  	_ =	shalt  }
0x6d: {  	_ =	shalt  }
0x6e: {  	_ =	shalt  }
0x6f: {  	_ =	shalt  }
0x70: {  	_ =	shalt  }
0x71: {  	_ =	shalt  }
0x72: {  	_ =	shalt  }
0x73: {  	_ =	shalt  }
0x74: {  	_ =	shalt  }
0x75: {  	_ =	shalt  }
0x76: {  	_ =	shalt  }
0x77: {  	_ =	shalt  }
0x78: {  	_ =	shalt  }
0x79: {  	_ =	shalt  }
0x7a: {  	_ =	shalt  }
0x7b: {  	_ =	shalt  }
0x7c: {  	_ =	shalt  }
0x7d: {  	_ =	shalt  }
0x7e: {  	_ =	shalt  }
0x7f: {  	_ =	shalt  }
0x80: {  	_ =	shalt  }
0x81: {  	_ =	shalt  }
0x82: {  	_ =	shalt  }
0x83: {  	_ =	shalt  }
0x84: {  	_ =	shalt  }
0x85: {  	_ =	shalt  }
0x86: {  	_ =	shalt  }
0x87: {  	_ =	shalt  }
.Lfunc_end0:
.L_simem_size_0:
called_computation_lowered:
.L_overlay_start_0:
0x88: {  	s2 =	sld [smem:$0x3FD9]  }
0x89: {  	s3 =	sld [smem:$0x3FFE];
	_ =	sdelay $0x1  }
0x8a: {  	s1 =	srdreg.scid  }
0x8b: {  	s0 =	sand.u32 $0x1, s1  }
0x8c: {  	s17 =	sshll.u32 s0, $0xA;
	s2 =	sadd.s32 s3, s2  }
0x8d: {  	s2 =	sadd.s32 s2, s17  }
0x8e: {  	[smem:$0x3FBF] =	sst s2  }
0x8f: {  	_ = 	snop  }
0x90: {  	s2 =	sld [smem:$0x3FD0];
	(tm) =	ssettm $0x1  }
0x91: {  	s18 =	sld [smem:$0x3FFB];
	_ =	sdelay $0x3  }
0x92: {  	_ =	strace s18  }
0x93: {  	s3 =	sld [smem:$0x3FFC];
	_ =	sdelay $0x3  }
0x94: {  	_ =	strace s3  }
0x95: {  	s3 =	sld [smem:$0x3FFD];
	_ =	sdelay $0x3  }
0x96: {  	_ =	strace s3  }
0x97: {  	_ =	strace $0x8FFFFFFF  }
0x98: {  	s19 =	sld [smem:$0x3FDB];
	_ =	sdelay $0x1  }
0x99: {  	s4 =	simm.s32 $_scs_section_size  }
0x9a: {  	s5 =	simm.s32 $_size__tile_overlayer_lowered;
	s6 =	simm.s32 $_tile_overlayer_lowered  }
0x9b: {  	s22 =	simm.s32 $0x1BFF;
	s21 =	sshll.u32 s6, $0x1;
	s3 =	sadd.s32 s4, s19  }
0x9c: {  	s7 =	simm.s32 $0x0;
	s20 =	sshll.u32 s5, $0x1;
	s5 =	sadd.s32 s21, s3  }
0x9d: {  	[timem:s7], [sflag:s22] =	dma.local [hbm:s5], s20  }
0x9e: {  	_ =	swait.ge [sflag:s22], s20  }
0x9f: {  	s4 =	ssub.s32 $0x0, s20;
	[sflag:s22] =	ssyncset.done $0x0  }
0xa0: {  	[sflag:s22] =	ssyncadd.s32 s4;
	_ =	sdelay $0x1  }
0xa1: {  	s23 =	simm.s32 $0x1B8B  }
0xa2: {  	_ =	swait.ge [sflag:s23], $0x1  }
0xa3: {  	[sflag:s23] =	ssyncset.done $0x0  }
0xa4: {  	s25 =	simm.s32 $0x1B8E;
	s24 =	sld [smem:$0x3FFE];
	[sflag:s23] =	ssyncadd.s32 $0xFFFFFFFF  }
0xa5: {  	s26 =	simm.s32 $execute0_lowered;
	[smem:$0x3FD2] =	sst s25  }
0xa6: {  	s5 =	sshll.u32 s26, $0x1;
	_ =	strace $0x80000046;
	[dreg:$0x1] =	wrdreg $0xFFFFFFFF  }
0xa7: {  	s28 =	simm.s32 $_size_execute0_lowered;
	s3 =	sadd.s32 s3, s5;
	[dreg:$0x0] =	wrdreg $0x0  }
0xa8: {  	s5 =	sshll.u32 s28, $0x1;
	[dreg:$0x2] =	wrdreg s3  }
0xa9: {  	[dreg:$0x3] =	wrdreg s5  }
0xaa: {  	[dreg:$0x4] =	wrdreg $0xC0  }
0xab: {  	_ =	task [dreg:s7], $0x5FFFF  }
0xac: {  	[dreg:$0x1] =	wrdreg $0xFFFFFFFF  }
0xad: {  	[dreg:$0x0] =	wrdreg $0x60  }
0xae: {  	[dreg:$0x2] =	wrdreg s24  }
0xaf: {  	[dreg:$0x3] =	wrdreg s2  }
0xb0: {  	[dreg:$0x4] =	wrdreg $0x48500  }
0xb1: {  	[dreg:$0x5] =	wrdreg $0x188500  }
0xb2: {  	[dreg:$0x6] =	wrdreg $0x9  }
0xb3: {  	_ =	task.clear_ibuf [dreg:s7], $0x7FFFF;
	_ =	strace $0x90000046  }
0xb4: {  	s29 =	simm.s32 $0x9;
	_ =	strace $0x80000048  }
0xb5: {  	_ =	swait.ge [sflag:s29], $0x1  }
0xb6: {  	[sflag:s29] =	ssyncadd.s32 $0xFFFFFFFF  }
0xb7: {  	_ =	strace $0x90000048  }
0xb8: {  	_ =	sfence  }
0xb9: {  	s30 =	sld [smem:$0x0];
	_ =	sdelay $0x2  }
0xba: {  	s31 =	sshll.u32 s1, $0xD;
	s1 =	sshrl.u32 s1, $0x2  }
0xbb: {  	s3 =	sand.u32 $0x4000, s31;
	s1 =	sadd.s32 s1, s30  }
0xbc: {  	s0 =	sor.u32 s3, s0;
	s1 =	sshll.u32 s1, $0x11  }
0xbd: {  	s0 =	sor.u32 s1, s0  }
0xbe: {  	s0 =	sadd.s32 $0x8F2B, s0  }
0xbf: {  	[sflag:s0] =	ssyncadd.remote.s32 $0x1  }
0xc0: {  	_ =	sfence.sel $0xFFFF  }
0xc1: {  	[dreg:$0x0] =	wrdreg $0xFFFFFFFF;
	(pc) =	sbr.abs _section_cstart, $3  }
0xc2: {  	[dreg:$0x1] =	wrdreg $0xFFFFFFFF  }
0xc3: {  	_ =	task.clear_ibuf [dreg:s7], $0x2FFFF;
	_ =	strace $0x9FFFFFFF  }
0xc4: {  	(tm) =	ssettm $0x7FFFFFFF  }
0xc5: {  	_ =	shalt  }
tec
execute0_lowered:
.L_overlay_start_1:
0x0: {  	(tag) =	ssettag $0x1  }
0x1: {  	s11 =	rddreg [dreg:$0x0]  }
0x2: {  	s0 =	srdreg.scid;
	s20 =	stileid.u32  }
0x3: {  	s1 =	simm.s32 $0x0;
	s29 =	simm.s32 $0x40;
	s2 =	smul.u32 $0x60, s20  }
0x4: {  	s0 =	sand.u32 $0x1, s0;
	[smem:$0x7FF] =	sst s1;
	s9 =	smul.u32 $0x2800, s20  }
0x5: {  	s4 =	sshll.u32 s20, $0x6;
	s17 =	sadd.s32 $0x64400, s11;
	s3 =	smul.u32 $0x28000, s0  }
0x6: {  	p0 =	seq.s32 s0, $0x0;
	[dreg:$0x5] =	wrdreg s4;
	s14 =	smul.u32 $0x280000, s0  }
0x7: {  	s13 =	sadd.s32 $0x600, s4;
	s10 =	ssub.s32 $0x2, s0;
	s0 =	smul.u32 $0x14000, s20  }
0x8: {  	s13 =	smov.u32 @p0 s2;
	s15 =	sshrl.u32 s10, $0x1;
	s18 =	sadd.s32 s9, s3  }
0x9: {  	s12 =	sadd.s32 $0x140000, s14;
	s15 =	ssub.s32 s10, s15;
	s2 =	sor.u32 $0x2000, s0  }
0xa: {  	s3 =	sadd.s32 $0x4000, s0;
	s13 =	sshll.u32 s13, $0x3;
	s16 =	sadd.s32 s0, s12  }
0xb: {  	s5 =	sadd.s32 s2, s12;
	s22 =	sadd.s32 s3, s12;
	s19 =	sshrl.u32 s16, $0x3  }
0xc: {  	s15 =	smax.u32 s15, $0x1;
	s21 =	sshrl.u32 s5, $0x3;
	s4 =	sadd.s32 s17, s19  }
0xd: {  	s5 =	sshrl.u32 s22, $0x3;
	[dreg:$0x6] =	wrdreg s4;
	s4 =	sadd.s32 s17, s21  }
0xe: {  	s5 =	sadd.s32 s17, s5;
	[dreg:$0x7] =	wrdreg s4;
	s4 =	sadd.s32 $0x6000, s0  }
0xf: {  	s22 =	sadd.s32 $0x63E00, s11;
	[dreg:$0x8] =	wrdreg s5;
	s6 =	sadd.s32 s4, s12  }
0x10: {  	s5 =	sadd.s32 $0x8000, s0;
	s21 =	sshrl.u32 s18, $0x3;
	s7 =	sshrl.u32 s6, $0x3  }
0x11: {  	s8 =	sadd.s32 s5, s12;
	s6 =	sadd.s32 $0xA000, s0;
	s7 =	sadd.s32 s17, s7  }
0x12: {  	s23 =	sshrl.u32 s8, $0x3;
	s24 =	sadd.s32 s6, s12;
	[dreg:$0x9] =	wrdreg s7  }
0x13: {  	s7 =	sadd.s32 s17, s23;
	s8 =	sshrl.u32 s24, $0x3;
	s23 =	sadd.s32 $0xE00, s11  }
0x14: {  	[dreg:$0xa] =	wrdreg s7;
	s7 =	sadd.s32 $0xC000, s0;
	s8 =	sadd.s32 s17, s8  }
0x15: {  	[dreg:$0xb] =	wrdreg s8;
	s9 =	sadd.s32 s7, s12;
	s8 =	sadd.s32 $0xE000, s0  }
0x16: {  	s10 =	sshrl.u32 s9, $0x3;
	s16 =	sadd.s32 s8, s12;
	s9 =	sadd.s32 $0x10000, s0  }
0x17: {  	s10 =	sadd.s32 s17, s10;
	s25 =	sshrl.u32 s16, $0x3;
	s26 =	sadd.s32 s9, s12  }
0x18: {  	[dreg:$0xc] =	wrdreg s10;
	s10 =	sadd.s32 s17, s25;
	s25 =	smul.u32 $0x50000, s20  }
0x19: {  	s24 =	sadd.s32 $0x63A00, s11;
	s16 =	sshrl.u32 s26, $0x3;
	s26 =	smul.u32 $0xA000, s20  }
0x1a: {  	[dreg:$0xd] =	wrdreg s10;
	s10 =	sadd.s32 $0x12000, s0;
	s16 =	sadd.s32 s17, s16  }
0x1b: {  	s20 =	smul.u32 $0x280, s20;
	[dreg:$0xe] =	wrdreg s16;
	s19 =	sadd.s32 s10, s12  }
0x1c: {  	s12 =	rddreg [dreg:$0x1];
	s18 =	sshrl.u32 s25, $0x2;
	s16 =	sshrl.u32 s19, $0x3  }
0x1d: {  	s19 =	sadd.s32 s0, s14;
	s14 =	rddreg [dreg:$0x2];
	s16 =	sadd.s32 s17, s16  }
0x1e: {  	s19 =	sshrl.u32 s19, $0x3;
	s25 =	sadd.s32 s18, s14;
	[dreg:$0xf] =	wrdreg s16  }
0x1f: {  	s18 =	sor.u32 $0x40, s20;
	s16 =	rddreg [dreg:$0x3];
	s17 =	sadd.s32 s19, s17  }
0x20: {  	s0 =	sadd.s32 s0, s14;
	s2 =	sadd.s32 s2, s14;
	[dreg:$0x10] =	wrdreg s17  }
0x21: {  	s3 =	sadd.s32 s3, s14;
	_ =	strace $0x80000047;
	[dreg:$0x11] =	wrdreg s22  }
0x22: {  	s4 =	sadd.s32 s4, s14;
	s19 =	sadd.s32 s13, s11;
	[dreg:$0x12] =	wrdreg s23  }
0x23: {  	s13 =	sadd.s32 s21, s11;
	s21 =	sadd.s32 $0x6800, s19;
	[dreg:$0x13] =	wrdreg s24  }
0x24: {  	s5 =	sadd.s32 s5, s14;
	s19 =	sadd.s32 $0x1400, s19;
	[dreg:$0x15] =	wrdreg s21  }
0x25: {  	s6 =	sadd.s32 s6, s14;
	s7 =	sadd.s32 s7, s14;
	[dreg:$0x16] =	wrdreg s19  }
0x26: {  	s8 =	sadd.s32 s8, s14;
	s0 =	sshrl.u32 s0, $0x3;
	[dreg:$0x17] =	wrdreg s15  }
0x27: {  	s9 =	sadd.s32 s9, s14;
	s2 =	sshrl.u32 s2, $0x3;
	[smem:$0x7EC] =	sst s0  }
0x28: {  	s10 =	sadd.s32 s10, s14;
	s3 =	sshrl.u32 s3, $0x3;
	[smem:$0x7ED] =	sst s2  }
0x29: {  	s4 =	sshrl.u32 s4, $0x3;
	s5 =	sshrl.u32 s5, $0x3;
	[smem:$0x7EE] =	sst s3  }
0x2a: {  	s6 =	sshrl.u32 s6, $0x3;
	s7 =	sshrl.u32 s7, $0x3;
	[smem:$0x7EF] =	sst s4  }
0x2b: {  	s8 =	sshrl.u32 s8, $0x3;
	s9 =	sshrl.u32 s9, $0x3;
	[smem:$0x7F0] =	sst s5  }
0x2c: {  	s10 =	sshrl.u32 s10, $0x3;
	s17 =	simm.s32 $0x60;
	[smem:$0x7F1] =	sst s6  }
0x2d: {  	s22 =	sadd.s32 $0x50000, s11;
	s17 =	simm.s32 @!p0 $0x40;
	[smem:$0x7F2] =	sst s7  }
0x2e: {  	s11 =	sshrl.u32 s26, $0x2;
	s19 =	sshll.u32 s18, $0x7;
	[smem:$0x7F3] =	sst s8  }
0x2f: {  	s21 =	sadd.s32 $0x80, s20;
	s26 =	sadd.s32 $0xC0, s20;
	[smem:$0x7F4] =	sst s9  }
0x30: {  	[smem:$0x7F5] =	sst s10;
	s28 =	sadd.s32 s11, s16;
	s11 =	sshll.u32 s18, $0x4  }
0x31: {  	s15 =	sadd.s32 s19, s14;
	s23 =	sshll.u32 s21, $0x7;
	[dreg:$0x14] =	wrdreg s17  }
0x32: {  	s24 =	sshll.u32 s21, $0x4;
	[dreg:$0x18] =	wrdreg s15;
	s11 =	sadd.s32 s11, s16  }
0x33: {  	s15 =	sshll.u32 s26, $0x4;
	[dreg:$0x19] =	wrdreg s11;
	s11 =	sadd.s32 s23, s14  }
0x34: {  	s21 =	sadd.s32 $0x100, s20;
	s19 =	sadd.s32 s15, s16;
	[dreg:$0x1a] =	wrdreg s11  }
0x35: {  	s23 =	sshll.u32 s21, $0x7;
	s11 =	sadd.s32 s24, s16;
	[dreg:$0x1d] =	wrdreg s19  }
0x36: {  	s18 =	sshll.u32 s26, $0x7;
	s15 =	sadd.s32 s23, s14;
	[dreg:$0x1b] =	wrdreg s11  }
0x37: {  	s30 =	simm.s32 $0x1C050;
	s11 =	sadd.s32 s18, s14;
	[dreg:$0x1e] =	wrdreg s15  }
0x38: {  	s24 =	sadd.s32 $0x140, s20;
	[dreg:$0x1c] =	wrdreg s11;
	s11 =	sshll.u32 s21, $0x4  }
0x39: {  	s26 =	sshll.u32 s24, $0x7;
	s15 =	sshll.u32 s24, $0x4;
	s11 =	sadd.s32 s11, s16  }
0x3a: {  	s18 =	sadd.s32 $0x180, s20;
	[dreg:$0x1f] =	wrdreg s11;
	s11 =	sadd.s32 s26, s14  }
0x3b: {  	s19 =	sshll.u32 s18, $0x7;
	[smem:$0x7E2] =	sst s11;
	s11 =	sadd.s32 s15, s16  }
0x3c: {  	s15 =	sshll.u32 s18, $0x4;
	s18 =	sadd.s32 $0xA000, s25;
	[smem:$0x7E3] =	sst s11  }
0x3d: {  	s23 =	sadd.s32 $0x1C0, s20;
	s11 =	sadd.s32 s19, s14;
	[smem:$0x7F9] =	sst s18  }
0x3e: {  	s24 =	sshll.u32 s23, $0x7;
	s21 =	sadd.s32 s15, s16;
	[smem:$0x7E4] =	sst s11  }
0x3f: {  	s26 =	sadd.s32 $0x200, s20;
	s15 =	sadd.s32 s24, s14;
	[smem:$0x7E5] =	sst s21  }
0x40: {  	s19 =	sshll.u32 s26, $0x7;
	s11 =	sshll.u32 s23, $0x4;
	[smem:$0x7E6] =	sst s15  }
0x41: {  	s23 =	sadd.s32 $0x240, s20;
	s20 =	sadd.s32 $0xBC00, s13;
	s13 =	sadd.s32 $0x6000, s25  }
0x42: {  	s11 =	sadd.s32 s11, s16;
	s24 =	sshll.u32 s23, $0x7;
	[smem:$0x7F7] =	sst s13  }
0x43: {  	s15 =	sshll.u32 s23, $0x4;
	s23 =	sadd.s32 $0xE000, s25;
	[smem:$0x7E7] =	sst s11  }
0x44: {  	s31 =	simm.s32 $0x1;
	s11 =	sadd.s32 s19, s14;
	[smem:$0x7FB] =	sst s23  }
0x45: {  	s21 =	sshll.u32 s26, $0x4;
	s26 =	sadd.s32 s15, s16;
	[smem:$0x7E8] =	sst s11  }
0x46: {  	s0 =	simm.s32 $0x2;
	s15 =	sadd.s32 $0x8000, s25;
	[smem:$0x7EB] =	sst s26  }
0x47: {  	s3 =	simm.s32 $0x0;
	s19 =	sadd.s32 $0xC000, s25;
	[smem:$0x7F8] =	sst s15  }
0x48: {  	s5 =	sshrl.u32 s17, $0x1;
	s11 =	sadd.s32 s21, s16;
	[smem:$0x7FA] =	sst s19  }
0x49: {  	s13 =	simm.s32 $0x3050;
	s26 =	sadd.s32 $0x12000, s25;
	[smem:$0x7E9] =	sst s11  }
0x4a: {  	s23 =	simm.s32 $0x1B050;
	s11 =	sadd.s32 s24, s14;
	[smem:$0x7FD] =	sst s26  }
0x4b: {  	s21 =	sadd.s32 $0x2000, s25;
	s24 =	sadd.s32 $0x10000, s25;
	[smem:$0x7EA] =	sst s11  }
0x4c: {  	s19 =	simm.s32 $0x3;
	s11 =	sadd.s32 $0x4000, s25;
	[smem:$0x7FC] =	sst s24  }
0x4d: {  	v0 =	vimm.f32 $0.0e+00;
	vm0 =	vmmov $0x1;
	s26 =	simm.s32 $0x1F050;
	s24 =	simm.s32 $0x1D050;
	[smem:$0x7F6] =	sst s11  }
.LBB2_1:
0x4e: {  	s2 =	rddreg [dreg:$0x15]  }
0x4f: {  	[tilespmem:s1], [sflag:$0x3] =	stream.linear.gather [hbm4b:s2+s1], $0x1840, $0x38;
	[tilespmem:$0x1F450] =	vst v63  }
0x50: {  	_ =	swait.ge [sflag:s19], $0x1840  }
0x51: {  	[sflag:s19] =	ssyncset.done $0x0  }
0x52: {  	s4 =	simm.s32 $0x1840;
	s10 =	rddreg [dreg:$0x16];
	[sflag:s19] =	ssyncadd.s32 $0xFFFFE7C0  }
0x53: {  	[tilespmem:s4], [sflag:$0x3] =	stream.linear.gather [hbm4b:s10+s1], $0x1800, $0x38;
	[tilespmem:$0x1F450] =	vst v63  }
0x54: {  	_ =	swait.ge [sflag:s19], $0x1800  }
0x55: {  	[sflag:s19] =	ssyncset.done $0x0  }
0x56: {  	s15 =	simm.s32 $0x3040;
	s11 =	rddreg [dreg:$0x13];
	[sflag:s19] =	ssyncadd.s32 $0xFFFFE800  }
0x57: {  	[tilespmem:s15], [sflag:$0x3] =	stream.linear.gather [hbm4b:s11+s1], $0x10, $0x38;
	[tilespmem:$0x1F450] =	vst v63  }
0x58: {  	_ =	swait.ge [sflag:s19], $0x10  }
0x59: {  	[sflag:s19] =	ssyncset.done $0x0  }
0x5a: {  	s18 =	rddreg [dreg:$0x11];
	[sflag:s19] =	ssyncadd.s32 $0xFFFFFFF0  }
0x5b: {  	v1 =	vld [tilespmem:$0x3040];
	[tilespmem:s23], [sflag:$0x3] =	stream.linear.gather [hbm4b:s18+s1], $0x2800, $0x38  }
0x5c: {  	_ =	swait.ge [sflag:s19], $0x2800  }
0x5d: {  	s7 =	smov.u32 s17;
	[sflag:s19] =	ssyncset.done $0x0  }
0x5e: {  	s2 =	simm.s32 $0x20;
	s4 =	simm.s32 $0x3070;
	[sflag:s19] =	ssyncadd.s32 $0xFFFFD800  }
.LBB2_2:
0x5f: {  	v2 =	vld [tilespmem:s2+$0xFFFFFFE0];
	_ =	sdelay $0x7  }
0x60: {  	v2 =	vld.idx.msk [tilespmem:v2+s23+$0x0], $0xffff;
	_ =	sdelay $0x4  }
0x61: {  	[tilespmem:s4+$0xFFFFFFE0] =	vst v2  }
0x62: {  	v2 =	vld [tilespmem:s2+$0xFFFFFFF0];
	_ =	sdelay $0x7  }
0x63: {  	v2 =	vld.idx.msk [tilespmem:v2+s23+$0x0], $0xffff;
	_ =	sdelay $0x4  }
0x64: {  	[tilespmem:s4+$0xFFFFFFF0] =	vst v2  }
0x65: {  	v2 =	vld [tilespmem:s2+$0x0];
	_ =	sdelay $0x7  }
0x66: {  	v2 =	vld.idx.msk [tilespmem:v2+s23+$0x0], $0xffff;
	_ =	sdelay $0x4  }
0x67: {  	[tilespmem:s4+$0x0] =	vst v2  }
0x68: {  	v2 =	vld [tilespmem:s2+$0x10];
	_ =	sdelay $0x7  }
0x69: {  	p0 =	sne.s32 s7, $0x1;
	v2 =	vld.idx.msk [tilespmem:v2+s23+$0x0], $0xffff  }
.Ltmp0:
0x6a: {  	_ = 	snop;
	(pc) =	sbr.rel @p0 .LBB2_2-.Ltmp0, $2  }
0x6b: {  	_ =	sdelay $0x2  }
0x6c: {  	s7 =	sadd.s32 $0xFFFFFFFF, s7;
	s2 =	sadd.s32 $0x40, s2;
	[tilespmem:s4+$0x10] =	vst v2;
	s4 =	sadd.s32 $0x40, s4  }
0x6d: {  	s2 =	rddreg [dreg:$0x12]  }
0x6e: {  	[tilespmem:s23], [sflag:$0x3] =	stream.linear.gather [hbm4b:s2+s1], $0x2800, $0x38;
	[tilespmem:$0x1F450] =	vst v63  }
0x6f: {  	_ =	swait.ge [sflag:s19], $0x2800  }
0x70: {  	s4 =	simm.s32 $0x3070;
	[sflag:s19] =	ssyncset.done $0x0  }
0x71: {  	s7 =	smov.u32 s17;
	s2 =	simm.s32 $0x1860;
	[sflag:s19] =	ssyncadd.s32 $0xFFFFD800  }
.LBB2_4:
0x72: {  	v2 =	vld [tilespmem:s2+$0xFFFFFFE0];
	_ =	sdelay $0x6  }
0x73: {  	v3 =	vld [tilespmem:s4+$0xFFFFFFE0]  }
0x74: {  	v2 =	vld.idx.msk [tilespmem:v2+s23+$0x0], $0xffff;
	_ =	sdelay $0x4  }
0x75: {  	v2 =	vadd.f32 v2, v3;
	_ =	sdelay $0x1  }
0x76: {  	v3 =	vmul.f32 $2.000000030e-01, v2  }
0x77: {  	vm1 =	vge.f32 v2, $0.0e+00  }
0x78: {  	v2 =	vsel vm1, v2, v3  }
0x79: {  	v2 =	vsub.f32 v2, v1;
	_ =	sdelay $0x1  }
0x7a: {  	v2 =	vmul.f32 $1.442695020e+00, v2;
	_ =	sdelay $0x1  }
0x7b: {  	(erf) = vpow2.f32 v2;
	_ =	sdelay $0x8  }
0x7c: {  	v2 =	vpop (erf)  }
0x7d: {  	[tilespmem:s4+$0xFFFFFFE0] =	vst v2  }
0x7e: {  	v2 =	vld [tilespmem:s2+$0xFFFFFFF0];
	_ =	sdelay $0x6  }
0x7f: {  	v3 =	vld [tilespmem:s4+$0xFFFFFFF0]  }
0x80: {  	v2 =	vld.idx.msk [tilespmem:v2+s23+$0x0], $0xffff;
	_ =	sdelay $0x4  }
0x81: {  	v2 =	vadd.f32 v2, v3;
	_ =	sdelay $0x1  }
0x82: {  	v3 =	vmul.f32 $2.000000030e-01, v2  }
0x83: {  	vm1 =	vge.f32 v2, $0.0e+00  }
0x84: {  	v2 =	vsel vm1, v2, v3  }
0x85: {  	v2 =	vsub.f32 v2, v1;
	_ =	sdelay $0x1  }
0x86: {  	v2 =	vmul.f32 $1.442695020e+00, v2;
	_ =	sdelay $0x1  }
0x87: {  	(erf) = vpow2.f32 v2;
	_ =	sdelay $0x8  }
0x88: {  	v2 =	vpop (erf)  }
0x89: {  	[tilespmem:s4+$0xFFFFFFF0] =	vst v2  }
0x8a: {  	v2 =	vld [tilespmem:s2+$0x0];
	_ =	sdelay $0x6  }
0x8b: {  	v3 =	vld [tilespmem:s4+$0x0]  }
0x8c: {  	v2 =	vld.idx.msk [tilespmem:v2+s23+$0x0], $0xffff;
	_ =	sdelay $0x4  }
0x8d: {  	v2 =	vadd.f32 v2, v3;
	_ =	sdelay $0x1  }
0x8e: {  	v3 =	vmul.f32 $2.000000030e-01, v2  }
0x8f: {  	vm1 =	vge.f32 v2, $0.0e+00  }
0x90: {  	v2 =	vsel vm1, v2, v3  }
0x91: {  	v2 =	vsub.f32 v2, v1;
	_ =	sdelay $0x1  }
0x92: {  	v2 =	vmul.f32 $1.442695020e+00, v2;
	_ =	sdelay $0x1  }
0x93: {  	(erf) = vpow2.f32 v2;
	_ =	sdelay $0x8  }
0x94: {  	v2 =	vpop (erf)  }
0x95: {  	[tilespmem:s4+$0x0] =	vst v2  }
0x96: {  	v2 =	vld [tilespmem:s2+$0x10];
	_ =	sdelay $0x6  }
0x97: {  	v3 =	vld [tilespmem:s4+$0x10]  }
0x98: {  	v2 =	vld.idx.msk [tilespmem:v2+s23+$0x0], $0xffff;
	_ =	sdelay $0x4  }
0x99: {  	v2 =	vadd.f32 v2, v3;
	_ =	sdelay $0x1  }
0x9a: {  	v3 =	vmul.f32 $2.000000030e-01, v2  }
0x9b: {  	vm1 =	vge.f32 v2, $0.0e+00  }
0x9c: {  	v2 =	vsel vm1, v2, v3  }
0x9d: {  	v2 =	vsub.f32 v2, v1;
	_ =	sdelay $0x1  }
0x9e: {  	v2 =	vmul.f32 $1.442695020e+00, v2;
	_ =	sdelay $0x1  }
0x9f: {  	(erf) = vpow2.f32 v2;
	_ =	sdelay $0x4  }
0xa0: {  	p0 =	sne.s32 s7, $0x1  }
.Ltmp1:
0xa1: {  	_ = 	snop;
	(pc) =	sbr.rel @p0 .LBB2_4-.Ltmp1, $3  }
0xa2: {  	_ =	sdelay $0x1  }
0xa3: {  	v2 =	vpop (erf)  }
0xa4: {  	s7 =	sadd.s32 $0xFFFFFFFF, s7;
	s2 =	sadd.s32 $0x40, s2;
	[tilespmem:s4+$0x10] =	vst v2;
	s4 =	sadd.s32 $0x40, s4  }
0xa5: {  	s2 =	simm.s32 $0x1D090  }
0xa6: {  	[tilespmem:s2+$0xFFFFFFD0] =	vst v0  }
0xa7: {  	[tilespmem:s2+$0xFFFFFFE0] =	vst v0  }
0xa8: {  	[tilespmem:s2+$0xFFFFFFF0] =	vst v0  }
0xa9: {  	[tilespmem:s2+$0x0] =	vst v0  }
0xaa: {  	[tilespmem:s2+$0x10] =	vst v0  }
0xab: {  	[tilespmem:s2+$0x20] =	vst v0  }
0xac: {  	[tilespmem:s2+$0x30] =	vst v0  }
0xad: {  	s1 =	smov.u32 s21;
	s7 =	simm.s32 $0x0;
	s4 =	simm.s32 $0x40;
	[tilespmem:s2+$0xFFFFFFC0] =	vst v0  }
.LBB2_6:
0xae: {  	p0 =	sne.s32 s4, $0xFC0;
	[tilespmem:s7+$0x1F050] =	vst v0;
	s2 =	sadd.s32 $0x80, s2  }
0xaf: {  	[tilespmem:s2+$0xFFFFFFD0] =	vst v0  }
0xb0: {  	[tilespmem:s2+$0xFFFFFFE0] =	vst v0  }
0xb1: {  	[tilespmem:s2+$0xFFFFFFF0] =	vst v0  }
.Ltmp2:
0xb2: {  	[tilespmem:s2+$0x0] =	vst v0;
	(pc) =	sbr.rel @p0 .LBB2_6-.Ltmp2, $4  }
0xb3: {  	[tilespmem:s2+$0x10] =	vst v0  }
0xb4: {  	[tilespmem:s2+$0x20] =	vst v0  }
0xb5: {  	[tilespmem:s2+$0x30] =	vst v0  }
0xb6: {  	s7 =	sshra.s32 s4, $0x2;
	s4 =	sadd.s32 $0x40, s4;
	[tilespmem:s2+$0xFFFFFFC0] =	vst v0  }
0xb7: {  	[tilespmem:s7+$0x1F050] =	vst v0  }
0xb8: {  	[spmem:s25] =	stream.linear.scatter [tilespmem:s24], [sflag:$0x3], $0x2000, $0x38;
	[tilespmem:$0x1F450] =	vst v63  }
0xb9: {  	_ =	swait.ge [sflag:s19], $0x2000  }
0xba: {  	[sflag:s19] =	ssyncset.done $0x0  }
0xbb: {  	[sflag:s19] =	ssyncadd.s32 $0xFFFFE000  }
0xbc: {  	[spmem:s28] =	stream.linear.scatter [tilespmem:s26], [sflag:$0x3], $0x400, $0x38;
	[tilespmem:$0x1F450] =	vst v63  }
0xbd: {  	_ =	swait.ge [sflag:s19], $0x400  }
0xbe: {  	[sflag:s19] =	ssyncset.done $0x0  }
0xbf: {  	s2 =	rddreg [dreg:$0x18];
	[sflag:s19] =	ssyncadd.s32 $0xFFFFFC00  }
0xc0: {  	[spmem:s2] =	stream.linear.scatter [tilespmem:s24], [sflag:$0x3], $0x2000, $0x38;
	[tilespmem:$0x1F450] =	vst v63  }
0xc1: {  	_ =	swait.ge [sflag:s19], $0x2000  }
0xc2: {  	[sflag:s19] =	ssyncset.done $0x0  }
0xc3: {  	s10 =	rddreg [dreg:$0x19];
	[sflag:s19] =	ssyncadd.s32 $0xFFFFE000  }
0xc4: {  	[spmem:s10] =	stream.linear.scatter [tilespmem:s26], [sflag:$0x3], $0x400, $0x38;
	[tilespmem:$0x1F450] =	vst v63  }
0xc5: {  	_ =	swait.ge [sflag:s19], $0x400  }
0xc6: {  	[sflag:s19] =	ssyncset.done $0x0  }
0xc7: {  	s11 =	rddreg [dreg:$0x1a];
	[sflag:s19] =	ssyncadd.s32 $0xFFFFFC00  }
0xc8: {  	[spmem:s11] =	stream.linear.scatter [tilespmem:s24], [sflag:$0x3], $0x2000, $0x38;
	[tilespmem:$0x1F450] =	vst v63  }
0xc9: {  	_ =	swait.ge [sflag:s19], $0x2000  }
0xca: {  	[sflag:s19] =	ssyncset.done $0x0  }
0xcb: {  	s15 =	rddreg [dreg:$0x1b];
	[sflag:s19] =	ssyncadd.s32 $0xFFFFE000  }
0xcc: {  	[spmem:s15] =	stream.linear.scatter [tilespmem:s26], [sflag:$0x3], $0x400, $0x38;
	[tilespmem:$0x1F450] =	vst v63  }
0xcd: {  	_ =	swait.ge [sflag:s19], $0x400  }
0xce: {  	[sflag:s19] =	ssyncset.done $0x0  }
0xcf: {  	s17 =	rddreg [dreg:$0x1c];
	[sflag:s19] =	ssyncadd.s32 $0xFFFFFC00  }
0xd0: {  	[spmem:s17] =	stream.linear.scatter [tilespmem:s24], [sflag:$0x3], $0x2000, $0x38;
	[tilespmem:$0x1F450] =	vst v63  }
0xd1: {  	_ =	swait.ge [sflag:s19], $0x2000  }
0xd2: {  	[sflag:s19] =	ssyncset.done $0x0  }
0xd3: {  	s18 =	rddreg [dreg:$0x1d];
	[sflag:s19] =	ssyncadd.s32 $0xFFFFE000  }
0xd4: {  	[spmem:s18] =	stream.linear.scatter [tilespmem:s26], [sflag:$0x3], $0x400, $0x38;
	[tilespmem:$0x1F450] =	vst v63  }
0xd5: {  	_ =	swait.ge [sflag:s19], $0x400  }
0xd6: {  	[sflag:s19] =	ssyncset.done $0x0  }
0xd7: {  	s21 =	rddreg [dreg:$0x1e];
	[sflag:s19] =	ssyncadd.s32 $0xFFFFFC00  }
0xd8: {  	[spmem:s21] =	stream.linear.scatter [tilespmem:s24], [sflag:$0x3], $0x2000, $0x38;
	[tilespmem:$0x1F450] =	vst v63  }
0xd9: {  	_ =	swait.ge [sflag:s19], $0x2000  }
0xda: {  	[sflag:s19] =	ssyncset.done $0x0  }
0xdb: {  	s4 =	rddreg [dreg:$0x1f];
	[sflag:s19] =	ssyncadd.s32 $0xFFFFE000  }
0xdc: {  	[spmem:s4] =	stream.linear.scatter [tilespmem:s26], [sflag:$0x3], $0x400, $0x38;
	[tilespmem:$0x1F450] =	vst v63  }
0xdd: {  	_ =	swait.ge [sflag:s19], $0x400  }
0xde: {  	s6 =	sld [smem:$0x7E2]  }
0xdf: {  	[sflag:s19] =	ssyncset.done $0x0  }
0xe0: {  	[sflag:s19] =	ssyncadd.s32 $0xFFFFFC00  }
0xe1: {  	[spmem:s6] =	stream.linear.scatter [tilespmem:s24], [sflag:$0x3], $0x2000, $0x38;
	[tilespmem:$0x1F450] =	vst v63  }
0xe2: {  	_ =	swait.ge [sflag:s19], $0x2000  }
0xe3: {  	s7 =	sld [smem:$0x7E3]  }
0xe4: {  	[sflag:s19] =	ssyncset.done $0x0  }
0xe5: {  	[sflag:s19] =	ssyncadd.s32 $0xFFFFE000  }
0xe6: {  	[spmem:s7] =	stream.linear.scatter [tilespmem:s26], [sflag:$0x3], $0x400, $0x38;
	[tilespmem:$0x1F450] =	vst v63  }
0xe7: {  	_ =	swait.ge [sflag:s19], $0x400  }
0xe8: {  	s8 =	sld [smem:$0x7E4]  }
0xe9: {  	[sflag:s19] =	ssyncset.done $0x0  }
0xea: {  	[sflag:s19] =	ssyncadd.s32 $0xFFFFFC00  }
0xeb: {  	[spmem:s8] =	stream.linear.scatter [tilespmem:s24], [sflag:$0x3], $0x2000, $0x38;
	[tilespmem:$0x1F450] =	vst v63  }
0xec: {  	_ =	swait.ge [sflag:s19], $0x2000  }
0xed: {  	s9 =	sld [smem:$0x7E5]  }
0xee: {  	[sflag:s19] =	ssyncset.done $0x0  }
0xef: {  	[sflag:s19] =	ssyncadd.s32 $0xFFFFE000  }
0xf0: {  	[spmem:s9] =	stream.linear.scatter [tilespmem:s26], [sflag:$0x3], $0x400, $0x38;
	[tilespmem:$0x1F450] =	vst v63  }
0xf1: {  	_ =	swait.ge [sflag:s19], $0x400  }
0xf2: {  	s10 =	sld [smem:$0x7E6]  }
0xf3: {  	[sflag:s19] =	ssyncset.done $0x0  }
0xf4: {  	[sflag:s19] =	ssyncadd.s32 $0xFFFFFC00  }
0xf5: {  	[spmem:s10] =	stream.linear.scatter [tilespmem:s24], [sflag:$0x3], $0x2000, $0x38;
	[tilespmem:$0x1F450] =	vst v63  }
0xf6: {  	_ =	swait.ge [sflag:s19], $0x2000  }
0xf7: {  	s11 =	sld [smem:$0x7E7]  }
0xf8: {  	[sflag:s19] =	ssyncset.done $0x0  }
0xf9: {  	[sflag:s19] =	ssyncadd.s32 $0xFFFFE000  }
0xfa: {  	[spmem:s11] =	stream.linear.scatter [tilespmem:s26], [sflag:$0x3], $0x400, $0x38;
	[tilespmem:$0x1F450] =	vst v63  }
0xfb: {  	_ =	swait.ge [sflag:s19], $0x400  }
0xfc: {  	s15 =	sld [smem:$0x7E8]  }
0xfd: {  	[sflag:s19] =	ssyncset.done $0x0  }
0xfe: {  	[sflag:s19] =	ssyncadd.s32 $0xFFFFFC00  }
0xff: {  	[spmem:s15] =	stream.linear.scatter [tilespmem:s24], [sflag:$0x3], $0x2000, $0x38;
	[tilespmem:$0x1F450] =	vst v63  }
0x100: {  	_ =	swait.ge [sflag:s19], $0x2000  }
0x101: {  	s17 =	sld [smem:$0x7E9]  }
0x102: {  	[sflag:s19] =	ssyncset.done $0x0  }
0x103: {  	[sflag:s19] =	ssyncadd.s32 $0xFFFFE000  }
0x104: {  	[spmem:s17] =	stream.linear.scatter [tilespmem:s26], [sflag:$0x3], $0x400, $0x38;
	[tilespmem:$0x1F450] =	vst v63  }
0x105: {  	_ =	swait.ge [sflag:s19], $0x400  }
0x106: {  	s18 =	sld [smem:$0x7EA]  }
0x107: {  	[sflag:s19] =	ssyncset.done $0x0  }
0x108: {  	[sflag:s19] =	ssyncadd.s32 $0xFFFFFC00  }
0x109: {  	[spmem:s18] =	stream.linear.scatter [tilespmem:s24], [sflag:$0x3], $0x2000, $0x38;
	[tilespmem:$0x1F450] =	vst v63  }
0x10a: {  	_ =	swait.ge [sflag:s19], $0x2000  }
0x10b: {  	s21 =	sld [smem:$0x7EB]  }
0x10c: {  	[sflag:s19] =	ssyncset.done $0x0  }
0x10d: {  	[sflag:s19] =	ssyncadd.s32 $0xFFFFE000  }
0x10e: {  	[spmem:s21] =	stream.linear.scatter [tilespmem:s26], [sflag:$0x3], $0x400, $0x38;
	[tilespmem:$0x1F450] =	vst v63  }
0x10f: {  	_ =	swait.ge [sflag:s19], $0x400  }
0x110: {  	[sflag:s19] =	ssyncset.done $0x0  }
0x111: {  	[sflag:s19] =	ssyncadd.s32 $0xFFFFFC00  }
0x112: {  	s4 =	simm.s32 $0x0;
	s7 =	simm.s32 $0x0;
	[bflag:$0x0] =	sbarrier.arrive $0xFFFF  }
0x113: {  	[tilespmem:s23], [sflag:$0x1] =	stream.indirect.gather [hbm4b:s22+s29], $0x40, s4, s29, $0xb8;
	[tilespmem:$0x1F450] =	vst v63  }
.LBB2_8:
0x114: {  	s2 =	sadd.s32 $0xFFFFFFFC, s4  }
0x115: {  	s18 =	sshll.u32 s7, $0x7;
	s8 =	sadd.s32 $0x6, s2  }
0x116: {  	v1 =	vmov s8;
	s8 =	sor.u32 $0x40, s18  }
0x117: {  	[tilespmem:s30], [sflag:$0x2] =	stream.indirect.gather [hbm4b:s22+s29], $0x40, s8, s29, $0xb8;
	[tilespmem:$0x1F450] =	vst v63  }
0x118: {  	_ =	swait.ge [sflag:s31], $0x1000  }
0x119: {  	[sflag:s31] =	ssyncset.done $0x0  }
0x11a: {  	s9 =	simm.s32 $0x1B0D0;
	[sflag:s31] =	ssyncadd.s32 $0xFFFFF000  }
0x11b: {  	v2 =	vld [tilespmem:s9+$0x30]  }
0x11c: {  	s10 =	sadd.s32 $0x4, s2;
	v3 =	vld [tilespmem:s9+$0xFFFFFF80]  }
0x11d: {  	v6 =	vmov s10;
	v1 =	vand.u32 $0xFFFFFFFE, v1;
	v4 =	vld [tilespmem:s9+$0xFFFFFF90]  }
0x11e: {  	v6 =	vand.u32 $0xFFFFFFFC, v6;
	v1 =	vbroadcast v1, $0x0;
	v5 =	vld [tilespmem:s9+$0xFFFFFFA0]  }
0x11f: {  	s21 =	sadd.s32 $0x5, s2;
	v11 =	vbroadcast v6, $0x0;
	v7 =	vld [tilespmem:s9+$0xFFFFFFB0]  }
0x120: {  	v8 =	vmov s21;
	v9 =	vld [tilespmem:s9+$0xFFFFFFC0]  }
0x121: {  	v6 =	vand.u32 $0xFFFFFFFD, v8;
	v8 =	vld [tilespmem:s9+$0xFFFFFFD0]  }
0x122: {  	v14 =	vld [tilespmem:s9+$0xFFFFFFE0]  }
0x123: {  	s2 =	sadd.s32 $0x7, s2;
	v18 =	vld [tilespmem:s9+$0x20]  }
0x124: {  	v13 =	vmov s2;
	v12 =	vbroadcast v6, $0x0;
	v1 =	vld.idx.msk [tilespmem:v1+s13+$0x0], $0xffff;
	v6 =	vshll.u32 v2, $0x10  }
0x125: {  	v31 =	vld.idx.msk [tilespmem:v11+s13+$0x0], $0xffff;
	v2 =	vand.u32 $0xFFFF0000, v2;
	v19 =	vshll.u32 v3, $0x10;
	v20 =	vand.u32 $0xFFFF0000, v3  }
0x126: {  	v3 =	vld [tilespmem:s9+$0x0];
	v21 =	vshll.u32 v4, $0x10;
	v22 =	vand.u32 $0xFFFF0000, v4;
	v23 =	vshll.u32 v5, $0x10  }
0x127: {  	v16 =	vld [tilespmem:s9+$0x10];
	v27 =	vand.u32 $0xFFFF0000, v5;
	v28 =	vshll.u32 v7, $0x10;
	v29 =	vand.u32 $0xFFFF0000, v7  }
0x128: {  	v24 =	vld [tilespmem:s9+$0x40];
	v10 =	vshll.u32 v9, $0x10;
	v9 =	vand.u32 $0xFFFF0000, v9;
	v7 =	vand.u32 $0xFFFF0000, v8  }
0x129: {  	s11 =	simm.s32 $0x1F070;
	v25 =	vld [tilespmem:s9+$0x50];
	v5 =	vshll.u32 v14, $0x10;
	v32 =	vand.u32 $0xFFFF0000, v18;
	v17 =	vnsel vm0, $0x0, v1  }
0x12a: {  	v4 =	vld [tilespmem:s9+$0xFFFFFFF0];
	v2 =	vmul.f32 v2, v1;
	v63 =	vmul.f32 v20, v31;
	v20 =	vnsel vm0, $0x0, v31;
	[tilespmem:s11+$0x0] =	vst v17  }
0x12b: {  	s10 =	simm.s32 $0x1D150;
	v15 =	vmul.f32 v6, v1;
	v6 =	vshll.u32 v8, $0x10;
	[tilespmem:s11+$0xFFFFFFE0] =	vst v20;
	v8 =	vshll.u32 v3, $0x10  }
0x12c: {  	[tilespmem:s10+$0x70] =	vst v2;
	v2 =	vand.u32 $0xFFFF0000, v14;
	v14 =	vand.u32 $0xFFFF0000, v3;
	v8 =	vmul.f32 v8, v1  }
0x12d: {  	v26 =	vld [tilespmem:s9+$0x60];
	v11 =	vand.u32 $0xFFFF0000, v24;
	[tilespmem:s10+$0x30] =	vst v15;
	v15 =	vshll.u32 v16, $0x10;
	v14 =	vmul.f32 v14, v1  }
0x12e: {  	v30 =	vld [tilespmem:s9+$0x70];
	v17 =	vshll.u32 v18, $0x10;
	v16 =	vand.u32 $0xFFFF0000, v16;
	[tilespmem:s10+$0x0] =	vst v8;
	v8 =	vmul.f32 v15, v1  }
0x12f: {  	v18 =	vshll.u32 v25, $0x10;
	v3 =	vshll.u32 v4, $0x10;
	[tilespmem:s10+$0x40] =	vst v14;
	v14 =	vmul.f32 v16, v1;
	v15 =	vld.idx.msk [tilespmem:v12+s13+$0x0], $0xffff  }
0x130: {  	v4 =	vand.u32 $0xFFFF0000, v4;
	v12 =	vshll.u32 v24, $0x10;
	v24 =	vmul.f32 v17, v1;
	[tilespmem:s10+$0x10] =	vst v8;
	v8 =	vld.idx.msk [tilespmem:v13+s13+$0x0], $0xffff  }
0x131: {  	v16 =	vand.u32 $0xFFFF0000, v25;
	v1 =	vmul.f32 v32, v1;
	v25 =	vmul.f32 v19, v31;
	[tilespmem:s10+$0x50] =	vst v14  }
0x132: {  	v17 =	vshll.u32 v26, $0x10;
	v14 =	vand.u32 $0xFFFF0000, v26;
	[tilespmem:s10+$0x20] =	vst v24;
	v26 =	vmul.f32 v21, v31  }
0x133: {  	v19 =	vand.u32 $0xFFFF0000, v30;
	v24 =	vmul.f32 v22, v31;
	[tilespmem:s10+$0xFFFFFF00] =	vst v25;
	v25 =	vmul.f32 v23, v31  }
0x134: {  	[tilespmem:s10+$0xFFFFFF40] =	vst v63;
	v13 =	vshll.u32 v30, $0x10;
	v22 =	vmul.f32 v27, v31;
	v23 =	vmul.f32 v28, v31  }
0x135: {  	s15 =	simm.s32 $0x1F070;
	s2 =	simm.s32 $0x0;
	s18 =	simm.s32 $0x1D150;
	[tilespmem:s10+$0x60] =	vst v1;
	v21 =	vmul.f32 v29, v31;
	v20 =	vnsel vm0, $0x0, v15;
	v1 =	vnsel vm0, $0x0, v8  }
.LBB2_9:
0x136: {  	s17 =	sadd.s32 s2, s4;
	s2 =	sadd.s32 $0x4, s2;
	[tilespmem:s10+$0xFFFFFF10] =	vst v26;
	v10 =	vmul.f32 v10, v15;
	v9 =	vmul.f32 v9, v15  }
0x137: {  	v6 =	vmul.f32 v6, v15;
	v7 =	vmul.f32 v7, v15;
	s6 =	sadd.s32 $0x4, s17;
	s21 =	sadd.s32 $0x6, s17;
	p0 =	slt.u32 s2, $0x3C;
	[tilespmem:s10+$0xFFFFFF50] =	vst v24  }
0x138: {  	v5 =	vmul.f32 v5, v15;
	v24 =	vmov s6;
	s6 =	sadd.s32 $0x5, s17;
	v26 =	vmov s21;
	s17 =	sadd.s32 $0x7, s17;
	[tilespmem:s10+$0xFFFFFF20] =	vst v25  }
0x139: {  	v24 =	vand.u32 $0xFFFFFFFC, v24;
	v25 =	vmov s6;
	v26 =	vand.u32 $0xFFFFFFFE, v26;
	[tilespmem:s10+$0xFFFFFF60] =	vst v22  }
0x13a: {  	v22 =	vbroadcast v24, $0x0;
	v24 =	vand.u32 $0xFFFFFFFD, v25;
	v25 =	vbroadcast v26, $0x0;
	[tilespmem:s10+$0xFFFFFF30] =	vst v23  }
0x13b: {  	v2 =	vmul.f32 v2, v15;
	v23 =	vbroadcast v24, $0x0;
	v24 =	vmov s17;
	[tilespmem:s10+$0xFFFFFF70] =	vst v21  }
0x13c: {  	v3 =	vmul.f32 v3, v15;
	v4 =	vmul.f32 v4, v15;
	[tilespmem:s10+$0xFFFFFF80] =	vst v10  }
0x13d: {  	v10 =	vmul.f32 v11, v8;
	[tilespmem:s10+$0xFFFFFFC0] =	vst v9;
	v9 =	vmul.f32 v12, v8  }
0x13e: {  	s9 =	sadd.s32 $0x100, s9;
	v11 =	vmul.f32 v16, v8;
	[tilespmem:s10+$0xFFFFFF90] =	vst v6;
	v6 =	vmul.f32 v18, v8  }
0x13f: {  	v15 =	vmul.f32 v17, v8;
	v14 =	vmul.f32 v14, v8;
	v12 =	vld [tilespmem:s9+$0x30];
	[tilespmem:s10+$0xFFFFFFD0] =	vst v7  }
0x140: {  	v13 =	vmul.f32 v13, v8;
	v8 =	vmul.f32 v19, v8;
	v21 =	vld.idx.msk [tilespmem:v25+s13+$0x0], $0xffff;
	[tilespmem:s10+$0xFFFFFFA0] =	vst v5  }
0x141: {  	v5 =	vld [tilespmem:s9+$0xFFFFFF80];
	[tilespmem:s10+$0xFFFFFFE0] =	vst v2  }
0x142: {  	v2 =	vld [tilespmem:s9+$0xFFFFFF90];
	[tilespmem:s10+$0xFFFFFFB0] =	vst v3  }
0x143: {  	v3 =	vld [tilespmem:s9+$0xFFFFFFA0];
	[tilespmem:s10+$0xFFFFFFF0] =	vst v4  }
0x144: {  	v4 =	vld [tilespmem:s9+$0xFFFFFFB0];
	v7 =	vshll.u32 v12, $0x10;
	[tilespmem:s11+$0xFFFFFFF0] =	vst v20  }
0x145: {  	v12 =	vand.u32 $0xFFFF0000, v12;
	v16 =	vld [tilespmem:s9+$0xFFFFFFC0];
	[tilespmem:s10+$0x80] =	vst v9  }
0x146: {  	v9 =	vmul.f32 v12, v21;
	v20 =	vshll.u32 v5, $0x10;
	v25 =	vand.u32 $0xFFFF0000, v5;
	v5 =	vld [tilespmem:s9+$0xFFFFFFD0];
	[tilespmem:s10+$0xC0] =	vst v10  }
0x147: {  	v7 =	vmul.f32 v7, v21;
	s10 =	sadd.s32 $0x200, s10;
	v26 =	vshll.u32 v2, $0x10;
	v27 =	vand.u32 $0xFFFF0000, v2;
	v2 =	vld [tilespmem:s9+$0xFFFFFFE0];
	[tilespmem:s18+$0x90] =	vst v6  }
0x148: {  	v28 =	vshll.u32 v3, $0x10;
	v29 =	vand.u32 $0xFFFF0000, v3;
	v12 =	vld [tilespmem:s9+$0xFFFFFFF0];
	[tilespmem:s10+$0x70] =	vst v9;
	v3 =	vnsel vm0, $0x0, v21  }
0x149: {  	s11 =	sadd.s32 $0x40, s11;
	v30 =	vshll.u32 v4, $0x10;
	v31 =	vand.u32 $0xFFFF0000, v4;
	v17 =	vld [tilespmem:s9+$0x0];
	[tilespmem:s10+$0x30] =	vst v7  }
0x14a: {  	v10 =	vshll.u32 v16, $0x10;
	v9 =	vand.u32 $0xFFFF0000, v16;
	v16 =	vld [tilespmem:s9+$0x10];
	[tilespmem:s11+$0x0] =	vst v3  }
0x14b: {  	v6 =	vshll.u32 v5, $0x10;
	v7 =	vand.u32 $0xFFFF0000, v5;
	v18 =	vld [tilespmem:s9+$0x20];
	[tilespmem:s18+$0xD0] =	vst v11  }
0x14c: {  	v5 =	vshll.u32 v2, $0x10;
	v2 =	vand.u32 $0xFFFF0000, v2;
	v11 =	vld [tilespmem:s9+$0x40];
	[tilespmem:s18+$0xA0] =	vst v15  }
0x14d: {  	v3 =	vshll.u32 v12, $0x10;
	v4 =	vand.u32 $0xFFFF0000, v12;
	v19 =	vld [tilespmem:s9+$0x50];
	[tilespmem:s18+$0xE0] =	vst v14  }
0x14e: {  	v12 =	vshll.u32 v17, $0x10;
	v14 =	vand.u32 $0xFFFF0000, v17;
	v32 =	vld [tilespmem:s9+$0x60];
	[tilespmem:s18+$0xB0] =	vst v13  }
0x14f: {  	v12 =	vmul.f32 v12, v21;
	v13 =	vshll.u32 v16, $0x10;
	v16 =	vand.u32 $0xFFFF0000, v16;
	v33 =	vld [tilespmem:s9+$0x70];
	[tilespmem:s18+$0xF0] =	vst v8;
	s18 =	smov.u32 s10  }
0x150: {  	v8 =	vmul.f32 v14, v21;
	v34 =	vld.idx.msk [tilespmem:v22+s13+$0x0], $0xffff;
	v14 =	vshll.u32 v18, $0x10;
	v22 =	vand.u32 $0xFFFF0000, v18;
	[tilespmem:s15+$0x10] =	vst v1;
	s15 =	smov.u32 s11  }
0x151: {  	v1 =	vmul.f32 v13, v21;
	v15 =	vld.idx.msk [tilespmem:v23+s13+$0x0], $0xffff;
	[tilespmem:s10+$0x0] =	vst v12;
	v12 =	vshll.u32 v11, $0x10;
	v11 =	vand.u32 $0xFFFF0000, v11  }
0x152: {  	v13 =	vmul.f32 v16, v21;
	[tilespmem:s10+$0x40] =	vst v8;
	v8 =	vld.idx.msk [tilespmem:v24+s13+$0x0], $0xffff;
	v18 =	vshll.u32 v19, $0x10;
	v16 =	vand.u32 $0xFFFF0000, v19  }
0x153: {  	[tilespmem:s10+$0x10] =	vst v1;
	v1 =	vmul.f32 v14, v21;
	v17 =	vshll.u32 v32, $0x10;
	v14 =	vand.u32 $0xFFFF0000, v32  }
0x154: {  	v21 =	vmul.f32 v22, v21;
	[tilespmem:s10+$0x50] =	vst v13;
	v13 =	vshll.u32 v33, $0x10;
	v19 =	vand.u32 $0xFFFF0000, v33  }
.Ltmp3:
0x155: {  	[tilespmem:s10+$0x20] =	vst v1;
	(pc) =	sbr.rel @p0 .LBB2_9-.Ltmp3, $4  }
0x156: {  	v1 =	vmul.f32 v20, v34;
	v23 =	vmul.f32 v25, v34;
	v20 =	vnsel vm0, $0x0, v34;
	[tilespmem:s10+$0x60] =	vst v21  }
0x157: {  	v26 =	vmul.f32 v26, v34;
	v24 =	vmul.f32 v27, v34;
	[tilespmem:s11+$0xFFFFFFE0] =	vst v20;
	v20 =	vnsel vm0, $0x0, v15  }
0x158: {  	v25 =	vmul.f32 v28, v34;
	v22 =	vmul.f32 v29, v34;
	[tilespmem:s10+$0xFFFFFF00] =	vst v1;
	v1 =	vnsel vm0, $0x0, v8  }
0x159: {  	v21 =	vmul.f32 v31, v34;
	[tilespmem:s10+$0xFFFFFF40] =	vst v23;
	v23 =	vmul.f32 v30, v34  }
0x15a: {  	[tilespmem:s10+$0xFFFFFF10] =	vst v26  }
0x15b: {  	[tilespmem:s10+$0xFFFFFF50] =	vst v24  }
0x15c: {  	[tilespmem:s10+$0xFFFFFF20] =	vst v25  }
0x15d: {  	[tilespmem:s10+$0xFFFFFF60] =	vst v22  }
0x15e: {  	[tilespmem:s11+$0xFFFFFFF0] =	vst v20  }
0x15f: {  	[tilespmem:s15+$0x10] =	vst v1  }
0x160: {  	v10 =	vmul.f32 v10, v15;
	[tilespmem:s10+$0xFFFFFF30] =	vst v23  }
0x161: {  	v9 =	vmul.f32 v9, v15;
	[tilespmem:s10+$0xFFFFFF70] =	vst v21  }
0x162: {  	v6 =	vmul.f32 v6, v15;
	[tilespmem:s10+$0xFFFFFF80] =	vst v10  }
0x163: {  	v7 =	vmul.f32 v7, v15;
	[tilespmem:s10+$0xFFFFFFC0] =	vst v9  }
0x164: {  	v5 =	vmul.f32 v5, v15;
	[tilespmem:s10+$0xFFFFFF90] =	vst v6  }
0x165: {  	v2 =	vmul.f32 v2, v15;
	[tilespmem:s10+$0xFFFFFFD0] =	vst v7  }
0x166: {  	v3 =	vmul.f32 v3, v15;
	[tilespmem:s10+$0xFFFFFFA0] =	vst v5  }
0x167: {  	v4 =	vmul.f32 v4, v15;
	[tilespmem:s10+$0xFFFFFFE0] =	vst v2  }
0x168: {  	[tilespmem:s10+$0xFFFFFFB0] =	vst v3;
	v2 =	vmul.f32 v12, v8  }
0x169: {  	[tilespmem:s10+$0xFFFFFFF0] =	vst v4;
	v3 =	vmul.f32 v11, v8  }
0x16a: {  	v4 =	vmul.f32 v18, v8;
	[tilespmem:s10+$0x80] =	vst v2  }
0x16b: {  	v2 =	vmul.f32 v16, v8;
	[tilespmem:s10+$0xC0] =	vst v3  }
0x16c: {  	v3 =	vmul.f32 v17, v8;
	[tilespmem:s18+$0x90] =	vst v4  }
0x16d: {  	v4 =	vmul.f32 v14, v8;
	[tilespmem:s18+$0xD0] =	vst v2  }
0x16e: {  	v2 =	vmul.f32 v13, v8;
	[tilespmem:s18+$0xA0] =	vst v3  }
0x16f: {  	s2 =	sshll.u32 s7, $0x9;
	v3 =	vmul.f32 v19, v8;
	[tilespmem:s18+$0xE0] =	vst v4  }
0x170: {  	s2 =	sshra.s32 s2, $0x2;
	[tilespmem:s18+$0xB0] =	vst v2  }
0x171: {  	s6 =	sadd.s32 $0x1840, s2;
	[tilespmem:s18+$0xF0] =	vst v3  }
0x172: {  	[spmem:s14] =	stream.indirect.scatter.add.f32 [tilespmem:s24], [sflag:$0x3], $0x80, s6, s29, $0xb8;
	[tilespmem:$0x1F450] =	vst v63  }
0x173: {  	_ =	swait.ge [sflag:s19], $0x2000  }
0x174: {  	s15 =	sadd.s32 $0xFFFFFFFC, s4;
	[sflag:s19] =	ssyncset.done $0x0  }
0x175: {  	s9 =	sadd.s32 $0x46, s15;
	[sflag:s19] =	ssyncadd.s32 $0xFFFFE000  }
0x176: {  	[spmem:s16] =	stream.indirect.scatter.add.f32 [tilespmem:s26], [sflag:$0x3], $0x10, s6, s29, $0xb8;
	[tilespmem:$0x1F450] =	vst v63  }
0x177: {  	v1 =	vmov s9;
	_ =	swait.ge [sflag:s19], $0x400  }
0x178: {  	v1 =	vand.u32 $0xFFFFFFFE, v1;
	[sflag:s19] =	ssyncset.done $0x0  }
0x179: {  	s2 =	sadd.s32 $0x80, s2;
	v1 =	vbroadcast v1, $0x0;
	[sflag:s19] =	ssyncadd.s32 $0xFFFFFC00  }
0x17a: {  	[tilespmem:s23], [sflag:$0x1] =	stream.indirect.gather [hbm4b:s22+s29], $0x40, s2, s29, $0xb8;
	[tilespmem:$0x1F450] =	vst v63  }
0x17b: {  	_ =	swait.ge [sflag:s0], $0x1000  }
0x17c: {  	[sflag:s0] =	ssyncset.done $0x0  }
0x17d: {  	s9 =	simm.s32 $0x1C0D0;
	[sflag:s0] =	ssyncadd.s32 $0xFFFFF000  }
0x17e: {  	v2 =	vld [tilespmem:s9+$0x30]  }
0x17f: {  	s17 =	sadd.s32 $0x44, s15;
	v1 =	vld.idx.msk [tilespmem:v1+s13+$0x0], $0xffff  }
0x180: {  	v6 =	vmov s17;
	v3 =	vld [tilespmem:s9+$0xFFFFFF80]  }
0x181: {  	v6 =	vand.u32 $0xFFFFFFFC, v6;
	v4 =	vld [tilespmem:s9+$0xFFFFFF90]  }
0x182: {  	v11 =	vbroadcast v6, $0x0;
	v5 =	vld [tilespmem:s9+$0xFFFFFFA0]  }
0x183: {  	s18 =	sadd.s32 $0x45, s15;
	v7 =	vld [tilespmem:s9+$0xFFFFFFB0]  }
0x184: {  	v8 =	vmov s18;
	v9 =	vld [tilespmem:s9+$0xFFFFFFC0]  }
0x185: {  	v6 =	vand.u32 $0xFFFFFFFD, v8;
	v8 =	vld [tilespmem:s9+$0xFFFFFFD0]  }
0x186: {  	s21 =	sadd.s32 $0x47, s15;
	v14 =	vld [tilespmem:s9+$0xFFFFFFE0]  }
0x187: {  	v13 =	vmov s21;
	v12 =	vbroadcast v6, $0x0;
	v18 =	vld [tilespmem:s9+$0x20];
	v6 =	vshll.u32 v2, $0x10  }
0x188: {  	v31 =	vld.idx.msk [tilespmem:v11+s13+$0x0], $0xffff;
	v2 =	vand.u32 $0xFFFF0000, v2;
	v19 =	vshll.u32 v3, $0x10;
	v20 =	vand.u32 $0xFFFF0000, v3  }
0x189: {  	v3 =	vld [tilespmem:s9+$0x0];
	v21 =	vshll.u32 v4, $0x10;
	v22 =	vand.u32 $0xFFFF0000, v4;
	v23 =	vshll.u32 v5, $0x10  }
0x18a: {  	v16 =	vld [tilespmem:s9+$0x10];
	v27 =	vand.u32 $0xFFFF0000, v5;
	v17 =	vnsel vm0, $0x0, v1;
	v28 =	vshll.u32 v7, $0x10  }
0x18b: {  	v24 =	vld [tilespmem:s9+$0x40];
	v29 =	vand.u32 $0xFFFF0000, v7;
	v10 =	vshll.u32 v9, $0x10;
	v9 =	vand.u32 $0xFFFF0000, v9  }
0x18c: {  	s11 =	simm.s32 $0x1F070;
	v25 =	vld [tilespmem:s9+$0x50];
	v7 =	vand.u32 $0xFFFF0000, v8;
	v5 =	vshll.u32 v14, $0x10;
	v32 =	vand.u32 $0xFFFF0000, v18  }
0x18d: {  	v4 =	vld [tilespmem:s9+$0xFFFFFFF0];
	v2 =	vmul.f32 v2, v1;
	[tilespmem:s11+$0x0] =	vst v17;
	v63 =	vmul.f32 v20, v31;
	v20 =	vnsel vm0, $0x0, v31  }
0x18e: {  	s10 =	simm.s32 $0x1D150;
	v15 =	vmul.f32 v6, v1;
	v6 =	vshll.u32 v8, $0x10;
	[tilespmem:s11+$0xFFFFFFE0] =	vst v20;
	v8 =	vshll.u32 v3, $0x10  }
0x18f: {  	[tilespmem:s10+$0x70] =	vst v2;
	v2 =	vand.u32 $0xFFFF0000, v14;
	v14 =	vand.u32 $0xFFFF0000, v3;
	v8 =	vmul.f32 v8, v1  }
0x190: {  	v26 =	vld [tilespmem:s9+$0x60];
	v11 =	vand.u32 $0xFFFF0000, v24;
	[tilespmem:s10+$0x30] =	vst v15;
	v15 =	vshll.u32 v16, $0x10;
	v14 =	vmul.f32 v14, v1  }
0x191: {  	v30 =	vld [tilespmem:s9+$0x70];
	v17 =	vshll.u32 v18, $0x10;
	v16 =	vand.u32 $0xFFFF0000, v16;
	[tilespmem:s10+$0x0] =	vst v8;
	v8 =	vmul.f32 v15, v1  }
0x192: {  	v18 =	vshll.u32 v25, $0x10;
	v3 =	vshll.u32 v4, $0x10;
	[tilespmem:s10+$0x40] =	vst v14;
	v14 =	vmul.f32 v16, v1;
	v15 =	vld.idx.msk [tilespmem:v12+s13+$0x0], $0xffff  }
0x193: {  	v4 =	vand.u32 $0xFFFF0000, v4;
	v12 =	vshll.u32 v24, $0x10;
	v24 =	vmul.f32 v17, v1;
	[tilespmem:s10+$0x10] =	vst v8;
	v8 =	vld.idx.msk [tilespmem:v13+s13+$0x0], $0xffff  }
0x194: {  	v16 =	vand.u32 $0xFFFF0000, v25;
	v1 =	vmul.f32 v32, v1;
	v25 =	vmul.f32 v19, v31;
	[tilespmem:s10+$0x50] =	vst v14  }
0x195: {  	v17 =	vshll.u32 v26, $0x10;
	v14 =	vand.u32 $0xFFFF0000, v26;
	[tilespmem:s10+$0x20] =	vst v24;
	v26 =	vmul.f32 v21, v31  }
0x196: {  	v19 =	vand.u32 $0xFFFF0000, v30;
	v24 =	vmul.f32 v22, v31;
	[tilespmem:s10+$0xFFFFFF00] =	vst v25;
	v25 =	vmul.f32 v23, v31  }
0x197: {  	[tilespmem:s10+$0xFFFFFF40] =	vst v63;
	v13 =	vshll.u32 v30, $0x10;
	v22 =	vmul.f32 v27, v31;
	v23 =	vmul.f32 v28, v31  }
0x198: {  	s15 =	simm.s32 $0x1D150;
	s18 =	simm.s32 $0x1F070;
	s2 =	simm.s32 $0x0;
	[tilespmem:s10+$0x60] =	vst v1;
	v21 =	vmul.f32 v29, v31;
	v20 =	vnsel vm0, $0x0, v15;
	v1 =	vnsel vm0, $0x0, v8  }
.LBB2_11:
0x199: {  	s6 =	sadd.s32 s2, s4;
	s2 =	sadd.s32 $0x4, s2;
	[tilespmem:s10+$0xFFFFFF10] =	vst v26;
	v10 =	vmul.f32 v10, v15;
	v9 =	vmul.f32 v9, v15  }
0x19a: {  	v6 =	vmul.f32 v6, v15;
	v7 =	vmul.f32 v7, v15;
	s17 =	sadd.s32 $0x44, s6;
	s21 =	sadd.s32 $0x46, s6;
	p0 =	slt.u32 s2, $0x3C;
	[tilespmem:s10+$0xFFFFFF50] =	vst v24  }
0x19b: {  	v5 =	vmul.f32 v5, v15;
	v24 =	vmov s17;
	s17 =	sadd.s32 $0x45, s6;
	v26 =	vmov s21;
	s6 =	sadd.s32 $0x47, s6;
	[tilespmem:s10+$0xFFFFFF20] =	vst v25  }
0x19c: {  	v24 =	vand.u32 $0xFFFFFFFC, v24;
	v25 =	vmov s17;
	v26 =	vand.u32 $0xFFFFFFFE, v26;
	[tilespmem:s10+$0xFFFFFF60] =	vst v22  }
0x19d: {  	v22 =	vbroadcast v24, $0x0;
	v24 =	vand.u32 $0xFFFFFFFD, v25;
	v25 =	vbroadcast v26, $0x0;
	[tilespmem:s10+$0xFFFFFF30] =	vst v23  }
0x19e: {  	v2 =	vmul.f32 v2, v15;
	v23 =	vbroadcast v24, $0x0;
	v24 =	vmov s6;
	[tilespmem:s10+$0xFFFFFF70] =	vst v21  }
0x19f: {  	v3 =	vmul.f32 v3, v15;
	v4 =	vmul.f32 v4, v15;
	[tilespmem:s10+$0xFFFFFF80] =	vst v10  }
0x1a0: {  	v10 =	vmul.f32 v11, v8;
	[tilespmem:s10+$0xFFFFFFC0] =	vst v9;
	v9 =	vmul.f32 v12, v8  }
0x1a1: {  	s9 =	sadd.s32 $0x100, s9;
	v11 =	vmul.f32 v16, v8;
	[tilespmem:s10+$0xFFFFFF90] =	vst v6;
	v6 =	vmul.f32 v18, v8  }
0x1a2: {  	v15 =	vmul.f32 v17, v8;
	v14 =	vmul.f32 v14, v8;
	v12 =	vld [tilespmem:s9+$0x30];
	[tilespmem:s10+$0xFFFFFFD0] =	vst v7  }
0x1a3: {  	v13 =	vmul.f32 v13, v8;
	v8 =	vmul.f32 v19, v8;
	v21 =	vld.idx.msk [tilespmem:v25+s13+$0x0], $0xffff;
	[tilespmem:s10+$0xFFFFFFA0] =	vst v5  }
0x1a4: {  	v5 =	vld [tilespmem:s9+$0xFFFFFF80];
	[tilespmem:s10+$0xFFFFFFE0] =	vst v2  }
0x1a5: {  	v2 =	vld [tilespmem:s9+$0xFFFFFF90];
	[tilespmem:s10+$0xFFFFFFB0] =	vst v3  }
0x1a6: {  	v3 =	vld [tilespmem:s9+$0xFFFFFFA0];
	[tilespmem:s10+$0xFFFFFFF0] =	vst v4  }
0x1a7: {  	v4 =	vld [tilespmem:s9+$0xFFFFFFB0];
	v7 =	vshll.u32 v12, $0x10;
	[tilespmem:s11+$0xFFFFFFF0] =	vst v20  }
0x1a8: {  	v12 =	vand.u32 $0xFFFF0000, v12;
	v16 =	vld [tilespmem:s9+$0xFFFFFFC0];
	[tilespmem:s10+$0x80] =	vst v9  }
0x1a9: {  	v9 =	vmul.f32 v12, v21;
	v20 =	vshll.u32 v5, $0x10;
	v25 =	vand.u32 $0xFFFF0000, v5;
	v5 =	vld [tilespmem:s9+$0xFFFFFFD0];
	[tilespmem:s10+$0xC0] =	vst v10  }
0x1aa: {  	v7 =	vmul.f32 v7, v21;
	s10 =	sadd.s32 $0x200, s10;
	v26 =	vshll.u32 v2, $0x10;
	v27 =	vand.u32 $0xFFFF0000, v2;
	v2 =	vld [tilespmem:s9+$0xFFFFFFE0];
	[tilespmem:s15+$0x90] =	vst v6  }
0x1ab: {  	v28 =	vshll.u32 v3, $0x10;
	v29 =	vand.u32 $0xFFFF0000, v3;
	v12 =	vld [tilespmem:s9+$0xFFFFFFF0];
	[tilespmem:s10+$0x70] =	vst v9;
	v3 =	vnsel vm0, $0x0, v21  }
0x1ac: {  	s11 =	sadd.s32 $0x40, s11;
	v30 =	vshll.u32 v4, $0x10;
	v31 =	vand.u32 $0xFFFF0000, v4;
	v17 =	vld [tilespmem:s9+$0x0];
	[tilespmem:s10+$0x30] =	vst v7  }
0x1ad: {  	v10 =	vshll.u32 v16, $0x10;
	v9 =	vand.u32 $0xFFFF0000, v16;
	v16 =	vld [tilespmem:s9+$0x10];
	[tilespmem:s11+$0x0] =	vst v3  }
0x1ae: {  	v6 =	vshll.u32 v5, $0x10;
	v7 =	vand.u32 $0xFFFF0000, v5;
	v18 =	vld [tilespmem:s9+$0x20];
	[tilespmem:s15+$0xD0] =	vst v11  }
0x1af: {  	v5 =	vshll.u32 v2, $0x10;
	v2 =	vand.u32 $0xFFFF0000, v2;
	v11 =	vld [tilespmem:s9+$0x40];
	[tilespmem:s15+$0xA0] =	vst v15  }
0x1b0: {  	v3 =	vshll.u32 v12, $0x10;
	v4 =	vand.u32 $0xFFFF0000, v12;
	v19 =	vld [tilespmem:s9+$0x50];
	[tilespmem:s15+$0xE0] =	vst v14  }
0x1b1: {  	v12 =	vshll.u32 v17, $0x10;
	v14 =	vand.u32 $0xFFFF0000, v17;
	v32 =	vld [tilespmem:s9+$0x60];
	[tilespmem:s15+$0xB0] =	vst v13  }
0x1b2: {  	v12 =	vmul.f32 v12, v21;
	v13 =	vshll.u32 v16, $0x10;
	v16 =	vand.u32 $0xFFFF0000, v16;
	v33 =	vld [tilespmem:s9+$0x70];
	[tilespmem:s15+$0xF0] =	vst v8;
	s15 =	smov.u32 s10  }
0x1b3: {  	v8 =	vmul.f32 v14, v21;
	v34 =	vld.idx.msk [tilespmem:v22+s13+$0x0], $0xffff;
	v14 =	vshll.u32 v18, $0x10;
	v22 =	vand.u32 $0xFFFF0000, v18;
	[tilespmem:s18+$0x10] =	vst v1;
	s18 =	smov.u32 s11  }
0x1b4: {  	v1 =	vmul.f32 v13, v21;
	v15 =	vld.idx.msk [tilespmem:v23+s13+$0x0], $0xffff;
	[tilespmem:s10+$0x0] =	vst v12;
	v12 =	vshll.u32 v11, $0x10;
	v11 =	vand.u32 $0xFFFF0000, v11  }
0x1b5: {  	v13 =	vmul.f32 v16, v21;
	[tilespmem:s10+$0x40] =	vst v8;
	v8 =	vld.idx.msk [tilespmem:v24+s13+$0x0], $0xffff;
	v18 =	vshll.u32 v19, $0x10;
	v16 =	vand.u32 $0xFFFF0000, v19  }
0x1b6: {  	[tilespmem:s10+$0x10] =	vst v1;
	v1 =	vmul.f32 v14, v21;
	v17 =	vshll.u32 v32, $0x10;
	v14 =	vand.u32 $0xFFFF0000, v32  }
0x1b7: {  	v21 =	vmul.f32 v22, v21;
	[tilespmem:s10+$0x50] =	vst v13;
	v13 =	vshll.u32 v33, $0x10;
	v19 =	vand.u32 $0xFFFF0000, v33  }
.Ltmp4:
0x1b8: {  	[tilespmem:s10+$0x20] =	vst v1;
	(pc) =	sbr.rel @p0 .LBB2_11-.Ltmp4, $4  }
0x1b9: {  	v1 =	vmul.f32 v20, v34;
	v23 =	vmul.f32 v25, v34;
	v20 =	vnsel vm0, $0x0, v34;
	[tilespmem:s10+$0x60] =	vst v21  }
0x1ba: {  	v26 =	vmul.f32 v26, v34;
	v24 =	vmul.f32 v27, v34;
	[tilespmem:s11+$0xFFFFFFE0] =	vst v20;
	v20 =	vnsel vm0, $0x0, v15  }
0x1bb: {  	v25 =	vmul.f32 v28, v34;
	v22 =	vmul.f32 v29, v34;
	[tilespmem:s10+$0xFFFFFF00] =	vst v1;
	v1 =	vnsel vm0, $0x0, v8  }
0x1bc: {  	v21 =	vmul.f32 v31, v34;
	[tilespmem:s10+$0xFFFFFF40] =	vst v23;
	v23 =	vmul.f32 v30, v34  }
0x1bd: {  	[tilespmem:s10+$0xFFFFFF10] =	vst v26  }
0x1be: {  	[tilespmem:s10+$0xFFFFFF50] =	vst v24  }
0x1bf: {  	[tilespmem:s10+$0xFFFFFF20] =	vst v25  }
0x1c0: {  	[tilespmem:s10+$0xFFFFFF60] =	vst v22  }
0x1c1: {  	[tilespmem:s11+$0xFFFFFFF0] =	vst v20  }
0x1c2: {  	[tilespmem:s18+$0x10] =	vst v1  }
0x1c3: {  	v10 =	vmul.f32 v10, v15;
	[tilespmem:s10+$0xFFFFFF30] =	vst v23  }
0x1c4: {  	v9 =	vmul.f32 v9, v15;
	[tilespmem:s10+$0xFFFFFF70] =	vst v21  }
0x1c5: {  	v6 =	vmul.f32 v6, v15;
	[tilespmem:s10+$0xFFFFFF80] =	vst v10  }
0x1c6: {  	v7 =	vmul.f32 v7, v15;
	[tilespmem:s10+$0xFFFFFFC0] =	vst v9  }
0x1c7: {  	v5 =	vmul.f32 v5, v15;
	[tilespmem:s10+$0xFFFFFF90] =	vst v6  }
0x1c8: {  	v2 =	vmul.f32 v2, v15;
	[tilespmem:s10+$0xFFFFFFD0] =	vst v7  }
0x1c9: {  	v3 =	vmul.f32 v3, v15;
	[tilespmem:s10+$0xFFFFFFA0] =	vst v5  }
0x1ca: {  	v4 =	vmul.f32 v4, v15;
	[tilespmem:s10+$0xFFFFFFE0] =	vst v2  }
0x1cb: {  	[tilespmem:s10+$0xFFFFFFB0] =	vst v3;
	v2 =	vmul.f32 v12, v8  }
0x1cc: {  	[tilespmem:s10+$0xFFFFFFF0] =	vst v4;
	v3 =	vmul.f32 v11, v8  }
0x1cd: {  	v62 =	vmul.f32 v18, v8;
	[tilespmem:s10+$0x80] =	vst v2  }
0x1ce: {  	v63 =	vmul.f32 v14, v8;
	[tilespmem:s10+$0xC0] =	vst v3  }
0x1cf: {  	v2 =	vmul.f32 v16, v8;
	[tilespmem:s15+$0x90] =	vst v62  }
0x1d0: {  	v3 =	vmul.f32 v17, v8;
	[tilespmem:s15+$0xE0] =	vst v63  }
0x1d1: {  	[tilespmem:s15+$0xD0] =	vst v2;
	v2 =	vmul.f32 v13, v8  }
0x1d2: {  	[tilespmem:s15+$0xA0] =	vst v3;
	v3 =	vmul.f32 v19, v8  }
0x1d3: {  	[tilespmem:s15+$0xB0] =	vst v2  }
0x1d4: {  	s2 =	sadd.s32 $0x1840, s8;
	[tilespmem:s15+$0xF0] =	vst v3  }
0x1d5: {  	[spmem:s14] =	stream.indirect.scatter.add.f32 [tilespmem:s24], [sflag:$0x3], $0x80, s2, s29, $0xb8;
	[tilespmem:$0x1F450] =	vst v63  }
0x1d6: {  	s7 =	sadd.s32 $0x1, s7;
	_ =	swait.ge [sflag:s19], $0x2000  }
0x1d7: {  	p0 =	sne.s32 s7, s5;
	[sflag:s19] =	ssyncset.done $0x0  }
.Ltmp5:
0x1d8: {  	[sflag:s19] =	ssyncadd.s32 $0xFFFFE000;
	(pc) =	sbr.rel @p0 .LBB2_8-.Ltmp5, $4  }
0x1d9: {  	[spmem:s16] =	stream.indirect.scatter.add.f32 [tilespmem:s26], [sflag:$0x3], $0x10, s2, s29, $0xb8;
	[tilespmem:$0x1F450] =	vst v63  }
0x1da: {  	_ =	swait.ge [sflag:s19], $0x400  }
0x1db: {  	[sflag:s19] =	ssyncset.done $0x0  }
0x1dc: {  	s4 =	sadd.s32 $0x80, s4;
	[sflag:s19] =	ssyncadd.s32 $0xFFFFFC00  }
0x1dd: {  	_ =	swait.ge [sflag:s31], $0x1000  }
0x1de: {  	[sflag:s31] =	ssyncset.done $0x0  }
0x1df: {  	[sflag:s31] =	ssyncadd.s32 $0xFFFFF000  }
0x1e0: {  	[bflag:$0x0] =	sbarrier.arrive $0xFFFF  }
0x1e1: {  	s2 =	rddreg [dreg:$0x5]  }
0x1e2: {  	s18 =	sshrl.u32 s25, $0x3;
	s7 =	rddreg [dreg:$0x10];
	s4 =	sor.u32 $0x1C03, s2  }
0x1e3: {  	[hbm:s7], [sflag:s4] =	dma.local [spmem:s18], $0x400  }
0x1e4: {  	s21 =	sadd.s32 $0x0, s20;
	_ =	swait.ge [sflag:s19], $0x400  }
0x1e5: {  	s6 =	sshrl.u32 s28, $0x3;
	s9 =	simm.s32 $0x100;
	[sflag:s19] =	ssyncset.done $0x0  }
0x1e6: {  	s11 =	smov.u32 s1;
	s2 =	simm.s32 $0x80;
	[sflag:s19] =	ssyncadd.s32 $0xFFFFFC00  }
0x1e7: {  	[hbm:s21], [sflag:s4] =	dma.local [spmem:s6], $0x80  }
0x1e8: {  	s8 =	sadd.s32 $0x400, s7;
	s7 =	sadd.s32 $0x400, s28;
	_ =	swait.ge [sflag:s19], $0x80  }
0x1e9: {  	s10 =	smov.u32 s4;
	s21 =	smov.u32 s1;
	[sflag:s19] =	ssyncset.done $0x0  }
.LBB2_14:
0x1ea: {  	s6 =	sshrl.u32 s11, $0x3  }
0x1eb: {  	[sflag:s19] =	ssyncadd.s32 $0xFFFFFF80;
	s15 =	smov.u32 s2;
	s2 =	smov.u32 s9  }
0x1ec: {  	[hbm:s8], [sflag:s10] =	dma.local [spmem:s6], $0x400  }
0x1ed: {  	p0 =	sne.s32 s9, $0x480;
	s9 =	sadd.s32 $0x80, s9;
	_ =	swait.ge [sflag:s19], $0x400  }
.Ltmp6:
0x1ee: {  	[sflag:s19] =	ssyncset.done $0x0;
	(pc) =	sbr.rel @p0 .LBB2_14-.Ltmp6, $4  }
0x1ef: {  	s6 =	sadd.s32 s15, s20;
	s15 =	sshrl.u32 s7, $0x3;
	[sflag:s19] =	ssyncadd.s32 $0xFFFFFC00  }
0x1f0: {  	[hbm:s6], [sflag:s10] =	dma.local [spmem:s15], $0x80  }
0x1f1: {  	s8 =	sadd.s32 $0x400, s8;
	s10 =	smov.u32 s4;
	_ =	swait.ge [sflag:s19], $0x80  }
0x1f2: {  	s11 =	sadd.s32 $0x2000, s11;
	s7 =	sadd.s32 $0x400, s7;
	[sflag:s19] =	ssyncset.done $0x0  }
0x1f3: {  	s6 =	sshrl.u32 s11, $0x3;
	[sflag:s19] =	ssyncadd.s32 $0xFFFFFF80  }
0x1f4: {  	[hbm:s8], [sflag:s10] =	dma.local [spmem:s6], $0x400  }
0x1f5: {  	_ =	swait.ge [sflag:s19], $0x400  }
0x1f6: {  	[sflag:s19] =	ssyncset.done $0x0  }
0x1f7: {  	s2 =	sadd.s32 s2, s20;
	s18 =	sshrl.u32 s7, $0x3;
	[sflag:s19] =	ssyncadd.s32 $0xFFFFFC00  }
0x1f8: {  	[hbm:s2], [sflag:s10] =	dma.local [spmem:s18], $0x80  }
0x1f9: {  	_ =	swait.ge [sflag:s19], $0x80  }
0x1fa: {  	[sflag:s19] =	ssyncset.done $0x0  }
0x1fb: {  	s7 =	simm.s32 $0x200;
	[sflag:s19] =	ssyncadd.s32 $0xFFFFFF80  }
0x1fc: {  	s1 =	simm.s32 $0x0;
	s2 =	simm.s32 $0x0;
	[bflag:$0x0] =	sbarrier.arrive $0xFFFF  }
.LBB2_16:
0x1fd: {  	p0 =	sne.s32 s7, $0x7E00;
	[tilespmem:s2+$0x1D0C0] =	vst v0  }
0x1fe: {  	[tilespmem:s2+$0x1D050] =	vst v0  }
0x1ff: {  	[tilespmem:s2+$0x1D060] =	vst v0  }
.Ltmp7:
0x200: {  	[tilespmem:s2+$0x1D070] =	vst v0;
	(pc) =	sbr.rel @p0 .LBB2_16-.Ltmp7, $4  }
0x201: {  	[tilespmem:s2+$0x1D080] =	vst v0  }
0x202: {  	[tilespmem:s2+$0x1D090] =	vst v0  }
0x203: {  	[tilespmem:s2+$0x1D0A0] =	vst v0  }
0x204: {  	[tilespmem:s2+$0x1D0B0] =	vst v0;
	s2 =	sshra.s32 s7, $0x2;
	s7 =	sadd.s32 $0x200, s7  }
0x205: {  	[tilespmem:s2+$0x1D0C0] =	vst v0  }
0x206: {  	[tilespmem:s2+$0x1D050] =	vst v0  }
0x207: {  	[tilespmem:s2+$0x1D060] =	vst v0  }
0x208: {  	[tilespmem:s2+$0x1D070] =	vst v0  }
0x209: {  	[tilespmem:s2+$0x1D080] =	vst v0  }
0x20a: {  	[tilespmem:s2+$0x1D090] =	vst v0  }
0x20b: {  	[tilespmem:s2+$0x1D0A0] =	vst v0  }
0x20c: {  	[tilespmem:s2+$0x1D0B0] =	vst v0  }
0x20d: {  	[spmem:s25] =	stream.linear.scatter [tilespmem:s24], [sflag:$0x3], $0x2000, $0x38;
	[tilespmem:$0x1F450] =	vst v63  }
0x20e: {  	_ =	swait.ge [sflag:s19], $0x2000  }
0x20f: {  	[sflag:s19] =	ssyncset.done $0x0  }
0x210: {  	[sflag:s19] =	ssyncadd.s32 $0xFFFFE000  }
0x211: {  	[spmem:s21] =	stream.linear.scatter [tilespmem:s24], [sflag:$0x3], $0x2000, $0x38;
	[tilespmem:$0x1F450] =	vst v63  }
0x212: {  	_ =	swait.ge [sflag:s19], $0x2000  }
0x213: {  	s7 =	sld [smem:$0x7F6]  }
0x214: {  	[sflag:s19] =	ssyncset.done $0x0  }
0x215: {  	[sflag:s19] =	ssyncadd.s32 $0xFFFFE000  }
0x216: {  	[spmem:s7] =	stream.linear.scatter [tilespmem:s24], [sflag:$0x3], $0x2000, $0x38;
	[tilespmem:$0x1F450] =	vst v63  }
0x217: {  	_ =	swait.ge [sflag:s19], $0x2000  }
0x218: {  	s8 =	sld [smem:$0x7F7]  }
0x219: {  	[sflag:s19] =	ssyncset.done $0x0  }
0x21a: {  	[sflag:s19] =	ssyncadd.s32 $0xFFFFE000  }
0x21b: {  	[spmem:s8] =	stream.linear.scatter [tilespmem:s24], [sflag:$0x3], $0x2000, $0x38;
	[tilespmem:$0x1F450] =	vst v63  }
0x21c: {  	_ =	swait.ge [sflag:s19], $0x2000  }
0x21d: {  	s9 =	sld [smem:$0x7F8]  }
0x21e: {  	[sflag:s19] =	ssyncset.done $0x0  }
0x21f: {  	[sflag:s19] =	ssyncadd.s32 $0xFFFFE000  }
0x220: {  	[spmem:s9] =	stream.linear.scatter [tilespmem:s24], [sflag:$0x3], $0x2000, $0x38;
	[tilespmem:$0x1F450] =	vst v63  }
0x221: {  	_ =	swait.ge [sflag:s19], $0x2000  }
0x222: {  	s10 =	sld [smem:$0x7F9]  }
0x223: {  	[sflag:s19] =	ssyncset.done $0x0  }
0x224: {  	[sflag:s19] =	ssyncadd.s32 $0xFFFFE000  }
0x225: {  	[spmem:s10] =	stream.linear.scatter [tilespmem:s24], [sflag:$0x3], $0x2000, $0x38;
	[tilespmem:$0x1F450] =	vst v63  }
0x226: {  	_ =	swait.ge [sflag:s19], $0x2000  }
0x227: {  	s11 =	sld [smem:$0x7FA]  }
0x228: {  	[sflag:s19] =	ssyncset.done $0x0  }
0x229: {  	[sflag:s19] =	ssyncadd.s32 $0xFFFFE000  }
0x22a: {  	[spmem:s11] =	stream.linear.scatter [tilespmem:s24], [sflag:$0x3], $0x2000, $0x38;
	[tilespmem:$0x1F450] =	vst v63  }
0x22b: {  	_ =	swait.ge [sflag:s19], $0x2000  }
0x22c: {  	s15 =	sld [smem:$0x7FB]  }
0x22d: {  	[sflag:s19] =	ssyncset.done $0x0  }
0x22e: {  	[sflag:s19] =	ssyncadd.s32 $0xFFFFE000  }
0x22f: {  	[spmem:s15] =	stream.linear.scatter [tilespmem:s24], [sflag:$0x3], $0x2000, $0x38;
	[tilespmem:$0x1F450] =	vst v63  }
0x230: {  	_ =	swait.ge [sflag:s19], $0x2000  }
0x231: {  	s17 =	sld [smem:$0x7FC]  }
0x232: {  	[sflag:s19] =	ssyncset.done $0x0  }
0x233: {  	[sflag:s19] =	ssyncadd.s32 $0xFFFFE000  }
0x234: {  	[spmem:s17] =	stream.linear.scatter [tilespmem:s24], [sflag:$0x3], $0x2000, $0x38;
	[tilespmem:$0x1F450] =	vst v63  }
0x235: {  	_ =	swait.ge [sflag:s19], $0x2000  }
0x236: {  	s18 =	sld [smem:$0x7FD]  }
0x237: {  	[sflag:s19] =	ssyncset.done $0x0  }
0x238: {  	[sflag:s19] =	ssyncadd.s32 $0xFFFFE000  }
0x239: {  	[spmem:s18] =	stream.linear.scatter [tilespmem:s24], [sflag:$0x3], $0x2000, $0x38;
	[tilespmem:$0x1F450] =	vst v63  }
0x23a: {  	_ =	swait.ge [sflag:s19], $0x2000  }
0x23b: {  	[sflag:s19] =	ssyncset.done $0x0  }
0x23c: {  	[sflag:s19] =	ssyncadd.s32 $0xFFFFE000  }
0x23d: {  	s7 =	simm.s32 $0x0;
	s8 =	simm.s32 $0x0;
	[bflag:$0x0] =	sbarrier.arrive $0xFFFF  }
0x23e: {  	[tilespmem:s23], [sflag:$0x1] =	stream.indirect.gather [hbm4b:s12+s29], $0x40, s7, s29, $0xb8;
	[tilespmem:$0x1F450] =	vst v63  }
.LBB2_18:
0x23f: {  	s6 =	sadd.s32 $0xFFFFFFFC, s7  }
0x240: {  	s2 =	sadd.s32 $0x6, s6  }
0x241: {  	v1 =	vmov s2  }
0x242: {  	s11 =	sshll.u32 s8, $0x7;
	v1 =	vand.u32 $0xFFFFFFFE, v1  }
0x243: {  	s9 =	sor.u32 $0x40, s11;
	v1 =	vbroadcast v1, $0x0  }
0x244: {  	[tilespmem:s30], [sflag:$0x2] =	stream.indirect.gather [hbm4b:s12+s29], $0x40, s9, s29, $0xb8;
	[tilespmem:$0x1F450] =	vst v63  }
0x245: {  	_ =	swait.ge [sflag:s31], $0x1000  }
0x246: {  	[sflag:s31] =	ssyncset.done $0x0  }
0x247: {  	s15 =	simm.s32 $0x1B0D0;
	[sflag:s31] =	ssyncadd.s32 $0xFFFFF000  }
0x248: {  	s10 =	sadd.s32 $0x4, s6;
	v2 =	vld [tilespmem:s15+$0x30]  }
0x249: {  	v3 =	vmov s10;
	v1 =	vld.idx.msk [tilespmem:v1+s13+$0x0], $0xffff  }
0x24a: {  	v3 =	vand.u32 $0xFFFFFFFC, v3;
	v4 =	vld [tilespmem:s15+$0x0]  }
0x24b: {  	v3 =	vbroadcast v3, $0x0  }
0x24c: {  	v5 =	vld [tilespmem:s15+$0x10]  }
0x24d: {  	v6 =	vand.u32 $0xFFFF0000, v2  }
0x24e: {  	s18 =	sadd.s32 $0x0, s7;
	v7 =	vld [tilespmem:s15+$0x20];
	v2 =	vshll.u32 v2, $0x10;
	v6 =	vmul.f32 v6, v1  }
0x24f: {  	s17 =	sadd.s32 $0x6, s18;
	s10 =	simm.s32 $0x1D150;
	v8 =	vld [tilespmem:s15+$0xFFFFFF80];
	v9 =	vshll.u32 v4, $0x10;
	v4 =	vand.u32 $0xFFFF0000, v4;
	v2 =	vmul.f32 v2, v1  }
0x250: {  	s11 =	sadd.s32 $0x5, s6;
	v17 =	vmov s17;
	v10 =	vld [tilespmem:s15+$0xFFFFFF90];
	v4 =	vmul.f32 v4, v1;
	[tilespmem:s10+$0x70] =	vst v6  }
0x251: {  	v3 =	vld.idx.msk [tilespmem:v3+s13+$0x0], $0xffff;
	v6 =	vmul.f32 v9, v1;
	v9 =	vmov s11;
	[tilespmem:s10+$0x30] =	vst v2;
	v2 =	vshll.u32 v5, $0x10  }
0x252: {  	v11 =	vld [tilespmem:s15+$0xFFFFFFA0];
	v5 =	vand.u32 $0xFFFF0000, v5;
	[tilespmem:s10+$0x40] =	vst v4;
	v9 =	vand.u32 $0xFFFFFFFD, v9;
	v2 =	vmul.f32 v2, v1  }
0x253: {  	v13 =	vld [tilespmem:s15+$0xFFFFFFC0];
	v12 =	vshll.u32 v7, $0x10;
	v4 =	vmul.f32 v5, v1;
	[tilespmem:s10+$0x0] =	vst v6;
	v6 =	vbroadcast v9, $0x0  }
0x254: {  	v17 =	vand.u32 $0xFFFFFFFE, v17;
	v14 =	vld [tilespmem:s15+$0xFFFFFFD0];
	v7 =	vand.u32 $0xFFFF0000, v7;
	[tilespmem:s10+$0x10] =	vst v2;
	v2 =	vmul.f32 v12, v1  }
0x255: {  	v15 =	vld [tilespmem:s15+$0xFFFFFFF0];
	v12 =	vshll.u32 v8, $0x10;
	v8 =	vand.u32 $0xFFFF0000, v8;
	[tilespmem:s10+$0x50] =	vst v4;
	v1 =	vmul.f32 v7, v1  }
0x256: {  	s6 =	sadd.s32 $0x7, s6;
	v17 =	vbroadcast v17, $0x0;
	v9 =	vld [tilespmem:s15+$0xFFFFFFB0];
	v4 =	vshll.u32 v10, $0x10;
	v8 =	vmul.f32 v8, v3;
	[tilespmem:s10+$0x20] =	vst v2  }
0x257: {  	v5 =	vmov s6;
	v7 =	vand.u32 $0xFFFF0000, v10;
	v10 =	vld [tilespmem:s15+$0xFFFFFFE0];
	v4 =	vmul.f32 v4, v3;
	[tilespmem:s10+$0x60] =	vst v1  }
0x258: {  	v16 =	vld [tilespmem:s15+$0x40];
	v7 =	vmul.f32 v7, v3;
	v2 =	vmul.f32 v12, v3;
	[tilespmem:s10+$0xFFFFFF40] =	vst v8  }
0x259: {  	v12 =	vshll.u32 v11, $0x10;
	v11 =	vand.u32 $0xFFFF0000, v11;
	v8 =	vand.u32 $0xFFFF0000, v13;
	[tilespmem:s10+$0xFFFFFF10] =	vst v4;
	v6 =	vld.idx.msk [tilespmem:v6+s13+$0x0], $0xffff  }
0x25a: {  	v12 =	vmul.f32 v12, v3;
	v4 =	vshll.u32 v14, $0x10;
	[tilespmem:s10+$0xFFFFFF00] =	vst v2;
	v2 =	vshll.u32 v13, $0x10;
	v13 =	vld [tilespmem:s15+$0x50]  }
0x25b: {  	[tilespmem:s10+$0xFFFFFF50] =	vst v7;
	v7 =	vmul.f32 v11, v3;
	v11 =	vand.u32 $0xFFFF0000, v14;
	v1 =	vshll.u32 v9, $0x10  }
0x25c: {  	v5 =	vld.idx.msk [tilespmem:v5+s13+$0x0], $0xffff;
	v9 =	vand.u32 $0xFFFF0000, v9;
	v14 =	vshll.u32 v10, $0x10;
	[tilespmem:s10+$0xFFFFFF20] =	vst v12;
	v1 =	vmul.f32 v1, v3  }
0x25d: {  	v18 =	vld [tilespmem:s15+$0x60];
	v12 =	vshll.u32 v15, $0x10;
	v3 =	vmul.f32 v9, v3;
	[tilespmem:s10+$0xFFFFFF60] =	vst v7;
	v7 =	vand.u32 $0xFFFF0000, v15  }
0x25e: {  	v9 =	vld [tilespmem:s15+$0x70];
	v15 =	vshll.u32 v16, $0x10;
	s15 =	simm.s32 $0x1B1D0;
	[tilespmem:s10+$0xFFFFFF30] =	vst v1;
	v1 =	vand.u32 $0xFFFF0000, v16;
	v2 =	vmul.f32 v2, v6  }
0x25f: {  	v19 =	vld [tilespmem:s15+$0x30];
	[tilespmem:s10+$0xFFFFFF70] =	vst v3;
	v16 =	vshll.u32 v13, $0x10;
	v8 =	vmul.f32 v8, v6;
	v4 =	vmul.f32 v4, v6  }
0x260: {  	v24 =	vld.idx.msk [tilespmem:v17+s13+$0x0], $0xffff;
	s11 =	sadd.s32 $0x4, s18;
	v3 =	vand.u32 $0xFFFF0000, v13;
	v11 =	vmul.f32 v11, v6;
	v12 =	vmul.f32 v12, v6;
	[tilespmem:s10+$0xFFFFFF80] =	vst v2  }
0x261: {  	s17 =	sadd.s32 $0x5, s18;
	v21 =	vld [tilespmem:s15+$0xFFFFFFB0];
	v13 =	vmov s11;
	v23 =	vmul.f32 v16, v5;
	v3 =	vmul.f32 v3, v5;
	[tilespmem:s10+$0xFFFFFFC0] =	vst v8  }
0x262: {  	v25 =	vld [tilespmem:s15+$0xFFFFFFD0];
	v2 =	vand.u32 $0xFFFFFFFC, v13;
	v13 =	vmov s17;
	v8 =	vmul.f32 v14, v6;
	[tilespmem:s10+$0xFFFFFF90] =	vst v4  }
0x263: {  	v30 =	vld [tilespmem:s15+$0xFFFFFFF0];
	v4 =	vshll.u32 v18, $0x10;
	[tilespmem:s10+$0xFFFFFFD0] =	vst v11;
	v11 =	vand.u32 $0xFFFF0000, v18;
	v18 =	vmul.f32 v1, v5  }
0x264: {  	v31 =	vld [tilespmem:s15+$0x10];
	v1 =	vand.u32 $0xFFFF0000, v19;
	[tilespmem:s10+$0xFFFFFFB0] =	vst v12;
	v12 =	vshll.u32 v9, $0x10;
	v20 =	vbroadcast v2, $0x0  }
0x265: {  	[tilespmem:s10+$0x90] =	vst v23;
	v2 =	vand.u32 $0xFFFFFFFD, v13;
	v13 =	vld [tilespmem:s15+$0xFFFFFF80];
	v1 =	vmul.f32 v1, v24;
	v27 =	vmul.f32 v11, v5  }
0x266: {  	s18 =	sadd.s32 $0x7, s18;
	v10 =	vand.u32 $0xFFFF0000, v10;
	v26 =	vmul.f32 v4, v5;
	v11 =	vld [tilespmem:s15+$0xFFFFFFE0];
	v28 =	vmul.f32 v12, v5;
	[tilespmem:s10+$0xFFFFFFA0] =	vst v8  }
0x267: {  	v29 =	vmov s18;
	v12 =	vld [tilespmem:s15+$0x0];
	v22 =	vbroadcast v2, $0x0;
	v2 =	vmul.f32 v10, v6;
	[tilespmem:s10+$0xE0] =	vst v27  }
0x268: {  	v4 =	vshll.u32 v21, $0x10;
	v10 =	vld [tilespmem:s15+$0xFFFFFF90];
	v6 =	vmul.f32 v7, v6;
	v8 =	vmul.f32 v15, v5;
	[tilespmem:s10+$0xB0] =	vst v28  }
0x269: {  	v7 =	vld [tilespmem:s15+$0xFFFFFFA0];
	v27 =	vshll.u32 v31, $0x10;
	v28 =	vand.u32 $0xFFFF0000, v31;
	[tilespmem:s10+$0xFFFFFFE0] =	vst v2;
	v2 =	vshll.u32 v19, $0x10  }
0x26a: {  	[tilespmem:s10+$0xC0] =	vst v18;
	v18 =	vld [tilespmem:s15+$0x20];
	v27 =	vmul.f32 v27, v24;
	v14 =	vmul.f32 v2, v24;
	v2 =	vand.u32 $0xFFFF0000, v9  }
0x26b: {  	[tilespmem:s10+$0xD0] =	vst v3;
	v19 =	vld [tilespmem:s15+$0xFFFFFFC0];
	v2 =	vmul.f32 v2, v5;
	v17 =	vshll.u32 v13, $0x10;
	v16 =	vand.u32 $0xFFFF0000, v13  }
0x26c: {  	s11 =	simm.s32 $0x1D350;
	[tilespmem:s10+$0x80] =	vst v8;
	v5 =	vand.u32 $0xFFFF0000, v21;
	v8 =	vshll.u32 v11, $0x10;
	v3 =	vand.u32 $0xFFFF0000, v11  }
0x26d: {  	v11 =	vshll.u32 v30, $0x10;
	[tilespmem:s11+$0x30] =	vst v14;
	v14 =	vshll.u32 v10, $0x10;
	v15 =	vand.u32 $0xFFFF0000, v10  }
0x26e: {  	v23 =	vld [tilespmem:s15+$0x50];
	[tilespmem:s11+$0x70] =	vst v1;
	v13 =	vshll.u32 v7, $0x10;
	v1 =	vand.u32 $0xFFFF0000, v7;
	v10 =	vshll.u32 v25, $0x10  }
0x26f: {  	[tilespmem:s10+$0xA0] =	vst v26;
	v26 =	vld [tilespmem:s15+$0x60];
	v7 =	vand.u32 $0xFFFF0000, v25;
	v25 =	vand.u32 $0xFFFF0000, v12;
	v31 =	vshll.u32 v18, $0x10  }
0x270: {  	[tilespmem:s10+$0xFFFFFFF0] =	vst v6;
	v21 =	vld [tilespmem:s15+$0x40];
	v32 =	vand.u32 $0xFFFF0000, v18;
	v18 =	vmul.f32 v28, v24;
	v6 =	vshll.u32 v19, $0x10  }
0x271: {  	v9 =	vand.u32 $0xFFFF0000, v19;
	v19 =	vshll.u32 v12, $0x10;
	v12 =	vand.u32 $0xFFFF0000, v30;
	v30 =	vld [tilespmem:s15+$0x70]  }
0x272: {  	[tilespmem:s11+$0x10] =	vst v27;
	v28 =	vld.idx.msk [tilespmem:v20+s13+$0x0], $0xffff;
	v25 =	vmul.f32 v25, v24  }
0x273: {  	v31 =	vmul.f32 v31, v24;
	v27 =	vld.idx.msk [tilespmem:v22+s13+$0x0], $0xffff;
	[tilespmem:s11+$0x50] =	vst v18;
	v19 =	vmul.f32 v19, v24  }
0x274: {  	v22 =	vand.u32 $0xFFFF0000, v26;
	v18 =	vld.idx.msk [tilespmem:v29+s13+$0x0], $0xffff;
	v29 =	vmul.f32 v32, v24;
	[tilespmem:s11+$0x40] =	vst v25;
	v25 =	vand.u32 $0xFFFF0000, v23  }
0x275: {  	v20 =	vand.u32 $0xFFFF0000, v21;
	[tilespmem:s11+$0x0] =	vst v19;
	v19 =	vshll.u32 v21, $0x10;
	v21 =	vshll.u32 v23, $0x10  }
0x276: {  	s2 =	simm.s32 $0x4;
	[tilespmem:s11+$0x20] =	vst v31;
	v23 =	vshll.u32 v26, $0x10;
	v26 =	vshll.u32 v30, $0x10;
	v24 =	vand.u32 $0xFFFF0000, v30  }
.LBB2_19:
0x277: {  	s6 =	sadd.s32 s2, s7;
	s2 =	sadd.s32 $0x4, s2;
	v17 =	vmul.f32 v17, v28;
	v16 =	vmul.f32 v16, v28;
	[tilespmem:s11+$0x60] =	vst v29  }
0x278: {  	v14 =	vmul.f32 v14, v28;
	v15 =	vmul.f32 v15, v28;
	s17 =	sadd.s32 $0x4, s6;
	s18 =	sadd.s32 $0x6, s6;
	p0 =	slt.u32 s2, $0x3C;
	[tilespmem:s10+$0xF0] =	vst v2  }
0x279: {  	v13 =	vmul.f32 v13, v28;
	s10 =	smov.u32 s11;
	v2 =	vmov s17;
	s17 =	sadd.s32 $0x5, s6;
	v29 =	vmov s18;
	s6 =	sadd.s32 $0x7, s6;
	[tilespmem:s11+$0xFFFFFF00] =	vst v17  }
0x27a: {  	v2 =	vand.u32 $0xFFFFFFFC, v2;
	v17 =	vmov s17;
	v29 =	vand.u32 $0xFFFFFFFE, v29;
	[tilespmem:s11+$0xFFFFFF40] =	vst v16  }
0x27b: {  	v30 =	vbroadcast v2, $0x0;
	v2 =	vand.u32 $0xFFFFFFFD, v17;
	v16 =	vbroadcast v29, $0x0;
	[tilespmem:s11+$0xFFFFFF10] =	vst v14  }
0x27c: {  	v1 =	vmul.f32 v1, v28;
	v31 =	vmov s6;
	v29 =	vbroadcast v2, $0x0;
	[tilespmem:s11+$0xFFFFFF50] =	vst v15  }
0x27d: {  	v2 =	vmul.f32 v4, v28;
	v4 =	vmul.f32 v5, v28;
	[tilespmem:s11+$0xFFFFFF20] =	vst v13  }
0x27e: {  	v5 =	vmul.f32 v9, v27;
	[tilespmem:s11+$0xFFFFFF60] =	vst v1;
	v1 =	vmul.f32 v6, v27  }
0x27f: {  	s15 =	sadd.s32 $0x100, s15;
	v6 =	vmul.f32 v7, v27;
	[tilespmem:s11+$0xFFFFFF30] =	vst v2;
	v2 =	vmul.f32 v10, v27  }
0x280: {  	v3 =	vmul.f32 v3, v27;
	v7 =	vld [tilespmem:s15+$0x30];
	[tilespmem:s11+$0xFFFFFF70] =	vst v4;
	v4 =	vmul.f32 v8, v27  }
0x281: {  	v8 =	vmul.f32 v12, v27;
	v32 =	vld.idx.msk [tilespmem:v16+s13+$0x0], $0xffff;
	[tilespmem:s11+$0xFFFFFF80] =	vst v1;
	v1 =	vmul.f32 v11, v27  }
0x282: {  	v10 =	vmul.f32 v19, v18;
	v11 =	vmul.f32 v20, v18;
	v9 =	vld [tilespmem:s15+$0xFFFFFF80];
	[tilespmem:s11+$0xFFFFFFC0] =	vst v5  }
0x283: {  	v19 =	vmul.f32 v25, v18;
	v12 =	vmul.f32 v21, v18;
	v5 =	vld [tilespmem:s15+$0xFFFFFF90];
	[tilespmem:s11+$0xFFFFFF90] =	vst v2  }
0x284: {  	v22 =	vmul.f32 v22, v18;
	v21 =	vmul.f32 v23, v18;
	v20 =	vld [tilespmem:s15+$0xFFFFFFA0];
	[tilespmem:s11+$0xFFFFFFD0] =	vst v6  }
0x285: {  	v23 =	vmul.f32 v26, v18;
	v2 =	vmul.f32 v24, v18;
	v6 =	vld [tilespmem:s15+$0xFFFFFFB0];
	v13 =	vshll.u32 v7, $0x10;
	[tilespmem:s11+$0xFFFFFFA0] =	vst v4  }
0x286: {  	v4 =	vand.u32 $0xFFFF0000, v7;
	v18 =	vld [tilespmem:s15+$0xFFFFFFC0];
	[tilespmem:s11+$0xFFFFFFE0] =	vst v3  }
0x287: {  	v4 =	vmul.f32 v4, v32;
	v17 =	vshll.u32 v9, $0x10;
	v16 =	vand.u32 $0xFFFF0000, v9;
	v3 =	vld [tilespmem:s15+$0xFFFFFFD0];
	[tilespmem:s11+$0xFFFFFFB0] =	vst v1  }
0x288: {  	v7 =	vmul.f32 v13, v32;
	s11 =	sadd.s32 $0x200, s11;
	v14 =	vshll.u32 v5, $0x10;
	v15 =	vand.u32 $0xFFFF0000, v5;
	v24 =	vld [tilespmem:s15+$0xFFFFFFE0];
	[tilespmem:s10+$0xFFFFFFF0] =	vst v8  }
0x289: {  	v13 =	vshll.u32 v20, $0x10;
	v1 =	vand.u32 $0xFFFF0000, v20;
	v20 =	vld [tilespmem:s15+$0xFFFFFFF0];
	[tilespmem:s11+$0x70] =	vst v4  }
0x28a: {  	v4 =	vshll.u32 v6, $0x10;
	v5 =	vand.u32 $0xFFFF0000, v6;
	v25 =	vld [tilespmem:s15+$0x0];
	[tilespmem:s11+$0x30] =	vst v7  }
0x28b: {  	v6 =	vshll.u32 v18, $0x10;
	v9 =	vand.u32 $0xFFFF0000, v18;
	v18 =	vld [tilespmem:s15+$0x10];
	[tilespmem:s10+$0x80] =	vst v10  }
0x28c: {  	v10 =	vshll.u32 v3, $0x10;
	v7 =	vand.u32 $0xFFFF0000, v3;
	v26 =	vld [tilespmem:s15+$0x20];
	[tilespmem:s10+$0xC0] =	vst v11  }
0x28d: {  	v8 =	vshll.u32 v24, $0x10;
	v3 =	vand.u32 $0xFFFF0000, v24;
	v24 =	vld [tilespmem:s15+$0x40];
	[tilespmem:s10+$0x90] =	vst v12  }
0x28e: {  	v11 =	vshll.u32 v20, $0x10;
	v12 =	vand.u32 $0xFFFF0000, v20;
	v33 =	vld [tilespmem:s15+$0x50];
	[tilespmem:s10+$0xD0] =	vst v19  }
0x28f: {  	v19 =	vshll.u32 v25, $0x10;
	v20 =	vand.u32 $0xFFFF0000, v25;
	v34 =	vld [tilespmem:s15+$0x60];
	[tilespmem:s10+$0xA0] =	vst v21  }
0x290: {  	v19 =	vmul.f32 v19, v32;
	v21 =	vshll.u32 v18, $0x10;
	v18 =	vand.u32 $0xFFFF0000, v18;
	v35 =	vld [tilespmem:s15+$0x70];
	[tilespmem:s10+$0xE0] =	vst v22  }
0x291: {  	v22 =	vmul.f32 v20, v32;
	v28 =	vld.idx.msk [tilespmem:v30+s13+$0x0], $0xffff;
	v30 =	vshll.u32 v26, $0x10;
	v26 =	vand.u32 $0xFFFF0000, v26;
	[tilespmem:s10+$0xB0] =	vst v23  }
.Ltmp8:
0x292: {  	v23 =	vmul.f32 v21, v32;
	v27 =	vld.idx.msk [tilespmem:v29+s13+$0x0], $0xffff;
	[tilespmem:s11+$0x0] =	vst v19;
	v19 =	vshll.u32 v24, $0x10;
	v20 =	vand.u32 $0xFFFF0000, v24;
	(pc) =	sbr.rel @p0 .LBB2_19-.Ltmp8, $4  }
0x293: {  	v24 =	vmul.f32 v18, v32;
	[tilespmem:s11+$0x40] =	vst v22;
	v18 =	vld.idx.msk [tilespmem:v31+s13+$0x0], $0xffff;
	v21 =	vshll.u32 v33, $0x10;
	v25 =	vand.u32 $0xFFFF0000, v33  }
0x294: {  	v30 =	vmul.f32 v30, v32;
	[tilespmem:s11+$0x10] =	vst v23;
	v23 =	vshll.u32 v34, $0x10;
	v22 =	vand.u32 $0xFFFF0000, v34  }
0x295: {  	v29 =	vmul.f32 v26, v32;
	[tilespmem:s11+$0x50] =	vst v24;
	v26 =	vshll.u32 v35, $0x10;
	v24 =	vand.u32 $0xFFFF0000, v35  }
0x296: {  	[tilespmem:s11+$0x20] =	vst v30  }
0x297: {  	v17 =	vmul.f32 v17, v28;
	[tilespmem:s11+$0x60] =	vst v29  }
0x298: {  	v16 =	vmul.f32 v16, v28;
	[tilespmem:s10+$0xF0] =	vst v2  }
0x299: {  	v2 =	vmul.f32 v14, v28;
	[tilespmem:s11+$0xFFFFFF00] =	vst v17  }
0x29a: {  	v14 =	vmul.f32 v15, v28;
	[tilespmem:s11+$0xFFFFFF40] =	vst v16  }
0x29b: {  	v13 =	vmul.f32 v13, v28;
	[tilespmem:s11+$0xFFFFFF10] =	vst v2  }
0x29c: {  	v1 =	vmul.f32 v1, v28;
	[tilespmem:s11+$0xFFFFFF50] =	vst v14  }
0x29d: {  	v3 =	vmul.f32 v3, v27;
	[tilespmem:s11+$0xFFFFFF20] =	vst v13  }
0x29e: {  	v2 =	vmul.f32 v4, v28;
	[tilespmem:s11+$0xFFFFFF60] =	vst v1  }
0x29f: {  	v4 =	vmul.f32 v5, v28;
	[tilespmem:s11+$0xFFFFFFE0] =	vst v3  }
0x2a0: {  	v1 =	vmul.f32 v6, v27;
	[tilespmem:s11+$0xFFFFFF30] =	vst v2  }
0x2a1: {  	v3 =	vmul.f32 v19, v18;
	[tilespmem:s11+$0xFFFFFF70] =	vst v4  }
0x2a2: {  	v2 =	vmul.f32 v9, v27;
	[tilespmem:s11+$0xFFFFFF80] =	vst v1  }
0x2a3: {  	v4 =	vmul.f32 v10, v27;
	[tilespmem:s11+$0x80] =	vst v3  }
0x2a4: {  	v1 =	vmul.f32 v7, v27;
	[tilespmem:s11+$0xFFFFFFC0] =	vst v2  }
0x2a5: {  	v3 =	vmul.f32 v25, v18;
	[tilespmem:s11+$0xFFFFFF90] =	vst v4  }
0x2a6: {  	v2 =	vmul.f32 v8, v27;
	[tilespmem:s11+$0xFFFFFFD0] =	vst v1  }
0x2a7: {  	v1 =	vmul.f32 v11, v27;
	[tilespmem:s11+$0xD0] =	vst v3  }
0x2a8: {  	v3 =	vmul.f32 v26, v18;
	[tilespmem:s11+$0xFFFFFFA0] =	vst v2  }
0x2a9: {  	v2 =	vmul.f32 v12, v27;
	[tilespmem:s11+$0xFFFFFFB0] =	vst v1  }
0x2aa: {  	v1 =	vmul.f32 v20, v18;
	[tilespmem:s11+$0xB0] =	vst v3  }
0x2ab: {  	[tilespmem:s11+$0xFFFFFFF0] =	vst v2;
	v2 =	vmul.f32 v21, v18  }
0x2ac: {  	[tilespmem:s11+$0xC0] =	vst v1;
	v1 =	vmul.f32 v23, v18  }
0x2ad: {  	[tilespmem:s11+$0x90] =	vst v2;
	v2 =	vmul.f32 v22, v18  }
0x2ae: {  	s2 =	sshll.u32 s8, $0x9;
	[tilespmem:s11+$0xA0] =	vst v1;
	v1 =	vmul.f32 v24, v18  }
0x2af: {  	s17 =	sadd.s32 $0xFFFFFFFC, s7;
	s2 =	sshra.s32 s2, $0x2;
	[tilespmem:s11+$0xE0] =	vst v2  }
0x2b0: {  	s18 =	sadd.s32 $0x46, s17;
	s6 =	sadd.s32 $0x1840, s2;
	[tilespmem:s11+$0xF0] =	vst v1  }
0x2b1: {  	[spmem:s14] =	stream.indirect.scatter.add.f32 [tilespmem:s24], [sflag:$0x3], $0x80, s6, s29, $0xb8;
	[tilespmem:$0x1F450] =	vst v63  }
0x2b2: {  	v1 =	vmov s18;
	_ =	swait.ge [sflag:s19], $0x2000  }
0x2b3: {  	v1 =	vand.u32 $0xFFFFFFFE, v1;
	[sflag:s19] =	ssyncset.done $0x0  }
0x2b4: {  	s2 =	sadd.s32 $0x80, s2;
	v1 =	vbroadcast v1, $0x0;
	[sflag:s19] =	ssyncadd.s32 $0xFFFFE000  }
0x2b5: {  	[tilespmem:s23], [sflag:$0x1] =	stream.indirect.gather [hbm4b:s12+s29], $0x40, s2, s29, $0xb8;
	[tilespmem:$0x1F450] =	vst v63  }
0x2b6: {  	_ =	swait.ge [sflag:s0], $0x1000  }
0x2b7: {  	[sflag:s0] =	ssyncset.done $0x0  }
0x2b8: {  	s2 =	simm.s32 $0x1C0D0;
	[sflag:s0] =	ssyncadd.s32 $0xFFFFF000  }
0x2b9: {  	s11 =	sadd.s32 $0x44, s17;
	v2 =	vld [tilespmem:s2+$0x30]  }
0x2ba: {  	v3 =	vmov s11;
	v1 =	vld.idx.msk [tilespmem:v1+s13+$0x0], $0xffff  }
0x2bb: {  	v3 =	vand.u32 $0xFFFFFFFC, v3;
	v4 =	vld [tilespmem:s2+$0x0]  }
0x2bc: {  	v3 =	vbroadcast v3, $0x0  }
0x2bd: {  	v5 =	vld [tilespmem:s2+$0x10]  }
0x2be: {  	v6 =	vand.u32 $0xFFFF0000, v2  }
0x2bf: {  	s10 =	simm.s32 $0x1D150;
	s18 =	sadd.s32 $0x0, s7;
	v7 =	vld [tilespmem:s2+$0x20];
	v2 =	vshll.u32 v2, $0x10;
	v6 =	vmul.f32 v6, v1  }
0x2c0: {  	s15 =	sadd.s32 $0x45, s17;
	s6 =	sadd.s32 $0x47, s17;
	s17 =	sadd.s32 $0x46, s18;
	v8 =	vld [tilespmem:s2+$0xFFFFFF80];
	v9 =	vshll.u32 v4, $0x10;
	v4 =	vand.u32 $0xFFFF0000, v4;
	v2 =	vmul.f32 v2, v1  }
0x2c1: {  	v17 =	vmov s17;
	v10 =	vld [tilespmem:s2+$0xFFFFFF90];
	v4 =	vmul.f32 v4, v1;
	[tilespmem:s10+$0x70] =	vst v6  }
0x2c2: {  	v3 =	vld.idx.msk [tilespmem:v3+s13+$0x0], $0xffff;
	v6 =	vmul.f32 v9, v1;
	v9 =	vmov s15;
	[tilespmem:s10+$0x30] =	vst v2;
	v2 =	vshll.u32 v5, $0x10  }
0x2c3: {  	v11 =	vld [tilespmem:s2+$0xFFFFFFA0];
	v5 =	vand.u32 $0xFFFF0000, v5;
	[tilespmem:s10+$0x40] =	vst v4;
	v9 =	vand.u32 $0xFFFFFFFD, v9;
	v2 =	vmul.f32 v2, v1  }
0x2c4: {  	v13 =	vld [tilespmem:s2+$0xFFFFFFC0];
	v12 =	vshll.u32 v7, $0x10;
	v4 =	vmul.f32 v5, v1;
	[tilespmem:s10+$0x0] =	vst v6;
	v6 =	vbroadcast v9, $0x0  }
0x2c5: {  	v17 =	vand.u32 $0xFFFFFFFE, v17;
	v14 =	vld [tilespmem:s2+$0xFFFFFFD0];
	v7 =	vand.u32 $0xFFFF0000, v7;
	[tilespmem:s10+$0x10] =	vst v2;
	v2 =	vmul.f32 v12, v1  }
0x2c6: {  	v15 =	vld [tilespmem:s2+$0xFFFFFFF0];
	v12 =	vshll.u32 v8, $0x10;
	v8 =	vand.u32 $0xFFFF0000, v8;
	[tilespmem:s10+$0x50] =	vst v4;
	v1 =	vmul.f32 v7, v1  }
0x2c7: {  	v17 =	vbroadcast v17, $0x0;
	v9 =	vld [tilespmem:s2+$0xFFFFFFB0];
	v4 =	vshll.u32 v10, $0x10;
	v8 =	vmul.f32 v8, v3;
	[tilespmem:s10+$0x20] =	vst v2  }
0x2c8: {  	v5 =	vmov s6;
	v7 =	vand.u32 $0xFFFF0000, v10;
	v10 =	vld [tilespmem:s2+$0xFFFFFFE0];
	v4 =	vmul.f32 v4, v3;
	[tilespmem:s10+$0x60] =	vst v1  }
0x2c9: {  	v16 =	vld [tilespmem:s2+$0x40];
	v7 =	vmul.f32 v7, v3;
	v2 =	vmul.f32 v12, v3;
	[tilespmem:s10+$0xFFFFFF40] =	vst v8  }
0x2ca: {  	v12 =	vshll.u32 v11, $0x10;
	v11 =	vand.u32 $0xFFFF0000, v11;
	v8 =	vand.u32 $0xFFFF0000, v13;
	[tilespmem:s10+$0xFFFFFF10] =	vst v4;
	v6 =	vld.idx.msk [tilespmem:v6+s13+$0x0], $0xffff  }
0x2cb: {  	v12 =	vmul.f32 v12, v3;
	v4 =	vshll.u32 v14, $0x10;
	[tilespmem:s10+$0xFFFFFF00] =	vst v2;
	v2 =	vshll.u32 v13, $0x10;
	v13 =	vld [tilespmem:s2+$0x50]  }
0x2cc: {  	[tilespmem:s10+$0xFFFFFF50] =	vst v7;
	v7 =	vmul.f32 v11, v3;
	v11 =	vand.u32 $0xFFFF0000, v14;
	v1 =	vshll.u32 v9, $0x10  }
0x2cd: {  	v5 =	vld.idx.msk [tilespmem:v5+s13+$0x0], $0xffff;
	v9 =	vand.u32 $0xFFFF0000, v9;
	v14 =	vshll.u32 v10, $0x10;
	[tilespmem:s10+$0xFFFFFF20] =	vst v12;
	v1 =	vmul.f32 v1, v3  }
0x2ce: {  	v18 =	vld [tilespmem:s2+$0x60];
	s15 =	simm.s32 $0x1C1D0;
	v12 =	vshll.u32 v15, $0x10;
	v3 =	vmul.f32 v9, v3;
	[tilespmem:s10+$0xFFFFFF60] =	vst v7;
	v7 =	vand.u32 $0xFFFF0000, v15  }
0x2cf: {  	v19 =	vld [tilespmem:s15+$0x30];
	v15 =	vshll.u32 v16, $0x10;
	[tilespmem:s10+$0xFFFFFF30] =	vst v1;
	v1 =	vand.u32 $0xFFFF0000, v16;
	v2 =	vmul.f32 v2, v6  }
0x2d0: {  	v9 =	vld [tilespmem:s2+$0x70];
	[tilespmem:s10+$0xFFFFFF70] =	vst v3;
	v16 =	vshll.u32 v13, $0x10;
	v8 =	vmul.f32 v8, v6;
	v4 =	vmul.f32 v4, v6  }
0x2d1: {  	s11 =	sadd.s32 $0x44, s18;
	v24 =	vld.idx.msk [tilespmem:v17+s13+$0x0], $0xffff;
	v3 =	vand.u32 $0xFFFF0000, v13;
	v11 =	vmul.f32 v11, v6;
	v12 =	vmul.f32 v12, v6;
	[tilespmem:s10+$0xFFFFFF80] =	vst v2  }
0x2d2: {  	s17 =	sadd.s32 $0x45, s18;
	v21 =	vld [tilespmem:s15+$0xFFFFFFB0];
	v13 =	vmov s11;
	v23 =	vmul.f32 v16, v5;
	v3 =	vmul.f32 v3, v5;
	[tilespmem:s10+$0xFFFFFFC0] =	vst v8  }
0x2d3: {  	v25 =	vld [tilespmem:s15+$0xFFFFFFD0];
	v2 =	vand.u32 $0xFFFFFFFC, v13;
	v13 =	vmov s17;
	v8 =	vmul.f32 v14, v6;
	[tilespmem:s10+$0xFFFFFF90] =	vst v4  }
0x2d4: {  	v30 =	vld [tilespmem:s15+$0xFFFFFFF0];
	v4 =	vshll.u32 v18, $0x10;
	[tilespmem:s10+$0xFFFFFFD0] =	vst v11;
	v11 =	vand.u32 $0xFFFF0000, v18;
	v18 =	vmul.f32 v1, v5  }
0x2d5: {  	v31 =	vld [tilespmem:s15+$0x10];
	v1 =	vand.u32 $0xFFFF0000, v19;
	[tilespmem:s10+$0xFFFFFFB0] =	vst v12;
	v12 =	vshll.u32 v9, $0x10;
	v20 =	vbroadcast v2, $0x0  }
0x2d6: {  	[tilespmem:s10+$0x90] =	vst v23;
	v2 =	vand.u32 $0xFFFFFFFD, v13;
	v13 =	vld [tilespmem:s15+$0xFFFFFF80];
	v1 =	vmul.f32 v1, v24;
	v27 =	vmul.f32 v11, v5  }
0x2d7: {  	s18 =	sadd.s32 $0x47, s18;
	v10 =	vand.u32 $0xFFFF0000, v10;
	v26 =	vmul.f32 v4, v5;
	v11 =	vld [tilespmem:s15+$0xFFFFFFE0];
	v28 =	vmul.f32 v12, v5;
	[tilespmem:s10+$0xFFFFFFA0] =	vst v8  }
0x2d8: {  	v29 =	vmov s18;
	v12 =	vld [tilespmem:s15+$0x0];
	v22 =	vbroadcast v2, $0x0;
	v2 =	vmul.f32 v10, v6;
	[tilespmem:s10+$0xE0] =	vst v27  }
0x2d9: {  	v4 =	vshll.u32 v21, $0x10;
	v10 =	vld [tilespmem:s15+$0xFFFFFF90];
	v6 =	vmul.f32 v7, v6;
	v8 =	vmul.f32 v15, v5;
	[tilespmem:s10+$0xB0] =	vst v28  }
0x2da: {  	v7 =	vld [tilespmem:s15+$0xFFFFFFA0];
	v27 =	vshll.u32 v31, $0x10;
	v28 =	vand.u32 $0xFFFF0000, v31;
	[tilespmem:s10+$0xFFFFFFE0] =	vst v2;
	v2 =	vshll.u32 v19, $0x10  }
0x2db: {  	[tilespmem:s10+$0xC0] =	vst v18;
	v18 =	vld [tilespmem:s15+$0x20];
	v27 =	vmul.f32 v27, v24;
	v14 =	vmul.f32 v2, v24;
	v2 =	vand.u32 $0xFFFF0000, v9  }
0x2dc: {  	[tilespmem:s10+$0xD0] =	vst v3;
	v19 =	vld [tilespmem:s15+$0xFFFFFFC0];
	v2 =	vmul.f32 v2, v5;
	v17 =	vshll.u32 v13, $0x10;
	v16 =	vand.u32 $0xFFFF0000, v13  }
0x2dd: {  	s11 =	simm.s32 $0x1D350;
	[tilespmem:s10+$0x80] =	vst v8;
	v5 =	vand.u32 $0xFFFF0000, v21;
	v8 =	vshll.u32 v11, $0x10;
	v3 =	vand.u32 $0xFFFF0000, v11  }
0x2de: {  	v11 =	vshll.u32 v30, $0x10;
	[tilespmem:s11+$0x30] =	vst v14;
	v14 =	vshll.u32 v10, $0x10;
	v15 =	vand.u32 $0xFFFF0000, v10  }
0x2df: {  	v23 =	vld [tilespmem:s15+$0x50];
	[tilespmem:s11+$0x70] =	vst v1;
	v13 =	vshll.u32 v7, $0x10;
	v1 =	vand.u32 $0xFFFF0000, v7;
	v10 =	vshll.u32 v25, $0x10  }
0x2e0: {  	[tilespmem:s10+$0xA0] =	vst v26;
	v26 =	vld [tilespmem:s15+$0x60];
	v7 =	vand.u32 $0xFFFF0000, v25;
	v25 =	vand.u32 $0xFFFF0000, v12;
	v31 =	vshll.u32 v18, $0x10  }
0x2e1: {  	[tilespmem:s10+$0xFFFFFFF0] =	vst v6;
	v21 =	vld [tilespmem:s15+$0x40];
	v32 =	vand.u32 $0xFFFF0000, v18;
	v18 =	vmul.f32 v28, v24;
	v6 =	vshll.u32 v19, $0x10  }
0x2e2: {  	v9 =	vand.u32 $0xFFFF0000, v19;
	v19 =	vshll.u32 v12, $0x10;
	v12 =	vand.u32 $0xFFFF0000, v30;
	v30 =	vld [tilespmem:s15+$0x70]  }
0x2e3: {  	[tilespmem:s11+$0x10] =	vst v27;
	v28 =	vld.idx.msk [tilespmem:v20+s13+$0x0], $0xffff;
	v25 =	vmul.f32 v25, v24  }
0x2e4: {  	v31 =	vmul.f32 v31, v24;
	v27 =	vld.idx.msk [tilespmem:v22+s13+$0x0], $0xffff;
	[tilespmem:s11+$0x50] =	vst v18;
	v19 =	vmul.f32 v19, v24  }
0x2e5: {  	v22 =	vand.u32 $0xFFFF0000, v26;
	v18 =	vld.idx.msk [tilespmem:v29+s13+$0x0], $0xffff;
	v29 =	vmul.f32 v32, v24;
	[tilespmem:s11+$0x40] =	vst v25;
	v25 =	vand.u32 $0xFFFF0000, v23  }
0x2e6: {  	v20 =	vand.u32 $0xFFFF0000, v21;
	[tilespmem:s11+$0x0] =	vst v19;
	v19 =	vshll.u32 v21, $0x10;
	v21 =	vshll.u32 v23, $0x10  }
0x2e7: {  	s2 =	simm.s32 $0x4;
	[tilespmem:s11+$0x20] =	vst v31;
	v23 =	vshll.u32 v26, $0x10;
	v26 =	vshll.u32 v30, $0x10;
	v24 =	vand.u32 $0xFFFF0000, v30  }
.LBB2_21:
0x2e8: {  	s6 =	sadd.s32 s2, s7;
	s2 =	sadd.s32 $0x4, s2;
	v17 =	vmul.f32 v17, v28;
	v16 =	vmul.f32 v16, v28;
	[tilespmem:s11+$0x60] =	vst v29  }
0x2e9: {  	v14 =	vmul.f32 v14, v28;
	v15 =	vmul.f32 v15, v28;
	s17 =	sadd.s32 $0x44, s6;
	s18 =	sadd.s32 $0x46, s6;
	p0 =	slt.u32 s2, $0x3C;
	[tilespmem:s10+$0xF0] =	vst v2  }
0x2ea: {  	v13 =	vmul.f32 v13, v28;
	s10 =	smov.u32 s11;
	v2 =	vmov s17;
	s17 =	sadd.s32 $0x45, s6;
	v29 =	vmov s18;
	s6 =	sadd.s32 $0x47, s6;
	[tilespmem:s11+$0xFFFFFF00] =	vst v17  }
0x2eb: {  	v2 =	vand.u32 $0xFFFFFFFC, v2;
	v17 =	vmov s17;
	v29 =	vand.u32 $0xFFFFFFFE, v29;
	[tilespmem:s11+$0xFFFFFF40] =	vst v16  }
0x2ec: {  	v30 =	vbroadcast v2, $0x0;
	v2 =	vand.u32 $0xFFFFFFFD, v17;
	v16 =	vbroadcast v29, $0x0;
	[tilespmem:s11+$0xFFFFFF10] =	vst v14  }
0x2ed: {  	v1 =	vmul.f32 v1, v28;
	v31 =	vmov s6;
	v29 =	vbroadcast v2, $0x0;
	[tilespmem:s11+$0xFFFFFF50] =	vst v15  }
0x2ee: {  	v2 =	vmul.f32 v4, v28;
	v4 =	vmul.f32 v5, v28;
	[tilespmem:s11+$0xFFFFFF20] =	vst v13  }
0x2ef: {  	v5 =	vmul.f32 v9, v27;
	[tilespmem:s11+$0xFFFFFF60] =	vst v1;
	v1 =	vmul.f32 v6, v27  }
0x2f0: {  	s15 =	sadd.s32 $0x100, s15;
	v6 =	vmul.f32 v7, v27;
	[tilespmem:s11+$0xFFFFFF30] =	vst v2;
	v2 =	vmul.f32 v10, v27  }
0x2f1: {  	v3 =	vmul.f32 v3, v27;
	v7 =	vld [tilespmem:s15+$0x30];
	[tilespmem:s11+$0xFFFFFF70] =	vst v4;
	v4 =	vmul.f32 v8, v27  }
0x2f2: {  	v8 =	vmul.f32 v12, v27;
	v32 =	vld.idx.msk [tilespmem:v16+s13+$0x0], $0xffff;
	[tilespmem:s11+$0xFFFFFF80] =	vst v1;
	v1 =	vmul.f32 v11, v27  }
0x2f3: {  	v10 =	vmul.f32 v19, v18;
	v11 =	vmul.f32 v20, v18;
	v9 =	vld [tilespmem:s15+$0xFFFFFF80];
	[tilespmem:s11+$0xFFFFFFC0] =	vst v5  }
0x2f4: {  	v19 =	vmul.f32 v25, v18;
	v12 =	vmul.f32 v21, v18;
	v5 =	vld [tilespmem:s15+$0xFFFFFF90];
	[tilespmem:s11+$0xFFFFFF90] =	vst v2  }
0x2f5: {  	v22 =	vmul.f32 v22, v18;
	v21 =	vmul.f32 v23, v18;
	v20 =	vld [tilespmem:s15+$0xFFFFFFA0];
	[tilespmem:s11+$0xFFFFFFD0] =	vst v6  }
0x2f6: {  	v23 =	vmul.f32 v26, v18;
	v2 =	vmul.f32 v24, v18;
	v6 =	vld [tilespmem:s15+$0xFFFFFFB0];
	v13 =	vshll.u32 v7, $0x10;
	[tilespmem:s11+$0xFFFFFFA0] =	vst v4  }
0x2f7: {  	v4 =	vand.u32 $0xFFFF0000, v7;
	v18 =	vld [tilespmem:s15+$0xFFFFFFC0];
	[tilespmem:s11+$0xFFFFFFE0] =	vst v3  }
0x2f8: {  	v4 =	vmul.f32 v4, v32;
	v17 =	vshll.u32 v9, $0x10;
	v16 =	vand.u32 $0xFFFF0000, v9;
	v3 =	vld [tilespmem:s15+$0xFFFFFFD0];
	[tilespmem:s11+$0xFFFFFFB0] =	vst v1  }
0x2f9: {  	v7 =	vmul.f32 v13, v32;
	s11 =	sadd.s32 $0x200, s11;
	v14 =	vshll.u32 v5, $0x10;
	v15 =	vand.u32 $0xFFFF0000, v5;
	v24 =	vld [tilespmem:s15+$0xFFFFFFE0];
	[tilespmem:s10+$0xFFFFFFF0] =	vst v8  }
0x2fa: {  	v13 =	vshll.u32 v20, $0x10;
	v1 =	vand.u32 $0xFFFF0000, v20;
	v20 =	vld [tilespmem:s15+$0xFFFFFFF0];
	[tilespmem:s11+$0x70] =	vst v4  }
0x2fb: {  	v4 =	vshll.u32 v6, $0x10;
	v5 =	vand.u32 $0xFFFF0000, v6;
	v25 =	vld [tilespmem:s15+$0x0];
	[tilespmem:s11+$0x30] =	vst v7  }
0x2fc: {  	v6 =	vshll.u32 v18, $0x10;
	v9 =	vand.u32 $0xFFFF0000, v18;
	v18 =	vld [tilespmem:s15+$0x10];
	[tilespmem:s10+$0x80] =	vst v10  }
0x2fd: {  	v10 =	vshll.u32 v3, $0x10;
	v7 =	vand.u32 $0xFFFF0000, v3;
	v26 =	vld [tilespmem:s15+$0x20];
	[tilespmem:s10+$0xC0] =	vst v11  }
0x2fe: {  	v8 =	vshll.u32 v24, $0x10;
	v3 =	vand.u32 $0xFFFF0000, v24;
	v24 =	vld [tilespmem:s15+$0x40];
	[tilespmem:s10+$0x90] =	vst v12  }
0x2ff: {  	v11 =	vshll.u32 v20, $0x10;
	v12 =	vand.u32 $0xFFFF0000, v20;
	v33 =	vld [tilespmem:s15+$0x50];
	[tilespmem:s10+$0xD0] =	vst v19  }
0x300: {  	v19 =	vshll.u32 v25, $0x10;
	v20 =	vand.u32 $0xFFFF0000, v25;
	v34 =	vld [tilespmem:s15+$0x60];
	[tilespmem:s10+$0xA0] =	vst v21  }
0x301: {  	v19 =	vmul.f32 v19, v32;
	v21 =	vshll.u32 v18, $0x10;
	v18 =	vand.u32 $0xFFFF0000, v18;
	v35 =	vld [tilespmem:s15+$0x70];
	[tilespmem:s10+$0xE0] =	vst v22  }
0x302: {  	v22 =	vmul.f32 v20, v32;
	v28 =	vld.idx.msk [tilespmem:v30+s13+$0x0], $0xffff;
	v30 =	vshll.u32 v26, $0x10;
	v26 =	vand.u32 $0xFFFF0000, v26;
	[tilespmem:s10+$0xB0] =	vst v23  }
.Ltmp9:
0x303: {  	v23 =	vmul.f32 v21, v32;
	v27 =	vld.idx.msk [tilespmem:v29+s13+$0x0], $0xffff;
	[tilespmem:s11+$0x0] =	vst v19;
	v19 =	vshll.u32 v24, $0x10;
	v20 =	vand.u32 $0xFFFF0000, v24;
	(pc) =	sbr.rel @p0 .LBB2_21-.Ltmp9, $4  }
0x304: {  	v24 =	vmul.f32 v18, v32;
	[tilespmem:s11+$0x40] =	vst v22;
	v18 =	vld.idx.msk [tilespmem:v31+s13+$0x0], $0xffff;
	v21 =	vshll.u32 v33, $0x10;
	v25 =	vand.u32 $0xFFFF0000, v33  }
0x305: {  	v30 =	vmul.f32 v30, v32;
	[tilespmem:s11+$0x10] =	vst v23;
	v23 =	vshll.u32 v34, $0x10;
	v22 =	vand.u32 $0xFFFF0000, v34  }
0x306: {  	v29 =	vmul.f32 v26, v32;
	[tilespmem:s11+$0x50] =	vst v24;
	v26 =	vshll.u32 v35, $0x10;
	v24 =	vand.u32 $0xFFFF0000, v35  }
0x307: {  	[tilespmem:s11+$0x20] =	vst v30  }
0x308: {  	v17 =	vmul.f32 v17, v28;
	[tilespmem:s11+$0x60] =	vst v29  }
0x309: {  	v16 =	vmul.f32 v16, v28;
	[tilespmem:s10+$0xF0] =	vst v2  }
0x30a: {  	v2 =	vmul.f32 v14, v28;
	[tilespmem:s11+$0xFFFFFF00] =	vst v17  }
0x30b: {  	v61 =	vmul.f32 v15, v28;
	[tilespmem:s11+$0xFFFFFF40] =	vst v16  }
0x30c: {  	v13 =	vmul.f32 v13, v28;
	[tilespmem:s11+$0xFFFFFF10] =	vst v2  }
0x30d: {  	v1 =	vmul.f32 v1, v28;
	[tilespmem:s11+$0xFFFFFF50] =	vst v61  }
0x30e: {  	v62 =	vmul.f32 v5, v28;
	[tilespmem:s11+$0xFFFFFF20] =	vst v13  }
0x30f: {  	v63 =	vmul.f32 v10, v27;
	[tilespmem:s11+$0xFFFFFF60] =	vst v1  }
0x310: {  	v3 =	vmul.f32 v3, v27;
	[tilespmem:s11+$0xFFFFFF70] =	vst v62  }
0x311: {  	v2 =	vmul.f32 v4, v28;
	[tilespmem:s11+$0xFFFFFF90] =	vst v63  }
0x312: {  	v1 =	vmul.f32 v6, v27;
	[tilespmem:s11+$0xFFFFFFE0] =	vst v3  }
0x313: {  	v3 =	vmul.f32 v19, v18;
	[tilespmem:s11+$0xFFFFFF30] =	vst v2  }
0x314: {  	v2 =	vmul.f32 v9, v27;
	[tilespmem:s11+$0xFFFFFF80] =	vst v1  }
0x315: {  	v1 =	vmul.f32 v7, v27;
	[tilespmem:s11+$0x80] =	vst v3  }
0x316: {  	v3 =	vmul.f32 v25, v18;
	[tilespmem:s11+$0xFFFFFFC0] =	vst v2  }
0x317: {  	v2 =	vmul.f32 v8, v27;
	[tilespmem:s11+$0xFFFFFFD0] =	vst v1  }
0x318: {  	v1 =	vmul.f32 v11, v27;
	[tilespmem:s11+$0xD0] =	vst v3  }
0x319: {  	v3 =	vmul.f32 v26, v18;
	[tilespmem:s11+$0xFFFFFFA0] =	vst v2  }
0x31a: {  	v2 =	vmul.f32 v12, v27;
	[tilespmem:s11+$0xFFFFFFB0] =	vst v1  }
0x31b: {  	v1 =	vmul.f32 v20, v18;
	[tilespmem:s11+$0xB0] =	vst v3  }
0x31c: {  	[tilespmem:s11+$0xFFFFFFF0] =	vst v2;
	v2 =	vmul.f32 v21, v18  }
0x31d: {  	[tilespmem:s11+$0xC0] =	vst v1;
	v1 =	vmul.f32 v23, v18  }
0x31e: {  	[tilespmem:s11+$0x90] =	vst v2;
	v2 =	vmul.f32 v22, v18  }
0x31f: {  	s8 =	sadd.s32 $0x1, s8;
	[tilespmem:s11+$0xA0] =	vst v1;
	v1 =	vmul.f32 v24, v18  }
0x320: {  	p0 =	sne.s32 s8, s5;
	[tilespmem:s11+$0xE0] =	vst v2  }
.Ltmp10:
0x321: {  	s2 =	sadd.s32 $0x1840, s9;
	[tilespmem:s11+$0xF0] =	vst v1;
	(pc) =	sbr.rel @p0 .LBB2_18-.Ltmp10, $4  }
0x322: {  	[spmem:s14] =	stream.indirect.scatter.add.f32 [tilespmem:s24], [sflag:$0x3], $0x80, s2, s29, $0xb8;
	[tilespmem:$0x1F450] =	vst v63  }
0x323: {  	_ =	swait.ge [sflag:s19], $0x2000  }
0x324: {  	[sflag:s19] =	ssyncset.done $0x0  }
0x325: {  	s7 =	sadd.s32 $0x80, s7;
	[sflag:s19] =	ssyncadd.s32 $0xFFFFE000  }
0x326: {  	_ =	swait.ge [sflag:s31], $0x1000  }
0x327: {  	[sflag:s31] =	ssyncset.done $0x0  }
0x328: {  	[sflag:s31] =	ssyncadd.s32 $0xFFFFF000  }
0x329: {  	[bflag:$0x0] =	sbarrier.arrive $0xFFFF  }
0x32a: {  	s6 =	sld [smem:$0x7EC];
	_ =	sdelay $0x1  }
0x32b: {  	s2 =	rddreg [dreg:$0x6]  }
0x32c: {  	[hbm:s2], [sflag:s4] =	dma.local [spmem:s6], $0x400  }
0x32d: {  	_ =	swait.ge [sflag:s19], $0x400  }
0x32e: {  	s18 =	sld [smem:$0x7ED]  }
0x32f: {  	[sflag:s19] =	ssyncset.done $0x0  }
0x330: {  	s17 =	rddreg [dreg:$0x7];
	[sflag:s19] =	ssyncadd.s32 $0xFFFFFC00  }
0x331: {  	[hbm:s17], [sflag:s4] =	dma.local [spmem:s18], $0x400  }
0x332: {  	_ =	swait.ge [sflag:s19], $0x400  }
0x333: {  	s8 =	sld [smem:$0x7EE]  }
0x334: {  	[sflag:s19] =	ssyncset.done $0x0  }
0x335: {  	s7 =	rddreg [dreg:$0x8];
	[sflag:s19] =	ssyncadd.s32 $0xFFFFFC00  }
0x336: {  	[hbm:s7], [sflag:s4] =	dma.local [spmem:s8], $0x400  }
0x337: {  	_ =	swait.ge [sflag:s19], $0x400  }
0x338: {  	s10 =	sld [smem:$0x7EF]  }
0x339: {  	[sflag:s19] =	ssyncset.done $0x0  }
0x33a: {  	s9 =	rddreg [dreg:$0x9];
	[sflag:s19] =	ssyncadd.s32 $0xFFFFFC00  }
0x33b: {  	[hbm:s9], [sflag:s4] =	dma.local [spmem:s10], $0x400  }
0x33c: {  	_ =	swait.ge [sflag:s19], $0x400  }
0x33d: {  	s15 =	sld [smem:$0x7F0]  }
0x33e: {  	[sflag:s19] =	ssyncset.done $0x0  }
0x33f: {  	s11 =	rddreg [dreg:$0xa];
	[sflag:s19] =	ssyncadd.s32 $0xFFFFFC00  }
0x340: {  	[hbm:s11], [sflag:s4] =	dma.local [spmem:s15], $0x400  }
0x341: {  	_ =	swait.ge [sflag:s19], $0x400  }
0x342: {  	s18 =	sld [smem:$0x7F1]  }
0x343: {  	[sflag:s19] =	ssyncset.done $0x0  }
0x344: {  	s17 =	rddreg [dreg:$0xb];
	[sflag:s19] =	ssyncadd.s32 $0xFFFFFC00  }
0x345: {  	[hbm:s17], [sflag:s4] =	dma.local [spmem:s18], $0x400  }
0x346: {  	_ =	swait.ge [sflag:s19], $0x400  }
0x347: {  	s7 =	sld [smem:$0x7F2]  }
0x348: {  	[sflag:s19] =	ssyncset.done $0x0  }
0x349: {  	s6 =	rddreg [dreg:$0xc];
	[sflag:s19] =	ssyncadd.s32 $0xFFFFFC00  }
0x34a: {  	[hbm:s6], [sflag:s4] =	dma.local [spmem:s7], $0x400  }
0x34b: {  	_ =	swait.ge [sflag:s19], $0x400  }
0x34c: {  	s9 =	sld [smem:$0x7F3]  }
0x34d: {  	[sflag:s19] =	ssyncset.done $0x0  }
0x34e: {  	s8 =	rddreg [dreg:$0xd];
	[sflag:s19] =	ssyncadd.s32 $0xFFFFFC00  }
0x34f: {  	[hbm:s8], [sflag:s4] =	dma.local [spmem:s9], $0x400  }
0x350: {  	_ =	swait.ge [sflag:s19], $0x400  }
0x351: {  	s11 =	sld [smem:$0x7F4]  }
0x352: {  	[sflag:s19] =	ssyncset.done $0x0  }
0x353: {  	s10 =	rddreg [dreg:$0xe];
	[sflag:s19] =	ssyncadd.s32 $0xFFFFFC00  }
0x354: {  	[hbm:s10], [sflag:s4] =	dma.local [spmem:s11], $0x400  }
0x355: {  	_ =	swait.ge [sflag:s19], $0x400  }
0x356: {  	s17 =	sld [smem:$0x7F5]  }
0x357: {  	[sflag:s19] =	ssyncset.done $0x0  }
0x358: {  	s15 =	rddreg [dreg:$0xf];
	[sflag:s19] =	ssyncadd.s32 $0xFFFFFC00  }
0x359: {  	[hbm:s15], [sflag:s4] =	dma.local [spmem:s17], $0x400  }
0x35a: {  	_ =	swait.ge [sflag:s19], $0x400  }
0x35b: {  	s3 =	sadd.s32 $0x1, s3;
	s18 =	rddreg [dreg:$0x17]  }
0x35c: {  	p0 =	sne.s32 s3, s18  }
.Ltmp11:
0x35d: {  	_ = 	snop;
	(pc) =	sbr.rel @p0 .LBB2_1-.Ltmp11, $4  }
0x35e: {  	[sflag:s19] =	ssyncset.done $0x0  }
0x35f: {  	[sflag:s19] =	ssyncadd.s32 $0xFFFFFC00  }
0x360: {  	[bflag:$0x0] =	sbarrier.arrive $0xFFFF  }
0x361: {  	s17 =	rddreg [dreg:$0x14]  }
0x362: {  	_ =	sfence.sel $0x180000  }
0x363: {  	[bflag:$0x0] =	sbarrier.arrive $0xFFFF  }
0x364: {  	_ =	strace $0x90000047  }
0x365: {  	s0 =	stileid.u32;
	[bflag:$0x2] =	sbarrier.arrive $0xFFFF  }
0x366: {  	p0 =	sne.s32 s0, $0x0;
	s0 =	rddreg [dreg:$0x4]  }
0x367: {  	s0 =	sadd.s32 @!p0 $0x100000, s0  }
0x368: {  	[sflag:s0] =	ssyncadd.tile.s32 @!p0 $0x1;
	_ =	shalt  }
.Lfunc_end2:
_tile_overlayer_lowered:
.L_overlay_start_2:
0x369: {  	(tag) =	ssettag $0x2  }
0x36a: {  	s0 =	rddreg [dreg:$0x0];
	s2 =	stileid.u32  }
0x36b: {  	s1 =	rddreg [dreg:$0x1];
	p0 =	sne.s32 s2, $0x0  }
0x36c: {  	s3 =	rddreg [dreg:$0x2];
	[bflag:$0x3] =	sbarrier.arrive $0xFFFF;
	s2 =	simm.s32 @!p0 $0x1C03  }
0x36d: {  	[timem:s3], [sflag:s2] =	dma.local @!p0 [hbm:s0], s1  }
0x36e: {  	s0 =	simm.s32 @!p0 $0x3  }
0x36f: {  	_ =	swait.ge @!p0 [sflag:s0], s1  }
0x370: {  	s1 =	ssub.s32 @!p0 $0x0, s1;
	[sflag:s0] =	ssyncset.done @!p0 $0x0  }
0x371: {  	[sflag:s0] =	ssyncadd.s32 @!p0 s1  }
0x372: {  	[bflag:$0x3] =	sbarrier.arrive $0xFFFF  }
0x373: {  	_ =	shalt  }

</sc_bundles>
